<compile_context>
chip_gen: v7x
topology: tpu7x:2x2x1
jax: 0.10.2.dev20260603
libtpu: 0.0.44.dev20260713+nightly
codegen_flags: <defaults>
</compile_context>

<pallas_src>
import functools

import jax
import jax.numpy as jnp
from jax import lax
from jax.experimental import pallas as pl
from jax.experimental.pallas import tpu as pltpu
from jax.experimental.pallas import tpu_sc as plsc

_NC = 2
_NS = 16
_L = 16

_CH = 1600


def _tc_pre(ht, W_self0, W_neigh0, b0, W_self1, W_neigh1, b1, W_l, b_l, n):
    d = ht.shape[0]

    def body(h_ref, ws0, wn0, ws1, wn1, wl, b0r, b1r, blr, p0_ref, p1_ref, base_ref):
        wl_v = wl[...]
        v0 = jnp.dot(wn0[...], wl_v, preferred_element_type=jnp.float32)
        v1 = jnp.dot(wn1[...], wl_v, preferred_element_type=jnp.float32)
        u = jnp.dot(ws0[...] + ws1[...], wl_v, preferred_element_type=jnp.float32)
        c = jnp.sum((b0r[...] + b1r[...]) * wl_v[:, 0]) + blr[0]
        acc0 = jnp.zeros_like(p0_ref)
        acc1 = jnp.zeros_like(p0_ref)
        accb = jnp.zeros_like(p0_ref)
        for k in range(d):
            row = h_ref[k, :]
            acc0 = acc0 + row * v0[k, 0]
            acc1 = acc1 + row * v1[k, 0]
            accb = accb + row * u[k, 0]
        p0_ref[...] = acc0
        p1_ref[...] = acc1
        base_ref[...] = accb + c

    return pl.pallas_call(
        body,
        out_shape=[jax.ShapeDtypeStruct((n,), jnp.float32)] * 3,
    )(ht, W_self0, W_neigh0, W_self1, W_neigh1, W_l, b0, b1, b_l)


def _sc_edges(p0, p1, e0, e1, n, n_pad, n_edges):
    n_chunks = n_edges // _CH
    loop_n = pl.cdiv(n_chunks, _NS)
    n_groups = pl.cdiv(loop_n, 4)
    zlen = n_pad // _NS
    mesh = plsc.VectorSubcoreMesh(core_axis_name="c", subcore_axis_name="s")

    def body(p0_hbm, p1_hbm, e0_hbm, e1_hbm,
             s0_out, d0_out, s1_out, d1_out,
             table_v, src_v, dst_v, vals_v, ones_v, s_sh, d_sh,
             dma_s, dma_d, scat_s, scat_d):
        cid = lax.axis_index("c")
        sid = lax.axis_index("s")

        def process(p_hbm, e_hbm, s_out, d_out):
            pltpu.sync_copy(p_hbm, table_v)

            def zb(i, _):
                vals_v[0][pl.ds(i * _L, _L)] = jnp.zeros((_L,), jnp.float32)
                ones_v[pl.ds(i * _L, _L)] = jnp.ones((_L,), jnp.float32)
                return _
            lax.fori_loop(0, _CH // _L, zb, None)

            zoff = sid * zlen
            for acc in (s_sh, d_sh):
                o = 0
                while o < zlen:
                    l = min(_CH, zlen - o)
                    pltpu.sync_copy(vals_v[0].at[pl.ds(0, l)],
                                    acc.at[pl.ds(zoff + o, l)])
                    o += l
            plsc.subcore_barrier()

            m = (n_chunks - sid + _NS - 1) // _NS

            def src_slice(t):
                return e_hbm.at[pl.ds((sid + t * _NS) * _CH, _CH)]

            def dst_slice(t):
                return e_hbm.at[pl.ds(n_edges + (sid + t * _NS) * _CH, _CH)]

            def gather_chunk(sb, db):
                def g(i, _):
                    o0 = i * (4 * _L)
                    for u in range(4):
                        o = o0 + u * _L
                        idx = src_v[sb][pl.ds(o, _L)]
                        vals_v[db][pl.ds(o, _L)] = plsc.load_gather(
                            table_v, [idx])
                    return _
                lax.fori_loop(0, _CH // (4 * _L), g, None)

            for t0 in range(2):
                @pl.when(t0 < m)
                def _(t0=t0):
                    pltpu.async_copy(src_slice(t0), src_v[t0 % 2], dma_s[t0 % 2])
                    pltpu.async_copy(dst_slice(t0), dst_v[t0 % 4], dma_d[t0 % 4])

            def group(g, _):
                for b in range(4):
                    t = g * 4 + b
                    sb = b % 2
                    b2 = (b + 2) % 4

                    @pl.when(t < m)
                    def _(t=t, sb=sb, b=b):
                        pltpu.make_async_copy(src_slice(t), src_v[sb],
                                              dma_s[sb]).wait()
                        pltpu.make_async_copy(dst_slice(t), dst_v[b],
                                              dma_d[b]).wait()
                        pltpu.async_copy(ones_v, d_sh.at[dst_v[b]],
                                         scat_d[b], add=True)
                        gather_chunk(sb, b)
                        pltpu.async_copy(vals_v[b], s_sh.at[dst_v[b]],
                                         scat_s[b], add=True)

                    @pl.when((t >= 2) & (t < m))
                    def _(b2=b2):
                        pltpu.make_async_copy(vals_v[b2], s_sh.at[dst_v[b2]],
                                              scat_s[b2]).wait()
                        pltpu.make_async_copy(ones_v, d_sh.at[dst_v[b2]],
                                              scat_d[b2]).wait()

                    @pl.when(t + 2 < m)
                    def _(t=t, sb=sb, b2=b2):
                        pltpu.async_copy(src_slice(t + 2), src_v[sb],
                                         dma_s[sb])
                        pltpu.async_copy(dst_slice(t + 2), dst_v[b2],
                                         dma_d[b2])
                return _
            lax.fori_loop(0, n_groups, group, None)

            for b in range(4):
                for back in (1, 2):
                    @pl.when((m >= back) & ((m - back) % 4 == b))
                    def _(b=b):
                        pltpu.make_async_copy(vals_v[b], s_sh.at[dst_v[b]],
                                              scat_s[b]).wait()
                        pltpu.make_async_copy(ones_v, d_sh.at[dst_v[b]],
                                              scat_d[b]).wait()
            plsc.subcore_barrier()

            for acc, out in ((s_sh, s_out), (d_sh, d_out)):
                o = 0
                while o < zlen:
                    l = min(_CH, zlen - o)
                    pltpu.sync_copy(acc.at[pl.ds(zoff + o, l)],
                                    vals_v[0].at[pl.ds(0, l)])
                    pltpu.sync_copy(vals_v[0].at[pl.ds(0, l)],
                                    out.at[pl.ds(zoff + o, l)])
                    o += l

        @pl.when(cid == 0)
        def _():
            process(p0_hbm, e0_hbm, s0_out, d0_out)

        @pl.when(cid == 1)
        def _():
            process(p1_hbm, e1_hbm, s1_out, d1_out)

    f = pl.kernel(
        body,
        out_type=[jax.ShapeDtypeStruct((n_pad,), jnp.float32)] * 4,
        mesh=mesh,
        compiler_params=pltpu.CompilerParams(needs_layout_passes=False),
        scratch_types=[
            pltpu.VMEM((n,), jnp.float32),
            [pltpu.VMEM((_CH,), jnp.int32)] * 2,
            [pltpu.VMEM((_CH,), jnp.int32)] * 4,
            [pltpu.VMEM((_CH,), jnp.float32)] * 4,
            pltpu.VMEM((_CH,), jnp.float32),
            pltpu.VMEM_SHARED((n_pad,), jnp.float32),
            pltpu.VMEM_SHARED((n_pad,), jnp.float32),
            [pltpu.SemaphoreType.DMA] * 2,
            [pltpu.SemaphoreType.DMA] * 4,
            [pltpu.SemaphoreType.DMA] * 4,
            [pltpu.SemaphoreType.DMA] * 4,
        ],
    )
    return f(p0, p1, e0, e1)


def _tc_post(base, s0, d0, s1, d1, n):
    def body(base_ref, s0_ref, d0_ref, s1_ref, d1_ref, out_ref):
        one = jnp.float32(1.0)
        m0 = s0_ref[pl.ds(0, n)] / jnp.maximum(d0_ref[pl.ds(0, n)], one)
        m1 = s1_ref[pl.ds(0, n)] / jnp.maximum(d1_ref[pl.ds(0, n)], one)
        out_ref[...] = base_ref[...] + m0 + m1

    return pl.pallas_call(
        body,
        out_shape=jax.ShapeDtypeStruct((n,), jnp.float32),
    )(base, s0, d0, s1, d1)


def kernel(h, edge_index_rel0, edge_index_rel1,
           W_self0, W_neigh0, b0,
           W_self1, W_neigh1, b1,
           W_l, b_l):
    n, d = h.shape
    n_edges = edge_index_rel0.shape[1]
    n_pad = ((n + 127) // 128) * 128

    p0, p1, base = _tc_pre(h.T, W_self0, W_neigh0, b0, W_self1, W_neigh1, b1,
                           W_l, b_l, n)
    s0, d0, s1, d1 = _sc_edges(
        p0, p1, edge_index_rel0.reshape(-1), edge_index_rel1.reshape(-1),
        n, n_pad, n_edges)
    out = _tc_post(base, s0, d0, s1, d1, n)
    return out.reshape(n, 1)

# --- scband reference (transcript-rebuilt; emitter-appended) ---
"""Pipeline reference for scband-model-34986803593241 (READ-ONLY COPY).

The authoritative reference and input builder live on the scoring server;
editing this copy changes nothing except your own understanding.
"""

import jax, jax.numpy as jnp
import numpy as np

N = 100000
E = 3200000
D = 10


def setup_inputs(seed: int = 0) -> dict:
    key = jax.random.key(seed)
    ks = jax.random.split(key, 12)
    h = jax.random.normal(ks[0], (N, D), dtype=jnp.float32)
    edge_index_rel0 = jax.random.randint(ks[1], (2, E), 0, N, dtype=jnp.int32)
    edge_index_rel1 = jax.random.randint(ks[2], (2, E), 0, N, dtype=jnp.int32)
    s = 1.0 / np.sqrt(D)
    W_self0 = jax.random.uniform(ks[3], (D, D), jnp.float32, -s, s)
    W_neigh0 = jax.random.uniform(ks[4], (D, D), jnp.float32, -s, s)
    b0 = jnp.zeros((D,), jnp.float32)
    W_self1 = jax.random.uniform(ks[5], (D, D), jnp.float32, -s, s)
    W_neigh1 = jax.random.uniform(ks[6], (D, D), jnp.float32, -s, s)
    b1 = jnp.zeros((D,), jnp.float32)
    W_l = jax.random.uniform(ks[7], (D, 1), jnp.float32, -s, s)
    b_l = jnp.zeros((1,), jnp.float32)
    return {
        "h": h,
        "edge_index_rel0": edge_index_rel0,
        "edge_index_rel1": edge_index_rel1,
        "W_self0": W_self0, "W_neigh0": W_neigh0, "b0": b0,
        "W_self1": W_self1, "W_neigh1": W_neigh1, "b1": b1,
        "W_l": W_l, "b_l": b_l,
    }


def _sage_mean(h, edge_index, W_self, W_neigh, b):
    # DGL SAGEConv with 'mean' aggregator: fc_self(h_dst) + fc_neigh(mean_{src->dst} h_src) + bias
    src = edge_index[0]
    dst = edge_index[1]
    msg = jnp.take(h, src, axis=0)
    agg = jax.ops.segment_sum(msg, dst, num_segments=N)
    deg = jax.ops.segment_sum(jnp.ones((edge_index.shape[1],), h.dtype), dst, num_segments=N)
    mean = agg / jnp.clip(deg, 1.0)[:, None]
    return h @ W_self + mean @ W_neigh + b


def reference(h, edge_index_rel0, edge_index_rel1,
              W_self0, W_neigh0, b0,
              W_self1, W_neigh1, b1,
              W_l, b_l):
    # HeteroGraphConv over two canonical etypes, both SCHEMA->SCHEMA; default aggregate='sum'
    h0 = _sage_mean(h, edge_index_rel0, W_self0, W_neigh0, b0)
    h1 = _sage_mean(h, edge_index_rel1, W_self1, W_neigh1, b1)
    h_out = h0 + h1
    # eweight is None path: output_sum = 0
    return h_out @ W_l + b_l

if __name__ == "__main__":
    import jax
    _d = setup_inputs()
    print(jax.jit(kernel)(*tuple(_d.values())))

</pallas_src>

<mosaic_0001>
#map = affine_map<(d0, d1) -> (0)>
module attributes {stable_mosaic.version = 14 : i64} {
  func.func @body(%arg0: i32, %arg1: i32, %arg2: memref<100000xf32, #tpu.memory_space<hbm>>, %arg3: memref<100000xf32, #tpu.memory_space<hbm>>, %arg4: memref<6400000xi32, #tpu.memory_space<hbm>>, %arg5: memref<6400000xi32, #tpu.memory_space<hbm>>, %arg6: memref<100096xf32, #tpu.memory_space<hbm>>, %arg7: memref<100096xf32, #tpu.memory_space<hbm>>, %arg8: memref<100096xf32, #tpu.memory_space<hbm>>, %arg9: memref<100096xf32, #tpu.memory_space<hbm>>, %arg10: memref<100000xf32, #tpu.memory_space<vmem>>, %arg11: memref<1600xi32, #tpu.memory_space<vmem>>, %arg12: memref<1600xi32, #tpu.memory_space<vmem>>, %arg13: memref<1600xi32, #tpu.memory_space<vmem>>, %arg14: memref<1600xi32, #tpu.memory_space<vmem>>, %arg15: memref<1600xi32, #tpu.memory_space<vmem>>, %arg16: memref<1600xi32, #tpu.memory_space<vmem>>, %arg17: memref<1600xf32, #tpu.memory_space<vmem>>, %arg18: memref<1600xf32, #tpu.memory_space<vmem>>, %arg19: memref<1600xf32, #tpu.memory_space<vmem>>, %arg20: memref<1600xf32, #tpu.memory_space<vmem>>, %arg21: memref<1600xf32, #tpu.memory_space<vmem>>, %arg22: memref<100096xf32, #tpu.memory_space<vmem_shared>>, %arg23: memref<100096xf32, #tpu.memory_space<vmem_shared>>, %arg24: memref<!tpu.dma_semaphore, #tpu.memory_space<semaphore_mem>>, %arg25: memref<!tpu.dma_semaphore, #tpu.memory_space<semaphore_mem>>, %arg26: memref<!tpu.dma_semaphore, #tpu.memory_space<semaphore_mem>>, %arg27: memref<!tpu.dma_semaphore, #tpu.memory_space<semaphore_mem>>, %arg28: memref<!tpu.dma_semaphore, #tpu.memory_space<semaphore_mem>>, %arg29: memref<!tpu.dma_semaphore, #tpu.memory_space<semaphore_mem>>, %arg30: memref<!tpu.dma_semaphore, #tpu.memory_space<semaphore_mem>>, %arg31: memref<!tpu.dma_semaphore, #tpu.memory_space<semaphore_mem>>, %arg32: memref<!tpu.dma_semaphore, #tpu.memory_space<semaphore_mem>>, %arg33: memref<!tpu.dma_semaphore, #tpu.memory_space<semaphore_mem>>, %arg34: memref<!tpu.dma_semaphore, #tpu.memory_space<semaphore_mem>>, %arg35: memref<!tpu.dma_semaphore, #tpu.memory_space<semaphore_mem>>, %arg36: memref<!tpu.dma_semaphore, #tpu.memory_space<semaphore_mem>>, %arg37: memref<!tpu.dma_semaphore, #tpu.memory_space<semaphore_mem>>) attributes {dimension_semantics = [#tpu.dimension_semantics<core_parallel>, #tpu.dimension_semantics<subcore_parallel>], iteration_bounds = array<i64: 2, 16>, scalar_prefetch = 0 : i64, scratch_operands = 28 : i64, tpu.core_type = #tpu.core_type<sc_vector_subcore>, window_params = [{transform_indices = #map}, {transform_indices = #map}, {transform_indices = #map}, {transform_indices = #map}, {transform_indices = #map}, {transform_indices = #map}, {transform_indices = #map}, {transform_indices = #map}]} {
    %eq3A = arith.constant 0 : i32
    %eq3A_0 = arith.cmpi eq, %arg0, %eq3A : i32
    %convert_element_type3A = arith.extui %eq3A_0 : i1 to i32
    %cond3A = arith.constant 0 : i32
    %cond3A_1 = arith.cmpi ne, %convert_element_type3A, %cond3A : i32
    scf.if %cond3A_1 {
      "tpu.region"() ({
        %run_scoped3A = tpu.sem_alloc : memref<!tpu.dma_semaphore, #tpu.memory_space<semaphore_mem>>
        tpu.enqueue_dma source(%arg2 : memref<100000xf32, #tpu.memory_space<hbm>>) target(%arg10 : memref<100000xf32, #tpu.memory_space<vmem>>) target_semaphore(%run_scoped3A : memref<!tpu.dma_semaphore, #tpu.memory_space<semaphore_mem>>)
        tpu.wait_dma2 semaphore(%run_scoped3A : memref<!tpu.dma_semaphore, #tpu.memory_space<semaphore_mem>>) src(%arg2 : memref<100000xf32, #tpu.memory_space<hbm>>) dst(%arg10 : memref<100000xf32, #tpu.memory_space<vmem>>)
        tpu.yield
      }) : () -> ()
      %scan3A = arith.constant 0 : i32
      %scan3A_7 = arith.constant 100 : i32
      %scan3A_8 = arith.addi %scan3A, %scan3A_7 : i32
      %scan3A_9 = arith.constant 1 : i32
      scf.for %scan3A_302 = %scan3A to %scan3A_8 step %scan3A_9  : i32 {
        %broadcast_in_dim3A = arith.constant 0.000000e+00 : f32
        %broadcast_in_dim3A_303 = vector.broadcast %broadcast_in_dim3A : f32 to vector<16xf32>
        %mul3A_304 = arith.constant 16 : i32
        %mul3A_305 = arith.muli %scan3A_302, %mul3A_304 : i32
        %swap3A = arith.index_cast %mul3A_305 : i32 to index
        %swap3A_306 = tpu.vector_load %arg17[%swap3A] {strides = array<i32>} : memref<1600xf32, #tpu.memory_space<vmem>>, vector<16xf32>,
        tpu.vector_store %arg17[%swap3A], %broadcast_in_dim3A_303 {strides = array<i32>} : memref<1600xf32, #tpu.memory_space<vmem>>, vector<16xf32>,
        %broadcast_in_dim3A_307 = arith.constant 1.000000e+00 : f32
        %broadcast_in_dim3A_308 = vector.broadcast %broadcast_in_dim3A_307 : f32 to vector<16xf32>
        %mul3A_309 = arith.constant 16 : i32
        %mul3A_310 = arith.muli %scan3A_302, %mul3A_309 : i32
        %swap3A_311 = arith.index_cast %mul3A_310 : i32 to index
        %swap3A_312 = tpu.vector_load %arg21[%swap3A_311] {strides = array<i32>} : memref<1600xf32, #tpu.memory_space<vmem>>, vector<16xf32>,
        tpu.vector_store %arg21[%swap3A_311], %broadcast_in_dim3A_308 {strides = array<i32>} : memref<1600xf32, #tpu.memory_space<vmem>>, vector<16xf32>,
      }
      %scan3A_10 = arith.constant 100 : i32
      %mul3A = arith.constant 6256 : i32
      %mul3A_11 = arith.muli %arg1, %mul3A : i32
      %add3A = arith.constant 0 : i32
      %add3A_12 = arith.addi %mul3A_11, %add3A : i32
      "tpu.region"() ({
        %run_scoped3A = tpu.sem_alloc : memref<!tpu.dma_semaphore, #tpu.memory_space<semaphore_mem>>
        %dma_start3A = arith.constant 0 : i32
        %dma_start3A_302 = tpu.memref_slice %arg17[%dma_start3A] : memref<1600xf32, #tpu.memory_space<vmem>> -> memref<1600xf32, #tpu.memory_space<vmem>>
        %dma_start3A_303 = tpu.memref_slice %arg22[%add3A_12] : memref<100096xf32, #tpu.memory_space<vmem_shared>> -> memref<1600xf32, #tpu.memory_space<vmem_shared>>
        %dma_start3A_304 = tpu.memref_slice %arg22[%add3A_12] : memref<100096xf32, #tpu.memory_space<vmem_shared>> -> memref<1600xf32, #tpu.memory_space<vmem_shared>>
        %dma_start3A_305 = arith.constant 0 : i32
        %dma_start3A_306 = tpu.memref_slice %arg17[%dma_start3A_305] : memref<1600xf32, #tpu.memory_space<vmem>> -> memref<1600xf32, #tpu.memory_space<vmem>>
        tpu.enqueue_dma source(%dma_start3A_306 : memref<1600xf32, #tpu.memory_space<vmem>>) target(%dma_start3A_304 : memref<1600xf32, #tpu.memory_space<vmem_shared>>) target_semaphore(%run_scoped3A : memref<!tpu.dma_semaphore, #tpu.memory_space<semaphore_mem>>)
        %dma_wait3A = arith.constant 0 : i32
        %dma_wait3A_307 = tpu.memref_slice %arg17[%dma_wait3A] : memref<1600xf32, #tpu.memory_space<vmem>> -> memref<1600xf32, #tpu.memory_space<vmem>>
        %dma_wait3A_308 = tpu.memref_slice %arg22[%add3A_12] : memref<100096xf32, #tpu.memory_space<vmem_shared>> -> memref<1600xf32, #tpu.memory_space<vmem_shared>>
        %dma_wait3A_309 = tpu.memref_slice %arg22[%add3A_12] : memref<100096xf32, #tpu.memory_space<vmem_shared>> -> memref<1600xf32, #tpu.memory_space<vmem_shared>>
        %dma_wait3A_310 = arith.constant 0 : i32
        %dma_wait3A_311 = tpu.memref_slice %arg17[%dma_wait3A_310] : memref<1600xf32, #tpu.memory_space<vmem>> -> memref<1600xf32, #tpu.memory_space<vmem>>
        tpu.wait_dma2 semaphore(%run_scoped3A : memref<!tpu.dma_semaphore, #tpu.memory_space<semaphore_mem>>) src(%dma_wait3A_311 : memref<1600xf32, #tpu.memory_space<vmem>>) dst(%dma_wait3A_309 : memref<1600xf32, #tpu.memory_space<vmem_shared>>)
        tpu.yield
      }) : () -> ()
      %add3A_13 = arith.constant 1600 : i32
      %add3A_14 = arith.addi %mul3A_11, %add3A_13 : i32
      "tpu.region"() ({
        %run_scoped3A = tpu.sem_alloc : memref<!tpu.dma_semaphore, #tpu.memory_space<semaphore_mem>>
        %dma_start3A = arith.constant 0 : i32
        %dma_start3A_302 = tpu.memref_slice %arg17[%dma_start3A] : memref<1600xf32, #tpu.memory_space<vmem>> -> memref<1600xf32, #tpu.memory_space<vmem>>
        %dma_start3A_303 = tpu.memref_slice %arg22[%add3A_14] : memref<100096xf32, #tpu.memory_space<vmem_shared>> -> memref<1600xf32, #tpu.memory_space<vmem_shared>>
        %dma_start3A_304 = tpu.memref_slice %arg22[%add3A_14] : memref<100096xf32, #tpu.memory_space<vmem_shared>> -> memref<1600xf32, #tpu.memory_space<vmem_shared>>
        %dma_start3A_305 = arith.constant 0 : i32
        %dma_start3A_306 = tpu.memref_slice %arg17[%dma_start3A_305] : memref<1600xf32, #tpu.memory_space<vmem>> -> memref<1600xf32, #tpu.memory_space<vmem>>
        tpu.enqueue_dma source(%dma_start3A_306 : memref<1600xf32, #tpu.memory_space<vmem>>) target(%dma_start3A_304 : memref<1600xf32, #tpu.memory_space<vmem_shared>>) target_semaphore(%run_scoped3A : memref<!tpu.dma_semaphore, #tpu.memory_space<semaphore_mem>>)
        %dma_wait3A = arith.constant 0 : i32
        %dma_wait3A_307 = tpu.memref_slice %arg17[%dma_wait3A] : memref<1600xf32, #tpu.memory_space<vmem>> -> memref<1600xf32, #tpu.memory_space<vmem>>
        %dma_wait3A_308 = tpu.memref_slice %arg22[%add3A_14] : memref<100096xf32, #tpu.memory_space<vmem_shared>> -> memref<1600xf32, #tpu.memory_space<vmem_shared>>
        %dma_wait3A_309 = tpu.memref_slice %arg22[%add3A_14] : memref<100096xf32, #tpu.memory_space<vmem_shared>> -> memref<1600xf32, #tpu.memory_space<vmem_shared>>
        %dma_wait3A_310 = arith.constant 0 : i32
        %dma_wait3A_311 = tpu.memref_slice %arg17[%dma_wait3A_310] : memref<1600xf32, #tpu.memory_space<vmem>> -> memref<1600xf32, #tpu.memory_space<vmem>>
        tpu.wait_dma2 semaphore(%run_scoped3A : memref<!tpu.dma_semaphore, #tpu.memory_space<semaphore_mem>>) src(%dma_wait3A_311 : memref<1600xf32, #tpu.memory_space<vmem>>) dst(%dma_wait3A_309 : memref<1600xf32, #tpu.memory_space<vmem_shared>>)
        tpu.yield
      }) : () -> ()
      %add3A_15 = arith.constant 3200 : i32
      %add3A_16 = arith.addi %mul3A_11, %add3A_15 : i32
      "tpu.region"() ({
        %run_scoped3A = tpu.sem_alloc : memref<!tpu.dma_semaphore, #tpu.memory_space<semaphore_mem>>
        %dma_start3A = arith.constant 0 : i32
        %dma_start3A_302 = tpu.memref_slice %arg17[%dma_start3A] : memref<1600xf32, #tpu.memory_space<vmem>> -> memref<1600xf32, #tpu.memory_space<vmem>>
        %dma_start3A_303 = tpu.memref_slice %arg22[%add3A_16] : memref<100096xf32, #tpu.memory_space<vmem_shared>> -> memref<1600xf32, #tpu.memory_space<vmem_shared>>
        %dma_start3A_304 = tpu.memref_slice %arg22[%add3A_16] : memref<100096xf32, #tpu.memory_space<vmem_shared>> -> memref<1600xf32, #tpu.memory_space<vmem_shared>>
        %dma_start3A_305 = arith.constant 0 : i32
        %dma_start3A_306 = tpu.memref_slice %arg17[%dma_start3A_305] : memref<1600xf32, #tpu.memory_space<vmem>> -> memref<1600xf32, #tpu.memory_space<vmem>>
        tpu.enqueue_dma source(%dma_start3A_306 : memref<1600xf32, #tpu.memory_space<vmem>>) target(%dma_start3A_304 : memref<1600xf32, #tpu.memory_space<vmem_shared>>) target_semaphore(%run_scoped3A : memref<!tpu.dma_semaphore, #tpu.memory_space<semaphore_mem>>)
        %dma_wait3A = arith.constant 0 : i32
        %dma_wait3A_307 = tpu.memref_slice %arg17[%dma_wait3A] : memref<1600xf32, #tpu.memory_space<vmem>> -> memref<1600xf32, #tpu.memory_space<vmem>>
        %dma_wait3A_308 = tpu.memref_slice %arg22[%add3A_16] : memref<100096xf32, #tpu.memory_space<vmem_shared>> -> memref<1600xf32, #tpu.memory_space<vmem_shared>>
        %dma_wait3A_309 = tpu.memref_slice %arg22[%add3A_16] : memref<100096xf32, #tpu.memory_space<vmem_shared>> -> memref<1600xf32, #tpu.memory_space<vmem_shared>>
        %dma_wait3A_310 = arith.constant 0 : i32
        %dma_wait3A_311 = tpu.memref_slice %arg17[%dma_wait3A_310] : memref<1600xf32, #tpu.memory_space<vmem>> -> memref<1600xf32, #tpu.memory_space<vmem>>
        tpu.wait_dma2 semaphore(%run_scoped3A : memref<!tpu.dma_semaphore, #tpu.memory_space<semaphore_mem>>) src(%dma_wait3A_311 : memref<1600xf32, #tpu.memory_space<vmem>>) dst(%dma_wait3A_309 : memref<1600xf32, #tpu.memory_space<vmem_shared>>)
        tpu.yield
      }) : () -> ()
      %add3A_17 = arith.constant 4800 : i32
      %add3A_18 = arith.addi %mul3A_11, %add3A_17 : i32
      "tpu.region"() ({
        %run_scoped3A = tpu.sem_alloc : memref<!tpu.dma_semaphore, #tpu.memory_space<semaphore_mem>>
        %dma_start3A = arith.constant 0 : i32
        %dma_start3A_302 = tpu.memref_slice %arg17[%dma_start3A] : memref<1600xf32, #tpu.memory_space<vmem>> -> memref<1456xf32, #tpu.memory_space<vmem>>
        %dma_start3A_303 = tpu.memref_slice %arg22[%add3A_18] : memref<100096xf32, #tpu.memory_space<vmem_shared>> -> memref<1456xf32, #tpu.memory_space<vmem_shared>>
        %dma_start3A_304 = tpu.memref_slice %arg22[%add3A_18] : memref<100096xf32, #tpu.memory_space<vmem_shared>> -> memref<1456xf32, #tpu.memory_space<vmem_shared>>
        %dma_start3A_305 = arith.constant 0 : i32
        %dma_start3A_306 = tpu.memref_slice %arg17[%dma_start3A_305] : memref<1600xf32, #tpu.memory_space<vmem>> -> memref<1456xf32, #tpu.memory_space<vmem>>
        tpu.enqueue_dma source(%dma_start3A_306 : memref<1456xf32, #tpu.memory_space<vmem>>) target(%dma_start3A_304 : memref<1456xf32, #tpu.memory_space<vmem_shared>>) target_semaphore(%run_scoped3A : memref<!tpu.dma_semaphore, #tpu.memory_space<semaphore_mem>>)
        %dma_wait3A = arith.constant 0 : i32
        %dma_wait3A_307 = tpu.memref_slice %arg17[%dma_wait3A] : memref<1600xf32, #tpu.memory_space<vmem>> -> memref<1456xf32, #tpu.memory_space<vmem>>
        %dma_wait3A_308 = tpu.memref_slice %arg22[%add3A_18] : memref<100096xf32, #tpu.memory_space<vmem_shared>> -> memref<1456xf32, #tpu.memory_space<vmem_shared>>
        %dma_wait3A_309 = tpu.memref_slice %arg22[%add3A_18] : memref<100096xf32, #tpu.memory_space<vmem_shared>> -> memref<1456xf32, #tpu.memory_space<vmem_shared>>
        %dma_wait3A_310 = arith.constant 0 : i32
        %dma_wait3A_311 = tpu.memref_slice %arg17[%dma_wait3A_310] : memref<1600xf32, #tpu.memory_space<vmem>> -> memref<1456xf32, #tpu.memory_space<vmem>>
        tpu.wait_dma2 semaphore(%run_scoped3A : memref<!tpu.dma_semaphore, #tpu.memory_space<semaphore_mem>>) src(%dma_wait3A_311 : memref<1456xf32, #tpu.memory_space<vmem>>) dst(%dma_wait3A_309 : memref<1456xf32, #tpu.memory_space<vmem_shared>>)
        tpu.yield
      }) : () -> ()
      %add3A_19 = arith.constant 0 : i32
      %add3A_20 = arith.addi %mul3A_11, %add3A_19 : i32
      "tpu.region"() ({
        %run_scoped3A = tpu.sem_alloc : memref<!tpu.dma_semaphore, #tpu.memory_space<semaphore_mem>>
        %dma_start3A = arith.constant 0 : i32
        %dma_start3A_302 = tpu.memref_slice %arg17[%dma_start3A] : memref<1600xf32, #tpu.memory_space<vmem>> -> memref<1600xf32, #tpu.memory_space<vmem>>
        %dma_start3A_303 = tpu.memref_slice %arg23[%add3A_20] : memref<100096xf32, #tpu.memory_space<vmem_shared>> -> memref<1600xf32, #tpu.memory_space<vmem_shared>>
        %dma_start3A_304 = tpu.memref_slice %arg23[%add3A_20] : memref<100096xf32, #tpu.memory_space<vmem_shared>> -> memref<1600xf32, #tpu.memory_space<vmem_shared>>
        %dma_start3A_305 = arith.constant 0 : i32
        %dma_start3A_306 = tpu.memref_slice %arg17[%dma_start3A_305] : memref<1600xf32, #tpu.memory_space<vmem>> -> memref<1600xf32, #tpu.memory_space<vmem>>
        tpu.enqueue_dma source(%dma_start3A_306 : memref<1600xf32, #tpu.memory_space<vmem>>) target(%dma_start3A_304 : memref<1600xf32, #tpu.memory_space<vmem_shared>>) target_semaphore(%run_scoped3A : memref<!tpu.dma_semaphore, #tpu.memory_space<semaphore_mem>>)
        %dma_wait3A = arith.constant 0 : i32
        %dma_wait3A_307 = tpu.memref_slice %arg17[%dma_wait3A] : memref<1600xf32, #tpu.memory_space<vmem>> -> memref<1600xf32, #tpu.memory_space<vmem>>
        %dma_wait3A_308 = tpu.memref_slice %arg23[%add3A_20] : memref<100096xf32, #tpu.memory_space<vmem_shared>> -> memref<1600xf32, #tpu.memory_space<vmem_shared>>
        %dma_wait3A_309 = tpu.memref_slice %arg23[%add3A_20] : memref<100096xf32, #tpu.memory_space<vmem_shared>> -> memref<1600xf32, #tpu.memory_space<vmem_shared>>
        %dma_wait3A_310 = arith.constant 0 : i32
        %dma_wait3A_311 = tpu.memref_slice %arg17[%dma_wait3A_310] : memref<1600xf32, #tpu.memory_space<vmem>> -> memref<1600xf32, #tpu.memory_space<vmem>>
        tpu.wait_dma2 semaphore(%run_scoped3A : memref<!tpu.dma_semaphore, #tpu.memory_space<semaphore_mem>>) src(%dma_wait3A_311 : memref<1600xf32, #tpu.memory_space<vmem>>) dst(%dma_wait3A_309 : memref<1600xf32, #tpu.memory_space<vmem_shared>>)
        tpu.yield
      }) : () -> ()
      %add3A_21 = arith.constant 1600 : i32
      %add3A_22 = arith.addi %mul3A_11, %add3A_21 : i32
      "tpu.region"() ({
        %run_scoped3A = tpu.sem_alloc : memref<!tpu.dma_semaphore, #tpu.memory_space<semaphore_mem>>
        %dma_start3A = arith.constant 0 : i32
        %dma_start3A_302 = tpu.memref_slice %arg17[%dma_start3A] : memref<1600xf32, #tpu.memory_space<vmem>> -> memref<1600xf32, #tpu.memory_space<vmem>>
        %dma_start3A_303 = tpu.memref_slice %arg23[%add3A_22] : memref<100096xf32, #tpu.memory_space<vmem_shared>> -> memref<1600xf32, #tpu.memory_space<vmem_shared>>
        %dma_start3A_304 = tpu.memref_slice %arg23[%add3A_22] : memref<100096xf32, #tpu.memory_space<vmem_shared>> -> memref<1600xf32, #tpu.memory_space<vmem_shared>>
        %dma_start3A_305 = arith.constant 0 : i32
        %dma_start3A_306 = tpu.memref_slice %arg17[%dma_start3A_305] : memref<1600xf32, #tpu.memory_space<vmem>> -> memref<1600xf32, #tpu.memory_space<vmem>>
        tpu.enqueue_dma source(%dma_start3A_306 : memref<1600xf32, #tpu.memory_space<vmem>>) target(%dma_start3A_304 : memref<1600xf32, #tpu.memory_space<vmem_shared>>) target_semaphore(%run_scoped3A : memref<!tpu.dma_semaphore, #tpu.memory_space<semaphore_mem>>)
        %dma_wait3A = arith.constant 0 : i32
        %dma_wait3A_307 = tpu.memref_slice %arg17[%dma_wait3A] : memref<1600xf32, #tpu.memory_space<vmem>> -> memref<1600xf32, #tpu.memory_space<vmem>>
        %dma_wait3A_308 = tpu.memref_slice %arg23[%add3A_22] : memref<100096xf32, #tpu.memory_space<vmem_shared>> -> memref<1600xf32, #tpu.memory_space<vmem_shared>>
        %dma_wait3A_309 = tpu.memref_slice %arg23[%add3A_22] : memref<100096xf32, #tpu.memory_space<vmem_shared>> -> memref<1600xf32, #tpu.memory_space<vmem_shared>>
        %dma_wait3A_310 = arith.constant 0 : i32
        %dma_wait3A_311 = tpu.memref_slice %arg17[%dma_wait3A_310] : memref<1600xf32, #tpu.memory_space<vmem>> -> memref<1600xf32, #tpu.memory_space<vmem>>
        tpu.wait_dma2 semaphore(%run_scoped3A : memref<!tpu.dma_semaphore, #tpu.memory_space<semaphore_mem>>) src(%dma_wait3A_311 : memref<1600xf32, #tpu.memory_space<vmem>>) dst(%dma_wait3A_309 : memref<1600xf32, #tpu.memory_space<vmem_shared>>)
        tpu.yield
      }) : () -> ()
      %add3A_23 = arith.constant 3200 : i32
      %add3A_24 = arith.addi %mul3A_11, %add3A_23 : i32
      "tpu.region"() ({
        %run_scoped3A = tpu.sem_alloc : memref<!tpu.dma_semaphore, #tpu.memory_space<semaphore_mem>>
        %dma_start3A = arith.constant 0 : i32
        %dma_start3A_302 = tpu.memref_slice %arg17[%dma_start3A] : memref<1600xf32, #tpu.memory_space<vmem>> -> memref<1600xf32, #tpu.memory_space<vmem>>
        %dma_start3A_303 = tpu.memref_slice %arg23[%add3A_24] : memref<100096xf32, #tpu.memory_space<vmem_shared>> -> memref<1600xf32, #tpu.memory_space<vmem_shared>>
        %dma_start3A_304 = tpu.memref_slice %arg23[%add3A_24] : memref<100096xf32, #tpu.memory_space<vmem_shared>> -> memref<1600xf32, #tpu.memory_space<vmem_shared>>
        %dma_start3A_305 = arith.constant 0 : i32
        %dma_start3A_306 = tpu.memref_slice %arg17[%dma_start3A_305] : memref<1600xf32, #tpu.memory_space<vmem>> -> memref<1600xf32, #tpu.memory_space<vmem>>
        tpu.enqueue_dma source(%dma_start3A_306 : memref<1600xf32, #tpu.memory_space<vmem>>) target(%dma_start3A_304 : memref<1600xf32, #tpu.memory_space<vmem_shared>>) target_semaphore(%run_scoped3A : memref<!tpu.dma_semaphore, #tpu.memory_space<semaphore_mem>>)
        %dma_wait3A = arith.constant 0 : i32
        %dma_wait3A_307 = tpu.memref_slice %arg17[%dma_wait3A] : memref<1600xf32, #tpu.memory_space<vmem>> -> memref<1600xf32, #tpu.memory_space<vmem>>
        %dma_wait3A_308 = tpu.memref_slice %arg23[%add3A_24] : memref<100096xf32, #tpu.memory_space<vmem_shared>> -> memref<1600xf32, #tpu.memory_space<vmem_shared>>
        %dma_wait3A_309 = tpu.memref_slice %arg23[%add3A_24] : memref<100096xf32, #tpu.memory_space<vmem_shared>> -> memref<1600xf32, #tpu.memory_space<vmem_shared>>
        %dma_wait3A_310 = arith.constant 0 : i32
        %dma_wait3A_311 = tpu.memref_slice %arg17[%dma_wait3A_310] : memref<1600xf32, #tpu.memory_space<vmem>> -> memref<1600xf32, #tpu.memory_space<vmem>>
        tpu.wait_dma2 semaphore(%run_scoped3A : memref<!tpu.dma_semaphore, #tpu.memory_space<semaphore_mem>>) src(%dma_wait3A_311 : memref<1600xf32, #tpu.memory_space<vmem>>) dst(%dma_wait3A_309 : memref<1600xf32, #tpu.memory_space<vmem_shared>>)
        tpu.yield
      }) : () -> ()
      %add3A_25 = arith.constant 4800 : i32
      %add3A_26 = arith.addi %mul3A_11, %add3A_25 : i32
      "tpu.region"() ({
        %run_scoped3A = tpu.sem_alloc : memref<!tpu.dma_semaphore, #tpu.memory_space<semaphore_mem>>
        %dma_start3A = arith.constant 0 : i32
        %dma_start3A_302 = tpu.memref_slice %arg17[%dma_start3A] : memref<1600xf32, #tpu.memory_space<vmem>> -> memref<1456xf32, #tpu.memory_space<vmem>>
        %dma_start3A_303 = tpu.memref_slice %arg23[%add3A_26] : memref<100096xf32, #tpu.memory_space<vmem_shared>> -> memref<1456xf32, #tpu.memory_space<vmem_shared>>
        %dma_start3A_304 = tpu.memref_slice %arg23[%add3A_26] : memref<100096xf32, #tpu.memory_space<vmem_shared>> -> memref<1456xf32, #tpu.memory_space<vmem_shared>>
        %dma_start3A_305 = arith.constant 0 : i32
        %dma_start3A_306 = tpu.memref_slice %arg17[%dma_start3A_305] : memref<1600xf32, #tpu.memory_space<vmem>> -> memref<1456xf32, #tpu.memory_space<vmem>>
        tpu.enqueue_dma source(%dma_start3A_306 : memref<1456xf32, #tpu.memory_space<vmem>>) target(%dma_start3A_304 : memref<1456xf32, #tpu.memory_space<vmem_shared>>) target_semaphore(%run_scoped3A : memref<!tpu.dma_semaphore, #tpu.memory_space<semaphore_mem>>)
        %dma_wait3A = arith.constant 0 : i32
        %dma_wait3A_307 = tpu.memref_slice %arg17[%dma_wait3A] : memref<1600xf32, #tpu.memory_space<vmem>> -> memref<1456xf32, #tpu.memory_space<vmem>>
        %dma_wait3A_308 = tpu.memref_slice %arg23[%add3A_26] : memref<100096xf32, #tpu.memory_space<vmem_shared>> -> memref<1456xf32, #tpu.memory_space<vmem_shared>>
        %dma_wait3A_309 = tpu.memref_slice %arg23[%add3A_26] : memref<100096xf32, #tpu.memory_space<vmem_shared>> -> memref<1456xf32, #tpu.memory_space<vmem_shared>>
        %dma_wait3A_310 = arith.constant 0 : i32
        %dma_wait3A_311 = tpu.memref_slice %arg17[%dma_wait3A_310] : memref<1600xf32, #tpu.memory_space<vmem>> -> memref<1456xf32, #tpu.memory_space<vmem>>
        tpu.wait_dma2 semaphore(%run_scoped3A : memref<!tpu.dma_semaphore, #tpu.memory_space<semaphore_mem>>) src(%dma_wait3A_311 : memref<1456xf32, #tpu.memory_space<vmem>>) dst(%dma_wait3A_309 : memref<1456xf32, #tpu.memory_space<vmem_shared>>)
        tpu.yield
      }) : () -> ()
      %barrier3A = arith.constant 0 : index
      tpu.barrier barrier_id(%barrier3A)
      %sub3A = arith.constant 2000 : i32
      %sub3A_27 = arith.subi %sub3A, %arg1 : i32
      %add3A_28 = arith.constant 16 : i32
      %add3A_29 = arith.addi %sub3A_27, %add3A_28 : i32
      %sub3A_30 = arith.constant 1 : i32
      %sub3A_31 = arith.subi %add3A_29, %sub3A_30 : i32
      %jit3A = arith.constant 16 : i32
      %div3A = arith.divsi %sub3A_31, %jit3A : i32
      %sign3A = arith.constant 0 : i32
      %sign3A_32 = arith.cmpi sgt, %sub3A_31, %sign3A : i32
      %sign3A_33 = arith.extui %sign3A_32 : i1 to i32
      %sign3A_34 = arith.constant 0 : i32
      %sign3A_35 = arith.cmpi slt, %sub3A_31, %sign3A_34 : i32
      %sign3A_36 = arith.extui %sign3A_35 : i1 to i32
      %sign3A_37 = arith.subi %sign3A_33, %sign3A_36 : i32
      %sign3A_38 = arith.constant 0 : i32
      %sign3A_39 = arith.cmpi sgt, %jit3A, %sign3A_38 : i32
      %sign3A_40 = arith.extui %sign3A_39 : i1 to i32
      %sign3A_41 = arith.constant 0 : i32
      %sign3A_42 = arith.cmpi slt, %jit3A, %sign3A_41 : i32
      %sign3A_43 = arith.extui %sign3A_42 : i1 to i32
      %sign3A_44 = arith.subi %sign3A_40, %sign3A_43 : i32
      %ne3A = arith.cmpi ne, %sign3A_37, %sign3A_44 : i32
      %rem3A = arith.remsi %sub3A_31, %jit3A : i32
      %ne3A_45 = arith.constant 0 : i32
      %ne3A_46 = arith.cmpi ne, %rem3A, %ne3A_45 : i32
      %and3A = arith.andi %ne3A, %ne3A_46 : i1
      %sub3A_47 = arith.constant 1 : i32
      %sub3A_48 = arith.subi %div3A, %sub3A_47 : i32
      %select_n3A = arith.select %and3A, %sub3A_48, %div3A : i32
      %gt3A = arith.constant 0 : i32
      %gt3A_49 = arith.cmpi sgt, %select_n3A, %gt3A : i32
      %convert_element_type3A_50 = arith.extui %gt3A_49 : i1 to i32
      %cond3A_51 = arith.constant 0 : i32
      %cond3A_52 = arith.cmpi ne, %convert_element_type3A_50, %cond3A_51 : i32
      scf.if %cond3A_52 {
        %add3A_302 = arith.constant 0 : i32
        %add3A_303 = arith.addi %arg1, %add3A_302 : i32
        %mul3A_304 = arith.constant 1600 : i32
        %mul3A_305 = arith.muli %add3A_303, %mul3A_304 : i32
        %dma_start3A = tpu.memref_slice %arg4[%mul3A_305] : memref<6400000xi32, #tpu.memory_space<hbm>> -> memref<1600xi32, #tpu.memory_space<hbm>>
        %dma_start3A_306 = tpu.memref_slice %arg4[%mul3A_305] : memref<6400000xi32, #tpu.memory_space<hbm>> -> memref<1600xi32, #tpu.memory_space<hbm>>
        tpu.enqueue_dma source(%dma_start3A_306 : memref<1600xi32, #tpu.memory_space<hbm>>) target(%arg11 : memref<1600xi32, #tpu.memory_space<vmem>>) target_semaphore(%arg24 : memref<!tpu.dma_semaphore, #tpu.memory_space<semaphore_mem>>)
        %add3A_307 = arith.constant 0 : i32
        %add3A_308 = arith.addi %arg1, %add3A_307 : i32
        %mul3A_309 = arith.constant 1600 : i32
        %mul3A_310 = arith.muli %add3A_308, %mul3A_309 : i32
        %add3A_311 = arith.constant 3200000 : i32
        %add3A_312 = arith.addi %add3A_311, %mul3A_310 : i32
        %dma_start3A_313 = tpu.memref_slice %arg4[%add3A_312] : memref<6400000xi32, #tpu.memory_space<hbm>> -> memref<1600xi32, #tpu.memory_space<hbm>>
        %dma_start3A_314 = tpu.memref_slice %arg4[%add3A_312] : memref<6400000xi32, #tpu.memory_space<hbm>> -> memref<1600xi32, #tpu.memory_space<hbm>>
        tpu.enqueue_dma source(%dma_start3A_314 : memref<1600xi32, #tpu.memory_space<hbm>>) target(%arg13 : memref<1600xi32, #tpu.memory_space<vmem>>) target_semaphore(%arg26 : memref<!tpu.dma_semaphore, #tpu.memory_space<semaphore_mem>>)
      } else {
      }
      %gt3A_53 = arith.constant 1 : i32
      %gt3A_54 = arith.cmpi sgt, %select_n3A, %gt3A_53 : i32
      %convert_element_type3A_55 = arith.extui %gt3A_54 : i1 to i32
      %cond3A_56 = arith.constant 0 : i32
      %cond3A_57 = arith.cmpi ne, %convert_element_type3A_55, %cond3A_56 : i32
      scf.if %cond3A_57 {
        %add3A_302 = arith.constant 16 : i32
        %add3A_303 = arith.addi %arg1, %add3A_302 : i32
        %mul3A_304 = arith.constant 1600 : i32
        %mul3A_305 = arith.muli %add3A_303, %mul3A_304 : i32
        %dma_start3A = tpu.memref_slice %arg4[%mul3A_305] : memref<6400000xi32, #tpu.memory_space<hbm>> -> memref<1600xi32, #tpu.memory_space<hbm>>
        %dma_start3A_306 = tpu.memref_slice %arg4[%mul3A_305] : memref<6400000xi32, #tpu.memory_space<hbm>> -> memref<1600xi32, #tpu.memory_space<hbm>>
        tpu.enqueue_dma source(%dma_start3A_306 : memref<1600xi32, #tpu.memory_space<hbm>>) target(%arg12 : memref<1600xi32, #tpu.memory_space<vmem>>) target_semaphore(%arg25 : memref<!tpu.dma_semaphore, #tpu.memory_space<semaphore_mem>>)
        %add3A_307 = arith.constant 16 : i32
        %add3A_308 = arith.addi %arg1, %add3A_307 : i32
        %mul3A_309 = arith.constant 1600 : i32
        %mul3A_310 = arith.muli %add3A_308, %mul3A_309 : i32
        %add3A_311 = arith.constant 3200000 : i32
        %add3A_312 = arith.addi %add3A_311, %mul3A_310 : i32
        %dma_start3A_313 = tpu.memref_slice %arg4[%add3A_312] : memref<6400000xi32, #tpu.memory_space<hbm>> -> memref<1600xi32, #tpu.memory_space<hbm>>
        %dma_start3A_314 = tpu.memref_slice %arg4[%add3A_312] : memref<6400000xi32, #tpu.memory_space<hbm>> -> memref<1600xi32, #tpu.memory_space<hbm>>
        tpu.enqueue_dma source(%dma_start3A_314 : memref<1600xi32, #tpu.memory_space<hbm>>) target(%arg14 : memref<1600xi32, #tpu.memory_space<vmem>>) target_semaphore(%arg27 : memref<!tpu.dma_semaphore, #tpu.memory_space<semaphore_mem>>)
      } else {
      }
      %scan3A_58 = arith.constant 0 : i32
      %scan3A_59 = arith.constant 32 : i32
      %scan3A_60 = arith.addi %scan3A_58, %scan3A_59 : i32
      %scan3A_61 = arith.constant 1 : i32
      scf.for %scan3A_302 = %scan3A_58 to %scan3A_60 step %scan3A_61  : i32 {
        %mul3A_303 = arith.constant 4 : i32
        %mul3A_304 = arith.muli %scan3A_302, %mul3A_303 : i32
        %add3A_305 = arith.constant 0 : i32
        %add3A_306 = arith.addi %mul3A_304, %add3A_305 : i32
        %lt3A_307 = arith.cmpi slt, %add3A_306, %select_n3A : i32
        %convert_element_type3A_308 = arith.extui %lt3A_307 : i1 to i32
        %cond3A_309 = arith.constant 0 : i32
        %cond3A_310 = arith.cmpi ne, %convert_element_type3A_308, %cond3A_309 : i32
        scf.if %cond3A_310 {
          %mul3A_387 = arith.constant 16 : i32
          %mul3A_388 = arith.muli %add3A_306, %mul3A_387 : i32
          %add3A_389 = arith.addi %arg1, %mul3A_388 : i32
          %mul3A_390 = arith.constant 1600 : i32
          %mul3A_391 = arith.muli %add3A_389, %mul3A_390 : i32
          %dma_wait3A = tpu.memref_slice %arg4[%mul3A_391] : memref<6400000xi32, #tpu.memory_space<hbm>> -> memref<1600xi32, #tpu.memory_space<hbm>>
          %dma_wait3A_392 = tpu.memref_slice %arg4[%mul3A_391] : memref<6400000xi32, #tpu.memory_space<hbm>> -> memref<1600xi32, #tpu.memory_space<hbm>>
          tpu.wait_dma2 semaphore(%arg24 : memref<!tpu.dma_semaphore, #tpu.memory_space<semaphore_mem>>) src(%dma_wait3A_392 : memref<1600xi32, #tpu.memory_space<hbm>>) dst(%arg11 : memref<1600xi32, #tpu.memory_space<vmem>>)
          %mul3A_393 = arith.constant 16 : i32
          %mul3A_394 = arith.muli %add3A_306, %mul3A_393 : i32
          %add3A_395 = arith.addi %arg1, %mul3A_394 : i32
          %mul3A_396 = arith.constant 1600 : i32
          %mul3A_397 = arith.muli %add3A_395, %mul3A_396 : i32
          %add3A_398 = arith.constant 3200000 : i32
          %add3A_399 = arith.addi %add3A_398, %mul3A_397 : i32
          %dma_wait3A_400 = tpu.memref_slice %arg4[%add3A_399] : memref<6400000xi32, #tpu.memory_space<hbm>> -> memref<1600xi32, #tpu.memory_space<hbm>>
          %dma_wait3A_401 = tpu.memref_slice %arg4[%add3A_399] : memref<6400000xi32, #tpu.memory_space<hbm>> -> memref<1600xi32, #tpu.memory_space<hbm>>
          tpu.wait_dma2 semaphore(%arg26 : memref<!tpu.dma_semaphore, #tpu.memory_space<semaphore_mem>>) src(%dma_wait3A_401 : memref<1600xi32, #tpu.memory_space<hbm>>) dst(%arg13 : memref<1600xi32, #tpu.memory_space<vmem>>)
          %dma_start3A = arith.constant 0 : i32
          %dma_start3A_402 = tpu.memref_slice %arg23[%dma_start3A] : memref<100096xf32, #tpu.memory_space<vmem_shared>> -> memref<100096xf32, #tpu.memory_space<vmem_shared>>
          tpu.enqueue_indirect_dma source(%arg21 : memref<1600xf32, #tpu.memory_space<vmem>>) target(%dma_start3A_402 : memref<100096xf32, #tpu.memory_space<vmem_shared>>) offsets(%arg13 : memref<1600xi32, #tpu.memory_space<vmem>>) semaphore(%arg34 : memref<!tpu.dma_semaphore, #tpu.memory_space<semaphore_mem>>) {add = true}
          %scan3A_403 = arith.constant 0 : i32
          %scan3A_404 = arith.constant 25 : i32
          %scan3A_405 = arith.addi %scan3A_403, %scan3A_404 : i32
          %scan3A_406 = arith.constant 1 : i32
          scf.for %scan3A_410 = %scan3A_403 to %scan3A_405 step %scan3A_406  : i32 {
            %mul3A_411 = arith.constant 64 : i32
            %mul3A_412 = arith.muli %scan3A_410, %mul3A_411 : i32
            %add3A_413 = arith.constant 0 : i32
            %add3A_414 = arith.addi %mul3A_412, %add3A_413 : i32
            %get3A = arith.index_cast %add3A_414 : i32 to index
            %get3A_415 = tpu.vector_load %arg11[%get3A] {strides = array<i32>} : memref<1600xi32, #tpu.memory_space<vmem>>, vector<16xi32>,
            %gather3A = tpu.vector_load_idx %arg10[%get3A_415] : memref<100000xf32, #tpu.memory_space<vmem>>[vector<16xi32>], vector<16xf32>,
            %swap3A = arith.index_cast %add3A_414 : i32 to index
            %swap3A_416 = tpu.vector_load %arg17[%swap3A] {strides = array<i32>} : memref<1600xf32, #tpu.memory_space<vmem>>, vector<16xf32>,
            tpu.vector_store %arg17[%swap3A], %gather3A {strides = array<i32>} : memref<1600xf32, #tpu.memory_space<vmem>>, vector<16xf32>,
            %add3A_417 = arith.constant 16 : i32
            %add3A_418 = arith.addi %mul3A_412, %add3A_417 : i32
            %get3A_419 = arith.index_cast %add3A_418 : i32 to index
            %get3A_420 = tpu.vector_load %arg11[%get3A_419] {strides = array<i32>} : memref<1600xi32, #tpu.memory_space<vmem>>, vector<16xi32>,
            %gather3A_421 = tpu.vector_load_idx %arg10[%get3A_420] : memref<100000xf32, #tpu.memory_space<vmem>>[vector<16xi32>], vector<16xf32>,
            %swap3A_422 = arith.index_cast %add3A_418 : i32 to index
            %swap3A_423 = tpu.vector_load %arg17[%swap3A_422] {strides = array<i32>} : memref<1600xf32, #tpu.memory_space<vmem>>, vector<16xf32>,
            tpu.vector_store %arg17[%swap3A_422], %gather3A_421 {strides = array<i32>} : memref<1600xf32, #tpu.memory_space<vmem>>, vector<16xf32>,
            %add3A_424 = arith.constant 32 : i32
            %add3A_425 = arith.addi %mul3A_412, %add3A_424 : i32
            %get3A_426 = arith.index_cast %add3A_425 : i32 to index
            %get3A_427 = tpu.vector_load %arg11[%get3A_426] {strides = array<i32>} : memref<1600xi32, #tpu.memory_space<vmem>>, vector<16xi32>,
            %gather3A_428 = tpu.vector_load_idx %arg10[%get3A_427] : memref<100000xf32, #tpu.memory_space<vmem>>[vector<16xi32>], vector<16xf32>,
            %swap3A_429 = arith.index_cast %add3A_425 : i32 to index
            %swap3A_430 = tpu.vector_load %arg17[%swap3A_429] {strides = array<i32>} : memref<1600xf32, #tpu.memory_space<vmem>>, vector<16xf32>,
            tpu.vector_store %arg17[%swap3A_429], %gather3A_428 {strides = array<i32>} : memref<1600xf32, #tpu.memory_space<vmem>>, vector<16xf32>,
            %add3A_431 = arith.constant 48 : i32
            %add3A_432 = arith.addi %mul3A_412, %add3A_431 : i32
            %get3A_433 = arith.index_cast %add3A_432 : i32 to index
            %get3A_434 = tpu.vector_load %arg11[%get3A_433] {strides = array<i32>} : memref<1600xi32, #tpu.memory_space<vmem>>, vector<16xi32>,
            %gather3A_435 = tpu.vector_load_idx %arg10[%get3A_434] : memref<100000xf32, #tpu.memory_space<vmem>>[vector<16xi32>], vector<16xf32>,
            %swap3A_436 = arith.index_cast %add3A_432 : i32 to index
            %swap3A_437 = tpu.vector_load %arg17[%swap3A_436] {strides = array<i32>} : memref<1600xf32, #tpu.memory_space<vmem>>, vector<16xf32>,
            tpu.vector_store %arg17[%swap3A_436], %gather3A_435 {strides = array<i32>} : memref<1600xf32, #tpu.memory_space<vmem>>, vector<16xf32>,
          }
          %scan3A_407 = arith.constant 25 : i32
          %dma_start3A_408 = arith.constant 0 : i32
          %dma_start3A_409 = tpu.memref_slice %arg22[%dma_start3A_408] : memref<100096xf32, #tpu.memory_space<vmem_shared>> -> memref<100096xf32, #tpu.memory_space<vmem_shared>>
          tpu.enqueue_indirect_dma source(%arg17 : memref<1600xf32, #tpu.memory_space<vmem>>) target(%dma_start3A_409 : memref<100096xf32, #tpu.memory_space<vmem_shared>>) offsets(%arg13 : memref<1600xi32, #tpu.memory_space<vmem>>) semaphore(%arg30 : memref<!tpu.dma_semaphore, #tpu.memory_space<semaphore_mem>>) {add = true}
        } else {
        }
        %ge3A_311 = arith.constant 2 : i32
        %ge3A_312 = arith.cmpi sge, %add3A_306, %ge3A_311 : i32
        %lt3A_313 = arith.cmpi slt, %add3A_306, %select_n3A : i32
        %and3A_314 = arith.andi %ge3A_312, %lt3A_313 : i1
        %convert_element_type3A_315 = arith.extui %and3A_314 : i1 to i32
        %cond3A_316 = arith.constant 0 : i32
        %cond3A_317 = arith.cmpi ne, %convert_element_type3A_315, %cond3A_316 : i32
        scf.if %cond3A_317 {
          %dma_wait3A = arith.constant 0 : i32
          %dma_wait3A_387 = tpu.memref_slice %arg22[%dma_wait3A] : memref<100096xf32, #tpu.memory_space<vmem_shared>> -> memref<100096xf32, #tpu.memory_space<vmem_shared>>
          tpu.wait_indirect_dma semaphore(%arg32 : memref<!tpu.dma_semaphore, #tpu.memory_space<semaphore_mem>>) src(%arg19 : memref<1600xf32, #tpu.memory_space<vmem>>) dst(%dma_wait3A_387 : memref<100096xf32, #tpu.memory_space<vmem_shared>>)
          %dma_wait3A_388 = arith.constant 0 : i32
          %dma_wait3A_389 = tpu.memref_slice %arg23[%dma_wait3A_388] : memref<100096xf32, #tpu.memory_space<vmem_shared>> -> memref<100096xf32, #tpu.memory_space<vmem_shared>>
          tpu.wait_indirect_dma semaphore(%arg36 : memref<!tpu.dma_semaphore, #tpu.memory_space<semaphore_mem>>) src(%arg21 : memref<1600xf32, #tpu.memory_space<vmem>>) dst(%dma_wait3A_389 : memref<100096xf32, #tpu.memory_space<vmem_shared>>)
        } else {
        }
        %add3A_318 = arith.constant 2 : i32
        %add3A_319 = arith.addi %add3A_306, %add3A_318 : i32
        %lt3A_320 = arith.cmpi slt, %add3A_319, %select_n3A : i32
        %convert_element_type3A_321 = arith.extui %lt3A_320 : i1 to i32
        %cond3A_322 = arith.constant 0 : i32
        %cond3A_323 = arith.cmpi ne, %convert_element_type3A_321, %cond3A_322 : i32
        scf.if %cond3A_323 {
          %add3A_387 = arith.constant 2 : i32
          %add3A_388 = arith.addi %add3A_306, %add3A_387 : i32
          %mul3A_389 = arith.constant 16 : i32
          %mul3A_390 = arith.muli %add3A_388, %mul3A_389 : i32
          %add3A_391 = arith.addi %arg1, %mul3A_390 : i32
          %mul3A_392 = arith.constant 1600 : i32
          %mul3A_393 = arith.muli %add3A_391, %mul3A_392 : i32
          %dma_start3A = tpu.memref_slice %arg4[%mul3A_393] : memref<6400000xi32, #tpu.memory_space<hbm>> -> memref<1600xi32, #tpu.memory_space<hbm>>
          %dma_start3A_394 = tpu.memref_slice %arg4[%mul3A_393] : memref<6400000xi32, #tpu.memory_space<hbm>> -> memref<1600xi32, #tpu.memory_space<hbm>>
          tpu.enqueue_dma source(%dma_start3A_394 : memref<1600xi32, #tpu.memory_space<hbm>>) target(%arg11 : memref<1600xi32, #tpu.memory_space<vmem>>) target_semaphore(%arg24 : memref<!tpu.dma_semaphore, #tpu.memory_space<semaphore_mem>>)
          %add3A_395 = arith.constant 2 : i32
          %add3A_396 = arith.addi %add3A_306, %add3A_395 : i32
          %mul3A_397 = arith.constant 16 : i32
          %mul3A_398 = arith.muli %add3A_396, %mul3A_397 : i32
          %add3A_399 = arith.addi %arg1, %mul3A_398 : i32
          %mul3A_400 = arith.constant 1600 : i32
          %mul3A_401 = arith.muli %add3A_399, %mul3A_400 : i32
          %add3A_402 = arith.constant 3200000 : i32
          %add3A_403 = arith.addi %add3A_402, %mul3A_401 : i32
          %dma_start3A_404 = tpu.memref_slice %arg4[%add3A_403] : memref<6400000xi32, #tpu.memory_space<hbm>> -> memref<1600xi32, #tpu.memory_space<hbm>>
          %dma_start3A_405 = tpu.memref_slice %arg4[%add3A_403] : memref<6400000xi32, #tpu.memory_space<hbm>> -> memref<1600xi32, #tpu.memory_space<hbm>>
          tpu.enqueue_dma source(%dma_start3A_405 : memref<1600xi32, #tpu.memory_space<hbm>>) target(%arg15 : memref<1600xi32, #tpu.memory_space<vmem>>) target_semaphore(%arg28 : memref<!tpu.dma_semaphore, #tpu.memory_space<semaphore_mem>>)
        } else {
        }
        %mul3A_324 = arith.constant 4 : i32
        %mul3A_325 = arith.muli %scan3A_302, %mul3A_324 : i32
        %add3A_326 = arith.constant 1 : i32
        %add3A_327 = arith.addi %mul3A_325, %add3A_326 : i32
        %lt3A_328 = arith.cmpi slt, %add3A_327, %select_n3A : i32
        %convert_element_type3A_329 = arith.extui %lt3A_328 : i1 to i32
        %cond3A_330 = arith.constant 0 : i32
        %cond3A_331 = arith.cmpi ne, %convert_element_type3A_329, %cond3A_330 : i32
        scf.if %cond3A_331 {
          %mul3A_387 = arith.constant 16 : i32
          %mul3A_388 = arith.muli %add3A_327, %mul3A_387 : i32
          %add3A_389 = arith.addi %arg1, %mul3A_388 : i32
          %mul3A_390 = arith.constant 1600 : i32
          %mul3A_391 = arith.muli %add3A_389, %mul3A_390 : i32
          %dma_wait3A = tpu.memref_slice %arg4[%mul3A_391] : memref<6400000xi32, #tpu.memory_space<hbm>> -> memref<1600xi32, #tpu.memory_space<hbm>>
          %dma_wait3A_392 = tpu.memref_slice %arg4[%mul3A_391] : memref<6400000xi32, #tpu.memory_space<hbm>> -> memref<1600xi32, #tpu.memory_space<hbm>>
          tpu.wait_dma2 semaphore(%arg25 : memref<!tpu.dma_semaphore, #tpu.memory_space<semaphore_mem>>) src(%dma_wait3A_392 : memref<1600xi32, #tpu.memory_space<hbm>>) dst(%arg12 : memref<1600xi32, #tpu.memory_space<vmem>>)
          %mul3A_393 = arith.constant 16 : i32
          %mul3A_394 = arith.muli %add3A_327, %mul3A_393 : i32
          %add3A_395 = arith.addi %arg1, %mul3A_394 : i32
          %mul3A_396 = arith.constant 1600 : i32
          %mul3A_397 = arith.muli %add3A_395, %mul3A_396 : i32
          %add3A_398 = arith.constant 3200000 : i32
          %add3A_399 = arith.addi %add3A_398, %mul3A_397 : i32
          %dma_wait3A_400 = tpu.memref_slice %arg4[%add3A_399] : memref<6400000xi32, #tpu.memory_space<hbm>> -> memref<1600xi32, #tpu.memory_space<hbm>>
          %dma_wait3A_401 = tpu.memref_slice %arg4[%add3A_399] : memref<6400000xi32, #tpu.memory_space<hbm>> -> memref<1600xi32, #tpu.memory_space<hbm>>
          tpu.wait_dma2 semaphore(%arg27 : memref<!tpu.dma_semaphore, #tpu.memory_space<semaphore_mem>>) src(%dma_wait3A_401 : memref<1600xi32, #tpu.memory_space<hbm>>) dst(%arg14 : memref<1600xi32, #tpu.memory_space<vmem>>)
          %dma_start3A = arith.constant 0 : i32
          %dma_start3A_402 = tpu.memref_slice %arg23[%dma_start3A] : memref<100096xf32, #tpu.memory_space<vmem_shared>> -> memref<100096xf32, #tpu.memory_space<vmem_shared>>
          tpu.enqueue_indirect_dma source(%arg21 : memref<1600xf32, #tpu.memory_space<vmem>>) target(%dma_start3A_402 : memref<100096xf32, #tpu.memory_space<vmem_shared>>) offsets(%arg14 : memref<1600xi32, #tpu.memory_space<vmem>>) semaphore(%arg35 : memref<!tpu.dma_semaphore, #tpu.memory_space<semaphore_mem>>) {add = true}
          %scan3A_403 = arith.constant 0 : i32
          %scan3A_404 = arith.constant 25 : i32
          %scan3A_405 = arith.addi %scan3A_403, %scan3A_404 : i32
          %scan3A_406 = arith.constant 1 : i32
          scf.for %scan3A_410 = %scan3A_403 to %scan3A_405 step %scan3A_406  : i32 {
            %mul3A_411 = arith.constant 64 : i32
            %mul3A_412 = arith.muli %scan3A_410, %mul3A_411 : i32
            %add3A_413 = arith.constant 0 : i32
            %add3A_414 = arith.addi %mul3A_412, %add3A_413 : i32
            %get3A = arith.index_cast %add3A_414 : i32 to index
            %get3A_415 = tpu.vector_load %arg12[%get3A] {strides = array<i32>} : memref<1600xi32, #tpu.memory_space<vmem>>, vector<16xi32>,
            %gather3A = tpu.vector_load_idx %arg10[%get3A_415] : memref<100000xf32, #tpu.memory_space<vmem>>[vector<16xi32>], vector<16xf32>,
            %swap3A = arith.index_cast %add3A_414 : i32 to index
            %swap3A_416 = tpu.vector_load %arg18[%swap3A] {strides = array<i32>} : memref<1600xf32, #tpu.memory_space<vmem>>, vector<16xf32>,
            tpu.vector_store %arg18[%swap3A], %gather3A {strides = array<i32>} : memref<1600xf32, #tpu.memory_space<vmem>>, vector<16xf32>,
            %add3A_417 = arith.constant 16 : i32
            %add3A_418 = arith.addi %mul3A_412, %add3A_417 : i32
            %get3A_419 = arith.index_cast %add3A_418 : i32 to index
            %get3A_420 = tpu.vector_load %arg12[%get3A_419] {strides = array<i32>} : memref<1600xi32, #tpu.memory_space<vmem>>, vector<16xi32>,
            %gather3A_421 = tpu.vector_load_idx %arg10[%get3A_420] : memref<100000xf32, #tpu.memory_space<vmem>>[vector<16xi32>], vector<16xf32>,
            %swap3A_422 = arith.index_cast %add3A_418 : i32 to index
            %swap3A_423 = tpu.vector_load %arg18[%swap3A_422] {strides = array<i32>} : memref<1600xf32, #tpu.memory_space<vmem>>, vector<16xf32>,
            tpu.vector_store %arg18[%swap3A_422], %gather3A_421 {strides = array<i32>} : memref<1600xf32, #tpu.memory_space<vmem>>, vector<16xf32>,
            %add3A_424 = arith.constant 32 : i32
            %add3A_425 = arith.addi %mul3A_412, %add3A_424 : i32
            %get3A_426 = arith.index_cast %add3A_425 : i32 to index
            %get3A_427 = tpu.vector_load %arg12[%get3A_426] {strides = array<i32>} : memref<1600xi32, #tpu.memory_space<vmem>>, vector<16xi32>,
            %gather3A_428 = tpu.vector_load_idx %arg10[%get3A_427] : memref<100000xf32, #tpu.memory_space<vmem>>[vector<16xi32>], vector<16xf32>,
            %swap3A_429 = arith.index_cast %add3A_425 : i32 to index
            %swap3A_430 = tpu.vector_load %arg18[%swap3A_429] {strides = array<i32>} : memref<1600xf32, #tpu.memory_space<vmem>>, vector<16xf32>,
            tpu.vector_store %arg18[%swap3A_429], %gather3A_428 {strides = array<i32>} : memref<1600xf32, #tpu.memory_space<vmem>>, vector<16xf32>,
            %add3A_431 = arith.constant 48 : i32
            %add3A_432 = arith.addi %mul3A_412, %add3A_431 : i32
            %get3A_433 = arith.index_cast %add3A_432 : i32 to index
            %get3A_434 = tpu.vector_load %arg12[%get3A_433] {strides = array<i32>} : memref<1600xi32, #tpu.memory_space<vmem>>, vector<16xi32>,
            %gather3A_435 = tpu.vector_load_idx %arg10[%get3A_434] : memref<100000xf32, #tpu.memory_space<vmem>>[vector<16xi32>], vector<16xf32>,
            %swap3A_436 = arith.index_cast %add3A_432 : i32 to index
            %swap3A_437 = tpu.vector_load %arg18[%swap3A_436] {strides = array<i32>} : memref<1600xf32, #tpu.memory_space<vmem>>, vector<16xf32>,
            tpu.vector_store %arg18[%swap3A_436], %gather3A_435 {strides = array<i32>} : memref<1600xf32, #tpu.memory_space<vmem>>, vector<16xf32>,
          }
          %scan3A_407 = arith.constant 25 : i32
          %dma_start3A_408 = arith.constant 0 : i32
          %dma_start3A_409 = tpu.memref_slice %arg22[%dma_start3A_408] : memref<100096xf32, #tpu.memory_space<vmem_shared>> -> memref<100096xf32, #tpu.memory_space<vmem_shared>>
          tpu.enqueue_indirect_dma source(%arg18 : memref<1600xf32, #tpu.memory_space<vmem>>) target(%dma_start3A_409 : memref<100096xf32, #tpu.memory_space<vmem_shared>>) offsets(%arg14 : memref<1600xi32, #tpu.memory_space<vmem>>) semaphore(%arg31 : memref<!tpu.dma_semaphore, #tpu.memory_space<semaphore_mem>>) {add = true}
        } else {
        }
        %ge3A_332 = arith.constant 2 : i32
        %ge3A_333 = arith.cmpi sge, %add3A_327, %ge3A_332 : i32
        %lt3A_334 = arith.cmpi slt, %add3A_327, %select_n3A : i32
        %and3A_335 = arith.andi %ge3A_333, %lt3A_334 : i1
        %convert_element_type3A_336 = arith.extui %and3A_335 : i1 to i32
        %cond3A_337 = arith.constant 0 : i32
        %cond3A_338 = arith.cmpi ne, %convert_element_type3A_336, %cond3A_337 : i32
        scf.if %cond3A_338 {
          %dma_wait3A = arith.constant 0 : i32
          %dma_wait3A_387 = tpu.memref_slice %arg22[%dma_wait3A] : memref<100096xf32, #tpu.memory_space<vmem_shared>> -> memref<100096xf32, #tpu.memory_space<vmem_shared>>
          tpu.wait_indirect_dma semaphore(%arg33 : memref<!tpu.dma_semaphore, #tpu.memory_space<semaphore_mem>>) src(%arg20 : memref<1600xf32, #tpu.memory_space<vmem>>) dst(%dma_wait3A_387 : memref<100096xf32, #tpu.memory_space<vmem_shared>>)
          %dma_wait3A_388 = arith.constant 0 : i32
          %dma_wait3A_389 = tpu.memref_slice %arg23[%dma_wait3A_388] : memref<100096xf32, #tpu.memory_space<vmem_shared>> -> memref<100096xf32, #tpu.memory_space<vmem_shared>>
          tpu.wait_indirect_dma semaphore(%arg37 : memref<!tpu.dma_semaphore, #tpu.memory_space<semaphore_mem>>) src(%arg21 : memref<1600xf32, #tpu.memory_space<vmem>>) dst(%dma_wait3A_389 : memref<100096xf32, #tpu.memory_space<vmem_shared>>)
        } else {
        }
        %add3A_339 = arith.constant 2 : i32
        %add3A_340 = arith.addi %add3A_327, %add3A_339 : i32
        %lt3A_341 = arith.cmpi slt, %add3A_340, %select_n3A : i32
        %convert_element_type3A_342 = arith.extui %lt3A_341 : i1 to i32
        %cond3A_343 = arith.constant 0 : i32
        %cond3A_344 = arith.cmpi ne, %convert_element_type3A_342, %cond3A_343 : i32
        scf.if %cond3A_344 {
          %add3A_387 = arith.constant 2 : i32
          %add3A_388 = arith.addi %add3A_327, %add3A_387 : i32
          %mul3A_389 = arith.constant 16 : i32
          %mul3A_390 = arith.muli %add3A_388, %mul3A_389 : i32
          %add3A_391 = arith.addi %arg1, %mul3A_390 : i32
          %mul3A_392 = arith.constant 1600 : i32
          %mul3A_393 = arith.muli %add3A_391, %mul3A_392 : i32
          %dma_start3A = tpu.memref_slice %arg4[%mul3A_393] : memref<6400000xi32, #tpu.memory_space<hbm>> -> memref<1600xi32, #tpu.memory_space<hbm>>
          %dma_start3A_394 = tpu.memref_slice %arg4[%mul3A_393] : memref<6400000xi32, #tpu.memory_space<hbm>> -> memref<1600xi32, #tpu.memory_space<hbm>>
          tpu.enqueue_dma source(%dma_start3A_394 : memref<1600xi32, #tpu.memory_space<hbm>>) target(%arg12 : memref<1600xi32, #tpu.memory_space<vmem>>) target_semaphore(%arg25 : memref<!tpu.dma_semaphore, #tpu.memory_space<semaphore_mem>>)
          %add3A_395 = arith.constant 2 : i32
          %add3A_396 = arith.addi %add3A_327, %add3A_395 : i32
          %mul3A_397 = arith.constant 16 : i32
          %mul3A_398 = arith.muli %add3A_396, %mul3A_397 : i32
          %add3A_399 = arith.addi %arg1, %mul3A_398 : i32
          %mul3A_400 = arith.constant 1600 : i32
          %mul3A_401 = arith.muli %add3A_399, %mul3A_400 : i32
          %add3A_402 = arith.constant 3200000 : i32
          %add3A_403 = arith.addi %add3A_402, %mul3A_401 : i32
          %dma_start3A_404 = tpu.memref_slice %arg4[%add3A_403] : memref<6400000xi32, #tpu.memory_space<hbm>> -> memref<1600xi32, #tpu.memory_space<hbm>>
          %dma_start3A_405 = tpu.memref_slice %arg4[%add3A_403] : memref<6400000xi32, #tpu.memory_space<hbm>> -> memref<1600xi32, #tpu.memory_space<hbm>>
          tpu.enqueue_dma source(%dma_start3A_405 : memref<1600xi32, #tpu.memory_space<hbm>>) target(%arg16 : memref<1600xi32, #tpu.memory_space<vmem>>) target_semaphore(%arg29 : memref<!tpu.dma_semaphore, #tpu.memory_space<semaphore_mem>>)
        } else {
        }
        %mul3A_345 = arith.constant 4 : i32
        %mul3A_346 = arith.muli %scan3A_302, %mul3A_345 : i32
        %add3A_347 = arith.constant 2 : i32
        %add3A_348 = arith.addi %mul3A_346, %add3A_347 : i32
        %lt3A_349 = arith.cmpi slt, %add3A_348, %select_n3A : i32
        %convert_element_type3A_350 = arith.extui %lt3A_349 : i1 to i32
        %cond3A_351 = arith.constant 0 : i32
        %cond3A_352 = arith.cmpi ne, %convert_element_type3A_350, %cond3A_351 : i32
        scf.if %cond3A_352 {
          %mul3A_387 = arith.constant 16 : i32
          %mul3A_388 = arith.muli %add3A_348, %mul3A_387 : i32
          %add3A_389 = arith.addi %arg1, %mul3A_388 : i32
          %mul3A_390 = arith.constant 1600 : i32
          %mul3A_391 = arith.muli %add3A_389, %mul3A_390 : i32
          %dma_wait3A = tpu.memref_slice %arg4[%mul3A_391] : memref<6400000xi32, #tpu.memory_space<hbm>> -> memref<1600xi32, #tpu.memory_space<hbm>>
          %dma_wait3A_392 = tpu.memref_slice %arg4[%mul3A_391] : memref<6400000xi32, #tpu.memory_space<hbm>> -> memref<1600xi32, #tpu.memory_space<hbm>>
          tpu.wait_dma2 semaphore(%arg24 : memref<!tpu.dma_semaphore, #tpu.memory_space<semaphore_mem>>) src(%dma_wait3A_392 : memref<1600xi32, #tpu.memory_space<hbm>>) dst(%arg11 : memref<1600xi32, #tpu.memory_space<vmem>>)
          %mul3A_393 = arith.constant 16 : i32
          %mul3A_394 = arith.muli %add3A_348, %mul3A_393 : i32
          %add3A_395 = arith.addi %arg1, %mul3A_394 : i32
          %mul3A_396 = arith.constant 1600 : i32
          %mul3A_397 = arith.muli %add3A_395, %mul3A_396 : i32
          %add3A_398 = arith.constant 3200000 : i32
          %add3A_399 = arith.addi %add3A_398, %mul3A_397 : i32
          %dma_wait3A_400 = tpu.memref_slice %arg4[%add3A_399] : memref<6400000xi32, #tpu.memory_space<hbm>> -> memref<1600xi32, #tpu.memory_space<hbm>>
          %dma_wait3A_401 = tpu.memref_slice %arg4[%add3A_399] : memref<6400000xi32, #tpu.memory_space<hbm>> -> memref<1600xi32, #tpu.memory_space<hbm>>
          tpu.wait_dma2 semaphore(%arg28 : memref<!tpu.dma_semaphore, #tpu.memory_space<semaphore_mem>>) src(%dma_wait3A_401 : memref<1600xi32, #tpu.memory_space<hbm>>) dst(%arg15 : memref<1600xi32, #tpu.memory_space<vmem>>)
          %dma_start3A = arith.constant 0 : i32
          %dma_start3A_402 = tpu.memref_slice %arg23[%dma_start3A] : memref<100096xf32, #tpu.memory_space<vmem_shared>> -> memref<100096xf32, #tpu.memory_space<vmem_shared>>
          tpu.enqueue_indirect_dma source(%arg21 : memref<1600xf32, #tpu.memory_space<vmem>>) target(%dma_start3A_402 : memref<100096xf32, #tpu.memory_space<vmem_shared>>) offsets(%arg15 : memref<1600xi32, #tpu.memory_space<vmem>>) semaphore(%arg36 : memref<!tpu.dma_semaphore, #tpu.memory_space<semaphore_mem>>) {add = true}
          %scan3A_403 = arith.constant 0 : i32
          %scan3A_404 = arith.constant 25 : i32
          %scan3A_405 = arith.addi %scan3A_403, %scan3A_404 : i32
          %scan3A_406 = arith.constant 1 : i32
          scf.for %scan3A_410 = %scan3A_403 to %scan3A_405 step %scan3A_406  : i32 {
            %mul3A_411 = arith.constant 64 : i32
            %mul3A_412 = arith.muli %scan3A_410, %mul3A_411 : i32
            %add3A_413 = arith.constant 0 : i32
            %add3A_414 = arith.addi %mul3A_412, %add3A_413 : i32
            %get3A = arith.index_cast %add3A_414 : i32 to index
            %get3A_415 = tpu.vector_load %arg11[%get3A] {strides = array<i32>} : memref<1600xi32, #tpu.memory_space<vmem>>, vector<16xi32>,
            %gather3A = tpu.vector_load_idx %arg10[%get3A_415] : memref<100000xf32, #tpu.memory_space<vmem>>[vector<16xi32>], vector<16xf32>,
            %swap3A = arith.index_cast %add3A_414 : i32 to index
            %swap3A_416 = tpu.vector_load %arg19[%swap3A] {strides = array<i32>} : memref<1600xf32, #tpu.memory_space<vmem>>, vector<16xf32>,
            tpu.vector_store %arg19[%swap3A], %gather3A {strides = array<i32>} : memref<1600xf32, #tpu.memory_space<vmem>>, vector<16xf32>,
            %add3A_417 = arith.constant 16 : i32
            %add3A_418 = arith.addi %mul3A_412, %add3A_417 : i32
            %get3A_419 = arith.index_cast %add3A_418 : i32 to index
            %get3A_420 = tpu.vector_load %arg11[%get3A_419] {strides = array<i32>} : memref<1600xi32, #tpu.memory_space<vmem>>, vector<16xi32>,
            %gather3A_421 = tpu.vector_load_idx %arg10[%get3A_420] : memref<100000xf32, #tpu.memory_space<vmem>>[vector<16xi32>], vector<16xf32>,
            %swap3A_422 = arith.index_cast %add3A_418 : i32 to index
            %swap3A_423 = tpu.vector_load %arg19[%swap3A_422] {strides = array<i32>} : memref<1600xf32, #tpu.memory_space<vmem>>, vector<16xf32>,
            tpu.vector_store %arg19[%swap3A_422], %gather3A_421 {strides = array<i32>} : memref<1600xf32, #tpu.memory_space<vmem>>, vector<16xf32>,
            %add3A_424 = arith.constant 32 : i32
            %add3A_425 = arith.addi %mul3A_412, %add3A_424 : i32
            %get3A_426 = arith.index_cast %add3A_425 : i32 to index
            %get3A_427 = tpu.vector_load %arg11[%get3A_426] {strides = array<i32>} : memref<1600xi32, #tpu.memory_space<vmem>>, vector<16xi32>,
            %gather3A_428 = tpu.vector_load_idx %arg10[%get3A_427] : memref<100000xf32, #tpu.memory_space<vmem>>[vector<16xi32>], vector<16xf32>,
            %swap3A_429 = arith.index_cast %add3A_425 : i32 to index
            %swap3A_430 = tpu.vector_load %arg19[%swap3A_429] {strides = array<i32>} : memref<1600xf32, #tpu.memory_space<vmem>>, vector<16xf32>,
            tpu.vector_store %arg19[%swap3A_429], %gather3A_428 {strides = array<i32>} : memref<1600xf32, #tpu.memory_space<vmem>>, vector<16xf32>,
            %add3A_431 = arith.constant 48 : i32
            %add3A_432 = arith.addi %mul3A_412, %add3A_431 : i32
            %get3A_433 = arith.index_cast %add3A_432 : i32 to index
            %get3A_434 = tpu.vector_load %arg11[%get3A_433] {strides = array<i32>} : memref<1600xi32, #tpu.memory_space<vmem>>, vector<16xi32>,
            %gather3A_435 = tpu.vector_load_idx %arg10[%get3A_434] : memref<100000xf32, #tpu.memory_space<vmem>>[vector<16xi32>], vector<16xf32>,
            %swap3A_436 = arith.index_cast %add3A_432 : i32 to index
            %swap3A_437 = tpu.vector_load %arg19[%swap3A_436] {strides = array<i32>} : memref<1600xf32, #tpu.memory_space<vmem>>, vector<16xf32>,
            tpu.vector_store %arg19[%swap3A_436], %gather3A_435 {strides = array<i32>} : memref<1600xf32, #tpu.memory_space<vmem>>, vector<16xf32>,
          }
          %scan3A_407 = arith.constant 25 : i32
          %dma_start3A_408 = arith.constant 0 : i32
          %dma_start3A_409 = tpu.memref_slice %arg22[%dma_start3A_408] : memref<100096xf32, #tpu.memory_space<vmem_shared>> -> memref<100096xf32, #tpu.memory_space<vmem_shared>>
          tpu.enqueue_indirect_dma source(%arg19 : memref<1600xf32, #tpu.memory_space<vmem>>) target(%dma_start3A_409 : memref<100096xf32, #tpu.memory_space<vmem_shared>>) offsets(%arg15 : memref<1600xi32, #tpu.memory_space<vmem>>) semaphore(%arg32 : memref<!tpu.dma_semaphore, #tpu.memory_space<semaphore_mem>>) {add = true}
        } else {
        }
        %ge3A_353 = arith.constant 2 : i32
        %ge3A_354 = arith.cmpi sge, %add3A_348, %ge3A_353 : i32
        %lt3A_355 = arith.cmpi slt, %add3A_348, %select_n3A : i32
        %and3A_356 = arith.andi %ge3A_354, %lt3A_355 : i1
        %convert_element_type3A_357 = arith.extui %and3A_356 : i1 to i32
        %cond3A_358 = arith.constant 0 : i32
        %cond3A_359 = arith.cmpi ne, %convert_element_type3A_357, %cond3A_358 : i32
        scf.if %cond3A_359 {
          %dma_wait3A = arith.constant 0 : i32
          %dma_wait3A_387 = tpu.memref_slice %arg22[%dma_wait3A] : memref<100096xf32, #tpu.memory_space<vmem_shared>> -> memref<100096xf32, #tpu.memory_space<vmem_shared>>
          tpu.wait_indirect_dma semaphore(%arg30 : memref<!tpu.dma_semaphore, #tpu.memory_space<semaphore_mem>>) src(%arg17 : memref<1600xf32, #tpu.memory_space<vmem>>) dst(%dma_wait3A_387 : memref<100096xf32, #tpu.memory_space<vmem_shared>>)
          %dma_wait3A_388 = arith.constant 0 : i32
          %dma_wait3A_389 = tpu.memref_slice %arg23[%dma_wait3A_388] : memref<100096xf32, #tpu.memory_space<vmem_shared>> -> memref<100096xf32, #tpu.memory_space<vmem_shared>>
          tpu.wait_indirect_dma semaphore(%arg34 : memref<!tpu.dma_semaphore, #tpu.memory_space<semaphore_mem>>) src(%arg21 : memref<1600xf32, #tpu.memory_space<vmem>>) dst(%dma_wait3A_389 : memref<100096xf32, #tpu.memory_space<vmem_shared>>)
        } else {
        }
        %add3A_360 = arith.constant 2 : i32
        %add3A_361 = arith.addi %add3A_348, %add3A_360 : i32
        %lt3A_362 = arith.cmpi slt, %add3A_361, %select_n3A : i32
        %convert_element_type3A_363 = arith.extui %lt3A_362 : i1 to i32
        %cond3A_364 = arith.constant 0 : i32
        %cond3A_365 = arith.cmpi ne, %convert_element_type3A_363, %cond3A_364 : i32
        scf.if %cond3A_365 {
          %add3A_387 = arith.constant 2 : i32
          %add3A_388 = arith.addi %add3A_348, %add3A_387 : i32
          %mul3A_389 = arith.constant 16 : i32
          %mul3A_390 = arith.muli %add3A_388, %mul3A_389 : i32
          %add3A_391 = arith.addi %arg1, %mul3A_390 : i32
          %mul3A_392 = arith.constant 1600 : i32
          %mul3A_393 = arith.muli %add3A_391, %mul3A_392 : i32
          %dma_start3A = tpu.memref_slice %arg4[%mul3A_393] : memref<6400000xi32, #tpu.memory_space<hbm>> -> memref<1600xi32, #tpu.memory_space<hbm>>
          %dma_start3A_394 = tpu.memref_slice %arg4[%mul3A_393] : memref<6400000xi32, #tpu.memory_space<hbm>> -> memref<1600xi32, #tpu.memory_space<hbm>>
          tpu.enqueue_dma source(%dma_start3A_394 : memref<1600xi32, #tpu.memory_space<hbm>>) target(%arg11 : memref<1600xi32, #tpu.memory_space<vmem>>) target_semaphore(%arg24 : memref<!tpu.dma_semaphore, #tpu.memory_space<semaphore_mem>>)
          %add3A_395 = arith.constant 2 : i32
          %add3A_396 = arith.addi %add3A_348, %add3A_395 : i32
          %mul3A_397 = arith.constant 16 : i32
          %mul3A_398 = arith.muli %add3A_396, %mul3A_397 : i32
          %add3A_399 = arith.addi %arg1, %mul3A_398 : i32
          %mul3A_400 = arith.constant 1600 : i32
          %mul3A_401 = arith.muli %add3A_399, %mul3A_400 : i32
          %add3A_402 = arith.constant 3200000 : i32
          %add3A_403 = arith.addi %add3A_402, %mul3A_401 : i32
          %dma_start3A_404 = tpu.memref_slice %arg4[%add3A_403] : memref<6400000xi32, #tpu.memory_space<hbm>> -> memref<1600xi32, #tpu.memory_space<hbm>>
          %dma_start3A_405 = tpu.memref_slice %arg4[%add3A_403] : memref<6400000xi32, #tpu.memory_space<hbm>> -> memref<1600xi32, #tpu.memory_space<hbm>>
          tpu.enqueue_dma source(%dma_start3A_405 : memref<1600xi32, #tpu.memory_space<hbm>>) target(%arg13 : memref<1600xi32, #tpu.memory_space<vmem>>) target_semaphore(%arg26 : memref<!tpu.dma_semaphore, #tpu.memory_space<semaphore_mem>>)
        } else {
        }
        %mul3A_366 = arith.constant 4 : i32
        %mul3A_367 = arith.muli %scan3A_302, %mul3A_366 : i32
        %add3A_368 = arith.constant 3 : i32
        %add3A_369 = arith.addi %mul3A_367, %add3A_368 : i32
        %lt3A_370 = arith.cmpi slt, %add3A_369, %select_n3A : i32
        %convert_element_type3A_371 = arith.extui %lt3A_370 : i1 to i32
        %cond3A_372 = arith.constant 0 : i32
        %cond3A_373 = arith.cmpi ne, %convert_element_type3A_371, %cond3A_372 : i32
        scf.if %cond3A_373 {
          %mul3A_387 = arith.constant 16 : i32
          %mul3A_388 = arith.muli %add3A_369, %mul3A_387 : i32
          %add3A_389 = arith.addi %arg1, %mul3A_388 : i32
          %mul3A_390 = arith.constant 1600 : i32
          %mul3A_391 = arith.muli %add3A_389, %mul3A_390 : i32
          %dma_wait3A = tpu.memref_slice %arg4[%mul3A_391] : memref<6400000xi32, #tpu.memory_space<hbm>> -> memref<1600xi32, #tpu.memory_space<hbm>>
          %dma_wait3A_392 = tpu.memref_slice %arg4[%mul3A_391] : memref<6400000xi32, #tpu.memory_space<hbm>> -> memref<1600xi32, #tpu.memory_space<hbm>>
          tpu.wait_dma2 semaphore(%arg25 : memref<!tpu.dma_semaphore, #tpu.memory_space<semaphore_mem>>) src(%dma_wait3A_392 : memref<1600xi32, #tpu.memory_space<hbm>>) dst(%arg12 : memref<1600xi32, #tpu.memory_space<vmem>>)
          %mul3A_393 = arith.constant 16 : i32
          %mul3A_394 = arith.muli %add3A_369, %mul3A_393 : i32
          %add3A_395 = arith.addi %arg1, %mul3A_394 : i32
          %mul3A_396 = arith.constant 1600 : i32
          %mul3A_397 = arith.muli %add3A_395, %mul3A_396 : i32
          %add3A_398 = arith.constant 3200000 : i32
          %add3A_399 = arith.addi %add3A_398, %mul3A_397 : i32
          %dma_wait3A_400 = tpu.memref_slice %arg4[%add3A_399] : memref<6400000xi32, #tpu.memory_space<hbm>> -> memref<1600xi32, #tpu.memory_space<hbm>>
          %dma_wait3A_401 = tpu.memref_slice %arg4[%add3A_399] : memref<6400000xi32, #tpu.memory_space<hbm>> -> memref<1600xi32, #tpu.memory_space<hbm>>
          tpu.wait_dma2 semaphore(%arg29 : memref<!tpu.dma_semaphore, #tpu.memory_space<semaphore_mem>>) src(%dma_wait3A_401 : memref<1600xi32, #tpu.memory_space<hbm>>) dst(%arg16 : memref<1600xi32, #tpu.memory_space<vmem>>)
          %dma_start3A = arith.constant 0 : i32
          %dma_start3A_402 = tpu.memref_slice %arg23[%dma_start3A] : memref<100096xf32, #tpu.memory_space<vmem_shared>> -> memref<100096xf32, #tpu.memory_space<vmem_shared>>
          tpu.enqueue_indirect_dma source(%arg21 : memref<1600xf32, #tpu.memory_space<vmem>>) target(%dma_start3A_402 : memref<100096xf32, #tpu.memory_space<vmem_shared>>) offsets(%arg16 : memref<1600xi32, #tpu.memory_space<vmem>>) semaphore(%arg37 : memref<!tpu.dma_semaphore, #tpu.memory_space<semaphore_mem>>) {add = true}
          %scan3A_403 = arith.constant 0 : i32
          %scan3A_404 = arith.constant 25 : i32
          %scan3A_405 = arith.addi %scan3A_403, %scan3A_404 : i32
          %scan3A_406 = arith.constant 1 : i32
          scf.for %scan3A_410 = %scan3A_403 to %scan3A_405 step %scan3A_406  : i32 {
            %mul3A_411 = arith.constant 64 : i32
            %mul3A_412 = arith.muli %scan3A_410, %mul3A_411 : i32
            %add3A_413 = arith.constant 0 : i32
            %add3A_414 = arith.addi %mul3A_412, %add3A_413 : i32
            %get3A = arith.index_cast %add3A_414 : i32 to index
            %get3A_415 = tpu.vector_load %arg12[%get3A] {strides = array<i32>} : memref<1600xi32, #tpu.memory_space<vmem>>, vector<16xi32>,
            %gather3A = tpu.vector_load_idx %arg10[%get3A_415] : memref<100000xf32, #tpu.memory_space<vmem>>[vector<16xi32>], vector<16xf32>,
            %swap3A = arith.index_cast %add3A_414 : i32 to index
            %swap3A_416 = tpu.vector_load %arg20[%swap3A] {strides = array<i32>} : memref<1600xf32, #tpu.memory_space<vmem>>, vector<16xf32>,
            tpu.vector_store %arg20[%swap3A], %gather3A {strides = array<i32>} : memref<1600xf32, #tpu.memory_space<vmem>>, vector<16xf32>,
            %add3A_417 = arith.constant 16 : i32
            %add3A_418 = arith.addi %mul3A_412, %add3A_417 : i32
            %get3A_419 = arith.index_cast %add3A_418 : i32 to index
            %get3A_420 = tpu.vector_load %arg12[%get3A_419] {strides = array<i32>} : memref<1600xi32, #tpu.memory_space<vmem>>, vector<16xi32>,
            %gather3A_421 = tpu.vector_load_idx %arg10[%get3A_420] : memref<100000xf32, #tpu.memory_space<vmem>>[vector<16xi32>], vector<16xf32>,
            %swap3A_422 = arith.index_cast %add3A_418 : i32 to index
            %swap3A_423 = tpu.vector_load %arg20[%swap3A_422] {strides = array<i32>} : memref<1600xf32, #tpu.memory_space<vmem>>, vector<16xf32>,
            tpu.vector_store %arg20[%swap3A_422], %gather3A_421 {strides = array<i32>} : memref<1600xf32, #tpu.memory_space<vmem>>, vector<16xf32>,
            %add3A_424 = arith.constant 32 : i32
            %add3A_425 = arith.addi %mul3A_412, %add3A_424 : i32
            %get3A_426 = arith.index_cast %add3A_425 : i32 to index
            %get3A_427 = tpu.vector_load %arg12[%get3A_426] {strides = array<i32>} : memref<1600xi32, #tpu.memory_space<vmem>>, vector<16xi32>,
            %gather3A_428 = tpu.vector_load_idx %arg10[%get3A_427] : memref<100000xf32, #tpu.memory_space<vmem>>[vector<16xi32>], vector<16xf32>,
            %swap3A_429 = arith.index_cast %add3A_425 : i32 to index
            %swap3A_430 = tpu.vector_load %arg20[%swap3A_429] {strides = array<i32>} : memref<1600xf32, #tpu.memory_space<vmem>>, vector<16xf32>,
            tpu.vector_store %arg20[%swap3A_429], %gather3A_428 {strides = array<i32>} : memref<1600xf32, #tpu.memory_space<vmem>>, vector<16xf32>,
            %add3A_431 = arith.constant 48 : i32
            %add3A_432 = arith.addi %mul3A_412, %add3A_431 : i32
            %get3A_433 = arith.index_cast %add3A_432 : i32 to index
            %get3A_434 = tpu.vector_load %arg12[%get3A_433] {strides = array<i32>} : memref<1600xi32, #tpu.memory_space<vmem>>, vector<16xi32>,
            %gather3A_435 = tpu.vector_load_idx %arg10[%get3A_434] : memref<100000xf32, #tpu.memory_space<vmem>>[vector<16xi32>], vector<16xf32>,
            %swap3A_436 = arith.index_cast %add3A_432 : i32 to index
            %swap3A_437 = tpu.vector_load %arg20[%swap3A_436] {strides = array<i32>} : memref<1600xf32, #tpu.memory_space<vmem>>, vector<16xf32>,
            tpu.vector_store %arg20[%swap3A_436], %gather3A_435 {strides = array<i32>} : memref<1600xf32, #tpu.memory_space<vmem>>, vector<16xf32>,
          }
          %scan3A_407 = arith.constant 25 : i32
          %dma_start3A_408 = arith.constant 0 : i32
          %dma_start3A_409 = tpu.memref_slice %arg22[%dma_start3A_408] : memref<100096xf32, #tpu.memory_space<vmem_shared>> -> memref<100096xf32, #tpu.memory_space<vmem_shared>>
          tpu.enqueue_indirect_dma source(%arg20 : memref<1600xf32, #tpu.memory_space<vmem>>) target(%dma_start3A_409 : memref<100096xf32, #tpu.memory_space<vmem_shared>>) offsets(%arg16 : memref<1600xi32, #tpu.memory_space<vmem>>) semaphore(%arg33 : memref<!tpu.dma_semaphore, #tpu.memory_space<semaphore_mem>>) {add = true}
        } else {
        }
        %ge3A_374 = arith.constant 2 : i32
        %ge3A_375 = arith.cmpi sge, %add3A_369, %ge3A_374 : i32
        %lt3A_376 = arith.cmpi slt, %add3A_369, %select_n3A : i32
        %and3A_377 = arith.andi %ge3A_375, %lt3A_376 : i1
        %convert_element_type3A_378 = arith.extui %and3A_377 : i1 to i32
        %cond3A_379 = arith.constant 0 : i32
        %cond3A_380 = arith.cmpi ne, %convert_element_type3A_378, %cond3A_379 : i32
        scf.if %cond3A_380 {
          %dma_wait3A = arith.constant 0 : i32
          %dma_wait3A_387 = tpu.memref_slice %arg22[%dma_wait3A] : memref<100096xf32, #tpu.memory_space<vmem_shared>> -> memref<100096xf32, #tpu.memory_space<vmem_shared>>
          tpu.wait_indirect_dma semaphore(%arg31 : memref<!tpu.dma_semaphore, #tpu.memory_space<semaphore_mem>>) src(%arg18 : memref<1600xf32, #tpu.memory_space<vmem>>) dst(%dma_wait3A_387 : memref<100096xf32, #tpu.memory_space<vmem_shared>>)
          %dma_wait3A_388 = arith.constant 0 : i32
          %dma_wait3A_389 = tpu.memref_slice %arg23[%dma_wait3A_388] : memref<100096xf32, #tpu.memory_space<vmem_shared>> -> memref<100096xf32, #tpu.memory_space<vmem_shared>>
          tpu.wait_indirect_dma semaphore(%arg35 : memref<!tpu.dma_semaphore, #tpu.memory_space<semaphore_mem>>) src(%arg21 : memref<1600xf32, #tpu.memory_space<vmem>>) dst(%dma_wait3A_389 : memref<100096xf32, #tpu.memory_space<vmem_shared>>)
        } else {
        }
        %add3A_381 = arith.constant 2 : i32
        %add3A_382 = arith.addi %add3A_369, %add3A_381 : i32
        %lt3A_383 = arith.cmpi slt, %add3A_382, %select_n3A : i32
        %convert_element_type3A_384 = arith.extui %lt3A_383 : i1 to i32
        %cond3A_385 = arith.constant 0 : i32
        %cond3A_386 = arith.cmpi ne, %convert_element_type3A_384, %cond3A_385 : i32
        scf.if %cond3A_386 {
          %add3A_387 = arith.constant 2 : i32
          %add3A_388 = arith.addi %add3A_369, %add3A_387 : i32
          %mul3A_389 = arith.constant 16 : i32
          %mul3A_390 = arith.muli %add3A_388, %mul3A_389 : i32
          %add3A_391 = arith.addi %arg1, %mul3A_390 : i32
          %mul3A_392 = arith.constant 1600 : i32
          %mul3A_393 = arith.muli %add3A_391, %mul3A_392 : i32
          %dma_start3A = tpu.memref_slice %arg4[%mul3A_393] : memref<6400000xi32, #tpu.memory_space<hbm>> -> memref<1600xi32, #tpu.memory_space<hbm>>
          %dma_start3A_394 = tpu.memref_slice %arg4[%mul3A_393] : memref<6400000xi32, #tpu.memory_space<hbm>> -> memref<1600xi32, #tpu.memory_space<hbm>>
          tpu.enqueue_dma source(%dma_start3A_394 : memref<1600xi32, #tpu.memory_space<hbm>>) target(%arg12 : memref<1600xi32, #tpu.memory_space<vmem>>) target_semaphore(%arg25 : memref<!tpu.dma_semaphore, #tpu.memory_space<semaphore_mem>>)
          %add3A_395 = arith.constant 2 : i32
          %add3A_396 = arith.addi %add3A_369, %add3A_395 : i32
          %mul3A_397 = arith.constant 16 : i32
          %mul3A_398 = arith.muli %add3A_396, %mul3A_397 : i32
          %add3A_399 = arith.addi %arg1, %mul3A_398 : i32
          %mul3A_400 = arith.constant 1600 : i32
          %mul3A_401 = arith.muli %add3A_399, %mul3A_400 : i32
          %add3A_402 = arith.constant 3200000 : i32
          %add3A_403 = arith.addi %add3A_402, %mul3A_401 : i32
          %dma_start3A_404 = tpu.memref_slice %arg4[%add3A_403] : memref<6400000xi32, #tpu.memory_space<hbm>> -> memref<1600xi32, #tpu.memory_space<hbm>>
          %dma_start3A_405 = tpu.memref_slice %arg4[%add3A_403] : memref<6400000xi32, #tpu.memory_space<hbm>> -> memref<1600xi32, #tpu.memory_space<hbm>>
          tpu.enqueue_dma source(%dma_start3A_405 : memref<1600xi32, #tpu.memory_space<hbm>>) target(%arg14 : memref<1600xi32, #tpu.memory_space<vmem>>) target_semaphore(%arg27 : memref<!tpu.dma_semaphore, #tpu.memory_space<semaphore_mem>>)
        } else {
        }
      }
      %scan3A_62 = arith.constant 32 : i32
      %ge3A = arith.constant 1 : i32
      %ge3A_63 = arith.cmpi sge, %select_n3A, %ge3A : i32
      %sub3A_64 = arith.constant 1 : i32
      %sub3A_65 = arith.subi %select_n3A, %sub3A_64 : i32
      %jit3A_66 = arith.constant 4 : i32
      %eq3A_67 = arith.constant 0 : i32
      %eq3A_68 = arith.cmpi eq, %jit3A_66, %eq3A_67 : i32
      %jit3A_69 = arith.constant 1 : i32
      %select_n3A_70 = arith.select %eq3A_68, %jit3A_69, %jit3A_66 : i32
      %rem3A_71 = arith.remsi %sub3A_65, %select_n3A_70 : i32
      %ne3A_72 = arith.constant 0 : i32
      %ne3A_73 = arith.cmpi ne, %rem3A_71, %ne3A_72 : i32
      %lt3A = arith.constant 0 : i32
      %lt3A_74 = arith.cmpi slt, %rem3A_71, %lt3A : i32
      %lt3A_75 = arith.constant 0 : i32
      %lt3A_76 = arith.cmpi slt, %select_n3A_70, %lt3A_75 : i32
      %ne3A_77 = arith.xori %lt3A_74, %lt3A_76 : i1
      %and3A_78 = arith.andi %ne3A_77, %ne3A_73 : i1
      %add3A_79 = arith.addi %rem3A_71, %select_n3A_70 : i32
      %select_n3A_80 = arith.select %and3A_78, %add3A_79, %rem3A_71 : i32
      %eq3A_81 = arith.constant 0 : i32
      %eq3A_82 = arith.cmpi eq, %select_n3A_80, %eq3A_81 : i32
      %and3A_83 = arith.andi %ge3A_63, %eq3A_82 : i1
      %convert_element_type3A_84 = arith.extui %and3A_83 : i1 to i32
      %cond3A_85 = arith.constant 0 : i32
      %cond3A_86 = arith.cmpi ne, %convert_element_type3A_84, %cond3A_85 : i32
      scf.if %cond3A_86 {
        %dma_wait3A = arith.constant 0 : i32
        %dma_wait3A_302 = tpu.memref_slice %arg22[%dma_wait3A] : memref<100096xf32, #tpu.memory_space<vmem_shared>> -> memref<100096xf32, #tpu.memory_space<vmem_shared>>
        tpu.wait_indirect_dma semaphore(%arg30 : memref<!tpu.dma_semaphore, #tpu.memory_space<semaphore_mem>>) src(%arg17 : memref<1600xf32, #tpu.memory_space<vmem>>) dst(%dma_wait3A_302 : memref<100096xf32, #tpu.memory_space<vmem_shared>>)
        %dma_wait3A_303 = arith.constant 0 : i32
        %dma_wait3A_304 = tpu.memref_slice %arg23[%dma_wait3A_303] : memref<100096xf32, #tpu.memory_space<vmem_shared>> -> memref<100096xf32, #tpu.memory_space<vmem_shared>>
        tpu.wait_indirect_dma semaphore(%arg34 : memref<!tpu.dma_semaphore, #tpu.memory_space<semaphore_mem>>) src(%arg21 : memref<1600xf32, #tpu.memory_space<vmem>>) dst(%dma_wait3A_304 : memref<100096xf32, #tpu.memory_space<vmem_shared>>)
      } else {
      }
      %ge3A_87 = arith.constant 2 : i32
      %ge3A_88 = arith.cmpi sge, %select_n3A, %ge3A_87 : i32
      %sub3A_89 = arith.constant 2 : i32
      %sub3A_90 = arith.subi %select_n3A, %sub3A_89 : i32
      %jit3A_91 = arith.constant 4 : i32
      %eq3A_92 = arith.constant 0 : i32
      %eq3A_93 = arith.cmpi eq, %jit3A_91, %eq3A_92 : i32
      %jit3A_94 = arith.constant 1 : i32
      %select_n3A_95 = arith.select %eq3A_93, %jit3A_94, %jit3A_91 : i32
      %rem3A_96 = arith.remsi %sub3A_90, %select_n3A_95 : i32
      %ne3A_97 = arith.constant 0 : i32
      %ne3A_98 = arith.cmpi ne, %rem3A_96, %ne3A_97 : i32
      %lt3A_99 = arith.constant 0 : i32
      %lt3A_100 = arith.cmpi slt, %rem3A_96, %lt3A_99 : i32
      %lt3A_101 = arith.constant 0 : i32
      %lt3A_102 = arith.cmpi slt, %select_n3A_95, %lt3A_101 : i32
      %ne3A_103 = arith.xori %lt3A_100, %lt3A_102 : i1
      %and3A_104 = arith.andi %ne3A_103, %ne3A_98 : i1
      %add3A_105 = arith.addi %rem3A_96, %select_n3A_95 : i32
      %select_n3A_106 = arith.select %and3A_104, %add3A_105, %rem3A_96 : i32
      %eq3A_107 = arith.constant 0 : i32
      %eq3A_108 = arith.cmpi eq, %select_n3A_106, %eq3A_107 : i32
      %and3A_109 = arith.andi %ge3A_88, %eq3A_108 : i1
      %convert_element_type3A_110 = arith.extui %and3A_109 : i1 to i32
      %cond3A_111 = arith.constant 0 : i32
      %cond3A_112 = arith.cmpi ne, %convert_element_type3A_110, %cond3A_111 : i32
      scf.if %cond3A_112 {
        %dma_wait3A = arith.constant 0 : i32
        %dma_wait3A_302 = tpu.memref_slice %arg22[%dma_wait3A] : memref<100096xf32, #tpu.memory_space<vmem_shared>> -> memref<100096xf32, #tpu.memory_space<vmem_shared>>
        tpu.wait_indirect_dma semaphore(%arg30 : memref<!tpu.dma_semaphore, #tpu.memory_space<semaphore_mem>>) src(%arg17 : memref<1600xf32, #tpu.memory_space<vmem>>) dst(%dma_wait3A_302 : memref<100096xf32, #tpu.memory_space<vmem_shared>>)
        %dma_wait3A_303 = arith.constant 0 : i32
        %dma_wait3A_304 = tpu.memref_slice %arg23[%dma_wait3A_303] : memref<100096xf32, #tpu.memory_space<vmem_shared>> -> memref<100096xf32, #tpu.memory_space<vmem_shared>>
        tpu.wait_indirect_dma semaphore(%arg34 : memref<!tpu.dma_semaphore, #tpu.memory_space<semaphore_mem>>) src(%arg21 : memref<1600xf32, #tpu.memory_space<vmem>>) dst(%dma_wait3A_304 : memref<100096xf32, #tpu.memory_space<vmem_shared>>)
      } else {
      }
      %ge3A_113 = arith.constant 1 : i32
      %ge3A_114 = arith.cmpi sge, %select_n3A, %ge3A_113 : i32
      %sub3A_115 = arith.constant 1 : i32
      %sub3A_116 = arith.subi %select_n3A, %sub3A_115 : i32
      %jit3A_117 = arith.constant 4 : i32
      %eq3A_118 = arith.constant 0 : i32
      %eq3A_119 = arith.cmpi eq, %jit3A_117, %eq3A_118 : i32
      %jit3A_120 = arith.constant 1 : i32
      %select_n3A_121 = arith.select %eq3A_119, %jit3A_120, %jit3A_117 : i32
      %rem3A_122 = arith.remsi %sub3A_116, %select_n3A_121 : i32
      %ne3A_123 = arith.constant 0 : i32
      %ne3A_124 = arith.cmpi ne, %rem3A_122, %ne3A_123 : i32
      %lt3A_125 = arith.constant 0 : i32
      %lt3A_126 = arith.cmpi slt, %rem3A_122, %lt3A_125 : i32
      %lt3A_127 = arith.constant 0 : i32
      %lt3A_128 = arith.cmpi slt, %select_n3A_121, %lt3A_127 : i32
      %ne3A_129 = arith.xori %lt3A_126, %lt3A_128 : i1
      %and3A_130 = arith.andi %ne3A_129, %ne3A_124 : i1
      %add3A_131 = arith.addi %rem3A_122, %select_n3A_121 : i32
      %select_n3A_132 = arith.select %and3A_130, %add3A_131, %rem3A_122 : i32
      %eq3A_133 = arith.constant 1 : i32
      %eq3A_134 = arith.cmpi eq, %select_n3A_132, %eq3A_133 : i32
      %and3A_135 = arith.andi %ge3A_114, %eq3A_134 : i1
      %convert_element_type3A_136 = arith.extui %and3A_135 : i1 to i32
      %cond3A_137 = arith.constant 0 : i32
      %cond3A_138 = arith.cmpi ne, %convert_element_type3A_136, %cond3A_137 : i32
      scf.if %cond3A_138 {
        %dma_wait3A = arith.constant 0 : i32
        %dma_wait3A_302 = tpu.memref_slice %arg22[%dma_wait3A] : memref<100096xf32, #tpu.memory_space<vmem_shared>> -> memref<100096xf32, #tpu.memory_space<vmem_shared>>
        tpu.wait_indirect_dma semaphore(%arg31 : memref<!tpu.dma_semaphore, #tpu.memory_space<semaphore_mem>>) src(%arg18 : memref<1600xf32, #tpu.memory_space<vmem>>) dst(%dma_wait3A_302 : memref<100096xf32, #tpu.memory_space<vmem_shared>>)
        %dma_wait3A_303 = arith.constant 0 : i32
        %dma_wait3A_304 = tpu.memref_slice %arg23[%dma_wait3A_303] : memref<100096xf32, #tpu.memory_space<vmem_shared>> -> memref<100096xf32, #tpu.memory_space<vmem_shared>>
        tpu.wait_indirect_dma semaphore(%arg35 : memref<!tpu.dma_semaphore, #tpu.memory_space<semaphore_mem>>) src(%arg21 : memref<1600xf32, #tpu.memory_space<vmem>>) dst(%dma_wait3A_304 : memref<100096xf32, #tpu.memory_space<vmem_shared>>)
      } else {
      }
      %ge3A_139 = arith.constant 2 : i32
      %ge3A_140 = arith.cmpi sge, %select_n3A, %ge3A_139 : i32
      %sub3A_141 = arith.constant 2 : i32
      %sub3A_142 = arith.subi %select_n3A, %sub3A_141 : i32
      %jit3A_143 = arith.constant 4 : i32
      %eq3A_144 = arith.constant 0 : i32
      %eq3A_145 = arith.cmpi eq, %jit3A_143, %eq3A_144 : i32
      %jit3A_146 = arith.constant 1 : i32
      %select_n3A_147 = arith.select %eq3A_145, %jit3A_146, %jit3A_143 : i32
      %rem3A_148 = arith.remsi %sub3A_142, %select_n3A_147 : i32
      %ne3A_149 = arith.constant 0 : i32
      %ne3A_150 = arith.cmpi ne, %rem3A_148, %ne3A_149 : i32
      %lt3A_151 = arith.constant 0 : i32
      %lt3A_152 = arith.cmpi slt, %rem3A_148, %lt3A_151 : i32
      %lt3A_153 = arith.constant 0 : i32
      %lt3A_154 = arith.cmpi slt, %select_n3A_147, %lt3A_153 : i32
      %ne3A_155 = arith.xori %lt3A_152, %lt3A_154 : i1
      %and3A_156 = arith.andi %ne3A_155, %ne3A_150 : i1
      %add3A_157 = arith.addi %rem3A_148, %select_n3A_147 : i32
      %select_n3A_158 = arith.select %and3A_156, %add3A_157, %rem3A_148 : i32
      %eq3A_159 = arith.constant 1 : i32
      %eq3A_160 = arith.cmpi eq, %select_n3A_158, %eq3A_159 : i32
      %and3A_161 = arith.andi %ge3A_140, %eq3A_160 : i1
      %convert_element_type3A_162 = arith.extui %and3A_161 : i1 to i32
      %cond3A_163 = arith.constant 0 : i32
      %cond3A_164 = arith.cmpi ne, %convert_element_type3A_162, %cond3A_163 : i32
      scf.if %cond3A_164 {
        %dma_wait3A = arith.constant 0 : i32
        %dma_wait3A_302 = tpu.memref_slice %arg22[%dma_wait3A] : memref<100096xf32, #tpu.memory_space<vmem_shared>> -> memref<100096xf32, #tpu.memory_space<vmem_shared>>
        tpu.wait_indirect_dma semaphore(%arg31 : memref<!tpu.dma_semaphore, #tpu.memory_space<semaphore_mem>>) src(%arg18 : memref<1600xf32, #tpu.memory_space<vmem>>) dst(%dma_wait3A_302 : memref<100096xf32, #tpu.memory_space<vmem_shared>>)
        %dma_wait3A_303 = arith.constant 0 : i32
        %dma_wait3A_304 = tpu.memref_slice %arg23[%dma_wait3A_303] : memref<100096xf32, #tpu.memory_space<vmem_shared>> -> memref<100096xf32, #tpu.memory_space<vmem_shared>>
        tpu.wait_indirect_dma semaphore(%arg35 : memref<!tpu.dma_semaphore, #tpu.memory_space<semaphore_mem>>) src(%arg21 : memref<1600xf32, #tpu.memory_space<vmem>>) dst(%dma_wait3A_304 : memref<100096xf32, #tpu.memory_space<vmem_shared>>)
      } else {
      }
      %ge3A_165 = arith.constant 1 : i32
      %ge3A_166 = arith.cmpi sge, %select_n3A, %ge3A_165 : i32
      %sub3A_167 = arith.constant 1 : i32
      %sub3A_168 = arith.subi %select_n3A, %sub3A_167 : i32
      %jit3A_169 = arith.constant 4 : i32
      %eq3A_170 = arith.constant 0 : i32
      %eq3A_171 = arith.cmpi eq, %jit3A_169, %eq3A_170 : i32
      %jit3A_172 = arith.constant 1 : i32
      %select_n3A_173 = arith.select %eq3A_171, %jit3A_172, %jit3A_169 : i32
      %rem3A_174 = arith.remsi %sub3A_168, %select_n3A_173 : i32
      %ne3A_175 = arith.constant 0 : i32
      %ne3A_176 = arith.cmpi ne, %rem3A_174, %ne3A_175 : i32
      %lt3A_177 = arith.constant 0 : i32
      %lt3A_178 = arith.cmpi slt, %rem3A_174, %lt3A_177 : i32
      %lt3A_179 = arith.constant 0 : i32
      %lt3A_180 = arith.cmpi slt, %select_n3A_173, %lt3A_179 : i32
      %ne3A_181 = arith.xori %lt3A_178, %lt3A_180 : i1
      %and3A_182 = arith.andi %ne3A_181, %ne3A_176 : i1
      %add3A_183 = arith.addi %rem3A_174, %select_n3A_173 : i32
      %select_n3A_184 = arith.select %and3A_182, %add3A_183, %rem3A_174 : i32
      %eq3A_185 = arith.constant 2 : i32
      %eq3A_186 = arith.cmpi eq, %select_n3A_184, %eq3A_185 : i32
      %and3A_187 = arith.andi %ge3A_166, %eq3A_186 : i1
      %convert_element_type3A_188 = arith.extui %and3A_187 : i1 to i32
      %cond3A_189 = arith.constant 0 : i32
      %cond3A_190 = arith.cmpi ne, %convert_element_type3A_188, %cond3A_189 : i32
      scf.if %cond3A_190 {
        %dma_wait3A = arith.constant 0 : i32
        %dma_wait3A_302 = tpu.memref_slice %arg22[%dma_wait3A] : memref<100096xf32, #tpu.memory_space<vmem_shared>> -> memref<100096xf32, #tpu.memory_space<vmem_shared>>
        tpu.wait_indirect_dma semaphore(%arg32 : memref<!tpu.dma_semaphore, #tpu.memory_space<semaphore_mem>>) src(%arg19 : memref<1600xf32, #tpu.memory_space<vmem>>) dst(%dma_wait3A_302 : memref<100096xf32, #tpu.memory_space<vmem_shared>>)
        %dma_wait3A_303 = arith.constant 0 : i32
        %dma_wait3A_304 = tpu.memref_slice %arg23[%dma_wait3A_303] : memref<100096xf32, #tpu.memory_space<vmem_shared>> -> memref<100096xf32, #tpu.memory_space<vmem_shared>>
        tpu.wait_indirect_dma semaphore(%arg36 : memref<!tpu.dma_semaphore, #tpu.memory_space<semaphore_mem>>) src(%arg21 : memref<1600xf32, #tpu.memory_space<vmem>>) dst(%dma_wait3A_304 : memref<100096xf32, #tpu.memory_space<vmem_shared>>)
      } else {
      }
      %ge3A_191 = arith.constant 2 : i32
      %ge3A_192 = arith.cmpi sge, %select_n3A, %ge3A_191 : i32
      %sub3A_193 = arith.constant 2 : i32
      %sub3A_194 = arith.subi %select_n3A, %sub3A_193 : i32
      %jit3A_195 = arith.constant 4 : i32
      %eq3A_196 = arith.constant 0 : i32
      %eq3A_197 = arith.cmpi eq, %jit3A_195, %eq3A_196 : i32
      %jit3A_198 = arith.constant 1 : i32
      %select_n3A_199 = arith.select %eq3A_197, %jit3A_198, %jit3A_195 : i32
      %rem3A_200 = arith.remsi %sub3A_194, %select_n3A_199 : i32
      %ne3A_201 = arith.constant 0 : i32
      %ne3A_202 = arith.cmpi ne, %rem3A_200, %ne3A_201 : i32
      %lt3A_203 = arith.constant 0 : i32
      %lt3A_204 = arith.cmpi slt, %rem3A_200, %lt3A_203 : i32
      %lt3A_205 = arith.constant 0 : i32
      %lt3A_206 = arith.cmpi slt, %select_n3A_199, %lt3A_205 : i32
      %ne3A_207 = arith.xori %lt3A_204, %lt3A_206 : i1
      %and3A_208 = arith.andi %ne3A_207, %ne3A_202 : i1
      %add3A_209 = arith.addi %rem3A_200, %select_n3A_199 : i32
      %select_n3A_210 = arith.select %and3A_208, %add3A_209, %rem3A_200 : i32
      %eq3A_211 = arith.constant 2 : i32
      %eq3A_212 = arith.cmpi eq, %select_n3A_210, %eq3A_211 : i32
      %and3A_213 = arith.andi %ge3A_192, %eq3A_212 : i1
      %convert_element_type3A_214 = arith.extui %and3A_213 : i1 to i32
      %cond3A_215 = arith.constant 0 : i32
      %cond3A_216 = arith.cmpi ne, %convert_element_type3A_214, %cond3A_215 : i32
      scf.if %cond3A_216 {
        %dma_wait3A = arith.constant 0 : i32
        %dma_wait3A_302 = tpu.memref_slice %arg22[%dma_wait3A] : memref<100096xf32, #tpu.memory_space<vmem_shared>> -> memref<100096xf32, #tpu.memory_space<vmem_shared>>
        tpu.wait_indirect_dma semaphore(%arg32 : memref<!tpu.dma_semaphore, #tpu.memory_space<semaphore_mem>>) src(%arg19 : memref<1600xf32, #tpu.memory_space<vmem>>) dst(%dma_wait3A_302 : memref<100096xf32, #tpu.memory_space<vmem_shared>>)
        %dma_wait3A_303 = arith.constant 0 : i32
        %dma_wait3A_304 = tpu.memref_slice %arg23[%dma_wait3A_303] : memref<100096xf32, #tpu.memory_space<vmem_shared>> -> memref<100096xf32, #tpu.memory_space<vmem_shared>>
        tpu.wait_indirect_dma semaphore(%arg36 : memref<!tpu.dma_semaphore, #tpu.memory_space<semaphore_mem>>) src(%arg21 : memref<1600xf32, #tpu.memory_space<vmem>>) dst(%dma_wait3A_304 : memref<100096xf32, #tpu.memory_space<vmem_shared>>)
      } else {
      }
      %ge3A_217 = arith.constant 1 : i32
      %ge3A_218 = arith.cmpi sge, %select_n3A, %ge3A_217 : i32
      %sub3A_219 = arith.constant 1 : i32
      %sub3A_220 = arith.subi %select_n3A, %sub3A_219 : i32
      %jit3A_221 = arith.constant 4 : i32
      %eq3A_222 = arith.constant 0 : i32
      %eq3A_223 = arith.cmpi eq, %jit3A_221, %eq3A_222 : i32
      %jit3A_224 = arith.constant 1 : i32
      %select_n3A_225 = arith.select %eq3A_223, %jit3A_224, %jit3A_221 : i32
      %rem3A_226 = arith.remsi %sub3A_220, %select_n3A_225 : i32
      %ne3A_227 = arith.constant 0 : i32
      %ne3A_228 = arith.cmpi ne, %rem3A_226, %ne3A_227 : i32
      %lt3A_229 = arith.constant 0 : i32
      %lt3A_230 = arith.cmpi slt, %rem3A_226, %lt3A_229 : i32
      %lt3A_231 = arith.constant 0 : i32
      %lt3A_232 = arith.cmpi slt, %select_n3A_225, %lt3A_231 : i32
      %ne3A_233 = arith.xori %lt3A_230, %lt3A_232 : i1
      %and3A_234 = arith.andi %ne3A_233, %ne3A_228 : i1
      %add3A_235 = arith.addi %rem3A_226, %select_n3A_225 : i32
      %select_n3A_236 = arith.select %and3A_234, %add3A_235, %rem3A_226 : i32
      %eq3A_237 = arith.constant 3 : i32
      %eq3A_238 = arith.cmpi eq, %select_n3A_236, %eq3A_237 : i32
      %and3A_239 = arith.andi %ge3A_218, %eq3A_238 : i1
      %convert_element_type3A_240 = arith.extui %and3A_239 : i1 to i32
      %cond3A_241 = arith.constant 0 : i32
      %cond3A_242 = arith.cmpi ne, %convert_element_type3A_240, %cond3A_241 : i32
      scf.if %cond3A_242 {
        %dma_wait3A = arith.constant 0 : i32
        %dma_wait3A_302 = tpu.memref_slice %arg22[%dma_wait3A] : memref<100096xf32, #tpu.memory_space<vmem_shared>> -> memref<100096xf32, #tpu.memory_space<vmem_shared>>
        tpu.wait_indirect_dma semaphore(%arg33 : memref<!tpu.dma_semaphore, #tpu.memory_space<semaphore_mem>>) src(%arg20 : memref<1600xf32, #tpu.memory_space<vmem>>) dst(%dma_wait3A_302 : memref<100096xf32, #tpu.memory_space<vmem_shared>>)
        %dma_wait3A_303 = arith.constant 0 : i32
        %dma_wait3A_304 = tpu.memref_slice %arg23[%dma_wait3A_303] : memref<100096xf32, #tpu.memory_space<vmem_shared>> -> memref<100096xf32, #tpu.memory_space<vmem_shared>>
        tpu.wait_indirect_dma semaphore(%arg37 : memref<!tpu.dma_semaphore, #tpu.memory_space<semaphore_mem>>) src(%arg21 : memref<1600xf32, #tpu.memory_space<vmem>>) dst(%dma_wait3A_304 : memref<100096xf32, #tpu.memory_space<vmem_shared>>)
      } else {
      }
      %ge3A_243 = arith.constant 2 : i32
      %ge3A_244 = arith.cmpi sge, %select_n3A, %ge3A_243 : i32
      %sub3A_245 = arith.constant 2 : i32
      %sub3A_246 = arith.subi %select_n3A, %sub3A_245 : i32
      %jit3A_247 = arith.constant 4 : i32
      %eq3A_248 = arith.constant 0 : i32
      %eq3A_249 = arith.cmpi eq, %jit3A_247, %eq3A_248 : i32
      %jit3A_250 = arith.constant 1 : i32
      %select_n3A_251 = arith.select %eq3A_249, %jit3A_250, %jit3A_247 : i32
      %rem3A_252 = arith.remsi %sub3A_246, %select_n3A_251 : i32
      %ne3A_253 = arith.constant 0 : i32
      %ne3A_254 = arith.cmpi ne, %rem3A_252, %ne3A_253 : i32
      %lt3A_255 = arith.constant 0 : i32
      %lt3A_256 = arith.cmpi slt, %rem3A_252, %lt3A_255 : i32
      %lt3A_257 = arith.constant 0 : i32
      %lt3A_258 = arith.cmpi slt, %select_n3A_251, %lt3A_257 : i32
      %ne3A_259 = arith.xori %lt3A_256, %lt3A_258 : i1
      %and3A_260 = arith.andi %ne3A_259, %ne3A_254 : i1
      %add3A_261 = arith.addi %rem3A_252, %select_n3A_251 : i32
      %select_n3A_262 = arith.select %and3A_260, %add3A_261, %rem3A_252 : i32
      %eq3A_263 = arith.constant 3 : i32
      %eq3A_264 = arith.cmpi eq, %select_n3A_262, %eq3A_263 : i32
      %and3A_265 = arith.andi %ge3A_244, %eq3A_264 : i1
      %convert_element_type3A_266 = arith.extui %and3A_265 : i1 to i32
      %cond3A_267 = arith.constant 0 : i32
      %cond3A_268 = arith.cmpi ne, %convert_element_type3A_266, %cond3A_267 : i32
      scf.if %cond3A_268 {
        %dma_wait3A = arith.constant 0 : i32
        %dma_wait3A_302 = tpu.memref_slice %arg22[%dma_wait3A] : memref<100096xf32, #tpu.memory_space<vmem_shared>> -> memref<100096xf32, #tpu.memory_space<vmem_shared>>
        tpu.wait_indirect_dma semaphore(%arg33 : memref<!tpu.dma_semaphore, #tpu.memory_space<semaphore_mem>>) src(%arg20 : memref<1600xf32, #tpu.memory_space<vmem>>) dst(%dma_wait3A_302 : memref<100096xf32, #tpu.memory_space<vmem_shared>>)
        %dma_wait3A_303 = arith.constant 0 : i32
        %dma_wait3A_304 = tpu.memref_slice %arg23[%dma_wait3A_303] : memref<100096xf32, #tpu.memory_space<vmem_shared>> -> memref<100096xf32, #tpu.memory_space<vmem_shared>>
        tpu.wait_indirect_dma semaphore(%arg37 : memref<!tpu.dma_semaphore, #tpu.memory_space<semaphore_mem>>) src(%arg21 : memref<1600xf32, #tpu.memory_space<vmem>>) dst(%dma_wait3A_304 : memref<100096xf32, #tpu.memory_space<vmem_shared>>)
      } else {
      }
      %barrier3A_269 = arith.constant 0 : index
      tpu.barrier barrier_id(%barrier3A_269)
      %add3A_270 = arith.constant 0 : i32
      %add3A_271 = arith.addi %mul3A_11, %add3A_270 : i32
      "tpu.region"() ({
        %run_scoped3A = tpu.sem_alloc : memref<!tpu.dma_semaphore, #tpu.memory_space<semaphore_mem>>
        %dma_start3A = arith.constant 0 : i32
        %dma_start3A_302 = tpu.memref_slice %arg17[%dma_start3A] : memref<1600xf32, #tpu.memory_space<vmem>> -> memref<1600xf32, #tpu.memory_space<vmem>>
        %dma_start3A_303 = tpu.memref_slice %arg22[%add3A_271] : memref<100096xf32, #tpu.memory_space<vmem_shared>> -> memref<1600xf32, #tpu.memory_space<vmem_shared>>
        %dma_start3A_304 = arith.constant 0 : i32
        %dma_start3A_305 = tpu.memref_slice %arg17[%dma_start3A_304] : memref<1600xf32, #tpu.memory_space<vmem>> -> memref<1600xf32, #tpu.memory_space<vmem>>
        %dma_start3A_306 = tpu.memref_slice %arg22[%add3A_271] : memref<100096xf32, #tpu.memory_space<vmem_shared>> -> memref<1600xf32, #tpu.memory_space<vmem_shared>>
        tpu.enqueue_dma source(%dma_start3A_306 : memref<1600xf32, #tpu.memory_space<vmem_shared>>) target(%dma_start3A_305 : memref<1600xf32, #tpu.memory_space<vmem>>) target_semaphore(%run_scoped3A : memref<!tpu.dma_semaphore, #tpu.memory_space<semaphore_mem>>)
        %dma_wait3A = arith.constant 0 : i32
        %dma_wait3A_307 = tpu.memref_slice %arg17[%dma_wait3A] : memref<1600xf32, #tpu.memory_space<vmem>> -> memref<1600xf32, #tpu.memory_space<vmem>>
        %dma_wait3A_308 = tpu.memref_slice %arg22[%add3A_271] : memref<100096xf32, #tpu.memory_space<vmem_shared>> -> memref<1600xf32, #tpu.memory_space<vmem_shared>>
        %dma_wait3A_309 = arith.constant 0 : i32
        %dma_wait3A_310 = tpu.memref_slice %arg17[%dma_wait3A_309] : memref<1600xf32, #tpu.memory_space<vmem>> -> memref<1600xf32, #tpu.memory_space<vmem>>
        %dma_wait3A_311 = tpu.memref_slice %arg22[%add3A_271] : memref<100096xf32, #tpu.memory_space<vmem_shared>> -> memref<1600xf32, #tpu.memory_space<vmem_shared>>
        tpu.wait_dma2 semaphore(%run_scoped3A : memref<!tpu.dma_semaphore, #tpu.memory_space<semaphore_mem>>) src(%dma_wait3A_311 : memref<1600xf32, #tpu.memory_space<vmem_shared>>) dst(%dma_wait3A_310 : memref<1600xf32, #tpu.memory_space<vmem>>)
        tpu.yield
      }) : () -> ()
      %add3A_272 = arith.constant 0 : i32
      %add3A_273 = arith.addi %mul3A_11, %add3A_272 : i32
      "tpu.region"() ({
        %run_scoped3A = tpu.sem_alloc : memref<!tpu.dma_semaphore, #tpu.memory_space<semaphore_mem>>
        %dma_start3A = arith.constant 0 : i32
        %dma_start3A_302 = tpu.memref_slice %arg17[%dma_start3A] : memref<1600xf32, #tpu.memory_space<vmem>> -> memref<1600xf32, #tpu.memory_space<vmem>>
        %dma_start3A_303 = tpu.memref_slice %arg6[%add3A_273] : memref<100096xf32, #tpu.memory_space<hbm>> -> memref<1600xf32, #tpu.memory_space<hbm>>
        %dma_start3A_304 = tpu.memref_slice %arg6[%add3A_273] : memref<100096xf32, #tpu.memory_space<hbm>> -> memref<1600xf32, #tpu.memory_space<hbm>>
        %dma_start3A_305 = arith.constant 0 : i32
        %dma_start3A_306 = tpu.memref_slice %arg17[%dma_start3A_305] : memref<1600xf32, #tpu.memory_space<vmem>> -> memref<1600xf32, #tpu.memory_space<vmem>>
        tpu.enqueue_dma source(%dma_start3A_306 : memref<1600xf32, #tpu.memory_space<vmem>>) target(%dma_start3A_304 : memref<1600xf32, #tpu.memory_space<hbm>>) target_semaphore(%run_scoped3A : memref<!tpu.dma_semaphore, #tpu.memory_space<semaphore_mem>>)
        %dma_wait3A = arith.constant 0 : i32
        %dma_wait3A_307 = tpu.memref_slice %arg17[%dma_wait3A] : memref<1600xf32, #tpu.memory_space<vmem>> -> memref<1600xf32, #tpu.memory_space<vmem>>
        %dma_wait3A_308 = tpu.memref_slice %arg6[%add3A_273] : memref<100096xf32, #tpu.memory_space<hbm>> -> memref<1600xf32, #tpu.memory_space<hbm>>
        %dma_wait3A_309 = tpu.memref_slice %arg6[%add3A_273] : memref<100096xf32, #tpu.memory_space<hbm>> -> memref<1600xf32, #tpu.memory_space<hbm>>
        %dma_wait3A_310 = arith.constant 0 : i32
        %dma_wait3A_311 = tpu.memref_slice %arg17[%dma_wait3A_310] : memref<1600xf32, #tpu.memory_space<vmem>> -> memref<1600xf32, #tpu.memory_space<vmem>>
        tpu.wait_dma2 semaphore(%run_scoped3A : memref<!tpu.dma_semaphore, #tpu.memory_space<semaphore_mem>>) src(%dma_wait3A_311 : memref<1600xf32, #tpu.memory_space<vmem>>) dst(%dma_wait3A_309 : memref<1600xf32, #tpu.memory_space<hbm>>)
        tpu.yield
      }) : () -> ()
      %add3A_274 = arith.constant 1600 : i32
      %add3A_275 = arith.addi %mul3A_11, %add3A_274 : i32
      "tpu.region"() ({
        %run_scoped3A = tpu.sem_alloc : memref<!tpu.dma_semaphore, #tpu.memory_space<semaphore_mem>>
        %dma_start3A = arith.constant 0 : i32
        %dma_start3A_302 = tpu.memref_slice %arg17[%dma_start3A] : memref<1600xf32, #tpu.memory_space<vmem>> -> memref<1600xf32, #tpu.memory_space<vmem>>
        %dma_start3A_303 = tpu.memref_slice %arg22[%add3A_275] : memref<100096xf32, #tpu.memory_space<vmem_shared>> -> memref<1600xf32, #tpu.memory_space<vmem_shared>>
        %dma_start3A_304 = arith.constant 0 : i32
        %dma_start3A_305 = tpu.memref_slice %arg17[%dma_start3A_304] : memref<1600xf32, #tpu.memory_space<vmem>> -> memref<1600xf32, #tpu.memory_space<vmem>>
        %dma_start3A_306 = tpu.memref_slice %arg22[%add3A_275] : memref<100096xf32, #tpu.memory_space<vmem_shared>> -> memref<1600xf32, #tpu.memory_space<vmem_shared>>
        tpu.enqueue_dma source(%dma_start3A_306 : memref<1600xf32, #tpu.memory_space<vmem_shared>>) target(%dma_start3A_305 : memref<1600xf32, #tpu.memory_space<vmem>>) target_semaphore(%run_scoped3A : memref<!tpu.dma_semaphore, #tpu.memory_space<semaphore_mem>>)
        %dma_wait3A = arith.constant 0 : i32
        %dma_wait3A_307 = tpu.memref_slice %arg17[%dma_wait3A] : memref<1600xf32, #tpu.memory_space<vmem>> -> memref<1600xf32, #tpu.memory_space<vmem>>
        %dma_wait3A_308 = tpu.memref_slice %arg22[%add3A_275] : memref<100096xf32, #tpu.memory_space<vmem_shared>> -> memref<1600xf32, #tpu.memory_space<vmem_shared>>
        %dma_wait3A_309 = arith.constant 0 : i32
        %dma_wait3A_310 = tpu.memref_slice %arg17[%dma_wait3A_309] : memref<1600xf32, #tpu.memory_space<vmem>> -> memref<1600xf32, #tpu.memory_space<vmem>>
        %dma_wait3A_311 = tpu.memref_slice %arg22[%add3A_275] : memref<100096xf32, #tpu.memory_space<vmem_shared>> -> memref<1600xf32, #tpu.memory_space<vmem_shared>>
        tpu.wait_dma2 semaphore(%run_scoped3A : memref<!tpu.dma_semaphore, #tpu.memory_space<semaphore_mem>>) src(%dma_wait3A_311 : memref<1600xf32, #tpu.memory_space<vmem_shared>>) dst(%dma_wait3A_310 : memref<1600xf32, #tpu.memory_space<vmem>>)
        tpu.yield
      }) : () -> ()
      %add3A_276 = arith.constant 1600 : i32
      %add3A_277 = arith.addi %mul3A_11, %add3A_276 : i32
      "tpu.region"() ({
        %run_scoped3A = tpu.sem_alloc : memref<!tpu.dma_semaphore, #tpu.memory_space<semaphore_mem>>
        %dma_start3A = arith.constant 0 : i32
        %dma_start3A_302 = tpu.memref_slice %arg17[%dma_start3A] : memref<1600xf32, #tpu.memory_space<vmem>> -> memref<1600xf32, #tpu.memory_space<vmem>>
        %dma_start3A_303 = tpu.memref_slice %arg6[%add3A_277] : memref<100096xf32, #tpu.memory_space<hbm>> -> memref<1600xf32, #tpu.memory_space<hbm>>
        %dma_start3A_304 = tpu.memref_slice %arg6[%add3A_277] : memref<100096xf32, #tpu.memory_space<hbm>> -> memref<1600xf32, #tpu.memory_space<hbm>>
        %dma_start3A_305 = arith.constant 0 : i32
        %dma_start3A_306 = tpu.memref_slice %arg17[%dma_start3A_305] : memref<1600xf32, #tpu.memory_space<vmem>> -> memref<1600xf32, #tpu.memory_space<vmem>>
        tpu.enqueue_dma source(%dma_start3A_306 : memref<1600xf32, #tpu.memory_space<vmem>>) target(%dma_start3A_304 : memref<1600xf32, #tpu.memory_space<hbm>>) target_semaphore(%run_scoped3A : memref<!tpu.dma_semaphore, #tpu.memory_space<semaphore_mem>>)
        %dma_wait3A = arith.constant 0 : i32
        %dma_wait3A_307 = tpu.memref_slice %arg17[%dma_wait3A] : memref<1600xf32, #tpu.memory_space<vmem>> -> memref<1600xf32, #tpu.memory_space<vmem>>
        %dma_wait3A_308 = tpu.memref_slice %arg6[%add3A_277] : memref<100096xf32, #tpu.memory_space<hbm>> -> memref<1600xf32, #tpu.memory_space<hbm>>
        %dma_wait3A_309 = tpu.memref_slice %arg6[%add3A_277] : memref<100096xf32, #tpu.memory_space<hbm>> -> memref<1600xf32, #tpu.memory_space<hbm>>
        %dma_wait3A_310 = arith.constant 0 : i32
        %dma_wait3A_311 = tpu.memref_slice %arg17[%dma_wait3A_310] : memref<1600xf32, #tpu.memory_space<vmem>> -> memref<1600xf32, #tpu.memory_space<vmem>>
        tpu.wait_dma2 semaphore(%run_scoped3A : memref<!tpu.dma_semaphore, #tpu.memory_space<semaphore_mem>>) src(%dma_wait3A_311 : memref<1600xf32, #tpu.memory_space<vmem>>) dst(%dma_wait3A_309 : memref<1600xf32, #tpu.memory_space<hbm>>)
        tpu.yield
      }) : () -> ()
      %add3A_278 = arith.constant 3200 : i32
      %add3A_279 = arith.addi %mul3A_11, %add3A_278 : i32
      "tpu.region"() ({
        %run_scoped3A = tpu.sem_alloc : memref<!tpu.dma_semaphore, #tpu.memory_space<semaphore_mem>>
        %dma_start3A = arith.constant 0 : i32
        %dma_start3A_302 = tpu.memref_slice %arg17[%dma_start3A] : memref<1600xf32, #tpu.memory_space<vmem>> -> memref<1600xf32, #tpu.memory_space<vmem>>
        %dma_start3A_303 = tpu.memref_slice %arg22[%add3A_279] : memref<100096xf32, #tpu.memory_space<vmem_shared>> -> memref<1600xf32, #tpu.memory_space<vmem_shared>>
        %dma_start3A_304 = arith.constant 0 : i32
        %dma_start3A_305 = tpu.memref_slice %arg17[%dma_start3A_304] : memref<1600xf32, #tpu.memory_space<vmem>> -> memref<1600xf32, #tpu.memory_space<vmem>>
        %dma_start3A_306 = tpu.memref_slice %arg22[%add3A_279] : memref<100096xf32, #tpu.memory_space<vmem_shared>> -> memref<1600xf32, #tpu.memory_space<vmem_shared>>
        tpu.enqueue_dma source(%dma_start3A_306 : memref<1600xf32, #tpu.memory_space<vmem_shared>>) target(%dma_start3A_305 : memref<1600xf32, #tpu.memory_space<vmem>>) target_semaphore(%run_scoped3A : memref<!tpu.dma_semaphore, #tpu.memory_space<semaphore_mem>>)
        %dma_wait3A = arith.constant 0 : i32
        %dma_wait3A_307 = tpu.memref_slice %arg17[%dma_wait3A] : memref<1600xf32, #tpu.memory_space<vmem>> -> memref<1600xf32, #tpu.memory_space<vmem>>
        %dma_wait3A_308 = tpu.memref_slice %arg22[%add3A_279] : memref<100096xf32, #tpu.memory_space<vmem_shared>> -> memref<1600xf32, #tpu.memory_space<vmem_shared>>
        %dma_wait3A_309 = arith.constant 0 : i32
        %dma_wait3A_310 = tpu.memref_slice %arg17[%dma_wait3A_309] : memref<1600xf32, #tpu.memory_space<vmem>> -> memref<1600xf32, #tpu.memory_space<vmem>>
        %dma_wait3A_311 = tpu.memref_slice %arg22[%add3A_279] : memref<100096xf32, #tpu.memory_space<vmem_shared>> -> memref<1600xf32, #tpu.memory_space<vmem_shared>>
        tpu.wait_dma2 semaphore(%run_scoped3A : memref<!tpu.dma_semaphore, #tpu.memory_space<semaphore_mem>>) src(%dma_wait3A_311 : memref<1600xf32, #tpu.memory_space<vmem_shared>>) dst(%dma_wait3A_310 : memref<1600xf32, #tpu.memory_space<vmem>>)
        tpu.yield
      }) : () -> ()
      %add3A_280 = arith.constant 3200 : i32
      %add3A_281 = arith.addi %mul3A_11, %add3A_280 : i32
      "tpu.region"() ({
        %run_scoped3A = tpu.sem_alloc : memref<!tpu.dma_semaphore, #tpu.memory_space<semaphore_mem>>
        %dma_start3A = arith.constant 0 : i32
        %dma_start3A_302 = tpu.memref_slice %arg17[%dma_start3A] : memref<1600xf32, #tpu.memory_space<vmem>> -> memref<1600xf32, #tpu.memory_space<vmem>>
        %dma_start3A_303 = tpu.memref_slice %arg6[%add3A_281] : memref<100096xf32, #tpu.memory_space<hbm>> -> memref<1600xf32, #tpu.memory_space<hbm>>
        %dma_start3A_304 = tpu.memref_slice %arg6[%add3A_281] : memref<100096xf32, #tpu.memory_space<hbm>> -> memref<1600xf32, #tpu.memory_space<hbm>>
        %dma_start3A_305 = arith.constant 0 : i32
        %dma_start3A_306 = tpu.memref_slice %arg17[%dma_start3A_305] : memref<1600xf32, #tpu.memory_space<vmem>> -> memref<1600xf32, #tpu.memory_space<vmem>>
        tpu.enqueue_dma source(%dma_start3A_306 : memref<1600xf32, #tpu.memory_space<vmem>>) target(%dma_start3A_304 : memref<1600xf32, #tpu.memory_space<hbm>>) target_semaphore(%run_scoped3A : memref<!tpu.dma_semaphore, #tpu.memory_space<semaphore_mem>>)
        %dma_wait3A = arith.constant 0 : i32
        %dma_wait3A_307 = tpu.memref_slice %arg17[%dma_wait3A] : memref<1600xf32, #tpu.memory_space<vmem>> -> memref<1600xf32, #tpu.memory_space<vmem>>
        %dma_wait3A_308 = tpu.memref_slice %arg6[%add3A_281] : memref<100096xf32, #tpu.memory_space<hbm>> -> memref<1600xf32, #tpu.memory_space<hbm>>
        %dma_wait3A_309 = tpu.memref_slice %arg6[%add3A_281] : memref<100096xf32, #tpu.memory_space<hbm>> -> memref<1600xf32, #tpu.memory_space<hbm>>
        %dma_wait3A_310 = arith.constant 0 : i32
        %dma_wait3A_311 = tpu.memref_slice %arg17[%dma_wait3A_310] : memref<1600xf32, #tpu.memory_space<vmem>> -> memref<1600xf32, #tpu.memory_space<vmem>>
        tpu.wait_dma2 semaphore(%run_scoped3A : memref<!tpu.dma_semaphore, #tpu.memory_space<semaphore_mem>>) src(%dma_wait3A_311 : memref<1600xf32, #tpu.memory_space<vmem>>) dst(%dma_wait3A_309 : memref<1600xf32, #tpu.memory_space<hbm>>)
        tpu.yield
      }) : () -> ()
      %add3A_282 = arith.constant 4800 : i32
      %add3A_283 = arith.addi %mul3A_11, %add3A_282 : i32
      "tpu.region"() ({
        %run_scoped3A = tpu.sem_alloc : memref<!tpu.dma_semaphore, #tpu.memory_space<semaphore_mem>>
        %dma_start3A = arith.constant 0 : i32
        %dma_start3A_302 = tpu.memref_slice %arg17[%dma_start3A] : memref<1600xf32, #tpu.memory_space<vmem>> -> memref<1456xf32, #tpu.memory_space<vmem>>
        %dma_start3A_303 = tpu.memref_slice %arg22[%add3A_283] : memref<100096xf32, #tpu.memory_space<vmem_shared>> -> memref<1456xf32, #tpu.memory_space<vmem_shared>>
        %dma_start3A_304 = arith.constant 0 : i32
        %dma_start3A_305 = tpu.memref_slice %arg17[%dma_start3A_304] : memref<1600xf32, #tpu.memory_space<vmem>> -> memref<1456xf32, #tpu.memory_space<vmem>>
        %dma_start3A_306 = tpu.memref_slice %arg22[%add3A_283] : memref<100096xf32, #tpu.memory_space<vmem_shared>> -> memref<1456xf32, #tpu.memory_space<vmem_shared>>
        tpu.enqueue_dma source(%dma_start3A_306 : memref<1456xf32, #tpu.memory_space<vmem_shared>>) target(%dma_start3A_305 : memref<1456xf32, #tpu.memory_space<vmem>>) target_semaphore(%run_scoped3A : memref<!tpu.dma_semaphore, #tpu.memory_space<semaphore_mem>>)
        %dma_wait3A = arith.constant 0 : i32
        %dma_wait3A_307 = tpu.memref_slice %arg17[%dma_wait3A] : memref<1600xf32, #tpu.memory_space<vmem>> -> memref<1456xf32, #tpu.memory_space<vmem>>
        %dma_wait3A_308 = tpu.memref_slice %arg22[%add3A_283] : memref<100096xf32, #tpu.memory_space<vmem_shared>> -> memref<1456xf32, #tpu.memory_space<vmem_shared>>
        %dma_wait3A_309 = arith.constant 0 : i32
        %dma_wait3A_310 = tpu.memref_slice %arg17[%dma_wait3A_309] : memref<1600xf32, #tpu.memory_space<vmem>> -> memref<1456xf32, #tpu.memory_space<vmem>>
        %dma_wait3A_311 = tpu.memref_slice %arg22[%add3A_283] : memref<100096xf32, #tpu.memory_space<vmem_shared>> -> memref<1456xf32, #tpu.memory_space<vmem_shared>>
        tpu.wait_dma2 semaphore(%run_scoped3A : memref<!tpu.dma_semaphore, #tpu.memory_space<semaphore_mem>>) src(%dma_wait3A_311 : memref<1456xf32, #tpu.memory_space<vmem_shared>>) dst(%dma_wait3A_310 : memref<1456xf32, #tpu.memory_space<vmem>>)
        tpu.yield
      }) : () -> ()
      %add3A_284 = arith.constant 4800 : i32
      %add3A_285 = arith.addi %mul3A_11, %add3A_284 : i32
      "tpu.region"() ({
        %run_scoped3A = tpu.sem_alloc : memref<!tpu.dma_semaphore, #tpu.memory_space<semaphore_mem>>
        %dma_start3A = arith.constant 0 : i32
        %dma_start3A_302 = tpu.memref_slice %arg17[%dma_start3A] : memref<1600xf32, #tpu.memory_space<vmem>> -> memref<1456xf32, #tpu.memory_space<vmem>>
        %dma_start3A_303 = tpu.memref_slice %arg6[%add3A_285] : memref<100096xf32, #tpu.memory_space<hbm>> -> memref<1456xf32, #tpu.memory_space<hbm>>
        %dma_start3A_304 = tpu.memref_slice %arg6[%add3A_285] : memref<100096xf32, #tpu.memory_space<hbm>> -> memref<1456xf32, #tpu.memory_space<hbm>>
        %dma_start3A_305 = arith.constant 0 : i32
        %dma_start3A_306 = tpu.memref_slice %arg17[%dma_start3A_305] : memref<1600xf32, #tpu.memory_space<vmem>> -> memref<1456xf32, #tpu.memory_space<vmem>>
        tpu.enqueue_dma source(%dma_start3A_306 : memref<1456xf32, #tpu.memory_space<vmem>>) target(%dma_start3A_304 : memref<1456xf32, #tpu.memory_space<hbm>>) target_semaphore(%run_scoped3A : memref<!tpu.dma_semaphore, #tpu.memory_space<semaphore_mem>>)
        %dma_wait3A = arith.constant 0 : i32
        %dma_wait3A_307 = tpu.memref_slice %arg17[%dma_wait3A] : memref<1600xf32, #tpu.memory_space<vmem>> -> memref<1456xf32, #tpu.memory_space<vmem>>
        %dma_wait3A_308 = tpu.memref_slice %arg6[%add3A_285] : memref<100096xf32, #tpu.memory_space<hbm>> -> memref<1456xf32, #tpu.memory_space<hbm>>
        %dma_wait3A_309 = tpu.memref_slice %arg6[%add3A_285] : memref<100096xf32, #tpu.memory_space<hbm>> -> memref<1456xf32, #tpu.memory_space<hbm>>
        %dma_wait3A_310 = arith.constant 0 : i32
        %dma_wait3A_311 = tpu.memref_slice %arg17[%dma_wait3A_310] : memref<1600xf32, #tpu.memory_space<vmem>> -> memref<1456xf32, #tpu.memory_space<vmem>>
        tpu.wait_dma2 semaphore(%run_scoped3A : memref<!tpu.dma_semaphore, #tpu.memory_space<semaphore_mem>>) src(%dma_wait3A_311 : memref<1456xf32, #tpu.memory_space<vmem>>) dst(%dma_wait3A_309 : memref<1456xf32, #tpu.memory_space<hbm>>)
        tpu.yield
      }) : () -> ()
      %add3A_286 = arith.constant 0 : i32
      %add3A_287 = arith.addi %mul3A_11, %add3A_286 : i32
      "tpu.region"() ({
        %run_scoped3A = tpu.sem_alloc : memref<!tpu.dma_semaphore, #tpu.memory_space<semaphore_mem>>
        %dma_start3A = arith.constant 0 : i32
        %dma_start3A_302 = tpu.memref_slice %arg17[%dma_start3A] : memref<1600xf32, #tpu.memory_space<vmem>> -> memref<1600xf32, #tpu.memory_space<vmem>>
        %dma_start3A_303 = tpu.memref_slice %arg23[%add3A_287] : memref<100096xf32, #tpu.memory_space<vmem_shared>> -> memref<1600xf32, #tpu.memory_space<vmem_shared>>
        %dma_start3A_304 = arith.constant 0 : i32
        %dma_start3A_305 = tpu.memref_slice %arg17[%dma_start3A_304] : memref<1600xf32, #tpu.memory_space<vmem>> -> memref<1600xf32, #tpu.memory_space<vmem>>
        %dma_start3A_306 = tpu.memref_slice %arg23[%add3A_287] : memref<100096xf32, #tpu.memory_space<vmem_shared>> -> memref<1600xf32, #tpu.memory_space<vmem_shared>>
        tpu.enqueue_dma source(%dma_start3A_306 : memref<1600xf32, #tpu.memory_space<vmem_shared>>) target(%dma_start3A_305 : memref<1600xf32, #tpu.memory_space<vmem>>) target_semaphore(%run_scoped3A : memref<!tpu.dma_semaphore, #tpu.memory_space<semaphore_mem>>)
        %dma_wait3A = arith.constant 0 : i32
        %dma_wait3A_307 = tpu.memref_slice %arg17[%dma_wait3A] : memref<1600xf32, #tpu.memory_space<vmem>> -> memref<1600xf32, #tpu.memory_space<vmem>>
        %dma_wait3A_308 = tpu.memref_slice %arg23[%add3A_287] : memref<100096xf32, #tpu.memory_space<vmem_shared>> -> memref<1600xf32, #tpu.memory_space<vmem_shared>>
        %dma_wait3A_309 = arith.constant 0 : i32
        %dma_wait3A_310 = tpu.memref_slice %arg17[%dma_wait3A_309] : memref<1600xf32, #tpu.memory_space<vmem>> -> memref<1600xf32, #tpu.memory_space<vmem>>
        %dma_wait3A_311 = tpu.memref_slice %arg23[%add3A_287] : memref<100096xf32, #tpu.memory_space<vmem_shared>> -> memref<1600xf32, #tpu.memory_space<vmem_shared>>
        tpu.wait_dma2 semaphore(%run_scoped3A : memref<!tpu.dma_semaphore, #tpu.memory_space<semaphore_mem>>) src(%dma_wait3A_311 : memref<1600xf32, #tpu.memory_space<vmem_shared>>) dst(%dma_wait3A_310 : memref<1600xf32, #tpu.memory_space<vmem>>)
        tpu.yield
      }) : () -> ()
      %add3A_288 = arith.constant 0 : i32
      %add3A_289 = arith.addi %mul3A_11, %add3A_288 : i32
      "tpu.region"() ({
        %run_scoped3A = tpu.sem_alloc : memref<!tpu.dma_semaphore, #tpu.memory_space<semaphore_mem>>
        %dma_start3A = arith.constant 0 : i32
        %dma_start3A_302 = tpu.memref_slice %arg17[%dma_start3A] : memref<1600xf32, #tpu.memory_space<vmem>> -> memref<1600xf32, #tpu.memory_space<vmem>>
        %dma_start3A_303 = tpu.memref_slice %arg7[%add3A_289] : memref<100096xf32, #tpu.memory_space<hbm>> -> memref<1600xf32, #tpu.memory_space<hbm>>
        %dma_start3A_304 = tpu.memref_slice %arg7[%add3A_289] : memref<100096xf32, #tpu.memory_space<hbm>> -> memref<1600xf32, #tpu.memory_space<hbm>>
        %dma_start3A_305 = arith.constant 0 : i32
        %dma_start3A_306 = tpu.memref_slice %arg17[%dma_start3A_305] : memref<1600xf32, #tpu.memory_space<vmem>> -> memref<1600xf32, #tpu.memory_space<vmem>>
        tpu.enqueue_dma source(%dma_start3A_306 : memref<1600xf32, #tpu.memory_space<vmem>>) target(%dma_start3A_304 : memref<1600xf32, #tpu.memory_space<hbm>>) target_semaphore(%run_scoped3A : memref<!tpu.dma_semaphore, #tpu.memory_space<semaphore_mem>>)
        %dma_wait3A = arith.constant 0 : i32
        %dma_wait3A_307 = tpu.memref_slice %arg17[%dma_wait3A] : memref<1600xf32, #tpu.memory_space<vmem>> -> memref<1600xf32, #tpu.memory_space<vmem>>
        %dma_wait3A_308 = tpu.memref_slice %arg7[%add3A_289] : memref<100096xf32, #tpu.memory_space<hbm>> -> memref<1600xf32, #tpu.memory_space<hbm>>
        %dma_wait3A_309 = tpu.memref_slice %arg7[%add3A_289] : memref<100096xf32, #tpu.memory_space<hbm>> -> memref<1600xf32, #tpu.memory_space<hbm>>
        %dma_wait3A_310 = arith.constant 0 : i32
        %dma_wait3A_311 = tpu.memref_slice %arg17[%dma_wait3A_310] : memref<1600xf32, #tpu.memory_space<vmem>> -> memref<1600xf32, #tpu.memory_space<vmem>>
        tpu.wait_dma2 semaphore(%run_scoped3A : memref<!tpu.dma_semaphore, #tpu.memory_space<semaphore_mem>>) src(%dma_wait3A_311 : memref<1600xf32, #tpu.memory_space<vmem>>) dst(%dma_wait3A_309 : memref<1600xf32, #tpu.memory_space<hbm>>)
        tpu.yield
      }) : () -> ()
      %add3A_290 = arith.constant 1600 : i32
      %add3A_291 = arith.addi %mul3A_11, %add3A_290 : i32
      "tpu.region"() ({
        %run_scoped3A = tpu.sem_alloc : memref<!tpu.dma_semaphore, #tpu.memory_space<semaphore_mem>>
        %dma_start3A = arith.constant 0 : i32
        %dma_start3A_302 = tpu.memref_slice %arg17[%dma_start3A] : memref<1600xf32, #tpu.memory_space<vmem>> -> memref<1600xf32, #tpu.memory_space<vmem>>
        %dma_start3A_303 = tpu.memref_slice %arg23[%add3A_291] : memref<100096xf32, #tpu.memory_space<vmem_shared>> -> memref<1600xf32, #tpu.memory_space<vmem_shared>>
        %dma_start3A_304 = arith.constant 0 : i32
        %dma_start3A_305 = tpu.memref_slice %arg17[%dma_start3A_304] : memref<1600xf32, #tpu.memory_space<vmem>> -> memref<1600xf32, #tpu.memory_space<vmem>>
        %dma_start3A_306 = tpu.memref_slice %arg23[%add3A_291] : memref<100096xf32, #tpu.memory_space<vmem_shared>> -> memref<1600xf32, #tpu.memory_space<vmem_shared>>
        tpu.enqueue_dma source(%dma_start3A_306 : memref<1600xf32, #tpu.memory_space<vmem_shared>>) target(%dma_start3A_305 : memref<1600xf32, #tpu.memory_space<vmem>>) target_semaphore(%run_scoped3A : memref<!tpu.dma_semaphore, #tpu.memory_space<semaphore_mem>>)
        %dma_wait3A = arith.constant 0 : i32
        %dma_wait3A_307 = tpu.memref_slice %arg17[%dma_wait3A] : memref<1600xf32, #tpu.memory_space<vmem>> -> memref<1600xf32, #tpu.memory_space<vmem>>
        %dma_wait3A_308 = tpu.memref_slice %arg23[%add3A_291] : memref<100096xf32, #tpu.memory_space<vmem_shared>> -> memref<1600xf32, #tpu.memory_space<vmem_shared>>
        %dma_wait3A_309 = arith.constant 0 : i32
        %dma_wait3A_310 = tpu.memref_slice %arg17[%dma_wait3A_309] : memref<1600xf32, #tpu.memory_space<vmem>> -> memref<1600xf32, #tpu.memory_space<vmem>>
        %dma_wait3A_311 = tpu.memref_slice %arg23[%add3A_291] : memref<100096xf32, #tpu.memory_space<vmem_shared>> -> memref<1600xf32, #tpu.memory_space<vmem_shared>>
        tpu.wait_dma2 semaphore(%run_scoped3A : memref<!tpu.dma_semaphore, #tpu.memory_space<semaphore_mem>>) src(%dma_wait3A_311 : memref<1600xf32, #tpu.memory_space<vmem_shared>>) dst(%dma_wait3A_310 : memref<1600xf32, #tpu.memory_space<vmem>>)
        tpu.yield
      }) : () -> ()
      %add3A_292 = arith.constant 1600 : i32
      %add3A_293 = arith.addi %mul3A_11, %add3A_292 : i32
      "tpu.region"() ({
        %run_scoped3A = tpu.sem_alloc : memref<!tpu.dma_semaphore, #tpu.memory_space<semaphore_mem>>
        %dma_start3A = arith.constant 0 : i32
        %dma_start3A_302 = tpu.memref_slice %arg17[%dma_start3A] : memref<1600xf32, #tpu.memory_space<vmem>> -> memref<1600xf32, #tpu.memory_space<vmem>>
        %dma_start3A_303 = tpu.memref_slice %arg7[%add3A_293] : memref<100096xf32, #tpu.memory_space<hbm>> -> memref<1600xf32, #tpu.memory_space<hbm>>
        %dma_start3A_304 = tpu.memref_slice %arg7[%add3A_293] : memref<100096xf32, #tpu.memory_space<hbm>> -> memref<1600xf32, #tpu.memory_space<hbm>>
        %dma_start3A_305 = arith.constant 0 : i32
        %dma_start3A_306 = tpu.memref_slice %arg17[%dma_start3A_305] : memref<1600xf32, #tpu.memory_space<vmem>> -> memref<1600xf32, #tpu.memory_space<vmem>>
        tpu.enqueue_dma source(%dma_start3A_306 : memref<1600xf32, #tpu.memory_space<vmem>>) target(%dma_start3A_304 : memref<1600xf32, #tpu.memory_space<hbm>>) target_semaphore(%run_scoped3A : memref<!tpu.dma_semaphore, #tpu.memory_space<semaphore_mem>>)
        %dma_wait3A = arith.constant 0 : i32
        %dma_wait3A_307 = tpu.memref_slice %arg17[%dma_wait3A] : memref<1600xf32, #tpu.memory_space<vmem>> -> memref<1600xf32, #tpu.memory_space<vmem>>
        %dma_wait3A_308 = tpu.memref_slice %arg7[%add3A_293] : memref<100096xf32, #tpu.memory_space<hbm>> -> memref<1600xf32, #tpu.memory_space<hbm>>
        %dma_wait3A_309 = tpu.memref_slice %arg7[%add3A_293] : memref<100096xf32, #tpu.memory_space<hbm>> -> memref<1600xf32, #tpu.memory_space<hbm>>
        %dma_wait3A_310 = arith.constant 0 : i32
        %dma_wait3A_311 = tpu.memref_slice %arg17[%dma_wait3A_310] : memref<1600xf32, #tpu.memory_space<vmem>> -> memref<1600xf32, #tpu.memory_space<vmem>>
        tpu.wait_dma2 semaphore(%run_scoped3A : memref<!tpu.dma_semaphore, #tpu.memory_space<semaphore_mem>>) src(%dma_wait3A_311 : memref<1600xf32, #tpu.memory_space<vmem>>) dst(%dma_wait3A_309 : memref<1600xf32, #tpu.memory_space<hbm>>)
        tpu.yield
      }) : () -> ()
      %add3A_294 = arith.constant 3200 : i32
      %add3A_295 = arith.addi %mul3A_11, %add3A_294 : i32
      "tpu.region"() ({
        %run_scoped3A = tpu.sem_alloc : memref<!tpu.dma_semaphore, #tpu.memory_space<semaphore_mem>>
        %dma_start3A = arith.constant 0 : i32
        %dma_start3A_302 = tpu.memref_slice %arg17[%dma_start3A] : memref<1600xf32, #tpu.memory_space<vmem>> -> memref<1600xf32, #tpu.memory_space<vmem>>
        %dma_start3A_303 = tpu.memref_slice %arg23[%add3A_295] : memref<100096xf32, #tpu.memory_space<vmem_shared>> -> memref<1600xf32, #tpu.memory_space<vmem_shared>>
        %dma_start3A_304 = arith.constant 0 : i32
        %dma_start3A_305 = tpu.memref_slice %arg17[%dma_start3A_304] : memref<1600xf32, #tpu.memory_space<vmem>> -> memref<1600xf32, #tpu.memory_space<vmem>>
        %dma_start3A_306 = tpu.memref_slice %arg23[%add3A_295] : memref<100096xf32, #tpu.memory_space<vmem_shared>> -> memref<1600xf32, #tpu.memory_space<vmem_shared>>
        tpu.enqueue_dma source(%dma_start3A_306 : memref<1600xf32, #tpu.memory_space<vmem_shared>>) target(%dma_start3A_305 : memref<1600xf32, #tpu.memory_space<vmem>>) target_semaphore(%run_scoped3A : memref<!tpu.dma_semaphore, #tpu.memory_space<semaphore_mem>>)
        %dma_wait3A = arith.constant 0 : i32
        %dma_wait3A_307 = tpu.memref_slice %arg17[%dma_wait3A] : memref<1600xf32, #tpu.memory_space<vmem>> -> memref<1600xf32, #tpu.memory_space<vmem>>
        %dma_wait3A_308 = tpu.memref_slice %arg23[%add3A_295] : memref<100096xf32, #tpu.memory_space<vmem_shared>> -> memref<1600xf32, #tpu.memory_space<vmem_shared>>
        %dma_wait3A_309 = arith.constant 0 : i32
        %dma_wait3A_310 = tpu.memref_slice %arg17[%dma_wait3A_309] : memref<1600xf32, #tpu.memory_space<vmem>> -> memref<1600xf32, #tpu.memory_space<vmem>>
        %dma_wait3A_311 = tpu.memref_slice %arg23[%add3A_295] : memref<100096xf32, #tpu.memory_space<vmem_shared>> -> memref<1600xf32, #tpu.memory_space<vmem_shared>>
        tpu.wait_dma2 semaphore(%run_scoped3A : memref<!tpu.dma_semaphore, #tpu.memory_space<semaphore_mem>>) src(%dma_wait3A_311 : memref<1600xf32, #tpu.memory_space<vmem_shared>>) dst(%dma_wait3A_310 : memref<1600xf32, #tpu.memory_space<vmem>>)
        tpu.yield
      }) : () -> ()
      %add3A_296 = arith.constant 3200 : i32
      %add3A_297 = arith.addi %mul3A_11, %add3A_296 : i32
      "tpu.region"() ({
        %run_scoped3A = tpu.sem_alloc : memref<!tpu.dma_semaphore, #tpu.memory_space<semaphore_mem>>
        %dma_start3A = arith.constant 0 : i32
        %dma_start3A_302 = tpu.memref_slice %arg17[%dma_start3A] : memref<1600xf32, #tpu.memory_space<vmem>> -> memref<1600xf32, #tpu.memory_space<vmem>>
        %dma_start3A_303 = tpu.memref_slice %arg7[%add3A_297] : memref<100096xf32, #tpu.memory_space<hbm>> -> memref<1600xf32, #tpu.memory_space<hbm>>
        %dma_start3A_304 = tpu.memref_slice %arg7[%add3A_297] : memref<100096xf32, #tpu.memory_space<hbm>> -> memref<1600xf32, #tpu.memory_space<hbm>>
        %dma_start3A_305 = arith.constant 0 : i32
        %dma_start3A_306 = tpu.memref_slice %arg17[%dma_start3A_305] : memref<1600xf32, #tpu.memory_space<vmem>> -> memref<1600xf32, #tpu.memory_space<vmem>>
        tpu.enqueue_dma source(%dma_start3A_306 : memref<1600xf32, #tpu.memory_space<vmem>>) target(%dma_start3A_304 : memref<1600xf32, #tpu.memory_space<hbm>>) target_semaphore(%run_scoped3A : memref<!tpu.dma_semaphore, #tpu.memory_space<semaphore_mem>>)
        %dma_wait3A = arith.constant 0 : i32
        %dma_wait3A_307 = tpu.memref_slice %arg17[%dma_wait3A] : memref<1600xf32, #tpu.memory_space<vmem>> -> memref<1600xf32, #tpu.memory_space<vmem>>
        %dma_wait3A_308 = tpu.memref_slice %arg7[%add3A_297] : memref<100096xf32, #tpu.memory_space<hbm>> -> memref<1600xf32, #tpu.memory_space<hbm>>
        %dma_wait3A_309 = tpu.memref_slice %arg7[%add3A_297] : memref<100096xf32, #tpu.memory_space<hbm>> -> memref<1600xf32, #tpu.memory_space<hbm>>
        %dma_wait3A_310 = arith.constant 0 : i32
        %dma_wait3A_311 = tpu.memref_slice %arg17[%dma_wait3A_310] : memref<1600xf32, #tpu.memory_space<vmem>> -> memref<1600xf32, #tpu.memory_space<vmem>>
        tpu.wait_dma2 semaphore(%run_scoped3A : memref<!tpu.dma_semaphore, #tpu.memory_space<semaphore_mem>>) src(%dma_wait3A_311 : memref<1600xf32, #tpu.memory_space<vmem>>) dst(%dma_wait3A_309 : memref<1600xf32, #tpu.memory_space<hbm>>)
        tpu.yield
      }) : () -> ()
      %add3A_298 = arith.constant 4800 : i32
      %add3A_299 = arith.addi %mul3A_11, %add3A_298 : i32
      "tpu.region"() ({
        %run_scoped3A = tpu.sem_alloc : memref<!tpu.dma_semaphore, #tpu.memory_space<semaphore_mem>>
        %dma_start3A = arith.constant 0 : i32
        %dma_start3A_302 = tpu.memref_slice %arg17[%dma_start3A] : memref<1600xf32, #tpu.memory_space<vmem>> -> memref<1456xf32, #tpu.memory_space<vmem>>
        %dma_start3A_303 = tpu.memref_slice %arg23[%add3A_299] : memref<100096xf32, #tpu.memory_space<vmem_shared>> -> memref<1456xf32, #tpu.memory_space<vmem_shared>>
        %dma_start3A_304 = arith.constant 0 : i32
        %dma_start3A_305 = tpu.memref_slice %arg17[%dma_start3A_304] : memref<1600xf32, #tpu.memory_space<vmem>> -> memref<1456xf32, #tpu.memory_space<vmem>>
        %dma_start3A_306 = tpu.memref_slice %arg23[%add3A_299] : memref<100096xf32, #tpu.memory_space<vmem_shared>> -> memref<1456xf32, #tpu.memory_space<vmem_shared>>
        tpu.enqueue_dma source(%dma_start3A_306 : memref<1456xf32, #tpu.memory_space<vmem_shared>>) target(%dma_start3A_305 : memref<1456xf32, #tpu.memory_space<vmem>>) target_semaphore(%run_scoped3A : memref<!tpu.dma_semaphore, #tpu.memory_space<semaphore_mem>>)
        %dma_wait3A = arith.constant 0 : i32
        %dma_wait3A_307 = tpu.memref_slice %arg17[%dma_wait3A] : memref<1600xf32, #tpu.memory_space<vmem>> -> memref<1456xf32, #tpu.memory_space<vmem>>
        %dma_wait3A_308 = tpu.memref_slice %arg23[%add3A_299] : memref<100096xf32, #tpu.memory_space<vmem_shared>> -> memref<1456xf32, #tpu.memory_space<vmem_shared>>
        %dma_wait3A_309 = arith.constant 0 : i32
        %dma_wait3A_310 = tpu.memref_slice %arg17[%dma_wait3A_309] : memref<1600xf32, #tpu.memory_space<vmem>> -> memref<1456xf32, #tpu.memory_space<vmem>>
        %dma_wait3A_311 = tpu.memref_slice %arg23[%add3A_299] : memref<100096xf32, #tpu.memory_space<vmem_shared>> -> memref<1456xf32, #tpu.memory_space<vmem_shared>>
        tpu.wait_dma2 semaphore(%run_scoped3A : memref<!tpu.dma_semaphore, #tpu.memory_space<semaphore_mem>>) src(%dma_wait3A_311 : memref<1456xf32, #tpu.memory_space<vmem_shared>>) dst(%dma_wait3A_310 : memref<1456xf32, #tpu.memory_space<vmem>>)
        tpu.yield
      }) : () -> ()
      %add3A_300 = arith.constant 4800 : i32
      %add3A_301 = arith.addi %mul3A_11, %add3A_300 : i32
      "tpu.region"() ({
        %run_scoped3A = tpu.sem_alloc : memref<!tpu.dma_semaphore, #tpu.memory_space<semaphore_mem>>
        %dma_start3A = arith.constant 0 : i32
        %dma_start3A_302 = tpu.memref_slice %arg17[%dma_start3A] : memref<1600xf32, #tpu.memory_space<vmem>> -> memref<1456xf32, #tpu.memory_space<vmem>>
        %dma_start3A_303 = tpu.memref_slice %arg7[%add3A_301] : memref<100096xf32, #tpu.memory_space<hbm>> -> memref<1456xf32, #tpu.memory_space<hbm>>
        %dma_start3A_304 = tpu.memref_slice %arg7[%add3A_301] : memref<100096xf32, #tpu.memory_space<hbm>> -> memref<1456xf32, #tpu.memory_space<hbm>>
        %dma_start3A_305 = arith.constant 0 : i32
        %dma_start3A_306 = tpu.memref_slice %arg17[%dma_start3A_305] : memref<1600xf32, #tpu.memory_space<vmem>> -> memref<1456xf32, #tpu.memory_space<vmem>>
        tpu.enqueue_dma source(%dma_start3A_306 : memref<1456xf32, #tpu.memory_space<vmem>>) target(%dma_start3A_304 : memref<1456xf32, #tpu.memory_space<hbm>>) target_semaphore(%run_scoped3A : memref<!tpu.dma_semaphore, #tpu.memory_space<semaphore_mem>>)
        %dma_wait3A = arith.constant 0 : i32
        %dma_wait3A_307 = tpu.memref_slice %arg17[%dma_wait3A] : memref<1600xf32, #tpu.memory_space<vmem>> -> memref<1456xf32, #tpu.memory_space<vmem>>
        %dma_wait3A_308 = tpu.memref_slice %arg7[%add3A_301] : memref<100096xf32, #tpu.memory_space<hbm>> -> memref<1456xf32, #tpu.memory_space<hbm>>
        %dma_wait3A_309 = tpu.memref_slice %arg7[%add3A_301] : memref<100096xf32, #tpu.memory_space<hbm>> -> memref<1456xf32, #tpu.memory_space<hbm>>
        %dma_wait3A_310 = arith.constant 0 : i32
        %dma_wait3A_311 = tpu.memref_slice %arg17[%dma_wait3A_310] : memref<1600xf32, #tpu.memory_space<vmem>> -> memref<1456xf32, #tpu.memory_space<vmem>>
        tpu.wait_dma2 semaphore(%run_scoped3A : memref<!tpu.dma_semaphore, #tpu.memory_space<semaphore_mem>>) src(%dma_wait3A_311 : memref<1456xf32, #tpu.memory_space<vmem>>) dst(%dma_wait3A_309 : memref<1456xf32, #tpu.memory_space<hbm>>)
        tpu.yield
      }) : () -> ()
    } else {
    }
    %eq3A_2 = arith.constant 1 : i32
    %eq3A_3 = arith.cmpi eq, %arg0, %eq3A_2 : i32
    %convert_element_type3A_4 = arith.extui %eq3A_3 : i1 to i32
    %cond3A_5 = arith.constant 0 : i32
    %cond3A_6 = arith.cmpi ne, %convert_element_type3A_4, %cond3A_5 : i32
    scf.if %cond3A_6 {
      "tpu.region"() ({
        %run_scoped3A = tpu.sem_alloc : memref<!tpu.dma_semaphore, #tpu.memory_space<semaphore_mem>>
        tpu.enqueue_dma source(%arg3 : memref<100000xf32, #tpu.memory_space<hbm>>) target(%arg10 : memref<100000xf32, #tpu.memory_space<vmem>>) target_semaphore(%run_scoped3A : memref<!tpu.dma_semaphore, #tpu.memory_space<semaphore_mem>>)
        tpu.wait_dma2 semaphore(%run_scoped3A : memref<!tpu.dma_semaphore, #tpu.memory_space<semaphore_mem>>) src(%arg3 : memref<100000xf32, #tpu.memory_space<hbm>>) dst(%arg10 : memref<100000xf32, #tpu.memory_space<vmem>>)
        tpu.yield
      }) : () -> ()
      %scan3A = arith.constant 0 : i32
      %scan3A_7 = arith.constant 100 : i32
      %scan3A_8 = arith.addi %scan3A, %scan3A_7 : i32
      %scan3A_9 = arith.constant 1 : i32
      scf.for %scan3A_302 = %scan3A to %scan3A_8 step %scan3A_9  : i32 {
        %broadcast_in_dim3A = arith.constant 0.000000e+00 : f32
        %broadcast_in_dim3A_303 = vector.broadcast %broadcast_in_dim3A : f32 to vector<16xf32>
        %mul3A_304 = arith.constant 16 : i32
        %mul3A_305 = arith.muli %scan3A_302, %mul3A_304 : i32
        %swap3A = arith.index_cast %mul3A_305 : i32 to index
        %swap3A_306 = tpu.vector_load %arg17[%swap3A] {strides = array<i32>} : memref<1600xf32, #tpu.memory_space<vmem>>, vector<16xf32>,
        tpu.vector_store %arg17[%swap3A], %broadcast_in_dim3A_303 {strides = array<i32>} : memref<1600xf32, #tpu.memory_space<vmem>>, vector<16xf32>,
        %broadcast_in_dim3A_307 = arith.constant 1.000000e+00 : f32
        %broadcast_in_dim3A_308 = vector.broadcast %broadcast_in_dim3A_307 : f32 to vector<16xf32>
        %mul3A_309 = arith.constant 16 : i32
        %mul3A_310 = arith.muli %scan3A_302, %mul3A_309 : i32
        %swap3A_311 = arith.index_cast %mul3A_310 : i32 to index
        %swap3A_312 = tpu.vector_load %arg21[%swap3A_311] {strides = array<i32>} : memref<1600xf32, #tpu.memory_space<vmem>>, vector<16xf32>,
        tpu.vector_store %arg21[%swap3A_311], %broadcast_in_dim3A_308 {strides = array<i32>} : memref<1600xf32, #tpu.memory_space<vmem>>, vector<16xf32>,
      }
      %scan3A_10 = arith.constant 100 : i32
      %mul3A = arith.constant 6256 : i32
      %mul3A_11 = arith.muli %arg1, %mul3A : i32
      %add3A = arith.constant 0 : i32
      %add3A_12 = arith.addi %mul3A_11, %add3A : i32
      "tpu.region"() ({
        %run_scoped3A = tpu.sem_alloc : memref<!tpu.dma_semaphore, #tpu.memory_space<semaphore_mem>>
        %dma_start3A = arith.constant 0 : i32
        %dma_start3A_302 = tpu.memref_slice %arg17[%dma_start3A] : memref<1600xf32, #tpu.memory_space<vmem>> -> memref<1600xf32, #tpu.memory_space<vmem>>
        %dma_start3A_303 = tpu.memref_slice %arg22[%add3A_12] : memref<100096xf32, #tpu.memory_space<vmem_shared>> -> memref<1600xf32, #tpu.memory_space<vmem_shared>>
        %dma_start3A_304 = tpu.memref_slice %arg22[%add3A_12] : memref<100096xf32, #tpu.memory_space<vmem_shared>> -> memref<1600xf32, #tpu.memory_space<vmem_shared>>
        %dma_start3A_305 = arith.constant 0 : i32
        %dma_start3A_306 = tpu.memref_slice %arg17[%dma_start3A_305] : memref<1600xf32, #tpu.memory_space<vmem>> -> memref<1600xf32, #tpu.memory_space<vmem>>
        tpu.enqueue_dma source(%dma_start3A_306 : memref<1600xf32, #tpu.memory_space<vmem>>) target(%dma_start3A_304 : memref<1600xf32, #tpu.memory_space<vmem_shared>>) target_semaphore(%run_scoped3A : memref<!tpu.dma_semaphore, #tpu.memory_space<semaphore_mem>>)
        %dma_wait3A = arith.constant 0 : i32
        %dma_wait3A_307 = tpu.memref_slice %arg17[%dma_wait3A] : memref<1600xf32, #tpu.memory_space<vmem>> -> memref<1600xf32, #tpu.memory_space<vmem>>
        %dma_wait3A_308 = tpu.memref_slice %arg22[%add3A_12] : memref<100096xf32, #tpu.memory_space<vmem_shared>> -> memref<1600xf32, #tpu.memory_space<vmem_shared>>
        %dma_wait3A_309 = tpu.memref_slice %arg22[%add3A_12] : memref<100096xf32, #tpu.memory_space<vmem_shared>> -> memref<1600xf32, #tpu.memory_space<vmem_shared>>
        %dma_wait3A_310 = arith.constant 0 : i32
        %dma_wait3A_311 = tpu.memref_slice %arg17[%dma_wait3A_310] : memref<1600xf32, #tpu.memory_space<vmem>> -> memref<1600xf32, #tpu.memory_space<vmem>>
        tpu.wait_dma2 semaphore(%run_scoped3A : memref<!tpu.dma_semaphore, #tpu.memory_space<semaphore_mem>>) src(%dma_wait3A_311 : memref<1600xf32, #tpu.memory_space<vmem>>) dst(%dma_wait3A_309 : memref<1600xf32, #tpu.memory_space<vmem_shared>>)
        tpu.yield
      }) : () -> ()
      %add3A_13 = arith.constant 1600 : i32
      %add3A_14 = arith.addi %mul3A_11, %add3A_13 : i32
      "tpu.region"() ({
        %run_scoped3A = tpu.sem_alloc : memref<!tpu.dma_semaphore, #tpu.memory_space<semaphore_mem>>
        %dma_start3A = arith.constant 0 : i32
        %dma_start3A_302 = tpu.memref_slice %arg17[%dma_start3A] : memref<1600xf32, #tpu.memory_space<vmem>> -> memref<1600xf32, #tpu.memory_space<vmem>>
        %dma_start3A_303 = tpu.memref_slice %arg22[%add3A_14] : memref<100096xf32, #tpu.memory_space<vmem_shared>> -> memref<1600xf32, #tpu.memory_space<vmem_shared>>
        %dma_start3A_304 = tpu.memref_slice %arg22[%add3A_14] : memref<100096xf32, #tpu.memory_space<vmem_shared>> -> memref<1600xf32, #tpu.memory_space<vmem_shared>>
        %dma_start3A_305 = arith.constant 0 : i32
        %dma_start3A_306 = tpu.memref_slice %arg17[%dma_start3A_305] : memref<1600xf32, #tpu.memory_space<vmem>> -> memref<1600xf32, #tpu.memory_space<vmem>>
        tpu.enqueue_dma source(%dma_start3A_306 : memref<1600xf32, #tpu.memory_space<vmem>>) target(%dma_start3A_304 : memref<1600xf32, #tpu.memory_space<vmem_shared>>) target_semaphore(%run_scoped3A : memref<!tpu.dma_semaphore, #tpu.memory_space<semaphore_mem>>)
        %dma_wait3A = arith.constant 0 : i32
        %dma_wait3A_307 = tpu.memref_slice %arg17[%dma_wait3A] : memref<1600xf32, #tpu.memory_space<vmem>> -> memref<1600xf32, #tpu.memory_space<vmem>>
        %dma_wait3A_308 = tpu.memref_slice %arg22[%add3A_14] : memref<100096xf32, #tpu.memory_space<vmem_shared>> -> memref<1600xf32, #tpu.memory_space<vmem_shared>>
        %dma_wait3A_309 = tpu.memref_slice %arg22[%add3A_14] : memref<100096xf32, #tpu.memory_space<vmem_shared>> -> memref<1600xf32, #tpu.memory_space<vmem_shared>>
        %dma_wait3A_310 = arith.constant 0 : i32
        %dma_wait3A_311 = tpu.memref_slice %arg17[%dma_wait3A_310] : memref<1600xf32, #tpu.memory_space<vmem>> -> memref<1600xf32, #tpu.memory_space<vmem>>
        tpu.wait_dma2 semaphore(%run_scoped3A : memref<!tpu.dma_semaphore, #tpu.memory_space<semaphore_mem>>) src(%dma_wait3A_311 : memref<1600xf32, #tpu.memory_space<vmem>>) dst(%dma_wait3A_309 : memref<1600xf32, #tpu.memory_space<vmem_shared>>)
        tpu.yield
      }) : () -> ()
      %add3A_15 = arith.constant 3200 : i32
      %add3A_16 = arith.addi %mul3A_11, %add3A_15 : i32
      "tpu.region"() ({
        %run_scoped3A = tpu.sem_alloc : memref<!tpu.dma_semaphore, #tpu.memory_space<semaphore_mem>>
        %dma_start3A = arith.constant 0 : i32
        %dma_start3A_302 = tpu.memref_slice %arg17[%dma_start3A] : memref<1600xf32, #tpu.memory_space<vmem>> -> memref<1600xf32, #tpu.memory_space<vmem>>
        %dma_start3A_303 = tpu.memref_slice %arg22[%add3A_16] : memref<100096xf32, #tpu.memory_space<vmem_shared>> -> memref<1600xf32, #tpu.memory_space<vmem_shared>>
        %dma_start3A_304 = tpu.memref_slice %arg22[%add3A_16] : memref<100096xf32, #tpu.memory_space<vmem_shared>> -> memref<1600xf32, #tpu.memory_space<vmem_shared>>
        %dma_start3A_305 = arith.constant 0 : i32
        %dma_start3A_306 = tpu.memref_slice %arg17[%dma_start3A_305] : memref<1600xf32, #tpu.memory_space<vmem>> -> memref<1600xf32, #tpu.memory_space<vmem>>
        tpu.enqueue_dma source(%dma_start3A_306 : memref<1600xf32, #tpu.memory_space<vmem>>) target(%dma_start3A_304 : memref<1600xf32, #tpu.memory_space<vmem_shared>>) target_semaphore(%run_scoped3A : memref<!tpu.dma_semaphore, #tpu.memory_space<semaphore_mem>>)
        %dma_wait3A = arith.constant 0 : i32
        %dma_wait3A_307 = tpu.memref_slice %arg17[%dma_wait3A] : memref<1600xf32, #tpu.memory_space<vmem>> -> memref<1600xf32, #tpu.memory_space<vmem>>
        %dma_wait3A_308 = tpu.memref_slice %arg22[%add3A_16] : memref<100096xf32, #tpu.memory_space<vmem_shared>> -> memref<1600xf32, #tpu.memory_space<vmem_shared>>
        %dma_wait3A_309 = tpu.memref_slice %arg22[%add3A_16] : memref<100096xf32, #tpu.memory_space<vmem_shared>> -> memref<1600xf32, #tpu.memory_space<vmem_shared>>
        %dma_wait3A_310 = arith.constant 0 : i32
        %dma_wait3A_311 = tpu.memref_slice %arg17[%dma_wait3A_310] : memref<1600xf32, #tpu.memory_space<vmem>> -> memref<1600xf32, #tpu.memory_space<vmem>>
        tpu.wait_dma2 semaphore(%run_scoped3A : memref<!tpu.dma_semaphore, #tpu.memory_space<semaphore_mem>>) src(%dma_wait3A_311 : memref<1600xf32, #tpu.memory_space<vmem>>) dst(%dma_wait3A_309 : memref<1600xf32, #tpu.memory_space<vmem_shared>>)
        tpu.yield
      }) : () -> ()
      %add3A_17 = arith.constant 4800 : i32
      %add3A_18 = arith.addi %mul3A_11, %add3A_17 : i32
      "tpu.region"() ({
        %run_scoped3A = tpu.sem_alloc : memref<!tpu.dma_semaphore, #tpu.memory_space<semaphore_mem>>
        %dma_start3A = arith.constant 0 : i32
        %dma_start3A_302 = tpu.memref_slice %arg17[%dma_start3A] : memref<1600xf32, #tpu.memory_space<vmem>> -> memref<1456xf32, #tpu.memory_space<vmem>>
        %dma_start3A_303 = tpu.memref_slice %arg22[%add3A_18] : memref<100096xf32, #tpu.memory_space<vmem_shared>> -> memref<1456xf32, #tpu.memory_space<vmem_shared>>
        %dma_start3A_304 = tpu.memref_slice %arg22[%add3A_18] : memref<100096xf32, #tpu.memory_space<vmem_shared>> -> memref<1456xf32, #tpu.memory_space<vmem_shared>>
        %dma_start3A_305 = arith.constant 0 : i32
        %dma_start3A_306 = tpu.memref_slice %arg17[%dma_start3A_305] : memref<1600xf32, #tpu.memory_space<vmem>> -> memref<1456xf32, #tpu.memory_space<vmem>>
        tpu.enqueue_dma source(%dma_start3A_306 : memref<1456xf32, #tpu.memory_space<vmem>>) target(%dma_start3A_304 : memref<1456xf32, #tpu.memory_space<vmem_shared>>) target_semaphore(%run_scoped3A : memref<!tpu.dma_semaphore, #tpu.memory_space<semaphore_mem>>)
        %dma_wait3A = arith.constant 0 : i32
        %dma_wait3A_307 = tpu.memref_slice %arg17[%dma_wait3A] : memref<1600xf32, #tpu.memory_space<vmem>> -> memref<1456xf32, #tpu.memory_space<vmem>>
        %dma_wait3A_308 = tpu.memref_slice %arg22[%add3A_18] : memref<100096xf32, #tpu.memory_space<vmem_shared>> -> memref<1456xf32, #tpu.memory_space<vmem_shared>>
        %dma_wait3A_309 = tpu.memref_slice %arg22[%add3A_18] : memref<100096xf32, #tpu.memory_space<vmem_shared>> -> memref<1456xf32, #tpu.memory_space<vmem_shared>>
        %dma_wait3A_310 = arith.constant 0 : i32
        %dma_wait3A_311 = tpu.memref_slice %arg17[%dma_wait3A_310] : memref<1600xf32, #tpu.memory_space<vmem>> -> memref<1456xf32, #tpu.memory_space<vmem>>
        tpu.wait_dma2 semaphore(%run_scoped3A : memref<!tpu.dma_semaphore, #tpu.memory_space<semaphore_mem>>) src(%dma_wait3A_311 : memref<1456xf32, #tpu.memory_space<vmem>>) dst(%dma_wait3A_309 : memref<1456xf32, #tpu.memory_space<vmem_shared>>)
        tpu.yield
      }) : () -> ()
      %add3A_19 = arith.constant 0 : i32
      %add3A_20 = arith.addi %mul3A_11, %add3A_19 : i32
      "tpu.region"() ({
        %run_scoped3A = tpu.sem_alloc : memref<!tpu.dma_semaphore, #tpu.memory_space<semaphore_mem>>
        %dma_start3A = arith.constant 0 : i32
        %dma_start3A_302 = tpu.memref_slice %arg17[%dma_start3A] : memref<1600xf32, #tpu.memory_space<vmem>> -> memref<1600xf32, #tpu.memory_space<vmem>>
        %dma_start3A_303 = tpu.memref_slice %arg23[%add3A_20] : memref<100096xf32, #tpu.memory_space<vmem_shared>> -> memref<1600xf32, #tpu.memory_space<vmem_shared>>
        %dma_start3A_304 = tpu.memref_slice %arg23[%add3A_20] : memref<100096xf32, #tpu.memory_space<vmem_shared>> -> memref<1600xf32, #tpu.memory_space<vmem_shared>>
        %dma_start3A_305 = arith.constant 0 : i32
        %dma_start3A_306 = tpu.memref_slice %arg17[%dma_start3A_305] : memref<1600xf32, #tpu.memory_space<vmem>> -> memref<1600xf32, #tpu.memory_space<vmem>>
        tpu.enqueue_dma source(%dma_start3A_306 : memref<1600xf32, #tpu.memory_space<vmem>>) target(%dma_start3A_304 : memref<1600xf32, #tpu.memory_space<vmem_shared>>) target_semaphore(%run_scoped3A : memref<!tpu.dma_semaphore, #tpu.memory_space<semaphore_mem>>)
        %dma_wait3A = arith.constant 0 : i32
        %dma_wait3A_307 = tpu.memref_slice %arg17[%dma_wait3A] : memref<1600xf32, #tpu.memory_space<vmem>> -> memref<1600xf32, #tpu.memory_space<vmem>>
        %dma_wait3A_308 = tpu.memref_slice %arg23[%add3A_20] : memref<100096xf32, #tpu.memory_space<vmem_shared>> -> memref<1600xf32, #tpu.memory_space<vmem_shared>>
        %dma_wait3A_309 = tpu.memref_slice %arg23[%add3A_20] : memref<100096xf32, #tpu.memory_space<vmem_shared>> -> memref<1600xf32, #tpu.memory_space<vmem_shared>>
        %dma_wait3A_310 = arith.constant 0 : i32
        %dma_wait3A_311 = tpu.memref_slice %arg17[%dma_wait3A_310] : memref<1600xf32, #tpu.memory_space<vmem>> -> memref<1600xf32, #tpu.memory_space<vmem>>
        tpu.wait_dma2 semaphore(%run_scoped3A : memref<!tpu.dma_semaphore, #tpu.memory_space<semaphore_mem>>) src(%dma_wait3A_311 : memref<1600xf32, #tpu.memory_space<vmem>>) dst(%dma_wait3A_309 : memref<1600xf32, #tpu.memory_space<vmem_shared>>)
        tpu.yield
      }) : () -> ()
      %add3A_21 = arith.constant 1600 : i32
      %add3A_22 = arith.addi %mul3A_11, %add3A_21 : i32
      "tpu.region"() ({
        %run_scoped3A = tpu.sem_alloc : memref<!tpu.dma_semaphore, #tpu.memory_space<semaphore_mem>>
        %dma_start3A = arith.constant 0 : i32
        %dma_start3A_302 = tpu.memref_slice %arg17[%dma_start3A] : memref<1600xf32, #tpu.memory_space<vmem>> -> memref<1600xf32, #tpu.memory_space<vmem>>
        %dma_start3A_303 = tpu.memref_slice %arg23[%add3A_22] : memref<100096xf32, #tpu.memory_space<vmem_shared>> -> memref<1600xf32, #tpu.memory_space<vmem_shared>>
        %dma_start3A_304 = tpu.memref_slice %arg23[%add3A_22] : memref<100096xf32, #tpu.memory_space<vmem_shared>> -> memref<1600xf32, #tpu.memory_space<vmem_shared>>
        %dma_start3A_305 = arith.constant 0 : i32
        %dma_start3A_306 = tpu.memref_slice %arg17[%dma_start3A_305] : memref<1600xf32, #tpu.memory_space<vmem>> -> memref<1600xf32, #tpu.memory_space<vmem>>
        tpu.enqueue_dma source(%dma_start3A_306 : memref<1600xf32, #tpu.memory_space<vmem>>) target(%dma_start3A_304 : memref<1600xf32, #tpu.memory_space<vmem_shared>>) target_semaphore(%run_scoped3A : memref<!tpu.dma_semaphore, #tpu.memory_space<semaphore_mem>>)
        %dma_wait3A = arith.constant 0 : i32
        %dma_wait3A_307 = tpu.memref_slice %arg17[%dma_wait3A] : memref<1600xf32, #tpu.memory_space<vmem>> -> memref<1600xf32, #tpu.memory_space<vmem>>
        %dma_wait3A_308 = tpu.memref_slice %arg23[%add3A_22] : memref<100096xf32, #tpu.memory_space<vmem_shared>> -> memref<1600xf32, #tpu.memory_space<vmem_shared>>
        %dma_wait3A_309 = tpu.memref_slice %arg23[%add3A_22] : memref<100096xf32, #tpu.memory_space<vmem_shared>> -> memref<1600xf32, #tpu.memory_space<vmem_shared>>
        %dma_wait3A_310 = arith.constant 0 : i32
        %dma_wait3A_311 = tpu.memref_slice %arg17[%dma_wait3A_310] : memref<1600xf32, #tpu.memory_space<vmem>> -> memref<1600xf32, #tpu.memory_space<vmem>>
        tpu.wait_dma2 semaphore(%run_scoped3A : memref<!tpu.dma_semaphore, #tpu.memory_space<semaphore_mem>>) src(%dma_wait3A_311 : memref<1600xf32, #tpu.memory_space<vmem>>) dst(%dma_wait3A_309 : memref<1600xf32, #tpu.memory_space<vmem_shared>>)
        tpu.yield
      }) : () -> ()
      %add3A_23 = arith.constant 3200 : i32
      %add3A_24 = arith.addi %mul3A_11, %add3A_23 : i32
      "tpu.region"() ({
        %run_scoped3A = tpu.sem_alloc : memref<!tpu.dma_semaphore, #tpu.memory_space<semaphore_mem>>
        %dma_start3A = arith.constant 0 : i32
        %dma_start3A_302 = tpu.memref_slice %arg17[%dma_start3A] : memref<1600xf32, #tpu.memory_space<vmem>> -> memref<1600xf32, #tpu.memory_space<vmem>>
        %dma_start3A_303 = tpu.memref_slice %arg23[%add3A_24] : memref<100096xf32, #tpu.memory_space<vmem_shared>> -> memref<1600xf32, #tpu.memory_space<vmem_shared>>
        %dma_start3A_304 = tpu.memref_slice %arg23[%add3A_24] : memref<100096xf32, #tpu.memory_space<vmem_shared>> -> memref<1600xf32, #tpu.memory_space<vmem_shared>>
        %dma_start3A_305 = arith.constant 0 : i32
        %dma_start3A_306 = tpu.memref_slice %arg17[%dma_start3A_305] : memref<1600xf32, #tpu.memory_space<vmem>> -> memref<1600xf32, #tpu.memory_space<vmem>>
        tpu.enqueue_dma source(%dma_start3A_306 : memref<1600xf32, #tpu.memory_space<vmem>>) target(%dma_start3A_304 : memref<1600xf32, #tpu.memory_space<vmem_shared>>) target_semaphore(%run_scoped3A : memref<!tpu.dma_semaphore, #tpu.memory_space<semaphore_mem>>)
        %dma_wait3A = arith.constant 0 : i32
        %dma_wait3A_307 = tpu.memref_slice %arg17[%dma_wait3A] : memref<1600xf32, #tpu.memory_space<vmem>> -> memref<1600xf32, #tpu.memory_space<vmem>>
        %dma_wait3A_308 = tpu.memref_slice %arg23[%add3A_24] : memref<100096xf32, #tpu.memory_space<vmem_shared>> -> memref<1600xf32, #tpu.memory_space<vmem_shared>>
        %dma_wait3A_309 = tpu.memref_slice %arg23[%add3A_24] : memref<100096xf32, #tpu.memory_space<vmem_shared>> -> memref<1600xf32, #tpu.memory_space<vmem_shared>>
        %dma_wait3A_310 = arith.constant 0 : i32
        %dma_wait3A_311 = tpu.memref_slice %arg17[%dma_wait3A_310] : memref<1600xf32, #tpu.memory_space<vmem>> -> memref<1600xf32, #tpu.memory_space<vmem>>
        tpu.wait_dma2 semaphore(%run_scoped3A : memref<!tpu.dma_semaphore, #tpu.memory_space<semaphore_mem>>) src(%dma_wait3A_311 : memref<1600xf32, #tpu.memory_space<vmem>>) dst(%dma_wait3A_309 : memref<1600xf32, #tpu.memory_space<vmem_shared>>)
        tpu.yield
      }) : () -> ()
      %add3A_25 = arith.constant 4800 : i32
      %add3A_26 = arith.addi %mul3A_11, %add3A_25 : i32
      "tpu.region"() ({
        %run_scoped3A = tpu.sem_alloc : memref<!tpu.dma_semaphore, #tpu.memory_space<semaphore_mem>>
        %dma_start3A = arith.constant 0 : i32
        %dma_start3A_302 = tpu.memref_slice %arg17[%dma_start3A] : memref<1600xf32, #tpu.memory_space<vmem>> -> memref<1456xf32, #tpu.memory_space<vmem>>
        %dma_start3A_303 = tpu.memref_slice %arg23[%add3A_26] : memref<100096xf32, #tpu.memory_space<vmem_shared>> -> memref<1456xf32, #tpu.memory_space<vmem_shared>>
        %dma_start3A_304 = tpu.memref_slice %arg23[%add3A_26] : memref<100096xf32, #tpu.memory_space<vmem_shared>> -> memref<1456xf32, #tpu.memory_space<vmem_shared>>
        %dma_start3A_305 = arith.constant 0 : i32
        %dma_start3A_306 = tpu.memref_slice %arg17[%dma_start3A_305] : memref<1600xf32, #tpu.memory_space<vmem>> -> memref<1456xf32, #tpu.memory_space<vmem>>
        tpu.enqueue_dma source(%dma_start3A_306 : memref<1456xf32, #tpu.memory_space<vmem>>) target(%dma_start3A_304 : memref<1456xf32, #tpu.memory_space<vmem_shared>>) target_semaphore(%run_scoped3A : memref<!tpu.dma_semaphore, #tpu.memory_space<semaphore_mem>>)
        %dma_wait3A = arith.constant 0 : i32
        %dma_wait3A_307 = tpu.memref_slice %arg17[%dma_wait3A] : memref<1600xf32, #tpu.memory_space<vmem>> -> memref<1456xf32, #tpu.memory_space<vmem>>
        %dma_wait3A_308 = tpu.memref_slice %arg23[%add3A_26] : memref<100096xf32, #tpu.memory_space<vmem_shared>> -> memref<1456xf32, #tpu.memory_space<vmem_shared>>
        %dma_wait3A_309 = tpu.memref_slice %arg23[%add3A_26] : memref<100096xf32, #tpu.memory_space<vmem_shared>> -> memref<1456xf32, #tpu.memory_space<vmem_shared>>
        %dma_wait3A_310 = arith.constant 0 : i32
        %dma_wait3A_311 = tpu.memref_slice %arg17[%dma_wait3A_310] : memref<1600xf32, #tpu.memory_space<vmem>> -> memref<1456xf32, #tpu.memory_space<vmem>>
        tpu.wait_dma2 semaphore(%run_scoped3A : memref<!tpu.dma_semaphore, #tpu.memory_space<semaphore_mem>>) src(%dma_wait3A_311 : memref<1456xf32, #tpu.memory_space<vmem>>) dst(%dma_wait3A_309 : memref<1456xf32, #tpu.memory_space<vmem_shared>>)
        tpu.yield
      }) : () -> ()
      %barrier3A = arith.constant 0 : index
      tpu.barrier barrier_id(%barrier3A)
      %sub3A = arith.constant 2000 : i32
      %sub3A_27 = arith.subi %sub3A, %arg1 : i32
      %add3A_28 = arith.constant 16 : i32
      %add3A_29 = arith.addi %sub3A_27, %add3A_28 : i32
      %sub3A_30 = arith.constant 1 : i32
      %sub3A_31 = arith.subi %add3A_29, %sub3A_30 : i32
      %jit3A = arith.constant 16 : i32
      %div3A = arith.divsi %sub3A_31, %jit3A : i32
      %sign3A = arith.constant 0 : i32
      %sign3A_32 = arith.cmpi sgt, %sub3A_31, %sign3A : i32
      %sign3A_33 = arith.extui %sign3A_32 : i1 to i32
      %sign3A_34 = arith.constant 0 : i32
      %sign3A_35 = arith.cmpi slt, %sub3A_31, %sign3A_34 : i32
      %sign3A_36 = arith.extui %sign3A_35 : i1 to i32
      %sign3A_37 = arith.subi %sign3A_33, %sign3A_36 : i32
      %sign3A_38 = arith.constant 0 : i32
      %sign3A_39 = arith.cmpi sgt, %jit3A, %sign3A_38 : i32
      %sign3A_40 = arith.extui %sign3A_39 : i1 to i32
      %sign3A_41 = arith.constant 0 : i32
      %sign3A_42 = arith.cmpi slt, %jit3A, %sign3A_41 : i32
      %sign3A_43 = arith.extui %sign3A_42 : i1 to i32
      %sign3A_44 = arith.subi %sign3A_40, %sign3A_43 : i32
      %ne3A = arith.cmpi ne, %sign3A_37, %sign3A_44 : i32
      %rem3A = arith.remsi %sub3A_31, %jit3A : i32
      %ne3A_45 = arith.constant 0 : i32
      %ne3A_46 = arith.cmpi ne, %rem3A, %ne3A_45 : i32
      %and3A = arith.andi %ne3A, %ne3A_46 : i1
      %sub3A_47 = arith.constant 1 : i32
      %sub3A_48 = arith.subi %div3A, %sub3A_47 : i32
      %select_n3A = arith.select %and3A, %sub3A_48, %div3A : i32
      %gt3A = arith.constant 0 : i32
      %gt3A_49 = arith.cmpi sgt, %select_n3A, %gt3A : i32
      %convert_element_type3A_50 = arith.extui %gt3A_49 : i1 to i32
      %cond3A_51 = arith.constant 0 : i32
      %cond3A_52 = arith.cmpi ne, %convert_element_type3A_50, %cond3A_51 : i32
      scf.if %cond3A_52 {
        %add3A_302 = arith.constant 0 : i32
        %add3A_303 = arith.addi %arg1, %add3A_302 : i32
        %mul3A_304 = arith.constant 1600 : i32
        %mul3A_305 = arith.muli %add3A_303, %mul3A_304 : i32
        %dma_start3A = tpu.memref_slice %arg5[%mul3A_305] : memref<6400000xi32, #tpu.memory_space<hbm>> -> memref<1600xi32, #tpu.memory_space<hbm>>
        %dma_start3A_306 = tpu.memref_slice %arg5[%mul3A_305] : memref<6400000xi32, #tpu.memory_space<hbm>> -> memref<1600xi32, #tpu.memory_space<hbm>>
        tpu.enqueue_dma source(%dma_start3A_306 : memref<1600xi32, #tpu.memory_space<hbm>>) target(%arg11 : memref<1600xi32, #tpu.memory_space<vmem>>) target_semaphore(%arg24 : memref<!tpu.dma_semaphore, #tpu.memory_space<semaphore_mem>>)
        %add3A_307 = arith.constant 0 : i32
        %add3A_308 = arith.addi %arg1, %add3A_307 : i32
        %mul3A_309 = arith.constant 1600 : i32
        %mul3A_310 = arith.muli %add3A_308, %mul3A_309 : i32
        %add3A_311 = arith.constant 3200000 : i32
        %add3A_312 = arith.addi %add3A_311, %mul3A_310 : i32
        %dma_start3A_313 = tpu.memref_slice %arg5[%add3A_312] : memref<6400000xi32, #tpu.memory_space<hbm>> -> memref<1600xi32, #tpu.memory_space<hbm>>
        %dma_start3A_314 = tpu.memref_slice %arg5[%add3A_312] : memref<6400000xi32, #tpu.memory_space<hbm>> -> memref<1600xi32, #tpu.memory_space<hbm>>
        tpu.enqueue_dma source(%dma_start3A_314 : memref<1600xi32, #tpu.memory_space<hbm>>) target(%arg13 : memref<1600xi32, #tpu.memory_space<vmem>>) target_semaphore(%arg26 : memref<!tpu.dma_semaphore, #tpu.memory_space<semaphore_mem>>)
      } else {
      }
      %gt3A_53 = arith.constant 1 : i32
      %gt3A_54 = arith.cmpi sgt, %select_n3A, %gt3A_53 : i32
      %convert_element_type3A_55 = arith.extui %gt3A_54 : i1 to i32
      %cond3A_56 = arith.constant 0 : i32
      %cond3A_57 = arith.cmpi ne, %convert_element_type3A_55, %cond3A_56 : i32
      scf.if %cond3A_57 {
        %add3A_302 = arith.constant 16 : i32
        %add3A_303 = arith.addi %arg1, %add3A_302 : i32
        %mul3A_304 = arith.constant 1600 : i32
        %mul3A_305 = arith.muli %add3A_303, %mul3A_304 : i32
        %dma_start3A = tpu.memref_slice %arg5[%mul3A_305] : memref<6400000xi32, #tpu.memory_space<hbm>> -> memref<1600xi32, #tpu.memory_space<hbm>>
        %dma_start3A_306 = tpu.memref_slice %arg5[%mul3A_305] : memref<6400000xi32, #tpu.memory_space<hbm>> -> memref<1600xi32, #tpu.memory_space<hbm>>
        tpu.enqueue_dma source(%dma_start3A_306 : memref<1600xi32, #tpu.memory_space<hbm>>) target(%arg12 : memref<1600xi32, #tpu.memory_space<vmem>>) target_semaphore(%arg25 : memref<!tpu.dma_semaphore, #tpu.memory_space<semaphore_mem>>)
        %add3A_307 = arith.constant 16 : i32
        %add3A_308 = arith.addi %arg1, %add3A_307 : i32
        %mul3A_309 = arith.constant 1600 : i32
        %mul3A_310 = arith.muli %add3A_308, %mul3A_309 : i32
        %add3A_311 = arith.constant 3200000 : i32
        %add3A_312 = arith.addi %add3A_311, %mul3A_310 : i32
        %dma_start3A_313 = tpu.memref_slice %arg5[%add3A_312] : memref<6400000xi32, #tpu.memory_space<hbm>> -> memref<1600xi32, #tpu.memory_space<hbm>>
        %dma_start3A_314 = tpu.memref_slice %arg5[%add3A_312] : memref<6400000xi32, #tpu.memory_space<hbm>> -> memref<1600xi32, #tpu.memory_space<hbm>>
        tpu.enqueue_dma source(%dma_start3A_314 : memref<1600xi32, #tpu.memory_space<hbm>>) target(%arg14 : memref<1600xi32, #tpu.memory_space<vmem>>) target_semaphore(%arg27 : memref<!tpu.dma_semaphore, #tpu.memory_space<semaphore_mem>>)
      } else {
      }
      %scan3A_58 = arith.constant 0 : i32
      %scan3A_59 = arith.constant 32 : i32
      %scan3A_60 = arith.addi %scan3A_58, %scan3A_59 : i32
      %scan3A_61 = arith.constant 1 : i32
      scf.for %scan3A_302 = %scan3A_58 to %scan3A_60 step %scan3A_61  : i32 {
        %mul3A_303 = arith.constant 4 : i32
        %mul3A_304 = arith.muli %scan3A_302, %mul3A_303 : i32
        %add3A_305 = arith.constant 0 : i32
        %add3A_306 = arith.addi %mul3A_304, %add3A_305 : i32
        %lt3A_307 = arith.cmpi slt, %add3A_306, %select_n3A : i32
        %convert_element_type3A_308 = arith.extui %lt3A_307 : i1 to i32
        %cond3A_309 = arith.constant 0 : i32
        %cond3A_310 = arith.cmpi ne, %convert_element_type3A_308, %cond3A_309 : i32
        scf.if %cond3A_310 {
          %mul3A_387 = arith.constant 16 : i32
          %mul3A_388 = arith.muli %add3A_306, %mul3A_387 : i32
          %add3A_389 = arith.addi %arg1, %mul3A_388 : i32
          %mul3A_390 = arith.constant 1600 : i32
          %mul3A_391 = arith.muli %add3A_389, %mul3A_390 : i32
          %dma_wait3A = tpu.memref_slice %arg5[%mul3A_391] : memref<6400000xi32, #tpu.memory_space<hbm>> -> memref<1600xi32, #tpu.memory_space<hbm>>
          %dma_wait3A_392 = tpu.memref_slice %arg5[%mul3A_391] : memref<6400000xi32, #tpu.memory_space<hbm>> -> memref<1600xi32, #tpu.memory_space<hbm>>
          tpu.wait_dma2 semaphore(%arg24 : memref<!tpu.dma_semaphore, #tpu.memory_space<semaphore_mem>>) src(%dma_wait3A_392 : memref<1600xi32, #tpu.memory_space<hbm>>) dst(%arg11 : memref<1600xi32, #tpu.memory_space<vmem>>)
          %mul3A_393 = arith.constant 16 : i32
          %mul3A_394 = arith.muli %add3A_306, %mul3A_393 : i32
          %add3A_395 = arith.addi %arg1, %mul3A_394 : i32
          %mul3A_396 = arith.constant 1600 : i32
          %mul3A_397 = arith.muli %add3A_395, %mul3A_396 : i32
          %add3A_398 = arith.constant 3200000 : i32
          %add3A_399 = arith.addi %add3A_398, %mul3A_397 : i32
          %dma_wait3A_400 = tpu.memref_slice %arg5[%add3A_399] : memref<6400000xi32, #tpu.memory_space<hbm>> -> memref<1600xi32, #tpu.memory_space<hbm>>
          %dma_wait3A_401 = tpu.memref_slice %arg5[%add3A_399] : memref<6400000xi32, #tpu.memory_space<hbm>> -> memref<1600xi32, #tpu.memory_space<hbm>>
          tpu.wait_dma2 semaphore(%arg26 : memref<!tpu.dma_semaphore, #tpu.memory_space<semaphore_mem>>) src(%dma_wait3A_401 : memref<1600xi32, #tpu.memory_space<hbm>>) dst(%arg13 : memref<1600xi32, #tpu.memory_space<vmem>>)
          %dma_start3A = arith.constant 0 : i32
          %dma_start3A_402 = tpu.memref_slice %arg23[%dma_start3A] : memref<100096xf32, #tpu.memory_space<vmem_shared>> -> memref<100096xf32, #tpu.memory_space<vmem_shared>>
          tpu.enqueue_indirect_dma source(%arg21 : memref<1600xf32, #tpu.memory_space<vmem>>) target(%dma_start3A_402 : memref<100096xf32, #tpu.memory_space<vmem_shared>>) offsets(%arg13 : memref<1600xi32, #tpu.memory_space<vmem>>) semaphore(%arg34 : memref<!tpu.dma_semaphore, #tpu.memory_space<semaphore_mem>>) {add = true}
          %scan3A_403 = arith.constant 0 : i32
          %scan3A_404 = arith.constant 25 : i32
          %scan3A_405 = arith.addi %scan3A_403, %scan3A_404 : i32
          %scan3A_406 = arith.constant 1 : i32
          scf.for %scan3A_410 = %scan3A_403 to %scan3A_405 step %scan3A_406  : i32 {
            %mul3A_411 = arith.constant 64 : i32
            %mul3A_412 = arith.muli %scan3A_410, %mul3A_411 : i32
            %add3A_413 = arith.constant 0 : i32
            %add3A_414 = arith.addi %mul3A_412, %add3A_413 : i32
            %get3A = arith.index_cast %add3A_414 : i32 to index
            %get3A_415 = tpu.vector_load %arg11[%get3A] {strides = array<i32>} : memref<1600xi32, #tpu.memory_space<vmem>>, vector<16xi32>,
            %gather3A = tpu.vector_load_idx %arg10[%get3A_415] : memref<100000xf32, #tpu.memory_space<vmem>>[vector<16xi32>], vector<16xf32>,
            %swap3A = arith.index_cast %add3A_414 : i32 to index
            %swap3A_416 = tpu.vector_load %arg17[%swap3A] {strides = array<i32>} : memref<1600xf32, #tpu.memory_space<vmem>>, vector<16xf32>,
            tpu.vector_store %arg17[%swap3A], %gather3A {strides = array<i32>} : memref<1600xf32, #tpu.memory_space<vmem>>, vector<16xf32>,
            %add3A_417 = arith.constant 16 : i32
            %add3A_418 = arith.addi %mul3A_412, %add3A_417 : i32
            %get3A_419 = arith.index_cast %add3A_418 : i32 to index
            %get3A_420 = tpu.vector_load %arg11[%get3A_419] {strides = array<i32>} : memref<1600xi32, #tpu.memory_space<vmem>>, vector<16xi32>,
            %gather3A_421 = tpu.vector_load_idx %arg10[%get3A_420] : memref<100000xf32, #tpu.memory_space<vmem>>[vector<16xi32>], vector<16xf32>,
            %swap3A_422 = arith.index_cast %add3A_418 : i32 to index
            %swap3A_423 = tpu.vector_load %arg17[%swap3A_422] {strides = array<i32>} : memref<1600xf32, #tpu.memory_space<vmem>>, vector<16xf32>,
            tpu.vector_store %arg17[%swap3A_422], %gather3A_421 {strides = array<i32>} : memref<1600xf32, #tpu.memory_space<vmem>>, vector<16xf32>,
            %add3A_424 = arith.constant 32 : i32
            %add3A_425 = arith.addi %mul3A_412, %add3A_424 : i32
            %get3A_426 = arith.index_cast %add3A_425 : i32 to index
            %get3A_427 = tpu.vector_load %arg11[%get3A_426] {strides = array<i32>} : memref<1600xi32, #tpu.memory_space<vmem>>, vector<16xi32>,
            %gather3A_428 = tpu.vector_load_idx %arg10[%get3A_427] : memref<100000xf32, #tpu.memory_space<vmem>>[vector<16xi32>], vector<16xf32>,
            %swap3A_429 = arith.index_cast %add3A_425 : i32 to index
            %swap3A_430 = tpu.vector_load %arg17[%swap3A_429] {strides = array<i32>} : memref<1600xf32, #tpu.memory_space<vmem>>, vector<16xf32>,
            tpu.vector_store %arg17[%swap3A_429], %gather3A_428 {strides = array<i32>} : memref<1600xf32, #tpu.memory_space<vmem>>, vector<16xf32>,
            %add3A_431 = arith.constant 48 : i32
            %add3A_432 = arith.addi %mul3A_412, %add3A_431 : i32
            %get3A_433 = arith.index_cast %add3A_432 : i32 to index
            %get3A_434 = tpu.vector_load %arg11[%get3A_433] {strides = array<i32>} : memref<1600xi32, #tpu.memory_space<vmem>>, vector<16xi32>,
            %gather3A_435 = tpu.vector_load_idx %arg10[%get3A_434] : memref<100000xf32, #tpu.memory_space<vmem>>[vector<16xi32>], vector<16xf32>,
            %swap3A_436 = arith.index_cast %add3A_432 : i32 to index
            %swap3A_437 = tpu.vector_load %arg17[%swap3A_436] {strides = array<i32>} : memref<1600xf32, #tpu.memory_space<vmem>>, vector<16xf32>,
            tpu.vector_store %arg17[%swap3A_436], %gather3A_435 {strides = array<i32>} : memref<1600xf32, #tpu.memory_space<vmem>>, vector<16xf32>,
          }
          %scan3A_407 = arith.constant 25 : i32
          %dma_start3A_408 = arith.constant 0 : i32
          %dma_start3A_409 = tpu.memref_slice %arg22[%dma_start3A_408] : memref<100096xf32, #tpu.memory_space<vmem_shared>> -> memref<100096xf32, #tpu.memory_space<vmem_shared>>
          tpu.enqueue_indirect_dma source(%arg17 : memref<1600xf32, #tpu.memory_space<vmem>>) target(%dma_start3A_409 : memref<100096xf32, #tpu.memory_space<vmem_shared>>) offsets(%arg13 : memref<1600xi32, #tpu.memory_space<vmem>>) semaphore(%arg30 : memref<!tpu.dma_semaphore, #tpu.memory_space<semaphore_mem>>) {add = true}
        } else {
        }
        %ge3A_311 = arith.constant 2 : i32
        %ge3A_312 = arith.cmpi sge, %add3A_306, %ge3A_311 : i32
        %lt3A_313 = arith.cmpi slt, %add3A_306, %select_n3A : i32
        %and3A_314 = arith.andi %ge3A_312, %lt3A_313 : i1
        %convert_element_type3A_315 = arith.extui %and3A_314 : i1 to i32
        %cond3A_316 = arith.constant 0 : i32
        %cond3A_317 = arith.cmpi ne, %convert_element_type3A_315, %cond3A_316 : i32
        scf.if %cond3A_317 {
          %dma_wait3A = arith.constant 0 : i32
          %dma_wait3A_387 = tpu.memref_slice %arg22[%dma_wait3A] : memref<100096xf32, #tpu.memory_space<vmem_shared>> -> memref<100096xf32, #tpu.memory_space<vmem_shared>>
          tpu.wait_indirect_dma semaphore(%arg32 : memref<!tpu.dma_semaphore, #tpu.memory_space<semaphore_mem>>) src(%arg19 : memref<1600xf32, #tpu.memory_space<vmem>>) dst(%dma_wait3A_387 : memref<100096xf32, #tpu.memory_space<vmem_shared>>)
          %dma_wait3A_388 = arith.constant 0 : i32
          %dma_wait3A_389 = tpu.memref_slice %arg23[%dma_wait3A_388] : memref<100096xf32, #tpu.memory_space<vmem_shared>> -> memref<100096xf32, #tpu.memory_space<vmem_shared>>
          tpu.wait_indirect_dma semaphore(%arg36 : memref<!tpu.dma_semaphore, #tpu.memory_space<semaphore_mem>>) src(%arg21 : memref<1600xf32, #tpu.memory_space<vmem>>) dst(%dma_wait3A_389 : memref<100096xf32, #tpu.memory_space<vmem_shared>>)
        } else {
        }
        %add3A_318 = arith.constant 2 : i32
        %add3A_319 = arith.addi %add3A_306, %add3A_318 : i32
        %lt3A_320 = arith.cmpi slt, %add3A_319, %select_n3A : i32
        %convert_element_type3A_321 = arith.extui %lt3A_320 : i1 to i32
        %cond3A_322 = arith.constant 0 : i32
        %cond3A_323 = arith.cmpi ne, %convert_element_type3A_321, %cond3A_322 : i32
        scf.if %cond3A_323 {
          %add3A_387 = arith.constant 2 : i32
          %add3A_388 = arith.addi %add3A_306, %add3A_387 : i32
          %mul3A_389 = arith.constant 16 : i32
          %mul3A_390 = arith.muli %add3A_388, %mul3A_389 : i32
          %add3A_391 = arith.addi %arg1, %mul3A_390 : i32
          %mul3A_392 = arith.constant 1600 : i32
          %mul3A_393 = arith.muli %add3A_391, %mul3A_392 : i32
          %dma_start3A = tpu.memref_slice %arg5[%mul3A_393] : memref<6400000xi32, #tpu.memory_space<hbm>> -> memref<1600xi32, #tpu.memory_space<hbm>>
          %dma_start3A_394 = tpu.memref_slice %arg5[%mul3A_393] : memref<6400000xi32, #tpu.memory_space<hbm>> -> memref<1600xi32, #tpu.memory_space<hbm>>
          tpu.enqueue_dma source(%dma_start3A_394 : memref<1600xi32, #tpu.memory_space<hbm>>) target(%arg11 : memref<1600xi32, #tpu.memory_space<vmem>>) target_semaphore(%arg24 : memref<!tpu.dma_semaphore, #tpu.memory_space<semaphore_mem>>)
          %add3A_395 = arith.constant 2 : i32
          %add3A_396 = arith.addi %add3A_306, %add3A_395 : i32
          %mul3A_397 = arith.constant 16 : i32
          %mul3A_398 = arith.muli %add3A_396, %mul3A_397 : i32
          %add3A_399 = arith.addi %arg1, %mul3A_398 : i32
          %mul3A_400 = arith.constant 1600 : i32
          %mul3A_401 = arith.muli %add3A_399, %mul3A_400 : i32
          %add3A_402 = arith.constant 3200000 : i32
          %add3A_403 = arith.addi %add3A_402, %mul3A_401 : i32
          %dma_start3A_404 = tpu.memref_slice %arg5[%add3A_403] : memref<6400000xi32, #tpu.memory_space<hbm>> -> memref<1600xi32, #tpu.memory_space<hbm>>
          %dma_start3A_405 = tpu.memref_slice %arg5[%add3A_403] : memref<6400000xi32, #tpu.memory_space<hbm>> -> memref<1600xi32, #tpu.memory_space<hbm>>
          tpu.enqueue_dma source(%dma_start3A_405 : memref<1600xi32, #tpu.memory_space<hbm>>) target(%arg15 : memref<1600xi32, #tpu.memory_space<vmem>>) target_semaphore(%arg28 : memref<!tpu.dma_semaphore, #tpu.memory_space<semaphore_mem>>)
        } else {
        }
        %mul3A_324 = arith.constant 4 : i32
        %mul3A_325 = arith.muli %scan3A_302, %mul3A_324 : i32
        %add3A_326 = arith.constant 1 : i32
        %add3A_327 = arith.addi %mul3A_325, %add3A_326 : i32
        %lt3A_328 = arith.cmpi slt, %add3A_327, %select_n3A : i32
        %convert_element_type3A_329 = arith.extui %lt3A_328 : i1 to i32
        %cond3A_330 = arith.constant 0 : i32
        %cond3A_331 = arith.cmpi ne, %convert_element_type3A_329, %cond3A_330 : i32
        scf.if %cond3A_331 {
          %mul3A_387 = arith.constant 16 : i32
          %mul3A_388 = arith.muli %add3A_327, %mul3A_387 : i32
          %add3A_389 = arith.addi %arg1, %mul3A_388 : i32
          %mul3A_390 = arith.constant 1600 : i32
          %mul3A_391 = arith.muli %add3A_389, %mul3A_390 : i32
          %dma_wait3A = tpu.memref_slice %arg5[%mul3A_391] : memref<6400000xi32, #tpu.memory_space<hbm>> -> memref<1600xi32, #tpu.memory_space<hbm>>
          %dma_wait3A_392 = tpu.memref_slice %arg5[%mul3A_391] : memref<6400000xi32, #tpu.memory_space<hbm>> -> memref<1600xi32, #tpu.memory_space<hbm>>
          tpu.wait_dma2 semaphore(%arg25 : memref<!tpu.dma_semaphore, #tpu.memory_space<semaphore_mem>>) src(%dma_wait3A_392 : memref<1600xi32, #tpu.memory_space<hbm>>) dst(%arg12 : memref<1600xi32, #tpu.memory_space<vmem>>)
          %mul3A_393 = arith.constant 16 : i32
          %mul3A_394 = arith.muli %add3A_327, %mul3A_393 : i32
          %add3A_395 = arith.addi %arg1, %mul3A_394 : i32
          %mul3A_396 = arith.constant 1600 : i32
          %mul3A_397 = arith.muli %add3A_395, %mul3A_396 : i32
          %add3A_398 = arith.constant 3200000 : i32
          %add3A_399 = arith.addi %add3A_398, %mul3A_397 : i32
          %dma_wait3A_400 = tpu.memref_slice %arg5[%add3A_399] : memref<6400000xi32, #tpu.memory_space<hbm>> -> memref<1600xi32, #tpu.memory_space<hbm>>
          %dma_wait3A_401 = tpu.memref_slice %arg5[%add3A_399] : memref<6400000xi32, #tpu.memory_space<hbm>> -> memref<1600xi32, #tpu.memory_space<hbm>>
          tpu.wait_dma2 semaphore(%arg27 : memref<!tpu.dma_semaphore, #tpu.memory_space<semaphore_mem>>) src(%dma_wait3A_401 : memref<1600xi32, #tpu.memory_space<hbm>>) dst(%arg14 : memref<1600xi32, #tpu.memory_space<vmem>>)
          %dma_start3A = arith.constant 0 : i32
          %dma_start3A_402 = tpu.memref_slice %arg23[%dma_start3A] : memref<100096xf32, #tpu.memory_space<vmem_shared>> -> memref<100096xf32, #tpu.memory_space<vmem_shared>>
          tpu.enqueue_indirect_dma source(%arg21 : memref<1600xf32, #tpu.memory_space<vmem>>) target(%dma_start3A_402 : memref<100096xf32, #tpu.memory_space<vmem_shared>>) offsets(%arg14 : memref<1600xi32, #tpu.memory_space<vmem>>) semaphore(%arg35 : memref<!tpu.dma_semaphore, #tpu.memory_space<semaphore_mem>>) {add = true}
          %scan3A_403 = arith.constant 0 : i32
          %scan3A_404 = arith.constant 25 : i32
          %scan3A_405 = arith.addi %scan3A_403, %scan3A_404 : i32
          %scan3A_406 = arith.constant 1 : i32
          scf.for %scan3A_410 = %scan3A_403 to %scan3A_405 step %scan3A_406  : i32 {
            %mul3A_411 = arith.constant 64 : i32
            %mul3A_412 = arith.muli %scan3A_410, %mul3A_411 : i32
            %add3A_413 = arith.constant 0 : i32
            %add3A_414 = arith.addi %mul3A_412, %add3A_413 : i32
            %get3A = arith.index_cast %add3A_414 : i32 to index
            %get3A_415 = tpu.vector_load %arg12[%get3A] {strides = array<i32>} : memref<1600xi32, #tpu.memory_space<vmem>>, vector<16xi32>,
            %gather3A = tpu.vector_load_idx %arg10[%get3A_415] : memref<100000xf32, #tpu.memory_space<vmem>>[vector<16xi32>], vector<16xf32>,
            %swap3A = arith.index_cast %add3A_414 : i32 to index
            %swap3A_416 = tpu.vector_load %arg18[%swap3A] {strides = array<i32>} : memref<1600xf32, #tpu.memory_space<vmem>>, vector<16xf32>,
            tpu.vector_store %arg18[%swap3A], %gather3A {strides = array<i32>} : memref<1600xf32, #tpu.memory_space<vmem>>, vector<16xf32>,
            %add3A_417 = arith.constant 16 : i32
            %add3A_418 = arith.addi %mul3A_412, %add3A_417 : i32
            %get3A_419 = arith.index_cast %add3A_418 : i32 to index
            %get3A_420 = tpu.vector_load %arg12[%get3A_419] {strides = array<i32>} : memref<1600xi32, #tpu.memory_space<vmem>>, vector<16xi32>,
            %gather3A_421 = tpu.vector_load_idx %arg10[%get3A_420] : memref<100000xf32, #tpu.memory_space<vmem>>[vector<16xi32>], vector<16xf32>,
            %swap3A_422 = arith.index_cast %add3A_418 : i32 to index
            %swap3A_423 = tpu.vector_load %arg18[%swap3A_422] {strides = array<i32>} : memref<1600xf32, #tpu.memory_space<vmem>>, vector<16xf32>,
            tpu.vector_store %arg18[%swap3A_422], %gather3A_421 {strides = array<i32>} : memref<1600xf32, #tpu.memory_space<vmem>>, vector<16xf32>,
            %add3A_424 = arith.constant 32 : i32
            %add3A_425 = arith.addi %mul3A_412, %add3A_424 : i32
            %get3A_426 = arith.index_cast %add3A_425 : i32 to index
            %get3A_427 = tpu.vector_load %arg12[%get3A_426] {strides = array<i32>} : memref<1600xi32, #tpu.memory_space<vmem>>, vector<16xi32>,
            %gather3A_428 = tpu.vector_load_idx %arg10[%get3A_427] : memref<100000xf32, #tpu.memory_space<vmem>>[vector<16xi32>], vector<16xf32>,
            %swap3A_429 = arith.index_cast %add3A_425 : i32 to index
            %swap3A_430 = tpu.vector_load %arg18[%swap3A_429] {strides = array<i32>} : memref<1600xf32, #tpu.memory_space<vmem>>, vector<16xf32>,
            tpu.vector_store %arg18[%swap3A_429], %gather3A_428 {strides = array<i32>} : memref<1600xf32, #tpu.memory_space<vmem>>, vector<16xf32>,
            %add3A_431 = arith.constant 48 : i32
            %add3A_432 = arith.addi %mul3A_412, %add3A_431 : i32
            %get3A_433 = arith.index_cast %add3A_432 : i32 to index
            %get3A_434 = tpu.vector_load %arg12[%get3A_433] {strides = array<i32>} : memref<1600xi32, #tpu.memory_space<vmem>>, vector<16xi32>,
            %gather3A_435 = tpu.vector_load_idx %arg10[%get3A_434] : memref<100000xf32, #tpu.memory_space<vmem>>[vector<16xi32>], vector<16xf32>,
            %swap3A_436 = arith.index_cast %add3A_432 : i32 to index
            %swap3A_437 = tpu.vector_load %arg18[%swap3A_436] {strides = array<i32>} : memref<1600xf32, #tpu.memory_space<vmem>>, vector<16xf32>,
            tpu.vector_store %arg18[%swap3A_436], %gather3A_435 {strides = array<i32>} : memref<1600xf32, #tpu.memory_space<vmem>>, vector<16xf32>,
          }
          %scan3A_407 = arith.constant 25 : i32
          %dma_start3A_408 = arith.constant 0 : i32
          %dma_start3A_409 = tpu.memref_slice %arg22[%dma_start3A_408] : memref<100096xf32, #tpu.memory_space<vmem_shared>> -> memref<100096xf32, #tpu.memory_space<vmem_shared>>
          tpu.enqueue_indirect_dma source(%arg18 : memref<1600xf32, #tpu.memory_space<vmem>>) target(%dma_start3A_409 : memref<100096xf32, #tpu.memory_space<vmem_shared>>) offsets(%arg14 : memref<1600xi32, #tpu.memory_space<vmem>>) semaphore(%arg31 : memref<!tpu.dma_semaphore, #tpu.memory_space<semaphore_mem>>) {add = true}
        } else {
        }
        %ge3A_332 = arith.constant 2 : i32
        %ge3A_333 = arith.cmpi sge, %add3A_327, %ge3A_332 : i32
        %lt3A_334 = arith.cmpi slt, %add3A_327, %select_n3A : i32
        %and3A_335 = arith.andi %ge3A_333, %lt3A_334 : i1
        %convert_element_type3A_336 = arith.extui %and3A_335 : i1 to i32
        %cond3A_337 = arith.constant 0 : i32
        %cond3A_338 = arith.cmpi ne, %convert_element_type3A_336, %cond3A_337 : i32
        scf.if %cond3A_338 {
          %dma_wait3A = arith.constant 0 : i32
          %dma_wait3A_387 = tpu.memref_slice %arg22[%dma_wait3A] : memref<100096xf32, #tpu.memory_space<vmem_shared>> -> memref<100096xf32, #tpu.memory_space<vmem_shared>>
          tpu.wait_indirect_dma semaphore(%arg33 : memref<!tpu.dma_semaphore, #tpu.memory_space<semaphore_mem>>) src(%arg20 : memref<1600xf32, #tpu.memory_space<vmem>>) dst(%dma_wait3A_387 : memref<100096xf32, #tpu.memory_space<vmem_shared>>)
          %dma_wait3A_388 = arith.constant 0 : i32
          %dma_wait3A_389 = tpu.memref_slice %arg23[%dma_wait3A_388] : memref<100096xf32, #tpu.memory_space<vmem_shared>> -> memref<100096xf32, #tpu.memory_space<vmem_shared>>
          tpu.wait_indirect_dma semaphore(%arg37 : memref<!tpu.dma_semaphore, #tpu.memory_space<semaphore_mem>>) src(%arg21 : memref<1600xf32, #tpu.memory_space<vmem>>) dst(%dma_wait3A_389 : memref<100096xf32, #tpu.memory_space<vmem_shared>>)
        } else {
        }
        %add3A_339 = arith.constant 2 : i32
        %add3A_340 = arith.addi %add3A_327, %add3A_339 : i32
        %lt3A_341 = arith.cmpi slt, %add3A_340, %select_n3A : i32
        %convert_element_type3A_342 = arith.extui %lt3A_341 : i1 to i32
        %cond3A_343 = arith.constant 0 : i32
        %cond3A_344 = arith.cmpi ne, %convert_element_type3A_342, %cond3A_343 : i32
        scf.if %cond3A_344 {
          %add3A_387 = arith.constant 2 : i32
          %add3A_388 = arith.addi %add3A_327, %add3A_387 : i32
          %mul3A_389 = arith.constant 16 : i32
          %mul3A_390 = arith.muli %add3A_388, %mul3A_389 : i32
          %add3A_391 = arith.addi %arg1, %mul3A_390 : i32
          %mul3A_392 = arith.constant 1600 : i32
          %mul3A_393 = arith.muli %add3A_391, %mul3A_392 : i32
          %dma_start3A = tpu.memref_slice %arg5[%mul3A_393] : memref<6400000xi32, #tpu.memory_space<hbm>> -> memref<1600xi32, #tpu.memory_space<hbm>>
          %dma_start3A_394 = tpu.memref_slice %arg5[%mul3A_393] : memref<6400000xi32, #tpu.memory_space<hbm>> -> memref<1600xi32, #tpu.memory_space<hbm>>
          tpu.enqueue_dma source(%dma_start3A_394 : memref<1600xi32, #tpu.memory_space<hbm>>) target(%arg12 : memref<1600xi32, #tpu.memory_space<vmem>>) target_semaphore(%arg25 : memref<!tpu.dma_semaphore, #tpu.memory_space<semaphore_mem>>)
          %add3A_395 = arith.constant 2 : i32
          %add3A_396 = arith.addi %add3A_327, %add3A_395 : i32
          %mul3A_397 = arith.constant 16 : i32
          %mul3A_398 = arith.muli %add3A_396, %mul3A_397 : i32
          %add3A_399 = arith.addi %arg1, %mul3A_398 : i32
          %mul3A_400 = arith.constant 1600 : i32
          %mul3A_401 = arith.muli %add3A_399, %mul3A_400 : i32
          %add3A_402 = arith.constant 3200000 : i32
          %add3A_403 = arith.addi %add3A_402, %mul3A_401 : i32
          %dma_start3A_404 = tpu.memref_slice %arg5[%add3A_403] : memref<6400000xi32, #tpu.memory_space<hbm>> -> memref<1600xi32, #tpu.memory_space<hbm>>
          %dma_start3A_405 = tpu.memref_slice %arg5[%add3A_403] : memref<6400000xi32, #tpu.memory_space<hbm>> -> memref<1600xi32, #tpu.memory_space<hbm>>
          tpu.enqueue_dma source(%dma_start3A_405 : memref<1600xi32, #tpu.memory_space<hbm>>) target(%arg16 : memref<1600xi32, #tpu.memory_space<vmem>>) target_semaphore(%arg29 : memref<!tpu.dma_semaphore, #tpu.memory_space<semaphore_mem>>)
        } else {
        }
        %mul3A_345 = arith.constant 4 : i32
        %mul3A_346 = arith.muli %scan3A_302, %mul3A_345 : i32
        %add3A_347 = arith.constant 2 : i32
        %add3A_348 = arith.addi %mul3A_346, %add3A_347 : i32
        %lt3A_349 = arith.cmpi slt, %add3A_348, %select_n3A : i32
        %convert_element_type3A_350 = arith.extui %lt3A_349 : i1 to i32
        %cond3A_351 = arith.constant 0 : i32
        %cond3A_352 = arith.cmpi ne, %convert_element_type3A_350, %cond3A_351 : i32
        scf.if %cond3A_352 {
          %mul3A_387 = arith.constant 16 : i32
          %mul3A_388 = arith.muli %add3A_348, %mul3A_387 : i32
          %add3A_389 = arith.addi %arg1, %mul3A_388 : i32
          %mul3A_390 = arith.constant 1600 : i32
          %mul3A_391 = arith.muli %add3A_389, %mul3A_390 : i32
          %dma_wait3A = tpu.memref_slice %arg5[%mul3A_391] : memref<6400000xi32, #tpu.memory_space<hbm>> -> memref<1600xi32, #tpu.memory_space<hbm>>
          %dma_wait3A_392 = tpu.memref_slice %arg5[%mul3A_391] : memref<6400000xi32, #tpu.memory_space<hbm>> -> memref<1600xi32, #tpu.memory_space<hbm>>
          tpu.wait_dma2 semaphore(%arg24 : memref<!tpu.dma_semaphore, #tpu.memory_space<semaphore_mem>>) src(%dma_wait3A_392 : memref<1600xi32, #tpu.memory_space<hbm>>) dst(%arg11 : memref<1600xi32, #tpu.memory_space<vmem>>)
          %mul3A_393 = arith.constant 16 : i32
          %mul3A_394 = arith.muli %add3A_348, %mul3A_393 : i32
          %add3A_395 = arith.addi %arg1, %mul3A_394 : i32
          %mul3A_396 = arith.constant 1600 : i32
          %mul3A_397 = arith.muli %add3A_395, %mul3A_396 : i32
          %add3A_398 = arith.constant 3200000 : i32
          %add3A_399 = arith.addi %add3A_398, %mul3A_397 : i32
          %dma_wait3A_400 = tpu.memref_slice %arg5[%add3A_399] : memref<6400000xi32, #tpu.memory_space<hbm>> -> memref<1600xi32, #tpu.memory_space<hbm>>
          %dma_wait3A_401 = tpu.memref_slice %arg5[%add3A_399] : memref<6400000xi32, #tpu.memory_space<hbm>> -> memref<1600xi32, #tpu.memory_space<hbm>>
          tpu.wait_dma2 semaphore(%arg28 : memref<!tpu.dma_semaphore, #tpu.memory_space<semaphore_mem>>) src(%dma_wait3A_401 : memref<1600xi32, #tpu.memory_space<hbm>>) dst(%arg15 : memref<1600xi32, #tpu.memory_space<vmem>>)
          %dma_start3A = arith.constant 0 : i32
          %dma_start3A_402 = tpu.memref_slice %arg23[%dma_start3A] : memref<100096xf32, #tpu.memory_space<vmem_shared>> -> memref<100096xf32, #tpu.memory_space<vmem_shared>>
          tpu.enqueue_indirect_dma source(%arg21 : memref<1600xf32, #tpu.memory_space<vmem>>) target(%dma_start3A_402 : memref<100096xf32, #tpu.memory_space<vmem_shared>>) offsets(%arg15 : memref<1600xi32, #tpu.memory_space<vmem>>) semaphore(%arg36 : memref<!tpu.dma_semaphore, #tpu.memory_space<semaphore_mem>>) {add = true}
          %scan3A_403 = arith.constant 0 : i32
          %scan3A_404 = arith.constant 25 : i32
          %scan3A_405 = arith.addi %scan3A_403, %scan3A_404 : i32
          %scan3A_406 = arith.constant 1 : i32
          scf.for %scan3A_410 = %scan3A_403 to %scan3A_405 step %scan3A_406  : i32 {
            %mul3A_411 = arith.constant 64 : i32
            %mul3A_412 = arith.muli %scan3A_410, %mul3A_411 : i32
            %add3A_413 = arith.constant 0 : i32
            %add3A_414 = arith.addi %mul3A_412, %add3A_413 : i32
            %get3A = arith.index_cast %add3A_414 : i32 to index
            %get3A_415 = tpu.vector_load %arg11[%get3A] {strides = array<i32>} : memref<1600xi32, #tpu.memory_space<vmem>>, vector<16xi32>,
            %gather3A = tpu.vector_load_idx %arg10[%get3A_415] : memref<100000xf32, #tpu.memory_space<vmem>>[vector<16xi32>], vector<16xf32>,
            %swap3A = arith.index_cast %add3A_414 : i32 to index
            %swap3A_416 = tpu.vector_load %arg19[%swap3A] {strides = array<i32>} : memref<1600xf32, #tpu.memory_space<vmem>>, vector<16xf32>,
            tpu.vector_store %arg19[%swap3A], %gather3A {strides = array<i32>} : memref<1600xf32, #tpu.memory_space<vmem>>, vector<16xf32>,
            %add3A_417 = arith.constant 16 : i32
            %add3A_418 = arith.addi %mul3A_412, %add3A_417 : i32
            %get3A_419 = arith.index_cast %add3A_418 : i32 to index
            %get3A_420 = tpu.vector_load %arg11[%get3A_419] {strides = array<i32>} : memref<1600xi32, #tpu.memory_space<vmem>>, vector<16xi32>,
            %gather3A_421 = tpu.vector_load_idx %arg10[%get3A_420] : memref<100000xf32, #tpu.memory_space<vmem>>[vector<16xi32>], vector<16xf32>,
            %swap3A_422 = arith.index_cast %add3A_418 : i32 to index
            %swap3A_423 = tpu.vector_load %arg19[%swap3A_422] {strides = array<i32>} : memref<1600xf32, #tpu.memory_space<vmem>>, vector<16xf32>,
            tpu.vector_store %arg19[%swap3A_422], %gather3A_421 {strides = array<i32>} : memref<1600xf32, #tpu.memory_space<vmem>>, vector<16xf32>,
            %add3A_424 = arith.constant 32 : i32
            %add3A_425 = arith.addi %mul3A_412, %add3A_424 : i32
            %get3A_426 = arith.index_cast %add3A_425 : i32 to index
            %get3A_427 = tpu.vector_load %arg11[%get3A_426] {strides = array<i32>} : memref<1600xi32, #tpu.memory_space<vmem>>, vector<16xi32>,
            %gather3A_428 = tpu.vector_load_idx %arg10[%get3A_427] : memref<100000xf32, #tpu.memory_space<vmem>>[vector<16xi32>], vector<16xf32>,
            %swap3A_429 = arith.index_cast %add3A_425 : i32 to index
            %swap3A_430 = tpu.vector_load %arg19[%swap3A_429] {strides = array<i32>} : memref<1600xf32, #tpu.memory_space<vmem>>, vector<16xf32>,
            tpu.vector_store %arg19[%swap3A_429], %gather3A_428 {strides = array<i32>} : memref<1600xf32, #tpu.memory_space<vmem>>, vector<16xf32>,
            %add3A_431 = arith.constant 48 : i32
            %add3A_432 = arith.addi %mul3A_412, %add3A_431 : i32
            %get3A_433 = arith.index_cast %add3A_432 : i32 to index
            %get3A_434 = tpu.vector_load %arg11[%get3A_433] {strides = array<i32>} : memref<1600xi32, #tpu.memory_space<vmem>>, vector<16xi32>,
            %gather3A_435 = tpu.vector_load_idx %arg10[%get3A_434] : memref<100000xf32, #tpu.memory_space<vmem>>[vector<16xi32>], vector<16xf32>,
            %swap3A_436 = arith.index_cast %add3A_432 : i32 to index
            %swap3A_437 = tpu.vector_load %arg19[%swap3A_436] {strides = array<i32>} : memref<1600xf32, #tpu.memory_space<vmem>>, vector<16xf32>,
            tpu.vector_store %arg19[%swap3A_436], %gather3A_435 {strides = array<i32>} : memref<1600xf32, #tpu.memory_space<vmem>>, vector<16xf32>,
          }
          %scan3A_407 = arith.constant 25 : i32
          %dma_start3A_408 = arith.constant 0 : i32
          %dma_start3A_409 = tpu.memref_slice %arg22[%dma_start3A_408] : memref<100096xf32, #tpu.memory_space<vmem_shared>> -> memref<100096xf32, #tpu.memory_space<vmem_shared>>
          tpu.enqueue_indirect_dma source(%arg19 : memref<1600xf32, #tpu.memory_space<vmem>>) target(%dma_start3A_409 : memref<100096xf32, #tpu.memory_space<vmem_shared>>) offsets(%arg15 : memref<1600xi32, #tpu.memory_space<vmem>>) semaphore(%arg32 : memref<!tpu.dma_semaphore, #tpu.memory_space<semaphore_mem>>) {add = true}
        } else {
        }
        %ge3A_353 = arith.constant 2 : i32
        %ge3A_354 = arith.cmpi sge, %add3A_348, %ge3A_353 : i32
        %lt3A_355 = arith.cmpi slt, %add3A_348, %select_n3A : i32
        %and3A_356 = arith.andi %ge3A_354, %lt3A_355 : i1
        %convert_element_type3A_357 = arith.extui %and3A_356 : i1 to i32
        %cond3A_358 = arith.constant 0 : i32
        %cond3A_359 = arith.cmpi ne, %convert_element_type3A_357, %cond3A_358 : i32
        scf.if %cond3A_359 {
          %dma_wait3A = arith.constant 0 : i32
          %dma_wait3A_387 = tpu.memref_slice %arg22[%dma_wait3A] : memref<100096xf32, #tpu.memory_space<vmem_shared>> -> memref<100096xf32, #tpu.memory_space<vmem_shared>>
          tpu.wait_indirect_dma semaphore(%arg30 : memref<!tpu.dma_semaphore, #tpu.memory_space<semaphore_mem>>) src(%arg17 : memref<1600xf32, #tpu.memory_space<vmem>>) dst(%dma_wait3A_387 : memref<100096xf32, #tpu.memory_space<vmem_shared>>)
          %dma_wait3A_388 = arith.constant 0 : i32
          %dma_wait3A_389 = tpu.memref_slice %arg23[%dma_wait3A_388] : memref<100096xf32, #tpu.memory_space<vmem_shared>> -> memref<100096xf32, #tpu.memory_space<vmem_shared>>
          tpu.wait_indirect_dma semaphore(%arg34 : memref<!tpu.dma_semaphore, #tpu.memory_space<semaphore_mem>>) src(%arg21 : memref<1600xf32, #tpu.memory_space<vmem>>) dst(%dma_wait3A_389 : memref<100096xf32, #tpu.memory_space<vmem_shared>>)
        } else {
        }
        %add3A_360 = arith.constant 2 : i32
        %add3A_361 = arith.addi %add3A_348, %add3A_360 : i32
        %lt3A_362 = arith.cmpi slt, %add3A_361, %select_n3A : i32
        %convert_element_type3A_363 = arith.extui %lt3A_362 : i1 to i32
        %cond3A_364 = arith.constant 0 : i32
        %cond3A_365 = arith.cmpi ne, %convert_element_type3A_363, %cond3A_364 : i32
        scf.if %cond3A_365 {
          %add3A_387 = arith.constant 2 : i32
          %add3A_388 = arith.addi %add3A_348, %add3A_387 : i32
          %mul3A_389 = arith.constant 16 : i32
          %mul3A_390 = arith.muli %add3A_388, %mul3A_389 : i32
          %add3A_391 = arith.addi %arg1, %mul3A_390 : i32
          %mul3A_392 = arith.constant 1600 : i32
          %mul3A_393 = arith.muli %add3A_391, %mul3A_392 : i32
          %dma_start3A = tpu.memref_slice %arg5[%mul3A_393] : memref<6400000xi32, #tpu.memory_space<hbm>> -> memref<1600xi32, #tpu.memory_space<hbm>>
          %dma_start3A_394 = tpu.memref_slice %arg5[%mul3A_393] : memref<6400000xi32, #tpu.memory_space<hbm>> -> memref<1600xi32, #tpu.memory_space<hbm>>
          tpu.enqueue_dma source(%dma_start3A_394 : memref<1600xi32, #tpu.memory_space<hbm>>) target(%arg11 : memref<1600xi32, #tpu.memory_space<vmem>>) target_semaphore(%arg24 : memref<!tpu.dma_semaphore, #tpu.memory_space<semaphore_mem>>)
          %add3A_395 = arith.constant 2 : i32
          %add3A_396 = arith.addi %add3A_348, %add3A_395 : i32
          %mul3A_397 = arith.constant 16 : i32
          %mul3A_398 = arith.muli %add3A_396, %mul3A_397 : i32
          %add3A_399 = arith.addi %arg1, %mul3A_398 : i32
          %mul3A_400 = arith.constant 1600 : i32
          %mul3A_401 = arith.muli %add3A_399, %mul3A_400 : i32
          %add3A_402 = arith.constant 3200000 : i32
          %add3A_403 = arith.addi %add3A_402, %mul3A_401 : i32
          %dma_start3A_404 = tpu.memref_slice %arg5[%add3A_403] : memref<6400000xi32, #tpu.memory_space<hbm>> -> memref<1600xi32, #tpu.memory_space<hbm>>
          %dma_start3A_405 = tpu.memref_slice %arg5[%add3A_403] : memref<6400000xi32, #tpu.memory_space<hbm>> -> memref<1600xi32, #tpu.memory_space<hbm>>
          tpu.enqueue_dma source(%dma_start3A_405 : memref<1600xi32, #tpu.memory_space<hbm>>) target(%arg13 : memref<1600xi32, #tpu.memory_space<vmem>>) target_semaphore(%arg26 : memref<!tpu.dma_semaphore, #tpu.memory_space<semaphore_mem>>)
        } else {
        }
        %mul3A_366 = arith.constant 4 : i32
        %mul3A_367 = arith.muli %scan3A_302, %mul3A_366 : i32
        %add3A_368 = arith.constant 3 : i32
        %add3A_369 = arith.addi %mul3A_367, %add3A_368 : i32
        %lt3A_370 = arith.cmpi slt, %add3A_369, %select_n3A : i32
        %convert_element_type3A_371 = arith.extui %lt3A_370 : i1 to i32
        %cond3A_372 = arith.constant 0 : i32
        %cond3A_373 = arith.cmpi ne, %convert_element_type3A_371, %cond3A_372 : i32
        scf.if %cond3A_373 {
          %mul3A_387 = arith.constant 16 : i32
          %mul3A_388 = arith.muli %add3A_369, %mul3A_387 : i32
          %add3A_389 = arith.addi %arg1, %mul3A_388 : i32
          %mul3A_390 = arith.constant 1600 : i32
          %mul3A_391 = arith.muli %add3A_389, %mul3A_390 : i32
          %dma_wait3A = tpu.memref_slice %arg5[%mul3A_391] : memref<6400000xi32, #tpu.memory_space<hbm>> -> memref<1600xi32, #tpu.memory_space<hbm>>
          %dma_wait3A_392 = tpu.memref_slice %arg5[%mul3A_391] : memref<6400000xi32, #tpu.memory_space<hbm>> -> memref<1600xi32, #tpu.memory_space<hbm>>
          tpu.wait_dma2 semaphore(%arg25 : memref<!tpu.dma_semaphore, #tpu.memory_space<semaphore_mem>>) src(%dma_wait3A_392 : memref<1600xi32, #tpu.memory_space<hbm>>) dst(%arg12 : memref<1600xi32, #tpu.memory_space<vmem>>)
          %mul3A_393 = arith.constant 16 : i32
          %mul3A_394 = arith.muli %add3A_369, %mul3A_393 : i32
          %add3A_395 = arith.addi %arg1, %mul3A_394 : i32
          %mul3A_396 = arith.constant 1600 : i32
          %mul3A_397 = arith.muli %add3A_395, %mul3A_396 : i32
          %add3A_398 = arith.constant 3200000 : i32
          %add3A_399 = arith.addi %add3A_398, %mul3A_397 : i32
          %dma_wait3A_400 = tpu.memref_slice %arg5[%add3A_399] : memref<6400000xi32, #tpu.memory_space<hbm>> -> memref<1600xi32, #tpu.memory_space<hbm>>
          %dma_wait3A_401 = tpu.memref_slice %arg5[%add3A_399] : memref<6400000xi32, #tpu.memory_space<hbm>> -> memref<1600xi32, #tpu.memory_space<hbm>>
          tpu.wait_dma2 semaphore(%arg29 : memref<!tpu.dma_semaphore, #tpu.memory_space<semaphore_mem>>) src(%dma_wait3A_401 : memref<1600xi32, #tpu.memory_space<hbm>>) dst(%arg16 : memref<1600xi32, #tpu.memory_space<vmem>>)
          %dma_start3A = arith.constant 0 : i32
          %dma_start3A_402 = tpu.memref_slice %arg23[%dma_start3A] : memref<100096xf32, #tpu.memory_space<vmem_shared>> -> memref<100096xf32, #tpu.memory_space<vmem_shared>>
          tpu.enqueue_indirect_dma source(%arg21 : memref<1600xf32, #tpu.memory_space<vmem>>) target(%dma_start3A_402 : memref<100096xf32, #tpu.memory_space<vmem_shared>>) offsets(%arg16 : memref<1600xi32, #tpu.memory_space<vmem>>) semaphore(%arg37 : memref<!tpu.dma_semaphore, #tpu.memory_space<semaphore_mem>>) {add = true}
          %scan3A_403 = arith.constant 0 : i32
          %scan3A_404 = arith.constant 25 : i32
          %scan3A_405 = arith.addi %scan3A_403, %scan3A_404 : i32
          %scan3A_406 = arith.constant 1 : i32
          scf.for %scan3A_410 = %scan3A_403 to %scan3A_405 step %scan3A_406  : i32 {
            %mul3A_411 = arith.constant 64 : i32
            %mul3A_412 = arith.muli %scan3A_410, %mul3A_411 : i32
            %add3A_413 = arith.constant 0 : i32
            %add3A_414 = arith.addi %mul3A_412, %add3A_413 : i32
            %get3A = arith.index_cast %add3A_414 : i32 to index
            %get3A_415 = tpu.vector_load %arg12[%get3A] {strides = array<i32>} : memref<1600xi32, #tpu.memory_space<vmem>>, vector<16xi32>,
            %gather3A = tpu.vector_load_idx %arg10[%get3A_415] : memref<100000xf32, #tpu.memory_space<vmem>>[vector<16xi32>], vector<16xf32>,
            %swap3A = arith.index_cast %add3A_414 : i32 to index
            %swap3A_416 = tpu.vector_load %arg20[%swap3A] {strides = array<i32>} : memref<1600xf32, #tpu.memory_space<vmem>>, vector<16xf32>,
            tpu.vector_store %arg20[%swap3A], %gather3A {strides = array<i32>} : memref<1600xf32, #tpu.memory_space<vmem>>, vector<16xf32>,
            %add3A_417 = arith.constant 16 : i32
            %add3A_418 = arith.addi %mul3A_412, %add3A_417 : i32
            %get3A_419 = arith.index_cast %add3A_418 : i32 to index
            %get3A_420 = tpu.vector_load %arg12[%get3A_419] {strides = array<i32>} : memref<1600xi32, #tpu.memory_space<vmem>>, vector<16xi32>,
            %gather3A_421 = tpu.vector_load_idx %arg10[%get3A_420] : memref<100000xf32, #tpu.memory_space<vmem>>[vector<16xi32>], vector<16xf32>,
            %swap3A_422 = arith.index_cast %add3A_418 : i32 to index
            %swap3A_423 = tpu.vector_load %arg20[%swap3A_422] {strides = array<i32>} : memref<1600xf32, #tpu.memory_space<vmem>>, vector<16xf32>,
            tpu.vector_store %arg20[%swap3A_422], %gather3A_421 {strides = array<i32>} : memref<1600xf32, #tpu.memory_space<vmem>>, vector<16xf32>,
            %add3A_424 = arith.constant 32 : i32
            %add3A_425 = arith.addi %mul3A_412, %add3A_424 : i32
            %get3A_426 = arith.index_cast %add3A_425 : i32 to index
            %get3A_427 = tpu.vector_load %arg12[%get3A_426] {strides = array<i32>} : memref<1600xi32, #tpu.memory_space<vmem>>, vector<16xi32>,
            %gather3A_428 = tpu.vector_load_idx %arg10[%get3A_427] : memref<100000xf32, #tpu.memory_space<vmem>>[vector<16xi32>], vector<16xf32>,
            %swap3A_429 = arith.index_cast %add3A_425 : i32 to index
            %swap3A_430 = tpu.vector_load %arg20[%swap3A_429] {strides = array<i32>} : memref<1600xf32, #tpu.memory_space<vmem>>, vector<16xf32>,
            tpu.vector_store %arg20[%swap3A_429], %gather3A_428 {strides = array<i32>} : memref<1600xf32, #tpu.memory_space<vmem>>, vector<16xf32>,
            %add3A_431 = arith.constant 48 : i32
            %add3A_432 = arith.addi %mul3A_412, %add3A_431 : i32
            %get3A_433 = arith.index_cast %add3A_432 : i32 to index
            %get3A_434 = tpu.vector_load %arg12[%get3A_433] {strides = array<i32>} : memref<1600xi32, #tpu.memory_space<vmem>>, vector<16xi32>,
            %gather3A_435 = tpu.vector_load_idx %arg10[%get3A_434] : memref<100000xf32, #tpu.memory_space<vmem>>[vector<16xi32>], vector<16xf32>,
            %swap3A_436 = arith.index_cast %add3A_432 : i32 to index
            %swap3A_437 = tpu.vector_load %arg20[%swap3A_436] {strides = array<i32>} : memref<1600xf32, #tpu.memory_space<vmem>>, vector<16xf32>,
            tpu.vector_store %arg20[%swap3A_436], %gather3A_435 {strides = array<i32>} : memref<1600xf32, #tpu.memory_space<vmem>>, vector<16xf32>,
          }
          %scan3A_407 = arith.constant 25 : i32
          %dma_start3A_408 = arith.constant 0 : i32
          %dma_start3A_409 = tpu.memref_slice %arg22[%dma_start3A_408] : memref<100096xf32, #tpu.memory_space<vmem_shared>> -> memref<100096xf32, #tpu.memory_space<vmem_shared>>
          tpu.enqueue_indirect_dma source(%arg20 : memref<1600xf32, #tpu.memory_space<vmem>>) target(%dma_start3A_409 : memref<100096xf32, #tpu.memory_space<vmem_shared>>) offsets(%arg16 : memref<1600xi32, #tpu.memory_space<vmem>>) semaphore(%arg33 : memref<!tpu.dma_semaphore, #tpu.memory_space<semaphore_mem>>) {add = true}
        } else {
        }
        %ge3A_374 = arith.constant 2 : i32
        %ge3A_375 = arith.cmpi sge, %add3A_369, %ge3A_374 : i32
        %lt3A_376 = arith.cmpi slt, %add3A_369, %select_n3A : i32
        %and3A_377 = arith.andi %ge3A_375, %lt3A_376 : i1
        %convert_element_type3A_378 = arith.extui %and3A_377 : i1 to i32
        %cond3A_379 = arith.constant 0 : i32
        %cond3A_380 = arith.cmpi ne, %convert_element_type3A_378, %cond3A_379 : i32
        scf.if %cond3A_380 {
          %dma_wait3A = arith.constant 0 : i32
          %dma_wait3A_387 = tpu.memref_slice %arg22[%dma_wait3A] : memref<100096xf32, #tpu.memory_space<vmem_shared>> -> memref<100096xf32, #tpu.memory_space<vmem_shared>>
          tpu.wait_indirect_dma semaphore(%arg31 : memref<!tpu.dma_semaphore, #tpu.memory_space<semaphore_mem>>) src(%arg18 : memref<1600xf32, #tpu.memory_space<vmem>>) dst(%dma_wait3A_387 : memref<100096xf32, #tpu.memory_space<vmem_shared>>)
          %dma_wait3A_388 = arith.constant 0 : i32
          %dma_wait3A_389 = tpu.memref_slice %arg23[%dma_wait3A_388] : memref<100096xf32, #tpu.memory_space<vmem_shared>> -> memref<100096xf32, #tpu.memory_space<vmem_shared>>
          tpu.wait_indirect_dma semaphore(%arg35 : memref<!tpu.dma_semaphore, #tpu.memory_space<semaphore_mem>>) src(%arg21 : memref<1600xf32, #tpu.memory_space<vmem>>) dst(%dma_wait3A_389 : memref<100096xf32, #tpu.memory_space<vmem_shared>>)
        } else {
        }
        %add3A_381 = arith.constant 2 : i32
        %add3A_382 = arith.addi %add3A_369, %add3A_381 : i32
        %lt3A_383 = arith.cmpi slt, %add3A_382, %select_n3A : i32
        %convert_element_type3A_384 = arith.extui %lt3A_383 : i1 to i32
        %cond3A_385 = arith.constant 0 : i32
        %cond3A_386 = arith.cmpi ne, %convert_element_type3A_384, %cond3A_385 : i32
        scf.if %cond3A_386 {
          %add3A_387 = arith.constant 2 : i32
          %add3A_388 = arith.addi %add3A_369, %add3A_387 : i32
          %mul3A_389 = arith.constant 16 : i32
          %mul3A_390 = arith.muli %add3A_388, %mul3A_389 : i32
          %add3A_391 = arith.addi %arg1, %mul3A_390 : i32
          %mul3A_392 = arith.constant 1600 : i32
          %mul3A_393 = arith.muli %add3A_391, %mul3A_392 : i32
          %dma_start3A = tpu.memref_slice %arg5[%mul3A_393] : memref<6400000xi32, #tpu.memory_space<hbm>> -> memref<1600xi32, #tpu.memory_space<hbm>>
          %dma_start3A_394 = tpu.memref_slice %arg5[%mul3A_393] : memref<6400000xi32, #tpu.memory_space<hbm>> -> memref<1600xi32, #tpu.memory_space<hbm>>
          tpu.enqueue_dma source(%dma_start3A_394 : memref<1600xi32, #tpu.memory_space<hbm>>) target(%arg12 : memref<1600xi32, #tpu.memory_space<vmem>>) target_semaphore(%arg25 : memref<!tpu.dma_semaphore, #tpu.memory_space<semaphore_mem>>)
          %add3A_395 = arith.constant 2 : i32
          %add3A_396 = arith.addi %add3A_369, %add3A_395 : i32
          %mul3A_397 = arith.constant 16 : i32
          %mul3A_398 = arith.muli %add3A_396, %mul3A_397 : i32
          %add3A_399 = arith.addi %arg1, %mul3A_398 : i32
          %mul3A_400 = arith.constant 1600 : i32
          %mul3A_401 = arith.muli %add3A_399, %mul3A_400 : i32
          %add3A_402 = arith.constant 3200000 : i32
          %add3A_403 = arith.addi %add3A_402, %mul3A_401 : i32
          %dma_start3A_404 = tpu.memref_slice %arg5[%add3A_403] : memref<6400000xi32, #tpu.memory_space<hbm>> -> memref<1600xi32, #tpu.memory_space<hbm>>
          %dma_start3A_405 = tpu.memref_slice %arg5[%add3A_403] : memref<6400000xi32, #tpu.memory_space<hbm>> -> memref<1600xi32, #tpu.memory_space<hbm>>
          tpu.enqueue_dma source(%dma_start3A_405 : memref<1600xi32, #tpu.memory_space<hbm>>) target(%arg14 : memref<1600xi32, #tpu.memory_space<vmem>>) target_semaphore(%arg27 : memref<!tpu.dma_semaphore, #tpu.memory_space<semaphore_mem>>)
        } else {
        }
      }
      %scan3A_62 = arith.constant 32 : i32
      %ge3A = arith.constant 1 : i32
      %ge3A_63 = arith.cmpi sge, %select_n3A, %ge3A : i32
      %sub3A_64 = arith.constant 1 : i32
      %sub3A_65 = arith.subi %select_n3A, %sub3A_64 : i32
      %jit3A_66 = arith.constant 4 : i32
      %eq3A_67 = arith.constant 0 : i32
      %eq3A_68 = arith.cmpi eq, %jit3A_66, %eq3A_67 : i32
      %jit3A_69 = arith.constant 1 : i32
      %select_n3A_70 = arith.select %eq3A_68, %jit3A_69, %jit3A_66 : i32
      %rem3A_71 = arith.remsi %sub3A_65, %select_n3A_70 : i32
      %ne3A_72 = arith.constant 0 : i32
      %ne3A_73 = arith.cmpi ne, %rem3A_71, %ne3A_72 : i32
      %lt3A = arith.constant 0 : i32
      %lt3A_74 = arith.cmpi slt, %rem3A_71, %lt3A : i32
      %lt3A_75 = arith.constant 0 : i32
      %lt3A_76 = arith.cmpi slt, %select_n3A_70, %lt3A_75 : i32
      %ne3A_77 = arith.xori %lt3A_74, %lt3A_76 : i1
      %and3A_78 = arith.andi %ne3A_77, %ne3A_73 : i1
      %add3A_79 = arith.addi %rem3A_71, %select_n3A_70 : i32
      %select_n3A_80 = arith.select %and3A_78, %add3A_79, %rem3A_71 : i32
      %eq3A_81 = arith.constant 0 : i32
      %eq3A_82 = arith.cmpi eq, %select_n3A_80, %eq3A_81 : i32
      %and3A_83 = arith.andi %ge3A_63, %eq3A_82 : i1
      %convert_element_type3A_84 = arith.extui %and3A_83 : i1 to i32
      %cond3A_85 = arith.constant 0 : i32
      %cond3A_86 = arith.cmpi ne, %convert_element_type3A_84, %cond3A_85 : i32
      scf.if %cond3A_86 {
        %dma_wait3A = arith.constant 0 : i32
        %dma_wait3A_302 = tpu.memref_slice %arg22[%dma_wait3A] : memref<100096xf32, #tpu.memory_space<vmem_shared>> -> memref<100096xf32, #tpu.memory_space<vmem_shared>>
        tpu.wait_indirect_dma semaphore(%arg30 : memref<!tpu.dma_semaphore, #tpu.memory_space<semaphore_mem>>) src(%arg17 : memref<1600xf32, #tpu.memory_space<vmem>>) dst(%dma_wait3A_302 : memref<100096xf32, #tpu.memory_space<vmem_shared>>)
        %dma_wait3A_303 = arith.constant 0 : i32
        %dma_wait3A_304 = tpu.memref_slice %arg23[%dma_wait3A_303] : memref<100096xf32, #tpu.memory_space<vmem_shared>> -> memref<100096xf32, #tpu.memory_space<vmem_shared>>
        tpu.wait_indirect_dma semaphore(%arg34 : memref<!tpu.dma_semaphore, #tpu.memory_space<semaphore_mem>>) src(%arg21 : memref<1600xf32, #tpu.memory_space<vmem>>) dst(%dma_wait3A_304 : memref<100096xf32, #tpu.memory_space<vmem_shared>>)
      } else {
      }
      %ge3A_87 = arith.constant 2 : i32
      %ge3A_88 = arith.cmpi sge, %select_n3A, %ge3A_87 : i32
      %sub3A_89 = arith.constant 2 : i32
      %sub3A_90 = arith.subi %select_n3A, %sub3A_89 : i32
      %jit3A_91 = arith.constant 4 : i32
      %eq3A_92 = arith.constant 0 : i32
      %eq3A_93 = arith.cmpi eq, %jit3A_91, %eq3A_92 : i32
      %jit3A_94 = arith.constant 1 : i32
      %select_n3A_95 = arith.select %eq3A_93, %jit3A_94, %jit3A_91 : i32
      %rem3A_96 = arith.remsi %sub3A_90, %select_n3A_95 : i32
      %ne3A_97 = arith.constant 0 : i32
      %ne3A_98 = arith.cmpi ne, %rem3A_96, %ne3A_97 : i32
      %lt3A_99 = arith.constant 0 : i32
      %lt3A_100 = arith.cmpi slt, %rem3A_96, %lt3A_99 : i32
      %lt3A_101 = arith.constant 0 : i32
      %lt3A_102 = arith.cmpi slt, %select_n3A_95, %lt3A_101 : i32
      %ne3A_103 = arith.xori %lt3A_100, %lt3A_102 : i1
      %and3A_104 = arith.andi %ne3A_103, %ne3A_98 : i1
      %add3A_105 = arith.addi %rem3A_96, %select_n3A_95 : i32
      %select_n3A_106 = arith.select %and3A_104, %add3A_105, %rem3A_96 : i32
      %eq3A_107 = arith.constant 0 : i32
      %eq3A_108 = arith.cmpi eq, %select_n3A_106, %eq3A_107 : i32
      %and3A_109 = arith.andi %ge3A_88, %eq3A_108 : i1
      %convert_element_type3A_110 = arith.extui %and3A_109 : i1 to i32
      %cond3A_111 = arith.constant 0 : i32
      %cond3A_112 = arith.cmpi ne, %convert_element_type3A_110, %cond3A_111 : i32
      scf.if %cond3A_112 {
        %dma_wait3A = arith.constant 0 : i32
        %dma_wait3A_302 = tpu.memref_slice %arg22[%dma_wait3A] : memref<100096xf32, #tpu.memory_space<vmem_shared>> -> memref<100096xf32, #tpu.memory_space<vmem_shared>>
        tpu.wait_indirect_dma semaphore(%arg30 : memref<!tpu.dma_semaphore, #tpu.memory_space<semaphore_mem>>) src(%arg17 : memref<1600xf32, #tpu.memory_space<vmem>>) dst(%dma_wait3A_302 : memref<100096xf32, #tpu.memory_space<vmem_shared>>)
        %dma_wait3A_303 = arith.constant 0 : i32
        %dma_wait3A_304 = tpu.memref_slice %arg23[%dma_wait3A_303] : memref<100096xf32, #tpu.memory_space<vmem_shared>> -> memref<100096xf32, #tpu.memory_space<vmem_shared>>
        tpu.wait_indirect_dma semaphore(%arg34 : memref<!tpu.dma_semaphore, #tpu.memory_space<semaphore_mem>>) src(%arg21 : memref<1600xf32, #tpu.memory_space<vmem>>) dst(%dma_wait3A_304 : memref<100096xf32, #tpu.memory_space<vmem_shared>>)
      } else {
      }
      %ge3A_113 = arith.constant 1 : i32
      %ge3A_114 = arith.cmpi sge, %select_n3A, %ge3A_113 : i32
      %sub3A_115 = arith.constant 1 : i32
      %sub3A_116 = arith.subi %select_n3A, %sub3A_115 : i32
      %jit3A_117 = arith.constant 4 : i32
      %eq3A_118 = arith.constant 0 : i32
      %eq3A_119 = arith.cmpi eq, %jit3A_117, %eq3A_118 : i32
      %jit3A_120 = arith.constant 1 : i32
      %select_n3A_121 = arith.select %eq3A_119, %jit3A_120, %jit3A_117 : i32
      %rem3A_122 = arith.remsi %sub3A_116, %select_n3A_121 : i32
      %ne3A_123 = arith.constant 0 : i32
      %ne3A_124 = arith.cmpi ne, %rem3A_122, %ne3A_123 : i32
      %lt3A_125 = arith.constant 0 : i32
      %lt3A_126 = arith.cmpi slt, %rem3A_122, %lt3A_125 : i32
      %lt3A_127 = arith.constant 0 : i32
      %lt3A_128 = arith.cmpi slt, %select_n3A_121, %lt3A_127 : i32
      %ne3A_129 = arith.xori %lt3A_126, %lt3A_128 : i1
      %and3A_130 = arith.andi %ne3A_129, %ne3A_124 : i1
      %add3A_131 = arith.addi %rem3A_122, %select_n3A_121 : i32
      %select_n3A_132 = arith.select %and3A_130, %add3A_131, %rem3A_122 : i32
      %eq3A_133 = arith.constant 1 : i32
      %eq3A_134 = arith.cmpi eq, %select_n3A_132, %eq3A_133 : i32
      %and3A_135 = arith.andi %ge3A_114, %eq3A_134 : i1
      %convert_element_type3A_136 = arith.extui %and3A_135 : i1 to i32
      %cond3A_137 = arith.constant 0 : i32
      %cond3A_138 = arith.cmpi ne, %convert_element_type3A_136, %cond3A_137 : i32
      scf.if %cond3A_138 {
        %dma_wait3A = arith.constant 0 : i32
        %dma_wait3A_302 = tpu.memref_slice %arg22[%dma_wait3A] : memref<100096xf32, #tpu.memory_space<vmem_shared>> -> memref<100096xf32, #tpu.memory_space<vmem_shared>>
        tpu.wait_indirect_dma semaphore(%arg31 : memref<!tpu.dma_semaphore, #tpu.memory_space<semaphore_mem>>) src(%arg18 : memref<1600xf32, #tpu.memory_space<vmem>>) dst(%dma_wait3A_302 : memref<100096xf32, #tpu.memory_space<vmem_shared>>)
        %dma_wait3A_303 = arith.constant 0 : i32
        %dma_wait3A_304 = tpu.memref_slice %arg23[%dma_wait3A_303] : memref<100096xf32, #tpu.memory_space<vmem_shared>> -> memref<100096xf32, #tpu.memory_space<vmem_shared>>
        tpu.wait_indirect_dma semaphore(%arg35 : memref<!tpu.dma_semaphore, #tpu.memory_space<semaphore_mem>>) src(%arg21 : memref<1600xf32, #tpu.memory_space<vmem>>) dst(%dma_wait3A_304 : memref<100096xf32, #tpu.memory_space<vmem_shared>>)
      } else {
      }
      %ge3A_139 = arith.constant 2 : i32
      %ge3A_140 = arith.cmpi sge, %select_n3A, %ge3A_139 : i32
      %sub3A_141 = arith.constant 2 : i32
      %sub3A_142 = arith.subi %select_n3A, %sub3A_141 : i32
      %jit3A_143 = arith.constant 4 : i32
      %eq3A_144 = arith.constant 0 : i32
      %eq3A_145 = arith.cmpi eq, %jit3A_143, %eq3A_144 : i32
      %jit3A_146 = arith.constant 1 : i32
      %select_n3A_147 = arith.select %eq3A_145, %jit3A_146, %jit3A_143 : i32
      %rem3A_148 = arith.remsi %sub3A_142, %select_n3A_147 : i32
      %ne3A_149 = arith.constant 0 : i32
      %ne3A_150 = arith.cmpi ne, %rem3A_148, %ne3A_149 : i32
      %lt3A_151 = arith.constant 0 : i32
      %lt3A_152 = arith.cmpi slt, %rem3A_148, %lt3A_151 : i32
      %lt3A_153 = arith.constant 0 : i32
      %lt3A_154 = arith.cmpi slt, %select_n3A_147, %lt3A_153 : i32
      %ne3A_155 = arith.xori %lt3A_152, %lt3A_154 : i1
      %and3A_156 = arith.andi %ne3A_155, %ne3A_150 : i1
      %add3A_157 = arith.addi %rem3A_148, %select_n3A_147 : i32
      %select_n3A_158 = arith.select %and3A_156, %add3A_157, %rem3A_148 : i32
      %eq3A_159 = arith.constant 1 : i32
      %eq3A_160 = arith.cmpi eq, %select_n3A_158, %eq3A_159 : i32
      %and3A_161 = arith.andi %ge3A_140, %eq3A_160 : i1
      %convert_element_type3A_162 = arith.extui %and3A_161 : i1 to i32
      %cond3A_163 = arith.constant 0 : i32
      %cond3A_164 = arith.cmpi ne, %convert_element_type3A_162, %cond3A_163 : i32
      scf.if %cond3A_164 {
        %dma_wait3A = arith.constant 0 : i32
        %dma_wait3A_302 = tpu.memref_slice %arg22[%dma_wait3A] : memref<100096xf32, #tpu.memory_space<vmem_shared>> -> memref<100096xf32, #tpu.memory_space<vmem_shared>>
        tpu.wait_indirect_dma semaphore(%arg31 : memref<!tpu.dma_semaphore, #tpu.memory_space<semaphore_mem>>) src(%arg18 : memref<1600xf32, #tpu.memory_space<vmem>>) dst(%dma_wait3A_302 : memref<100096xf32, #tpu.memory_space<vmem_shared>>)
        %dma_wait3A_303 = arith.constant 0 : i32
        %dma_wait3A_304 = tpu.memref_slice %arg23[%dma_wait3A_303] : memref<100096xf32, #tpu.memory_space<vmem_shared>> -> memref<100096xf32, #tpu.memory_space<vmem_shared>>
        tpu.wait_indirect_dma semaphore(%arg35 : memref<!tpu.dma_semaphore, #tpu.memory_space<semaphore_mem>>) src(%arg21 : memref<1600xf32, #tpu.memory_space<vmem>>) dst(%dma_wait3A_304 : memref<100096xf32, #tpu.memory_space<vmem_shared>>)
      } else {
      }
      %ge3A_165 = arith.constant 1 : i32
      %ge3A_166 = arith.cmpi sge, %select_n3A, %ge3A_165 : i32
      %sub3A_167 = arith.constant 1 : i32
      %sub3A_168 = arith.subi %select_n3A, %sub3A_167 : i32
      %jit3A_169 = arith.constant 4 : i32
      %eq3A_170 = arith.constant 0 : i32
      %eq3A_171 = arith.cmpi eq, %jit3A_169, %eq3A_170 : i32
      %jit3A_172 = arith.constant 1 : i32
      %select_n3A_173 = arith.select %eq3A_171, %jit3A_172, %jit3A_169 : i32
      %rem3A_174 = arith.remsi %sub3A_168, %select_n3A_173 : i32
      %ne3A_175 = arith.constant 0 : i32
      %ne3A_176 = arith.cmpi ne, %rem3A_174, %ne3A_175 : i32
      %lt3A_177 = arith.constant 0 : i32
      %lt3A_178 = arith.cmpi slt, %rem3A_174, %lt3A_177 : i32
      %lt3A_179 = arith.constant 0 : i32
      %lt3A_180 = arith.cmpi slt, %select_n3A_173, %lt3A_179 : i32
      %ne3A_181 = arith.xori %lt3A_178, %lt3A_180 : i1
      %and3A_182 = arith.andi %ne3A_181, %ne3A_176 : i1
      %add3A_183 = arith.addi %rem3A_174, %select_n3A_173 : i32
      %select_n3A_184 = arith.select %and3A_182, %add3A_183, %rem3A_174 : i32
      %eq3A_185 = arith.constant 2 : i32
      %eq3A_186 = arith.cmpi eq, %select_n3A_184, %eq3A_185 : i32
      %and3A_187 = arith.andi %ge3A_166, %eq3A_186 : i1
      %convert_element_type3A_188 = arith.extui %and3A_187 : i1 to i32
      %cond3A_189 = arith.constant 0 : i32
      %cond3A_190 = arith.cmpi ne, %convert_element_type3A_188, %cond3A_189 : i32
      scf.if %cond3A_190 {
        %dma_wait3A = arith.constant 0 : i32
        %dma_wait3A_302 = tpu.memref_slice %arg22[%dma_wait3A] : memref<100096xf32, #tpu.memory_space<vmem_shared>> -> memref<100096xf32, #tpu.memory_space<vmem_shared>>
        tpu.wait_indirect_dma semaphore(%arg32 : memref<!tpu.dma_semaphore, #tpu.memory_space<semaphore_mem>>) src(%arg19 : memref<1600xf32, #tpu.memory_space<vmem>>) dst(%dma_wait3A_302 : memref<100096xf32, #tpu.memory_space<vmem_shared>>)
        %dma_wait3A_303 = arith.constant 0 : i32
        %dma_wait3A_304 = tpu.memref_slice %arg23[%dma_wait3A_303] : memref<100096xf32, #tpu.memory_space<vmem_shared>> -> memref<100096xf32, #tpu.memory_space<vmem_shared>>
        tpu.wait_indirect_dma semaphore(%arg36 : memref<!tpu.dma_semaphore, #tpu.memory_space<semaphore_mem>>) src(%arg21 : memref<1600xf32, #tpu.memory_space<vmem>>) dst(%dma_wait3A_304 : memref<100096xf32, #tpu.memory_space<vmem_shared>>)
      } else {
      }
      %ge3A_191 = arith.constant 2 : i32
      %ge3A_192 = arith.cmpi sge, %select_n3A, %ge3A_191 : i32
      %sub3A_193 = arith.constant 2 : i32
      %sub3A_194 = arith.subi %select_n3A, %sub3A_193 : i32
      %jit3A_195 = arith.constant 4 : i32
      %eq3A_196 = arith.constant 0 : i32
      %eq3A_197 = arith.cmpi eq, %jit3A_195, %eq3A_196 : i32
      %jit3A_198 = arith.constant 1 : i32
      %select_n3A_199 = arith.select %eq3A_197, %jit3A_198, %jit3A_195 : i32
      %rem3A_200 = arith.remsi %sub3A_194, %select_n3A_199 : i32
      %ne3A_201 = arith.constant 0 : i32
      %ne3A_202 = arith.cmpi ne, %rem3A_200, %ne3A_201 : i32
      %lt3A_203 = arith.constant 0 : i32
      %lt3A_204 = arith.cmpi slt, %rem3A_200, %lt3A_203 : i32
      %lt3A_205 = arith.constant 0 : i32
      %lt3A_206 = arith.cmpi slt, %select_n3A_199, %lt3A_205 : i32
      %ne3A_207 = arith.xori %lt3A_204, %lt3A_206 : i1
      %and3A_208 = arith.andi %ne3A_207, %ne3A_202 : i1
      %add3A_209 = arith.addi %rem3A_200, %select_n3A_199 : i32
      %select_n3A_210 = arith.select %and3A_208, %add3A_209, %rem3A_200 : i32
      %eq3A_211 = arith.constant 2 : i32
      %eq3A_212 = arith.cmpi eq, %select_n3A_210, %eq3A_211 : i32
      %and3A_213 = arith.andi %ge3A_192, %eq3A_212 : i1
      %convert_element_type3A_214 = arith.extui %and3A_213 : i1 to i32
      %cond3A_215 = arith.constant 0 : i32
      %cond3A_216 = arith.cmpi ne, %convert_element_type3A_214, %cond3A_215 : i32
      scf.if %cond3A_216 {
        %dma_wait3A = arith.constant 0 : i32
        %dma_wait3A_302 = tpu.memref_slice %arg22[%dma_wait3A] : memref<100096xf32, #tpu.memory_space<vmem_shared>> -> memref<100096xf32, #tpu.memory_space<vmem_shared>>
        tpu.wait_indirect_dma semaphore(%arg32 : memref<!tpu.dma_semaphore, #tpu.memory_space<semaphore_mem>>) src(%arg19 : memref<1600xf32, #tpu.memory_space<vmem>>) dst(%dma_wait3A_302 : memref<100096xf32, #tpu.memory_space<vmem_shared>>)
        %dma_wait3A_303 = arith.constant 0 : i32
        %dma_wait3A_304 = tpu.memref_slice %arg23[%dma_wait3A_303] : memref<100096xf32, #tpu.memory_space<vmem_shared>> -> memref<100096xf32, #tpu.memory_space<vmem_shared>>
        tpu.wait_indirect_dma semaphore(%arg36 : memref<!tpu.dma_semaphore, #tpu.memory_space<semaphore_mem>>) src(%arg21 : memref<1600xf32, #tpu.memory_space<vmem>>) dst(%dma_wait3A_304 : memref<100096xf32, #tpu.memory_space<vmem_shared>>)
      } else {
      }
      %ge3A_217 = arith.constant 1 : i32
      %ge3A_218 = arith.cmpi sge, %select_n3A, %ge3A_217 : i32
      %sub3A_219 = arith.constant 1 : i32
      %sub3A_220 = arith.subi %select_n3A, %sub3A_219 : i32
      %jit3A_221 = arith.constant 4 : i32
      %eq3A_222 = arith.constant 0 : i32
      %eq3A_223 = arith.cmpi eq, %jit3A_221, %eq3A_222 : i32
      %jit3A_224 = arith.constant 1 : i32
      %select_n3A_225 = arith.select %eq3A_223, %jit3A_224, %jit3A_221 : i32
      %rem3A_226 = arith.remsi %sub3A_220, %select_n3A_225 : i32
      %ne3A_227 = arith.constant 0 : i32
      %ne3A_228 = arith.cmpi ne, %rem3A_226, %ne3A_227 : i32
      %lt3A_229 = arith.constant 0 : i32
      %lt3A_230 = arith.cmpi slt, %rem3A_226, %lt3A_229 : i32
      %lt3A_231 = arith.constant 0 : i32
      %lt3A_232 = arith.cmpi slt, %select_n3A_225, %lt3A_231 : i32
      %ne3A_233 = arith.xori %lt3A_230, %lt3A_232 : i1
      %and3A_234 = arith.andi %ne3A_233, %ne3A_228 : i1
      %add3A_235 = arith.addi %rem3A_226, %select_n3A_225 : i32
      %select_n3A_236 = arith.select %and3A_234, %add3A_235, %rem3A_226 : i32
      %eq3A_237 = arith.constant 3 : i32
      %eq3A_238 = arith.cmpi eq, %select_n3A_236, %eq3A_237 : i32
      %and3A_239 = arith.andi %ge3A_218, %eq3A_238 : i1
      %convert_element_type3A_240 = arith.extui %and3A_239 : i1 to i32
      %cond3A_241 = arith.constant 0 : i32
      %cond3A_242 = arith.cmpi ne, %convert_element_type3A_240, %cond3A_241 : i32
      scf.if %cond3A_242 {
        %dma_wait3A = arith.constant 0 : i32
        %dma_wait3A_302 = tpu.memref_slice %arg22[%dma_wait3A] : memref<100096xf32, #tpu.memory_space<vmem_shared>> -> memref<100096xf32, #tpu.memory_space<vmem_shared>>
        tpu.wait_indirect_dma semaphore(%arg33 : memref<!tpu.dma_semaphore, #tpu.memory_space<semaphore_mem>>) src(%arg20 : memref<1600xf32, #tpu.memory_space<vmem>>) dst(%dma_wait3A_302 : memref<100096xf32, #tpu.memory_space<vmem_shared>>)
        %dma_wait3A_303 = arith.constant 0 : i32
        %dma_wait3A_304 = tpu.memref_slice %arg23[%dma_wait3A_303] : memref<100096xf32, #tpu.memory_space<vmem_shared>> -> memref<100096xf32, #tpu.memory_space<vmem_shared>>
        tpu.wait_indirect_dma semaphore(%arg37 : memref<!tpu.dma_semaphore, #tpu.memory_space<semaphore_mem>>) src(%arg21 : memref<1600xf32, #tpu.memory_space<vmem>>) dst(%dma_wait3A_304 : memref<100096xf32, #tpu.memory_space<vmem_shared>>)
      } else {
      }
      %ge3A_243 = arith.constant 2 : i32
      %ge3A_244 = arith.cmpi sge, %select_n3A, %ge3A_243 : i32
      %sub3A_245 = arith.constant 2 : i32
      %sub3A_246 = arith.subi %select_n3A, %sub3A_245 : i32
      %jit3A_247 = arith.constant 4 : i32
      %eq3A_248 = arith.constant 0 : i32
      %eq3A_249 = arith.cmpi eq, %jit3A_247, %eq3A_248 : i32
      %jit3A_250 = arith.constant 1 : i32
      %select_n3A_251 = arith.select %eq3A_249, %jit3A_250, %jit3A_247 : i32
      %rem3A_252 = arith.remsi %sub3A_246, %select_n3A_251 : i32
      %ne3A_253 = arith.constant 0 : i32
      %ne3A_254 = arith.cmpi ne, %rem3A_252, %ne3A_253 : i32
      %lt3A_255 = arith.constant 0 : i32
      %lt3A_256 = arith.cmpi slt, %rem3A_252, %lt3A_255 : i32
      %lt3A_257 = arith.constant 0 : i32
      %lt3A_258 = arith.cmpi slt, %select_n3A_251, %lt3A_257 : i32
      %ne3A_259 = arith.xori %lt3A_256, %lt3A_258 : i1
      %and3A_260 = arith.andi %ne3A_259, %ne3A_254 : i1
      %add3A_261 = arith.addi %rem3A_252, %select_n3A_251 : i32
      %select_n3A_262 = arith.select %and3A_260, %add3A_261, %rem3A_252 : i32
      %eq3A_263 = arith.constant 3 : i32
      %eq3A_264 = arith.cmpi eq, %select_n3A_262, %eq3A_263 : i32
      %and3A_265 = arith.andi %ge3A_244, %eq3A_264 : i1
      %convert_element_type3A_266 = arith.extui %and3A_265 : i1 to i32
      %cond3A_267 = arith.constant 0 : i32
      %cond3A_268 = arith.cmpi ne, %convert_element_type3A_266, %cond3A_267 : i32
      scf.if %cond3A_268 {
        %dma_wait3A = arith.constant 0 : i32
        %dma_wait3A_302 = tpu.memref_slice %arg22[%dma_wait3A] : memref<100096xf32, #tpu.memory_space<vmem_shared>> -> memref<100096xf32, #tpu.memory_space<vmem_shared>>
        tpu.wait_indirect_dma semaphore(%arg33 : memref<!tpu.dma_semaphore, #tpu.memory_space<semaphore_mem>>) src(%arg20 : memref<1600xf32, #tpu.memory_space<vmem>>) dst(%dma_wait3A_302 : memref<100096xf32, #tpu.memory_space<vmem_shared>>)
        %dma_wait3A_303 = arith.constant 0 : i32
        %dma_wait3A_304 = tpu.memref_slice %arg23[%dma_wait3A_303] : memref<100096xf32, #tpu.memory_space<vmem_shared>> -> memref<100096xf32, #tpu.memory_space<vmem_shared>>
        tpu.wait_indirect_dma semaphore(%arg37 : memref<!tpu.dma_semaphore, #tpu.memory_space<semaphore_mem>>) src(%arg21 : memref<1600xf32, #tpu.memory_space<vmem>>) dst(%dma_wait3A_304 : memref<100096xf32, #tpu.memory_space<vmem_shared>>)
      } else {
      }
      %barrier3A_269 = arith.constant 0 : index
      tpu.barrier barrier_id(%barrier3A_269)
      %add3A_270 = arith.constant 0 : i32
      %add3A_271 = arith.addi %mul3A_11, %add3A_270 : i32
      "tpu.region"() ({
        %run_scoped3A = tpu.sem_alloc : memref<!tpu.dma_semaphore, #tpu.memory_space<semaphore_mem>>
        %dma_start3A = arith.constant 0 : i32
        %dma_start3A_302 = tpu.memref_slice %arg17[%dma_start3A] : memref<1600xf32, #tpu.memory_space<vmem>> -> memref<1600xf32, #tpu.memory_space<vmem>>
        %dma_start3A_303 = tpu.memref_slice %arg22[%add3A_271] : memref<100096xf32, #tpu.memory_space<vmem_shared>> -> memref<1600xf32, #tpu.memory_space<vmem_shared>>
        %dma_start3A_304 = arith.constant 0 : i32
        %dma_start3A_305 = tpu.memref_slice %arg17[%dma_start3A_304] : memref<1600xf32, #tpu.memory_space<vmem>> -> memref<1600xf32, #tpu.memory_space<vmem>>
        %dma_start3A_306 = tpu.memref_slice %arg22[%add3A_271] : memref<100096xf32, #tpu.memory_space<vmem_shared>> -> memref<1600xf32, #tpu.memory_space<vmem_shared>>
        tpu.enqueue_dma source(%dma_start3A_306 : memref<1600xf32, #tpu.memory_space<vmem_shared>>) target(%dma_start3A_305 : memref<1600xf32, #tpu.memory_space<vmem>>) target_semaphore(%run_scoped3A : memref<!tpu.dma_semaphore, #tpu.memory_space<semaphore_mem>>)
        %dma_wait3A = arith.constant 0 : i32
        %dma_wait3A_307 = tpu.memref_slice %arg17[%dma_wait3A] : memref<1600xf32, #tpu.memory_space<vmem>> -> memref<1600xf32, #tpu.memory_space<vmem>>
        %dma_wait3A_308 = tpu.memref_slice %arg22[%add3A_271] : memref<100096xf32, #tpu.memory_space<vmem_shared>> -> memref<1600xf32, #tpu.memory_space<vmem_shared>>
        %dma_wait3A_309 = arith.constant 0 : i32
        %dma_wait3A_310 = tpu.memref_slice %arg17[%dma_wait3A_309] : memref<1600xf32, #tpu.memory_space<vmem>> -> memref<1600xf32, #tpu.memory_space<vmem>>
        %dma_wait3A_311 = tpu.memref_slice %arg22[%add3A_271] : memref<100096xf32, #tpu.memory_space<vmem_shared>> -> memref<1600xf32, #tpu.memory_space<vmem_shared>>
        tpu.wait_dma2 semaphore(%run_scoped3A : memref<!tpu.dma_semaphore, #tpu.memory_space<semaphore_mem>>) src(%dma_wait3A_311 : memref<1600xf32, #tpu.memory_space<vmem_shared>>) dst(%dma_wait3A_310 : memref<1600xf32, #tpu.memory_space<vmem>>)
        tpu.yield
      }) : () -> ()
      %add3A_272 = arith.constant 0 : i32
      %add3A_273 = arith.addi %mul3A_11, %add3A_272 : i32
      "tpu.region"() ({
        %run_scoped3A = tpu.sem_alloc : memref<!tpu.dma_semaphore, #tpu.memory_space<semaphore_mem>>
        %dma_start3A = arith.constant 0 : i32
        %dma_start3A_302 = tpu.memref_slice %arg17[%dma_start3A] : memref<1600xf32, #tpu.memory_space<vmem>> -> memref<1600xf32, #tpu.memory_space<vmem>>
        %dma_start3A_303 = tpu.memref_slice %arg8[%add3A_273] : memref<100096xf32, #tpu.memory_space<hbm>> -> memref<1600xf32, #tpu.memory_space<hbm>>
        %dma_start3A_304 = tpu.memref_slice %arg8[%add3A_273] : memref<100096xf32, #tpu.memory_space<hbm>> -> memref<1600xf32, #tpu.memory_space<hbm>>
        %dma_start3A_305 = arith.constant 0 : i32
        %dma_start3A_306 = tpu.memref_slice %arg17[%dma_start3A_305] : memref<1600xf32, #tpu.memory_space<vmem>> -> memref<1600xf32, #tpu.memory_space<vmem>>
        tpu.enqueue_dma source(%dma_start3A_306 : memref<1600xf32, #tpu.memory_space<vmem>>) target(%dma_start3A_304 : memref<1600xf32, #tpu.memory_space<hbm>>) target_semaphore(%run_scoped3A : memref<!tpu.dma_semaphore, #tpu.memory_space<semaphore_mem>>)
        %dma_wait3A = arith.constant 0 : i32
        %dma_wait3A_307 = tpu.memref_slice %arg17[%dma_wait3A] : memref<1600xf32, #tpu.memory_space<vmem>> -> memref<1600xf32, #tpu.memory_space<vmem>>
        %dma_wait3A_308 = tpu.memref_slice %arg8[%add3A_273] : memref<100096xf32, #tpu.memory_space<hbm>> -> memref<1600xf32, #tpu.memory_space<hbm>>
        %dma_wait3A_309 = tpu.memref_slice %arg8[%add3A_273] : memref<100096xf32, #tpu.memory_space<hbm>> -> memref<1600xf32, #tpu.memory_space<hbm>>
        %dma_wait3A_310 = arith.constant 0 : i32
        %dma_wait3A_311 = tpu.memref_slice %arg17[%dma_wait3A_310] : memref<1600xf32, #tpu.memory_space<vmem>> -> memref<1600xf32, #tpu.memory_space<vmem>>
        tpu.wait_dma2 semaphore(%run_scoped3A : memref<!tpu.dma_semaphore, #tpu.memory_space<semaphore_mem>>) src(%dma_wait3A_311 : memref<1600xf32, #tpu.memory_space<vmem>>) dst(%dma_wait3A_309 : memref<1600xf32, #tpu.memory_space<hbm>>)
        tpu.yield
      }) : () -> ()
      %add3A_274 = arith.constant 1600 : i32
      %add3A_275 = arith.addi %mul3A_11, %add3A_274 : i32
      "tpu.region"() ({
        %run_scoped3A = tpu.sem_alloc : memref<!tpu.dma_semaphore, #tpu.memory_space<semaphore_mem>>
        %dma_start3A = arith.constant 0 : i32
        %dma_start3A_302 = tpu.memref_slice %arg17[%dma_start3A] : memref<1600xf32, #tpu.memory_space<vmem>> -> memref<1600xf32, #tpu.memory_space<vmem>>
        %dma_start3A_303 = tpu.memref_slice %arg22[%add3A_275] : memref<100096xf32, #tpu.memory_space<vmem_shared>> -> memref<1600xf32, #tpu.memory_space<vmem_shared>>
        %dma_start3A_304 = arith.constant 0 : i32
        %dma_start3A_305 = tpu.memref_slice %arg17[%dma_start3A_304] : memref<1600xf32, #tpu.memory_space<vmem>> -> memref<1600xf32, #tpu.memory_space<vmem>>
        %dma_start3A_306 = tpu.memref_slice %arg22[%add3A_275] : memref<100096xf32, #tpu.memory_space<vmem_shared>> -> memref<1600xf32, #tpu.memory_space<vmem_shared>>
        tpu.enqueue_dma source(%dma_start3A_306 : memref<1600xf32, #tpu.memory_space<vmem_shared>>) target(%dma_start3A_305 : memref<1600xf32, #tpu.memory_space<vmem>>) target_semaphore(%run_scoped3A : memref<!tpu.dma_semaphore, #tpu.memory_space<semaphore_mem>>)
        %dma_wait3A = arith.constant 0 : i32
        %dma_wait3A_307 = tpu.memref_slice %arg17[%dma_wait3A] : memref<1600xf32, #tpu.memory_space<vmem>> -> memref<1600xf32, #tpu.memory_space<vmem>>
        %dma_wait3A_308 = tpu.memref_slice %arg22[%add3A_275] : memref<100096xf32, #tpu.memory_space<vmem_shared>> -> memref<1600xf32, #tpu.memory_space<vmem_shared>>
        %dma_wait3A_309 = arith.constant 0 : i32
        %dma_wait3A_310 = tpu.memref_slice %arg17[%dma_wait3A_309] : memref<1600xf32, #tpu.memory_space<vmem>> -> memref<1600xf32, #tpu.memory_space<vmem>>
        %dma_wait3A_311 = tpu.memref_slice %arg22[%add3A_275] : memref<100096xf32, #tpu.memory_space<vmem_shared>> -> memref<1600xf32, #tpu.memory_space<vmem_shared>>
        tpu.wait_dma2 semaphore(%run_scoped3A : memref<!tpu.dma_semaphore, #tpu.memory_space<semaphore_mem>>) src(%dma_wait3A_311 : memref<1600xf32, #tpu.memory_space<vmem_shared>>) dst(%dma_wait3A_310 : memref<1600xf32, #tpu.memory_space<vmem>>)
        tpu.yield
      }) : () -> ()
      %add3A_276 = arith.constant 1600 : i32
      %add3A_277 = arith.addi %mul3A_11, %add3A_276 : i32
      "tpu.region"() ({
        %run_scoped3A = tpu.sem_alloc : memref<!tpu.dma_semaphore, #tpu.memory_space<semaphore_mem>>
        %dma_start3A = arith.constant 0 : i32
        %dma_start3A_302 = tpu.memref_slice %arg17[%dma_start3A] : memref<1600xf32, #tpu.memory_space<vmem>> -> memref<1600xf32, #tpu.memory_space<vmem>>
        %dma_start3A_303 = tpu.memref_slice %arg8[%add3A_277] : memref<100096xf32, #tpu.memory_space<hbm>> -> memref<1600xf32, #tpu.memory_space<hbm>>
        %dma_start3A_304 = tpu.memref_slice %arg8[%add3A_277] : memref<100096xf32, #tpu.memory_space<hbm>> -> memref<1600xf32, #tpu.memory_space<hbm>>
        %dma_start3A_305 = arith.constant 0 : i32
        %dma_start3A_306 = tpu.memref_slice %arg17[%dma_start3A_305] : memref<1600xf32, #tpu.memory_space<vmem>> -> memref<1600xf32, #tpu.memory_space<vmem>>
        tpu.enqueue_dma source(%dma_start3A_306 : memref<1600xf32, #tpu.memory_space<vmem>>) target(%dma_start3A_304 : memref<1600xf32, #tpu.memory_space<hbm>>) target_semaphore(%run_scoped3A : memref<!tpu.dma_semaphore, #tpu.memory_space<semaphore_mem>>)
        %dma_wait3A = arith.constant 0 : i32
        %dma_wait3A_307 = tpu.memref_slice %arg17[%dma_wait3A] : memref<1600xf32, #tpu.memory_space<vmem>> -> memref<1600xf32, #tpu.memory_space<vmem>>
        %dma_wait3A_308 = tpu.memref_slice %arg8[%add3A_277] : memref<100096xf32, #tpu.memory_space<hbm>> -> memref<1600xf32, #tpu.memory_space<hbm>>
        %dma_wait3A_309 = tpu.memref_slice %arg8[%add3A_277] : memref<100096xf32, #tpu.memory_space<hbm>> -> memref<1600xf32, #tpu.memory_space<hbm>>
        %dma_wait3A_310 = arith.constant 0 : i32
        %dma_wait3A_311 = tpu.memref_slice %arg17[%dma_wait3A_310] : memref<1600xf32, #tpu.memory_space<vmem>> -> memref<1600xf32, #tpu.memory_space<vmem>>
        tpu.wait_dma2 semaphore(%run_scoped3A : memref<!tpu.dma_semaphore, #tpu.memory_space<semaphore_mem>>) src(%dma_wait3A_311 : memref<1600xf32, #tpu.memory_space<vmem>>) dst(%dma_wait3A_309 : memref<1600xf32, #tpu.memory_space<hbm>>)
        tpu.yield
      }) : () -> ()
      %add3A_278 = arith.constant 3200 : i32
      %add3A_279 = arith.addi %mul3A_11, %add3A_278 : i32
      "tpu.region"() ({
        %run_scoped3A = tpu.sem_alloc : memref<!tpu.dma_semaphore, #tpu.memory_space<semaphore_mem>>
        %dma_start3A = arith.constant 0 : i32
        %dma_start3A_302 = tpu.memref_slice %arg17[%dma_start3A] : memref<1600xf32, #tpu.memory_space<vmem>> -> memref<1600xf32, #tpu.memory_space<vmem>>
        %dma_start3A_303 = tpu.memref_slice %arg22[%add3A_279] : memref<100096xf32, #tpu.memory_space<vmem_shared>> -> memref<1600xf32, #tpu.memory_space<vmem_shared>>
        %dma_start3A_304 = arith.constant 0 : i32
        %dma_start3A_305 = tpu.memref_slice %arg17[%dma_start3A_304] : memref<1600xf32, #tpu.memory_space<vmem>> -> memref<1600xf32, #tpu.memory_space<vmem>>
        %dma_start3A_306 = tpu.memref_slice %arg22[%add3A_279] : memref<100096xf32, #tpu.memory_space<vmem_shared>> -> memref<1600xf32, #tpu.memory_space<vmem_shared>>
        tpu.enqueue_dma source(%dma_start3A_306 : memref<1600xf32, #tpu.memory_space<vmem_shared>>) target(%dma_start3A_305 : memref<1600xf32, #tpu.memory_space<vmem>>) target_semaphore(%run_scoped3A : memref<!tpu.dma_semaphore, #tpu.memory_space<semaphore_mem>>)
        %dma_wait3A = arith.constant 0 : i32
        %dma_wait3A_307 = tpu.memref_slice %arg17[%dma_wait3A] : memref<1600xf32, #tpu.memory_space<vmem>> -> memref<1600xf32, #tpu.memory_space<vmem>>
        %dma_wait3A_308 = tpu.memref_slice %arg22[%add3A_279] : memref<100096xf32, #tpu.memory_space<vmem_shared>> -> memref<1600xf32, #tpu.memory_space<vmem_shared>>
        %dma_wait3A_309 = arith.constant 0 : i32
        %dma_wait3A_310 = tpu.memref_slice %arg17[%dma_wait3A_309] : memref<1600xf32, #tpu.memory_space<vmem>> -> memref<1600xf32, #tpu.memory_space<vmem>>
        %dma_wait3A_311 = tpu.memref_slice %arg22[%add3A_279] : memref<100096xf32, #tpu.memory_space<vmem_shared>> -> memref<1600xf32, #tpu.memory_space<vmem_shared>>
        tpu.wait_dma2 semaphore(%run_scoped3A : memref<!tpu.dma_semaphore, #tpu.memory_space<semaphore_mem>>) src(%dma_wait3A_311 : memref<1600xf32, #tpu.memory_space<vmem_shared>>) dst(%dma_wait3A_310 : memref<1600xf32, #tpu.memory_space<vmem>>)
        tpu.yield
      }) : () -> ()
      %add3A_280 = arith.constant 3200 : i32
      %add3A_281 = arith.addi %mul3A_11, %add3A_280 : i32
      "tpu.region"() ({
        %run_scoped3A = tpu.sem_alloc : memref<!tpu.dma_semaphore, #tpu.memory_space<semaphore_mem>>
        %dma_start3A = arith.constant 0 : i32
        %dma_start3A_302 = tpu.memref_slice %arg17[%dma_start3A] : memref<1600xf32, #tpu.memory_space<vmem>> -> memref<1600xf32, #tpu.memory_space<vmem>>
        %dma_start3A_303 = tpu.memref_slice %arg8[%add3A_281] : memref<100096xf32, #tpu.memory_space<hbm>> -> memref<1600xf32, #tpu.memory_space<hbm>>
        %dma_start3A_304 = tpu.memref_slice %arg8[%add3A_281] : memref<100096xf32, #tpu.memory_space<hbm>> -> memref<1600xf32, #tpu.memory_space<hbm>>
        %dma_start3A_305 = arith.constant 0 : i32
        %dma_start3A_306 = tpu.memref_slice %arg17[%dma_start3A_305] : memref<1600xf32, #tpu.memory_space<vmem>> -> memref<1600xf32, #tpu.memory_space<vmem>>
        tpu.enqueue_dma source(%dma_start3A_306 : memref<1600xf32, #tpu.memory_space<vmem>>) target(%dma_start3A_304 : memref<1600xf32, #tpu.memory_space<hbm>>) target_semaphore(%run_scoped3A : memref<!tpu.dma_semaphore, #tpu.memory_space<semaphore_mem>>)
        %dma_wait3A = arith.constant 0 : i32
        %dma_wait3A_307 = tpu.memref_slice %arg17[%dma_wait3A] : memref<1600xf32, #tpu.memory_space<vmem>> -> memref<1600xf32, #tpu.memory_space<vmem>>
        %dma_wait3A_308 = tpu.memref_slice %arg8[%add3A_281] : memref<100096xf32, #tpu.memory_space<hbm>> -> memref<1600xf32, #tpu.memory_space<hbm>>
        %dma_wait3A_309 = tpu.memref_slice %arg8[%add3A_281] : memref<100096xf32, #tpu.memory_space<hbm>> -> memref<1600xf32, #tpu.memory_space<hbm>>
        %dma_wait3A_310 = arith.constant 0 : i32
        %dma_wait3A_311 = tpu.memref_slice %arg17[%dma_wait3A_310] : memref<1600xf32, #tpu.memory_space<vmem>> -> memref<1600xf32, #tpu.memory_space<vmem>>
        tpu.wait_dma2 semaphore(%run_scoped3A : memref<!tpu.dma_semaphore, #tpu.memory_space<semaphore_mem>>) src(%dma_wait3A_311 : memref<1600xf32, #tpu.memory_space<vmem>>) dst(%dma_wait3A_309 : memref<1600xf32, #tpu.memory_space<hbm>>)
        tpu.yield
      }) : () -> ()
      %add3A_282 = arith.constant 4800 : i32
      %add3A_283 = arith.addi %mul3A_11, %add3A_282 : i32
      "tpu.region"() ({
        %run_scoped3A = tpu.sem_alloc : memref<!tpu.dma_semaphore, #tpu.memory_space<semaphore_mem>>
        %dma_start3A = arith.constant 0 : i32
        %dma_start3A_302 = tpu.memref_slice %arg17[%dma_start3A] : memref<1600xf32, #tpu.memory_space<vmem>> -> memref<1456xf32, #tpu.memory_space<vmem>>
        %dma_start3A_303 = tpu.memref_slice %arg22[%add3A_283] : memref<100096xf32, #tpu.memory_space<vmem_shared>> -> memref<1456xf32, #tpu.memory_space<vmem_shared>>
        %dma_start3A_304 = arith.constant 0 : i32
        %dma_start3A_305 = tpu.memref_slice %arg17[%dma_start3A_304] : memref<1600xf32, #tpu.memory_space<vmem>> -> memref<1456xf32, #tpu.memory_space<vmem>>
        %dma_start3A_306 = tpu.memref_slice %arg22[%add3A_283] : memref<100096xf32, #tpu.memory_space<vmem_shared>> -> memref<1456xf32, #tpu.memory_space<vmem_shared>>
        tpu.enqueue_dma source(%dma_start3A_306 : memref<1456xf32, #tpu.memory_space<vmem_shared>>) target(%dma_start3A_305 : memref<1456xf32, #tpu.memory_space<vmem>>) target_semaphore(%run_scoped3A : memref<!tpu.dma_semaphore, #tpu.memory_space<semaphore_mem>>)
        %dma_wait3A = arith.constant 0 : i32
        %dma_wait3A_307 = tpu.memref_slice %arg17[%dma_wait3A] : memref<1600xf32, #tpu.memory_space<vmem>> -> memref<1456xf32, #tpu.memory_space<vmem>>
        %dma_wait3A_308 = tpu.memref_slice %arg22[%add3A_283] : memref<100096xf32, #tpu.memory_space<vmem_shared>> -> memref<1456xf32, #tpu.memory_space<vmem_shared>>
        %dma_wait3A_309 = arith.constant 0 : i32
        %dma_wait3A_310 = tpu.memref_slice %arg17[%dma_wait3A_309] : memref<1600xf32, #tpu.memory_space<vmem>> -> memref<1456xf32, #tpu.memory_space<vmem>>
        %dma_wait3A_311 = tpu.memref_slice %arg22[%add3A_283] : memref<100096xf32, #tpu.memory_space<vmem_shared>> -> memref<1456xf32, #tpu.memory_space<vmem_shared>>
        tpu.wait_dma2 semaphore(%run_scoped3A : memref<!tpu.dma_semaphore, #tpu.memory_space<semaphore_mem>>) src(%dma_wait3A_311 : memref<1456xf32, #tpu.memory_space<vmem_shared>>) dst(%dma_wait3A_310 : memref<1456xf32, #tpu.memory_space<vmem>>)
        tpu.yield
      }) : () -> ()
      %add3A_284 = arith.constant 4800 : i32
      %add3A_285 = arith.addi %mul3A_11, %add3A_284 : i32
      "tpu.region"() ({
        %run_scoped3A = tpu.sem_alloc : memref<!tpu.dma_semaphore, #tpu.memory_space<semaphore_mem>>
        %dma_start3A = arith.constant 0 : i32
        %dma_start3A_302 = tpu.memref_slice %arg17[%dma_start3A] : memref<1600xf32, #tpu.memory_space<vmem>> -> memref<1456xf32, #tpu.memory_space<vmem>>
        %dma_start3A_303 = tpu.memref_slice %arg8[%add3A_285] : memref<100096xf32, #tpu.memory_space<hbm>> -> memref<1456xf32, #tpu.memory_space<hbm>>
        %dma_start3A_304 = tpu.memref_slice %arg8[%add3A_285] : memref<100096xf32, #tpu.memory_space<hbm>> -> memref<1456xf32, #tpu.memory_space<hbm>>
        %dma_start3A_305 = arith.constant 0 : i32
        %dma_start3A_306 = tpu.memref_slice %arg17[%dma_start3A_305] : memref<1600xf32, #tpu.memory_space<vmem>> -> memref<1456xf32, #tpu.memory_space<vmem>>
        tpu.enqueue_dma source(%dma_start3A_306 : memref<1456xf32, #tpu.memory_space<vmem>>) target(%dma_start3A_304 : memref<1456xf32, #tpu.memory_space<hbm>>) target_semaphore(%run_scoped3A : memref<!tpu.dma_semaphore, #tpu.memory_space<semaphore_mem>>)
        %dma_wait3A = arith.constant 0 : i32
        %dma_wait3A_307 = tpu.memref_slice %arg17[%dma_wait3A] : memref<1600xf32, #tpu.memory_space<vmem>> -> memref<1456xf32, #tpu.memory_space<vmem>>
        %dma_wait3A_308 = tpu.memref_slice %arg8[%add3A_285] : memref<100096xf32, #tpu.memory_space<hbm>> -> memref<1456xf32, #tpu.memory_space<hbm>>
        %dma_wait3A_309 = tpu.memref_slice %arg8[%add3A_285] : memref<100096xf32, #tpu.memory_space<hbm>> -> memref<1456xf32, #tpu.memory_space<hbm>>
        %dma_wait3A_310 = arith.constant 0 : i32
        %dma_wait3A_311 = tpu.memref_slice %arg17[%dma_wait3A_310] : memref<1600xf32, #tpu.memory_space<vmem>> -> memref<1456xf32, #tpu.memory_space<vmem>>
        tpu.wait_dma2 semaphore(%run_scoped3A : memref<!tpu.dma_semaphore, #tpu.memory_space<semaphore_mem>>) src(%dma_wait3A_311 : memref<1456xf32, #tpu.memory_space<vmem>>) dst(%dma_wait3A_309 : memref<1456xf32, #tpu.memory_space<hbm>>)
        tpu.yield
      }) : () -> ()
      %add3A_286 = arith.constant 0 : i32
      %add3A_287 = arith.addi %mul3A_11, %add3A_286 : i32
      "tpu.region"() ({
        %run_scoped3A = tpu.sem_alloc : memref<!tpu.dma_semaphore, #tpu.memory_space<semaphore_mem>>
        %dma_start3A = arith.constant 0 : i32
        %dma_start3A_302 = tpu.memref_slice %arg17[%dma_start3A] : memref<1600xf32, #tpu.memory_space<vmem>> -> memref<1600xf32, #tpu.memory_space<vmem>>
        %dma_start3A_303 = tpu.memref_slice %arg23[%add3A_287] : memref<100096xf32, #tpu.memory_space<vmem_shared>> -> memref<1600xf32, #tpu.memory_space<vmem_shared>>
        %dma_start3A_304 = arith.constant 0 : i32
        %dma_start3A_305 = tpu.memref_slice %arg17[%dma_start3A_304] : memref<1600xf32, #tpu.memory_space<vmem>> -> memref<1600xf32, #tpu.memory_space<vmem>>
        %dma_start3A_306 = tpu.memref_slice %arg23[%add3A_287] : memref<100096xf32, #tpu.memory_space<vmem_shared>> -> memref<1600xf32, #tpu.memory_space<vmem_shared>>
        tpu.enqueue_dma source(%dma_start3A_306 : memref<1600xf32, #tpu.memory_space<vmem_shared>>) target(%dma_start3A_305 : memref<1600xf32, #tpu.memory_space<vmem>>) target_semaphore(%run_scoped3A : memref<!tpu.dma_semaphore, #tpu.memory_space<semaphore_mem>>)
        %dma_wait3A = arith.constant 0 : i32
        %dma_wait3A_307 = tpu.memref_slice %arg17[%dma_wait3A] : memref<1600xf32, #tpu.memory_space<vmem>> -> memref<1600xf32, #tpu.memory_space<vmem>>
        %dma_wait3A_308 = tpu.memref_slice %arg23[%add3A_287] : memref<100096xf32, #tpu.memory_space<vmem_shared>> -> memref<1600xf32, #tpu.memory_space<vmem_shared>>
        %dma_wait3A_309 = arith.constant 0 : i32
        %dma_wait3A_310 = tpu.memref_slice %arg17[%dma_wait3A_309] : memref<1600xf32, #tpu.memory_space<vmem>> -> memref<1600xf32, #tpu.memory_space<vmem>>
        %dma_wait3A_311 = tpu.memref_slice %arg23[%add3A_287] : memref<100096xf32, #tpu.memory_space<vmem_shared>> -> memref<1600xf32, #tpu.memory_space<vmem_shared>>
        tpu.wait_dma2 semaphore(%run_scoped3A : memref<!tpu.dma_semaphore, #tpu.memory_space<semaphore_mem>>) src(%dma_wait3A_311 : memref<1600xf32, #tpu.memory_space<vmem_shared>>) dst(%dma_wait3A_310 : memref<1600xf32, #tpu.memory_space<vmem>>)
        tpu.yield
      }) : () -> ()
      %add3A_288 = arith.constant 0 : i32
      %add3A_289 = arith.addi %mul3A_11, %add3A_288 : i32
      "tpu.region"() ({
        %run_scoped3A = tpu.sem_alloc : memref<!tpu.dma_semaphore, #tpu.memory_space<semaphore_mem>>
        %dma_start3A = arith.constant 0 : i32
        %dma_start3A_302 = tpu.memref_slice %arg17[%dma_start3A] : memref<1600xf32, #tpu.memory_space<vmem>> -> memref<1600xf32, #tpu.memory_space<vmem>>
        %dma_start3A_303 = tpu.memref_slice %arg9[%add3A_289] : memref<100096xf32, #tpu.memory_space<hbm>> -> memref<1600xf32, #tpu.memory_space<hbm>>
        %dma_start3A_304 = tpu.memref_slice %arg9[%add3A_289] : memref<100096xf32, #tpu.memory_space<hbm>> -> memref<1600xf32, #tpu.memory_space<hbm>>
        %dma_start3A_305 = arith.constant 0 : i32
        %dma_start3A_306 = tpu.memref_slice %arg17[%dma_start3A_305] : memref<1600xf32, #tpu.memory_space<vmem>> -> memref<1600xf32, #tpu.memory_space<vmem>>
        tpu.enqueue_dma source(%dma_start3A_306 : memref<1600xf32, #tpu.memory_space<vmem>>) target(%dma_start3A_304 : memref<1600xf32, #tpu.memory_space<hbm>>) target_semaphore(%run_scoped3A : memref<!tpu.dma_semaphore, #tpu.memory_space<semaphore_mem>>)
        %dma_wait3A = arith.constant 0 : i32
        %dma_wait3A_307 = tpu.memref_slice %arg17[%dma_wait3A] : memref<1600xf32, #tpu.memory_space<vmem>> -> memref<1600xf32, #tpu.memory_space<vmem>>
        %dma_wait3A_308 = tpu.memref_slice %arg9[%add3A_289] : memref<100096xf32, #tpu.memory_space<hbm>> -> memref<1600xf32, #tpu.memory_space<hbm>>
        %dma_wait3A_309 = tpu.memref_slice %arg9[%add3A_289] : memref<100096xf32, #tpu.memory_space<hbm>> -> memref<1600xf32, #tpu.memory_space<hbm>>
        %dma_wait3A_310 = arith.constant 0 : i32
        %dma_wait3A_311 = tpu.memref_slice %arg17[%dma_wait3A_310] : memref<1600xf32, #tpu.memory_space<vmem>> -> memref<1600xf32, #tpu.memory_space<vmem>>
        tpu.wait_dma2 semaphore(%run_scoped3A : memref<!tpu.dma_semaphore, #tpu.memory_space<semaphore_mem>>) src(%dma_wait3A_311 : memref<1600xf32, #tpu.memory_space<vmem>>) dst(%dma_wait3A_309 : memref<1600xf32, #tpu.memory_space<hbm>>)
        tpu.yield
      }) : () -> ()
      %add3A_290 = arith.constant 1600 : i32
      %add3A_291 = arith.addi %mul3A_11, %add3A_290 : i32
      "tpu.region"() ({
        %run_scoped3A = tpu.sem_alloc : memref<!tpu.dma_semaphore, #tpu.memory_space<semaphore_mem>>
        %dma_start3A = arith.constant 0 : i32
        %dma_start3A_302 = tpu.memref_slice %arg17[%dma_start3A] : memref<1600xf32, #tpu.memory_space<vmem>> -> memref<1600xf32, #tpu.memory_space<vmem>>
        %dma_start3A_303 = tpu.memref_slice %arg23[%add3A_291] : memref<100096xf32, #tpu.memory_space<vmem_shared>> -> memref<1600xf32, #tpu.memory_space<vmem_shared>>
        %dma_start3A_304 = arith.constant 0 : i32
        %dma_start3A_305 = tpu.memref_slice %arg17[%dma_start3A_304] : memref<1600xf32, #tpu.memory_space<vmem>> -> memref<1600xf32, #tpu.memory_space<vmem>>
        %dma_start3A_306 = tpu.memref_slice %arg23[%add3A_291] : memref<100096xf32, #tpu.memory_space<vmem_shared>> -> memref<1600xf32, #tpu.memory_space<vmem_shared>>
        tpu.enqueue_dma source(%dma_start3A_306 : memref<1600xf32, #tpu.memory_space<vmem_shared>>) target(%dma_start3A_305 : memref<1600xf32, #tpu.memory_space<vmem>>) target_semaphore(%run_scoped3A : memref<!tpu.dma_semaphore, #tpu.memory_space<semaphore_mem>>)
        %dma_wait3A = arith.constant 0 : i32
        %dma_wait3A_307 = tpu.memref_slice %arg17[%dma_wait3A] : memref<1600xf32, #tpu.memory_space<vmem>> -> memref<1600xf32, #tpu.memory_space<vmem>>
        %dma_wait3A_308 = tpu.memref_slice %arg23[%add3A_291] : memref<100096xf32, #tpu.memory_space<vmem_shared>> -> memref<1600xf32, #tpu.memory_space<vmem_shared>>
        %dma_wait3A_309 = arith.constant 0 : i32
        %dma_wait3A_310 = tpu.memref_slice %arg17[%dma_wait3A_309] : memref<1600xf32, #tpu.memory_space<vmem>> -> memref<1600xf32, #tpu.memory_space<vmem>>
        %dma_wait3A_311 = tpu.memref_slice %arg23[%add3A_291] : memref<100096xf32, #tpu.memory_space<vmem_shared>> -> memref<1600xf32, #tpu.memory_space<vmem_shared>>
        tpu.wait_dma2 semaphore(%run_scoped3A : memref<!tpu.dma_semaphore, #tpu.memory_space<semaphore_mem>>) src(%dma_wait3A_311 : memref<1600xf32, #tpu.memory_space<vmem_shared>>) dst(%dma_wait3A_310 : memref<1600xf32, #tpu.memory_space<vmem>>)
        tpu.yield
      }) : () -> ()
      %add3A_292 = arith.constant 1600 : i32
      %add3A_293 = arith.addi %mul3A_11, %add3A_292 : i32
      "tpu.region"() ({
        %run_scoped3A = tpu.sem_alloc : memref<!tpu.dma_semaphore, #tpu.memory_space<semaphore_mem>>
        %dma_start3A = arith.constant 0 : i32
        %dma_start3A_302 = tpu.memref_slice %arg17[%dma_start3A] : memref<1600xf32, #tpu.memory_space<vmem>> -> memref<1600xf32, #tpu.memory_space<vmem>>
        %dma_start3A_303 = tpu.memref_slice %arg9[%add3A_293] : memref<100096xf32, #tpu.memory_space<hbm>> -> memref<1600xf32, #tpu.memory_space<hbm>>
        %dma_start3A_304 = tpu.memref_slice %arg9[%add3A_293] : memref<100096xf32, #tpu.memory_space<hbm>> -> memref<1600xf32, #tpu.memory_space<hbm>>
        %dma_start3A_305 = arith.constant 0 : i32
        %dma_start3A_306 = tpu.memref_slice %arg17[%dma_start3A_305] : memref<1600xf32, #tpu.memory_space<vmem>> -> memref<1600xf32, #tpu.memory_space<vmem>>
        tpu.enqueue_dma source(%dma_start3A_306 : memref<1600xf32, #tpu.memory_space<vmem>>) target(%dma_start3A_304 : memref<1600xf32, #tpu.memory_space<hbm>>) target_semaphore(%run_scoped3A : memref<!tpu.dma_semaphore, #tpu.memory_space<semaphore_mem>>)
        %dma_wait3A = arith.constant 0 : i32
        %dma_wait3A_307 = tpu.memref_slice %arg17[%dma_wait3A] : memref<1600xf32, #tpu.memory_space<vmem>> -> memref<1600xf32, #tpu.memory_space<vmem>>
        %dma_wait3A_308 = tpu.memref_slice %arg9[%add3A_293] : memref<100096xf32, #tpu.memory_space<hbm>> -> memref<1600xf32, #tpu.memory_space<hbm>>
        %dma_wait3A_309 = tpu.memref_slice %arg9[%add3A_293] : memref<100096xf32, #tpu.memory_space<hbm>> -> memref<1600xf32, #tpu.memory_space<hbm>>
        %dma_wait3A_310 = arith.constant 0 : i32
        %dma_wait3A_311 = tpu.memref_slice %arg17[%dma_wait3A_310] : memref<1600xf32, #tpu.memory_space<vmem>> -> memref<1600xf32, #tpu.memory_space<vmem>>
        tpu.wait_dma2 semaphore(%run_scoped3A : memref<!tpu.dma_semaphore, #tpu.memory_space<semaphore_mem>>) src(%dma_wait3A_311 : memref<1600xf32, #tpu.memory_space<vmem>>) dst(%dma_wait3A_309 : memref<1600xf32, #tpu.memory_space<hbm>>)
        tpu.yield
      }) : () -> ()
      %add3A_294 = arith.constant 3200 : i32
      %add3A_295 = arith.addi %mul3A_11, %add3A_294 : i32
      "tpu.region"() ({
        %run_scoped3A = tpu.sem_alloc : memref<!tpu.dma_semaphore, #tpu.memory_space<semaphore_mem>>
        %dma_start3A = arith.constant 0 : i32
        %dma_start3A_302 = tpu.memref_slice %arg17[%dma_start3A] : memref<1600xf32, #tpu.memory_space<vmem>> -> memref<1600xf32, #tpu.memory_space<vmem>>
        %dma_start3A_303 = tpu.memref_slice %arg23[%add3A_295] : memref<100096xf32, #tpu.memory_space<vmem_shared>> -> memref<1600xf32, #tpu.memory_space<vmem_shared>>
        %dma_start3A_304 = arith.constant 0 : i32
        %dma_start3A_305 = tpu.memref_slice %arg17[%dma_start3A_304] : memref<1600xf32, #tpu.memory_space<vmem>> -> memref<1600xf32, #tpu.memory_space<vmem>>
        %dma_start3A_306 = tpu.memref_slice %arg23[%add3A_295] : memref<100096xf32, #tpu.memory_space<vmem_shared>> -> memref<1600xf32, #tpu.memory_space<vmem_shared>>
        tpu.enqueue_dma source(%dma_start3A_306 : memref<1600xf32, #tpu.memory_space<vmem_shared>>) target(%dma_start3A_305 : memref<1600xf32, #tpu.memory_space<vmem>>) target_semaphore(%run_scoped3A : memref<!tpu.dma_semaphore, #tpu.memory_space<semaphore_mem>>)
        %dma_wait3A = arith.constant 0 : i32
        %dma_wait3A_307 = tpu.memref_slice %arg17[%dma_wait3A] : memref<1600xf32, #tpu.memory_space<vmem>> -> memref<1600xf32, #tpu.memory_space<vmem>>
        %dma_wait3A_308 = tpu.memref_slice %arg23[%add3A_295] : memref<100096xf32, #tpu.memory_space<vmem_shared>> -> memref<1600xf32, #tpu.memory_space<vmem_shared>>
        %dma_wait3A_309 = arith.constant 0 : i32
        %dma_wait3A_310 = tpu.memref_slice %arg17[%dma_wait3A_309] : memref<1600xf32, #tpu.memory_space<vmem>> -> memref<1600xf32, #tpu.memory_space<vmem>>
        %dma_wait3A_311 = tpu.memref_slice %arg23[%add3A_295] : memref<100096xf32, #tpu.memory_space<vmem_shared>> -> memref<1600xf32, #tpu.memory_space<vmem_shared>>
        tpu.wait_dma2 semaphore(%run_scoped3A : memref<!tpu.dma_semaphore, #tpu.memory_space<semaphore_mem>>) src(%dma_wait3A_311 : memref<1600xf32, #tpu.memory_space<vmem_shared>>) dst(%dma_wait3A_310 : memref<1600xf32, #tpu.memory_space<vmem>>)
        tpu.yield
      }) : () -> ()
      %add3A_296 = arith.constant 3200 : i32
      %add3A_297 = arith.addi %mul3A_11, %add3A_296 : i32
      "tpu.region"() ({
        %run_scoped3A = tpu.sem_alloc : memref<!tpu.dma_semaphore, #tpu.memory_space<semaphore_mem>>
        %dma_start3A = arith.constant 0 : i32
        %dma_start3A_302 = tpu.memref_slice %arg17[%dma_start3A] : memref<1600xf32, #tpu.memory_space<vmem>> -> memref<1600xf32, #tpu.memory_space<vmem>>
        %dma_start3A_303 = tpu.memref_slice %arg9[%add3A_297] : memref<100096xf32, #tpu.memory_space<hbm>> -> memref<1600xf32, #tpu.memory_space<hbm>>
        %dma_start3A_304 = tpu.memref_slice %arg9[%add3A_297] : memref<100096xf32, #tpu.memory_space<hbm>> -> memref<1600xf32, #tpu.memory_space<hbm>>
        %dma_start3A_305 = arith.constant 0 : i32
        %dma_start3A_306 = tpu.memref_slice %arg17[%dma_start3A_305] : memref<1600xf32, #tpu.memory_space<vmem>> -> memref<1600xf32, #tpu.memory_space<vmem>>
        tpu.enqueue_dma source(%dma_start3A_306 : memref<1600xf32, #tpu.memory_space<vmem>>) target(%dma_start3A_304 : memref<1600xf32, #tpu.memory_space<hbm>>) target_semaphore(%run_scoped3A : memref<!tpu.dma_semaphore, #tpu.memory_space<semaphore_mem>>)
        %dma_wait3A = arith.constant 0 : i32
        %dma_wait3A_307 = tpu.memref_slice %arg17[%dma_wait3A] : memref<1600xf32, #tpu.memory_space<vmem>> -> memref<1600xf32, #tpu.memory_space<vmem>>
        %dma_wait3A_308 = tpu.memref_slice %arg9[%add3A_297] : memref<100096xf32, #tpu.memory_space<hbm>> -> memref<1600xf32, #tpu.memory_space<hbm>>
        %dma_wait3A_309 = tpu.memref_slice %arg9[%add3A_297] : memref<100096xf32, #tpu.memory_space<hbm>> -> memref<1600xf32, #tpu.memory_space<hbm>>
        %dma_wait3A_310 = arith.constant 0 : i32
        %dma_wait3A_311 = tpu.memref_slice %arg17[%dma_wait3A_310] : memref<1600xf32, #tpu.memory_space<vmem>> -> memref<1600xf32, #tpu.memory_space<vmem>>
        tpu.wait_dma2 semaphore(%run_scoped3A : memref<!tpu.dma_semaphore, #tpu.memory_space<semaphore_mem>>) src(%dma_wait3A_311 : memref<1600xf32, #tpu.memory_space<vmem>>) dst(%dma_wait3A_309 : memref<1600xf32, #tpu.memory_space<hbm>>)
        tpu.yield
      }) : () -> ()
      %add3A_298 = arith.constant 4800 : i32
      %add3A_299 = arith.addi %mul3A_11, %add3A_298 : i32
      "tpu.region"() ({
        %run_scoped3A = tpu.sem_alloc : memref<!tpu.dma_semaphore, #tpu.memory_space<semaphore_mem>>
        %dma_start3A = arith.constant 0 : i32
        %dma_start3A_302 = tpu.memref_slice %arg17[%dma_start3A] : memref<1600xf32, #tpu.memory_space<vmem>> -> memref<1456xf32, #tpu.memory_space<vmem>>
        %dma_start3A_303 = tpu.memref_slice %arg23[%add3A_299] : memref<100096xf32, #tpu.memory_space<vmem_shared>> -> memref<1456xf32, #tpu.memory_space<vmem_shared>>
        %dma_start3A_304 = arith.constant 0 : i32
        %dma_start3A_305 = tpu.memref_slice %arg17[%dma_start3A_304] : memref<1600xf32, #tpu.memory_space<vmem>> -> memref<1456xf32, #tpu.memory_space<vmem>>
        %dma_start3A_306 = tpu.memref_slice %arg23[%add3A_299] : memref<100096xf32, #tpu.memory_space<vmem_shared>> -> memref<1456xf32, #tpu.memory_space<vmem_shared>>
        tpu.enqueue_dma source(%dma_start3A_306 : memref<1456xf32, #tpu.memory_space<vmem_shared>>) target(%dma_start3A_305 : memref<1456xf32, #tpu.memory_space<vmem>>) target_semaphore(%run_scoped3A : memref<!tpu.dma_semaphore, #tpu.memory_space<semaphore_mem>>)
        %dma_wait3A = arith.constant 0 : i32
        %dma_wait3A_307 = tpu.memref_slice %arg17[%dma_wait3A] : memref<1600xf32, #tpu.memory_space<vmem>> -> memref<1456xf32, #tpu.memory_space<vmem>>
        %dma_wait3A_308 = tpu.memref_slice %arg23[%add3A_299] : memref<100096xf32, #tpu.memory_space<vmem_shared>> -> memref<1456xf32, #tpu.memory_space<vmem_shared>>
        %dma_wait3A_309 = arith.constant 0 : i32
        %dma_wait3A_310 = tpu.memref_slice %arg17[%dma_wait3A_309] : memref<1600xf32, #tpu.memory_space<vmem>> -> memref<1456xf32, #tpu.memory_space<vmem>>
        %dma_wait3A_311 = tpu.memref_slice %arg23[%add3A_299] : memref<100096xf32, #tpu.memory_space<vmem_shared>> -> memref<1456xf32, #tpu.memory_space<vmem_shared>>
        tpu.wait_dma2 semaphore(%run_scoped3A : memref<!tpu.dma_semaphore, #tpu.memory_space<semaphore_mem>>) src(%dma_wait3A_311 : memref<1456xf32, #tpu.memory_space<vmem_shared>>) dst(%dma_wait3A_310 : memref<1456xf32, #tpu.memory_space<vmem>>)
        tpu.yield
      }) : () -> ()
      %add3A_300 = arith.constant 4800 : i32
      %add3A_301 = arith.addi %mul3A_11, %add3A_300 : i32
      "tpu.region"() ({
        %run_scoped3A = tpu.sem_alloc : memref<!tpu.dma_semaphore, #tpu.memory_space<semaphore_mem>>
        %dma_start3A = arith.constant 0 : i32
        %dma_start3A_302 = tpu.memref_slice %arg17[%dma_start3A] : memref<1600xf32, #tpu.memory_space<vmem>> -> memref<1456xf32, #tpu.memory_space<vmem>>
        %dma_start3A_303 = tpu.memref_slice %arg9[%add3A_301] : memref<100096xf32, #tpu.memory_space<hbm>> -> memref<1456xf32, #tpu.memory_space<hbm>>
        %dma_start3A_304 = tpu.memref_slice %arg9[%add3A_301] : memref<100096xf32, #tpu.memory_space<hbm>> -> memref<1456xf32, #tpu.memory_space<hbm>>
        %dma_start3A_305 = arith.constant 0 : i32
        %dma_start3A_306 = tpu.memref_slice %arg17[%dma_start3A_305] : memref<1600xf32, #tpu.memory_space<vmem>> -> memref<1456xf32, #tpu.memory_space<vmem>>
        tpu.enqueue_dma source(%dma_start3A_306 : memref<1456xf32, #tpu.memory_space<vmem>>) target(%dma_start3A_304 : memref<1456xf32, #tpu.memory_space<hbm>>) target_semaphore(%run_scoped3A : memref<!tpu.dma_semaphore, #tpu.memory_space<semaphore_mem>>)
        %dma_wait3A = arith.constant 0 : i32
        %dma_wait3A_307 = tpu.memref_slice %arg17[%dma_wait3A] : memref<1600xf32, #tpu.memory_space<vmem>> -> memref<1456xf32, #tpu.memory_space<vmem>>
        %dma_wait3A_308 = tpu.memref_slice %arg9[%add3A_301] : memref<100096xf32, #tpu.memory_space<hbm>> -> memref<1456xf32, #tpu.memory_space<hbm>>
        %dma_wait3A_309 = tpu.memref_slice %arg9[%add3A_301] : memref<100096xf32, #tpu.memory_space<hbm>> -> memref<1456xf32, #tpu.memory_space<hbm>>
        %dma_wait3A_310 = arith.constant 0 : i32
        %dma_wait3A_311 = tpu.memref_slice %arg17[%dma_wait3A_310] : memref<1600xf32, #tpu.memory_space<vmem>> -> memref<1456xf32, #tpu.memory_space<vmem>>
        tpu.wait_dma2 semaphore(%run_scoped3A : memref<!tpu.dma_semaphore, #tpu.memory_space<semaphore_mem>>) src(%dma_wait3A_311 : memref<1456xf32, #tpu.memory_space<vmem>>) dst(%dma_wait3A_309 : memref<1456xf32, #tpu.memory_space<hbm>>)
        tpu.yield
      }) : () -> ()
    } else {
    }
    return
  }
}

module attributes {stable_mosaic.version = 14 : i64} {
  func.func @body(%arg0: memref<100000xf32, #tpu.memory_space<vmem>>, %arg1: memref<100096xf32, #tpu.memory_space<vmem>>, %arg2: memref<100096xf32, #tpu.memory_space<vmem>>, %arg3: memref<100096xf32, #tpu.memory_space<vmem>>, %arg4: memref<100096xf32, #tpu.memory_space<vmem>>, %arg5: memref<100000xf32, #tpu.memory_space<vmem>>) attributes {dimension_semantics = [], scalar_prefetch = 0 : i64, scratch_operands = 0 : i64, tpu.core_type = #tpu.core_type<tc>} {
    %get3A = arith.constant 0 : index
    %get3A_0 = vector.load %arg1[%get3A] : memref<100096xf32, #tpu.memory_space<vmem>>, vector<100000xf32>
    %get3A_1 = arith.constant 0 : index
    %get3A_2 = vector.load %arg2[%get3A_1] : memref<100096xf32, #tpu.memory_space<vmem>>, vector<100000xf32>
    %max3A = arith.constant 1.000000e+00 : f32
    %max3A_3 = vector.broadcast %max3A : f32 to vector<100000xf32>
    %max3A_4 = arith.maximumf %get3A_2, %max3A_3 : vector<100000xf32>
    %div3A = arith.divf %get3A_0, %max3A_4 : vector<100000xf32>
    %get3A_5 = arith.constant 0 : index
    %get3A_6 = vector.load %arg3[%get3A_5] : memref<100096xf32, #tpu.memory_space<vmem>>, vector<100000xf32>
    %get3A_7 = arith.constant 0 : index
    %get3A_8 = vector.load %arg4[%get3A_7] : memref<100096xf32, #tpu.memory_space<vmem>>, vector<100000xf32>
    %max3A_9 = arith.constant 1.000000e+00 : f32
    %max3A_10 = vector.broadcast %max3A_9 : f32 to vector<100000xf32>
    %max3A_11 = arith.maximumf %get3A_8, %max3A_10 : vector<100000xf32>
    %div3A_12 = arith.divf %get3A_6, %max3A_11 : vector<100000xf32>
    %get3A_13 = arith.constant 0 : index
    %get3A_14 = vector.load %arg0[%get3A_13] : memref<100000xf32, #tpu.memory_space<vmem>>, vector<100000xf32>
    %add3A = arith.addf %get3A_14, %div3A : vector<100000xf32>
    %add3A_15 = arith.addf %add3A, %div3A_12 : vector<100000xf32>
    %swap3A = arith.constant 0 : index
    %swap3A_16 = vector.load %arg5[%swap3A] : memref<100000xf32, #tpu.memory_space<vmem>>, vector<100000xf32>
    tpu.vector_store %arg5[%swap3A], %add3A_15 {strides = array<i32>} : memref<100000xf32, #tpu.memory_space<vmem>>, vector<100000xf32>,
    return
  }
}

module attributes {stable_mosaic.version = 14 : i64} {
  func.func @body(%arg0: memref<10x100000xf32, #tpu.memory_space<vmem>>, %arg1: memref<10x10xf32, #tpu.memory_space<vmem>>, %arg2: memref<10x10xf32, #tpu.memory_space<vmem>>, %arg3: memref<10x10xf32, #tpu.memory_space<vmem>>, %arg4: memref<10x10xf32, #tpu.memory_space<vmem>>, %arg5: memref<10x1xf32, #tpu.memory_space<vmem>>, %arg6: memref<10xf32, #tpu.memory_space<vmem>>, %arg7: memref<10xf32, #tpu.memory_space<vmem>>, %arg8: memref<1xf32, #tpu.memory_space<vmem>>, %arg9: memref<100000xf32, #tpu.memory_space<vmem>>, %arg10: memref<100000xf32, #tpu.memory_space<vmem>>, %arg11: memref<100000xf32, #tpu.memory_space<vmem>>) attributes {dimension_semantics = [], scalar_prefetch = 0 : i64, scratch_operands = 0 : i64, tpu.core_type = #tpu.core_type<tc>} {
    %get3A = arith.constant 0 : index
    %get3A_0 = arith.constant 0 : index
    %get3A_1 = vector.load %arg5[%get3A, %get3A_0] : memref<10x1xf32, #tpu.memory_space<vmem>>, vector<10x1xf32>
    %get3A_2 = arith.constant 0 : index
    %get3A_3 = arith.constant 0 : index
    %get3A_4 = vector.load %arg2[%get3A_2, %get3A_3] : memref<10x10xf32, #tpu.memory_space<vmem>>, vector<10x10xf32>
    %dot_general3A = arith.constant dense<0.000000e+00> : vector<10x1xf32>
    %dot_general3A_5 = tpu.matmul %get3A_4, %get3A_1, %dot_general3A {dimension_numbers = #tpu.dot_dimension_numbers<[1], [0], [0], [1], [0, 0, 1, 1], [], []>, transpose_lhs_hint = false} : vector<10x10xf32>, vector<10x1xf32>, vector<10x1xf32> -> vector<10x1xf32>
    %get3A_6 = arith.constant 0 : index
    %get3A_7 = arith.constant 0 : index
    %get3A_8 = vector.load %arg4[%get3A_6, %get3A_7] : memref<10x10xf32, #tpu.memory_space<vmem>>, vector<10x10xf32>
    %dot_general3A_9 = arith.constant dense<0.000000e+00> : vector<10x1xf32>
    %dot_general3A_10 = tpu.matmul %get3A_8, %get3A_1, %dot_general3A_9 {dimension_numbers = #tpu.dot_dimension_numbers<[1], [0], [0], [1], [0, 0, 1, 1], [], []>, transpose_lhs_hint = false} : vector<10x10xf32>, vector<10x1xf32>, vector<10x1xf32> -> vector<10x1xf32>
    %get3A_11 = arith.constant 0 : index
    %get3A_12 = arith.constant 0 : index
    %get3A_13 = vector.load %arg1[%get3A_11, %get3A_12] : memref<10x10xf32, #tpu.memory_space<vmem>>, vector<10x10xf32>
    %get3A_14 = arith.constant 0 : index
    %get3A_15 = arith.constant 0 : index
    %get3A_16 = vector.load %arg3[%get3A_14, %get3A_15] : memref<10x10xf32, #tpu.memory_space<vmem>>, vector<10x10xf32>
    %add3A = arith.addf %get3A_13, %get3A_16 : vector<10x10xf32>
    %dot_general3A_17 = arith.constant dense<0.000000e+00> : vector<10x1xf32>
    %dot_general3A_18 = tpu.matmul %add3A, %get3A_1, %dot_general3A_17 {dimension_numbers = #tpu.dot_dimension_numbers<[1], [0], [0], [1], [0, 0, 1, 1], [], []>, transpose_lhs_hint = false} : vector<10x10xf32>, vector<10x1xf32>, vector<10x1xf32> -> vector<10x1xf32>
    %get3A_19 = arith.constant 0 : index
    %get3A_20 = vector.load %arg6[%get3A_19] : memref<10xf32, #tpu.memory_space<vmem>>, vector<10xf32>
    %get3A_21 = arith.constant 0 : index
    %get3A_22 = vector.load %arg7[%get3A_21] : memref<10xf32, #tpu.memory_space<vmem>>, vector<10xf32>
    %add3A_23 = arith.addf %get3A_20, %get3A_22 : vector<10xf32>
    %squeeze3A = vector.shape_cast %get3A_1 : vector<10x1xf32> to vector<10xf32>
    %mul3A = arith.mulf %add3A_23, %squeeze3A : vector<10xf32>
    %reduce_sum3A = vector.shape_cast %mul3A : vector<10xf32> to vector<1x10xf32>
    %reduce_sum3A_24 = arith.constant dense<0.000000e+00> : vector<1xf32>
    %reduce_sum3A_25 = vector.multi_reduction <add>, %reduce_sum3A, %reduce_sum3A_24 [1] : vector<1x10xf32> to vector<1xf32>
    %reduce_sum3A_26 = vector.shape_cast %reduce_sum3A_25 : vector<1xf32> to vector<1x1xf32>
    %reduce_sum3A_27 = vector.extract %reduce_sum3A_26[0, 0] : f32 from vector<1x1xf32>
    %get3A_28 = arith.constant 0 : index
    %get3A_29 = vector.load %arg8[%get3A_28] : memref<1xf32, #tpu.memory_space<vmem>>, vector<1xf32>
    %get3A_30 = vector.extract %get3A_29[0] : f32 from vector<1xf32>
    %add3A_31 = arith.addf %reduce_sum3A_27, %get3A_30 : f32
    %broadcast_in_dim3A = arith.constant 0.000000e+00 : f32
    %broadcast_in_dim3A_32 = vector.broadcast %broadcast_in_dim3A : f32 to vector<100000xf32>
    %broadcast_in_dim3A_33 = arith.constant 0.000000e+00 : f32
    %broadcast_in_dim3A_34 = vector.broadcast %broadcast_in_dim3A_33 : f32 to vector<100000xf32>
    %broadcast_in_dim3A_35 = arith.constant 0.000000e+00 : f32
    %broadcast_in_dim3A_36 = vector.broadcast %broadcast_in_dim3A_35 : f32 to vector<100000xf32>
    %get3A_37 = arith.constant 0 : index
    %get3A_38 = arith.constant 0 : index
    %get3A_39 = vector.load %arg0[%get3A_37, %get3A_38] : memref<10x100000xf32, #tpu.memory_space<vmem>>, vector<1x100000xf32>
    %get3A_40 = vector.shape_cast %get3A_39 : vector<1x100000xf32> to vector<100000xf32>
    %slice3A = vector.extract_strided_slice %dot_general3A_5 {offsets = [0, 0], sizes = [1, 1], strides = [1, 1]} : vector<10x1xf32> to vector<1x1xf32>
    %squeeze3A_41 = vector.extract %slice3A[0, 0] : f32 from vector<1x1xf32>
    %mul3A_42 = vector.broadcast %squeeze3A_41 : f32 to vector<100000xf32>
    %mul3A_43 = arith.mulf %get3A_40, %mul3A_42 : vector<100000xf32>
    %add3A_44 = arith.addf %broadcast_in_dim3A_32, %mul3A_43 : vector<100000xf32>
    %slice3A_45 = vector.extract_strided_slice %dot_general3A_10 {offsets = [0, 0], sizes = [1, 1], strides = [1, 1]} : vector<10x1xf32> to vector<1x1xf32>
    %squeeze3A_46 = vector.extract %slice3A_45[0, 0] : f32 from vector<1x1xf32>
    %mul3A_47 = vector.broadcast %squeeze3A_46 : f32 to vector<100000xf32>
    %mul3A_48 = arith.mulf %get3A_40, %mul3A_47 : vector<100000xf32>
    %add3A_49 = arith.addf %broadcast_in_dim3A_34, %mul3A_48 : vector<100000xf32>
    %slice3A_50 = vector.extract_strided_slice %dot_general3A_18 {offsets = [0, 0], sizes = [1, 1], strides = [1, 1]} : vector<10x1xf32> to vector<1x1xf32>
    %squeeze3A_51 = vector.extract %slice3A_50[0, 0] : f32 from vector<1x1xf32>
    %mul3A_52 = vector.broadcast %squeeze3A_51 : f32 to vector<100000xf32>
    %mul3A_53 = arith.mulf %get3A_40, %mul3A_52 : vector<100000xf32>
    %add3A_54 = arith.addf %broadcast_in_dim3A_36, %mul3A_53 : vector<100000xf32>
    %get3A_55 = arith.constant 1 : index
    %get3A_56 = arith.constant 0 : index
    %get3A_57 = vector.load %arg0[%get3A_55, %get3A_56] : memref<10x100000xf32, #tpu.memory_space<vmem>>, vector<1x100000xf32>
    %get3A_58 = vector.shape_cast %get3A_57 : vector<1x100000xf32> to vector<100000xf32>
    %slice3A_59 = vector.extract_strided_slice %dot_general3A_5 {offsets = [1, 0], sizes = [1, 1], strides = [1, 1]} : vector<10x1xf32> to vector<1x1xf32>
    %squeeze3A_60 = vector.extract %slice3A_59[0, 0] : f32 from vector<1x1xf32>
    %mul3A_61 = vector.broadcast %squeeze3A_60 : f32 to vector<100000xf32>
    %mul3A_62 = arith.mulf %get3A_58, %mul3A_61 : vector<100000xf32>
    %add3A_63 = arith.addf %add3A_44, %mul3A_62 : vector<100000xf32>
    %slice3A_64 = vector.extract_strided_slice %dot_general3A_10 {offsets = [1, 0], sizes = [1, 1], strides = [1, 1]} : vector<10x1xf32> to vector<1x1xf32>
    %squeeze3A_65 = vector.extract %slice3A_64[0, 0] : f32 from vector<1x1xf32>
    %mul3A_66 = vector.broadcast %squeeze3A_65 : f32 to vector<100000xf32>
    %mul3A_67 = arith.mulf %get3A_58, %mul3A_66 : vector<100000xf32>
    %add3A_68 = arith.addf %add3A_49, %mul3A_67 : vector<100000xf32>
    %slice3A_69 = vector.extract_strided_slice %dot_general3A_18 {offsets = [1, 0], sizes = [1, 1], strides = [1, 1]} : vector<10x1xf32> to vector<1x1xf32>
    %squeeze3A_70 = vector.extract %slice3A_69[0, 0] : f32 from vector<1x1xf32>
    %mul3A_71 = vector.broadcast %squeeze3A_70 : f32 to vector<100000xf32>
    %mul3A_72 = arith.mulf %get3A_58, %mul3A_71 : vector<100000xf32>
    %add3A_73 = arith.addf %add3A_54, %mul3A_72 : vector<100000xf32>
    %get3A_74 = arith.constant 2 : index
    %get3A_75 = arith.constant 0 : index
    %get3A_76 = vector.load %arg0[%get3A_74, %get3A_75] : memref<10x100000xf32, #tpu.memory_space<vmem>>, vector<1x100000xf32>
    %get3A_77 = vector.shape_cast %get3A_76 : vector<1x100000xf32> to vector<100000xf32>
    %slice3A_78 = vector.extract_strided_slice %dot_general3A_5 {offsets = [2, 0], sizes = [1, 1], strides = [1, 1]} : vector<10x1xf32> to vector<1x1xf32>
    %squeeze3A_79 = vector.extract %slice3A_78[0, 0] : f32 from vector<1x1xf32>
    %mul3A_80 = vector.broadcast %squeeze3A_79 : f32 to vector<100000xf32>
    %mul3A_81 = arith.mulf %get3A_77, %mul3A_80 : vector<100000xf32>
    %add3A_82 = arith.addf %add3A_63, %mul3A_81 : vector<100000xf32>
    %slice3A_83 = vector.extract_strided_slice %dot_general3A_10 {offsets = [2, 0], sizes = [1, 1], strides = [1, 1]} : vector<10x1xf32> to vector<1x1xf32>
    %squeeze3A_84 = vector.extract %slice3A_83[0, 0] : f32 from vector<1x1xf32>
    %mul3A_85 = vector.broadcast %squeeze3A_84 : f32 to vector<100000xf32>
    %mul3A_86 = arith.mulf %get3A_77, %mul3A_85 : vector<100000xf32>
    %add3A_87 = arith.addf %add3A_68, %mul3A_86 : vector<100000xf32>
    %slice3A_88 = vector.extract_strided_slice %dot_general3A_18 {offsets = [2, 0], sizes = [1, 1], strides = [1, 1]} : vector<10x1xf32> to vector<1x1xf32>
    %squeeze3A_89 = vector.extract %slice3A_88[0, 0] : f32 from vector<1x1xf32>
    %mul3A_90 = vector.broadcast %squeeze3A_89 : f32 to vector<100000xf32>
    %mul3A_91 = arith.mulf %get3A_77, %mul3A_90 : vector<100000xf32>
    %add3A_92 = arith.addf %add3A_73, %mul3A_91 : vector<100000xf32>
    %get3A_93 = arith.constant 3 : index
    %get3A_94 = arith.constant 0 : index
    %get3A_95 = vector.load %arg0[%get3A_93, %get3A_94] : memref<10x100000xf32, #tpu.memory_space<vmem>>, vector<1x100000xf32>
    %get3A_96 = vector.shape_cast %get3A_95 : vector<1x100000xf32> to vector<100000xf32>
    %slice3A_97 = vector.extract_strided_slice %dot_general3A_5 {offsets = [3, 0], sizes = [1, 1], strides = [1, 1]} : vector<10x1xf32> to vector<1x1xf32>
    %squeeze3A_98 = vector.extract %slice3A_97[0, 0] : f32 from vector<1x1xf32>
    %mul3A_99 = vector.broadcast %squeeze3A_98 : f32 to vector<100000xf32>
    %mul3A_100 = arith.mulf %get3A_96, %mul3A_99 : vector<100000xf32>
    %add3A_101 = arith.addf %add3A_82, %mul3A_100 : vector<100000xf32>
    %slice3A_102 = vector.extract_strided_slice %dot_general3A_10 {offsets = [3, 0], sizes = [1, 1], strides = [1, 1]} : vector<10x1xf32> to vector<1x1xf32>
    %squeeze3A_103 = vector.extract %slice3A_102[0, 0] : f32 from vector<1x1xf32>
    %mul3A_104 = vector.broadcast %squeeze3A_103 : f32 to vector<100000xf32>
    %mul3A_105 = arith.mulf %get3A_96, %mul3A_104 : vector<100000xf32>
    %add3A_106 = arith.addf %add3A_87, %mul3A_105 : vector<100000xf32>
    %slice3A_107 = vector.extract_strided_slice %dot_general3A_18 {offsets = [3, 0], sizes = [1, 1], strides = [1, 1]} : vector<10x1xf32> to vector<1x1xf32>
    %squeeze3A_108 = vector.extract %slice3A_107[0, 0] : f32 from vector<1x1xf32>
    %mul3A_109 = vector.broadcast %squeeze3A_108 : f32 to vector<100000xf32>
    %mul3A_110 = arith.mulf %get3A_96, %mul3A_109 : vector<100000xf32>
    %add3A_111 = arith.addf %add3A_92, %mul3A_110 : vector<100000xf32>
    %get3A_112 = arith.constant 4 : index
    %get3A_113 = arith.constant 0 : index
    %get3A_114 = vector.load %arg0[%get3A_112, %get3A_113] : memref<10x100000xf32, #tpu.memory_space<vmem>>, vector<1x100000xf32>
    %get3A_115 = vector.shape_cast %get3A_114 : vector<1x100000xf32> to vector<100000xf32>
    %slice3A_116 = vector.extract_strided_slice %dot_general3A_5 {offsets = [4, 0], sizes = [1, 1], strides = [1, 1]} : vector<10x1xf32> to vector<1x1xf32>
    %squeeze3A_117 = vector.extract %slice3A_116[0, 0] : f32 from vector<1x1xf32>
    %mul3A_118 = vector.broadcast %squeeze3A_117 : f32 to vector<100000xf32>
    %mul3A_119 = arith.mulf %get3A_115, %mul3A_118 : vector<100000xf32>
    %add3A_120 = arith.addf %add3A_101, %mul3A_119 : vector<100000xf32>
    %slice3A_121 = vector.extract_strided_slice %dot_general3A_10 {offsets = [4, 0], sizes = [1, 1], strides = [1, 1]} : vector<10x1xf32> to vector<1x1xf32>
    %squeeze3A_122 = vector.extract %slice3A_121[0, 0] : f32 from vector<1x1xf32>
    %mul3A_123 = vector.broadcast %squeeze3A_122 : f32 to vector<100000xf32>
    %mul3A_124 = arith.mulf %get3A_115, %mul3A_123 : vector<100000xf32>
    %add3A_125 = arith.addf %add3A_106, %mul3A_124 : vector<100000xf32>
    %slice3A_126 = vector.extract_strided_slice %dot_general3A_18 {offsets = [4, 0], sizes = [1, 1], strides = [1, 1]} : vector<10x1xf32> to vector<1x1xf32>
    %squeeze3A_127 = vector.extract %slice3A_126[0, 0] : f32 from vector<1x1xf32>
    %mul3A_128 = vector.broadcast %squeeze3A_127 : f32 to vector<100000xf32>
    %mul3A_129 = arith.mulf %get3A_115, %mul3A_128 : vector<100000xf32>
    %add3A_130 = arith.addf %add3A_111, %mul3A_129 : vector<100000xf32>
    %get3A_131 = arith.constant 5 : index
    %get3A_132 = arith.constant 0 : index
    %get3A_133 = vector.load %arg0[%get3A_131, %get3A_132] : memref<10x100000xf32, #tpu.memory_space<vmem>>, vector<1x100000xf32>
    %get3A_134 = vector.shape_cast %get3A_133 : vector<1x100000xf32> to vector<100000xf32>
    %slice3A_135 = vector.extract_strided_slice %dot_general3A_5 {offsets = [5, 0], sizes = [1, 1], strides = [1, 1]} : vector<10x1xf32> to vector<1x1xf32>
    %squeeze3A_136 = vector.extract %slice3A_135[0, 0] : f32 from vector<1x1xf32>
    %mul3A_137 = vector.broadcast %squeeze3A_136 : f32 to vector<100000xf32>
    %mul3A_138 = arith.mulf %get3A_134, %mul3A_137 : vector<100000xf32>
    %add3A_139 = arith.addf %add3A_120, %mul3A_138 : vector<100000xf32>
    %slice3A_140 = vector.extract_strided_slice %dot_general3A_10 {offsets = [5, 0], sizes = [1, 1], strides = [1, 1]} : vector<10x1xf32> to vector<1x1xf32>
    %squeeze3A_141 = vector.extract %slice3A_140[0, 0] : f32 from vector<1x1xf32>
    %mul3A_142 = vector.broadcast %squeeze3A_141 : f32 to vector<100000xf32>
    %mul3A_143 = arith.mulf %get3A_134, %mul3A_142 : vector<100000xf32>
    %add3A_144 = arith.addf %add3A_125, %mul3A_143 : vector<100000xf32>
    %slice3A_145 = vector.extract_strided_slice %dot_general3A_18 {offsets = [5, 0], sizes = [1, 1], strides = [1, 1]} : vector<10x1xf32> to vector<1x1xf32>
    %squeeze3A_146 = vector.extract %slice3A_145[0, 0] : f32 from vector<1x1xf32>
    %mul3A_147 = vector.broadcast %squeeze3A_146 : f32 to vector<100000xf32>
    %mul3A_148 = arith.mulf %get3A_134, %mul3A_147 : vector<100000xf32>
    %add3A_149 = arith.addf %add3A_130, %mul3A_148 : vector<100000xf32>
    %get3A_150 = arith.constant 6 : index
    %get3A_151 = arith.constant 0 : index
    %get3A_152 = vector.load %arg0[%get3A_150, %get3A_151] : memref<10x100000xf32, #tpu.memory_space<vmem>>, vector<1x100000xf32>
    %get3A_153 = vector.shape_cast %get3A_152 : vector<1x100000xf32> to vector<100000xf32>
    %slice3A_154 = vector.extract_strided_slice %dot_general3A_5 {offsets = [6, 0], sizes = [1, 1], strides = [1, 1]} : vector<10x1xf32> to vector<1x1xf32>
    %squeeze3A_155 = vector.extract %slice3A_154[0, 0] : f32 from vector<1x1xf32>
    %mul3A_156 = vector.broadcast %squeeze3A_155 : f32 to vector<100000xf32>
    %mul3A_157 = arith.mulf %get3A_153, %mul3A_156 : vector<100000xf32>
    %add3A_158 = arith.addf %add3A_139, %mul3A_157 : vector<100000xf32>
    %slice3A_159 = vector.extract_strided_slice %dot_general3A_10 {offsets = [6, 0], sizes = [1, 1], strides = [1, 1]} : vector<10x1xf32> to vector<1x1xf32>
    %squeeze3A_160 = vector.extract %slice3A_159[0, 0] : f32 from vector<1x1xf32>
    %mul3A_161 = vector.broadcast %squeeze3A_160 : f32 to vector<100000xf32>
    %mul3A_162 = arith.mulf %get3A_153, %mul3A_161 : vector<100000xf32>
    %add3A_163 = arith.addf %add3A_144, %mul3A_162 : vector<100000xf32>
    %slice3A_164 = vector.extract_strided_slice %dot_general3A_18 {offsets = [6, 0], sizes = [1, 1], strides = [1, 1]} : vector<10x1xf32> to vector<1x1xf32>
    %squeeze3A_165 = vector.extract %slice3A_164[0, 0] : f32 from vector<1x1xf32>
    %mul3A_166 = vector.broadcast %squeeze3A_165 : f32 to vector<100000xf32>
    %mul3A_167 = arith.mulf %get3A_153, %mul3A_166 : vector<100000xf32>
    %add3A_168 = arith.addf %add3A_149, %mul3A_167 : vector<100000xf32>
    %get3A_169 = arith.constant 7 : index
    %get3A_170 = arith.constant 0 : index
    %get3A_171 = vector.load %arg0[%get3A_169, %get3A_170] : memref<10x100000xf32, #tpu.memory_space<vmem>>, vector<1x100000xf32>
    %get3A_172 = vector.shape_cast %get3A_171 : vector<1x100000xf32> to vector<100000xf32>
    %slice3A_173 = vector.extract_strided_slice %dot_general3A_5 {offsets = [7, 0], sizes = [1, 1], strides = [1, 1]} : vector<10x1xf32> to vector<1x1xf32>
    %squeeze3A_174 = vector.extract %slice3A_173[0, 0] : f32 from vector<1x1xf32>
    %mul3A_175 = vector.broadcast %squeeze3A_174 : f32 to vector<100000xf32>
    %mul3A_176 = arith.mulf %get3A_172, %mul3A_175 : vector<100000xf32>
    %add3A_177 = arith.addf %add3A_158, %mul3A_176 : vector<100000xf32>
    %slice3A_178 = vector.extract_strided_slice %dot_general3A_10 {offsets = [7, 0], sizes = [1, 1], strides = [1, 1]} : vector<10x1xf32> to vector<1x1xf32>
    %squeeze3A_179 = vector.extract %slice3A_178[0, 0] : f32 from vector<1x1xf32>
    %mul3A_180 = vector.broadcast %squeeze3A_179 : f32 to vector<100000xf32>
    %mul3A_181 = arith.mulf %get3A_172, %mul3A_180 : vector<100000xf32>
    %add3A_182 = arith.addf %add3A_163, %mul3A_181 : vector<100000xf32>
    %slice3A_183 = vector.extract_strided_slice %dot_general3A_18 {offsets = [7, 0], sizes = [1, 1], strides = [1, 1]} : vector<10x1xf32> to vector<1x1xf32>
    %squeeze3A_184 = vector.extract %slice3A_183[0, 0] : f32 from vector<1x1xf32>
    %mul3A_185 = vector.broadcast %squeeze3A_184 : f32 to vector<100000xf32>
    %mul3A_186 = arith.mulf %get3A_172, %mul3A_185 : vector<100000xf32>
    %add3A_187 = arith.addf %add3A_168, %mul3A_186 : vector<100000xf32>
    %get3A_188 = arith.constant 8 : index
    %get3A_189 = arith.constant 0 : index
    %get3A_190 = vector.load %arg0[%get3A_188, %get3A_189] : memref<10x100000xf32, #tpu.memory_space<vmem>>, vector<1x100000xf32>
    %get3A_191 = vector.shape_cast %get3A_190 : vector<1x100000xf32> to vector<100000xf32>
    %slice3A_192 = vector.extract_strided_slice %dot_general3A_5 {offsets = [8, 0], sizes = [1, 1], strides = [1, 1]} : vector<10x1xf32> to vector<1x1xf32>
    %squeeze3A_193 = vector.extract %slice3A_192[0, 0] : f32 from vector<1x1xf32>
    %mul3A_194 = vector.broadcast %squeeze3A_193 : f32 to vector<100000xf32>
    %mul3A_195 = arith.mulf %get3A_191, %mul3A_194 : vector<100000xf32>
    %add3A_196 = arith.addf %add3A_177, %mul3A_195 : vector<100000xf32>
    %slice3A_197 = vector.extract_strided_slice %dot_general3A_10 {offsets = [8, 0], sizes = [1, 1], strides = [1, 1]} : vector<10x1xf32> to vector<1x1xf32>
    %squeeze3A_198 = vector.extract %slice3A_197[0, 0] : f32 from vector<1x1xf32>
    %mul3A_199 = vector.broadcast %squeeze3A_198 : f32 to vector<100000xf32>
    %mul3A_200 = arith.mulf %get3A_191, %mul3A_199 : vector<100000xf32>
    %add3A_201 = arith.addf %add3A_182, %mul3A_200 : vector<100000xf32>
    %slice3A_202 = vector.extract_strided_slice %dot_general3A_18 {offsets = [8, 0], sizes = [1, 1], strides = [1, 1]} : vector<10x1xf32> to vector<1x1xf32>
    %squeeze3A_203 = vector.extract %slice3A_202[0, 0] : f32 from vector<1x1xf32>
    %mul3A_204 = vector.broadcast %squeeze3A_203 : f32 to vector<100000xf32>
    %mul3A_205 = arith.mulf %get3A_191, %mul3A_204 : vector<100000xf32>
    %add3A_206 = arith.addf %add3A_187, %mul3A_205 : vector<100000xf32>
    %get3A_207 = arith.constant 9 : index
    %get3A_208 = arith.constant 0 : index
    %get3A_209 = vector.load %arg0[%get3A_207, %get3A_208] : memref<10x100000xf32, #tpu.memory_space<vmem>>, vector<1x100000xf32>
    %get3A_210 = vector.shape_cast %get3A_209 : vector<1x100000xf32> to vector<100000xf32>
    %slice3A_211 = vector.extract_strided_slice %dot_general3A_5 {offsets = [9, 0], sizes = [1, 1], strides = [1, 1]} : vector<10x1xf32> to vector<1x1xf32>
    %squeeze3A_212 = vector.extract %slice3A_211[0, 0] : f32 from vector<1x1xf32>
    %mul3A_213 = vector.broadcast %squeeze3A_212 : f32 to vector<100000xf32>
    %mul3A_214 = arith.mulf %get3A_210, %mul3A_213 : vector<100000xf32>
    %add3A_215 = arith.addf %add3A_196, %mul3A_214 : vector<100000xf32>
    %slice3A_216 = vector.extract_strided_slice %dot_general3A_10 {offsets = [9, 0], sizes = [1, 1], strides = [1, 1]} : vector<10x1xf32> to vector<1x1xf32>
    %squeeze3A_217 = vector.extract %slice3A_216[0, 0] : f32 from vector<1x1xf32>
    %mul3A_218 = vector.broadcast %squeeze3A_217 : f32 to vector<100000xf32>
    %mul3A_219 = arith.mulf %get3A_210, %mul3A_218 : vector<100000xf32>
    %add3A_220 = arith.addf %add3A_201, %mul3A_219 : vector<100000xf32>
    %slice3A_221 = vector.extract_strided_slice %dot_general3A_18 {offsets = [9, 0], sizes = [1, 1], strides = [1, 1]} : vector<10x1xf32> to vector<1x1xf32>
    %squeeze3A_222 = vector.extract %slice3A_221[0, 0] : f32 from vector<1x1xf32>
    %mul3A_223 = vector.broadcast %squeeze3A_222 : f32 to vector<100000xf32>
    %mul3A_224 = arith.mulf %get3A_210, %mul3A_223 : vector<100000xf32>
    %add3A_225 = arith.addf %add3A_206, %mul3A_224 : vector<100000xf32>
    %swap3A = arith.constant 0 : index
    %swap3A_226 = vector.load %arg9[%swap3A] : memref<100000xf32, #tpu.memory_space<vmem>>, vector<100000xf32>
    tpu.vector_store %arg9[%swap3A], %add3A_215 {strides = array<i32>} : memref<100000xf32, #tpu.memory_space<vmem>>, vector<100000xf32>,
    %swap3A_227 = arith.constant 0 : index
    %swap3A_228 = vector.load %arg10[%swap3A_227] : memref<100000xf32, #tpu.memory_space<vmem>>, vector<100000xf32>
    tpu.vector_store %arg10[%swap3A_227], %add3A_220 {strides = array<i32>} : memref<100000xf32, #tpu.memory_space<vmem>>, vector<100000xf32>,
    %add3A_229 = vector.broadcast %add3A_31 : f32 to vector<100000xf32>
    %add3A_230 = arith.addf %add3A_225, %add3A_229 : vector<100000xf32>
    %swap3A_231 = arith.constant 0 : index
    %swap3A_232 = vector.load %arg11[%swap3A_231] : memref<100000xf32, #tpu.memory_space<vmem>>, vector<100000xf32>
    tpu.vector_store %arg11[%swap3A_231], %add3A_230 {strides = array<i32>} : memref<100000xf32, #tpu.memory_space<vmem>>, vector<100000xf32>,
    return
  }
}

</mosaic_0001>

<sc_bundles>
// kernel: kernel.5.cloned.1.call-start
scs
__scs_entry_jumppad:
0x0: {  	(pc) =	sbr.rel $0x88, $3  }
0x1: {  	(tag) =	ssettag $0x0;
	lr =	simm.s32 $0x1  }
0x2: {  	[smem:$0x3F96] =	sst lr;
	_ =	strace $0xD0000000  }
0x3: {  	_ = 	snop  }
0x4: {  	_ = 	snop  }
0x5: {  	_ = 	snop  }
0x6: {  	_ = 	snop  }
0x7: {  	_ = 	snop  }
__scs_overlays_trampoline_lowered:
0x8: {  	[smem:$0x3FA5] =	sst s0  }
0x9: {  	[smem:$0x3FA6] =	sst s1  }
0xa: {  	[smem:$0x3FA7] =	sst s2  }
0xb: {  	[smem:$0x3FA8] =	sst s3  }
0xc: {  	[smem:$0x3FA9] =	sst s4  }
0xd: {  	[smem:$0x3FAA] =	sst s5  }
0xe: {  	[smem:$0x3FAB] =	sst s6  }
0xf: {  	[smem:$0x3FAC] =	sst s7  }
0x10: {  	[smem:$0x3FAD] =	sst s8  }
0x11: {  	[smem:$0x3FAE] =	sst s9;
	s0 =	simm.s32 @!p0 $0x0  }
0x12: {  	s1 =	sld [smem:$0x3F94];
	s0 =	simm.s32 @p0 $0x1  }
0x13: {  	[smem:$0x3FAF] =	sst s0;
	s0 =	simm.s32 @!p1 $0x0  }
0x14: {  	s2 =	sld [smem:$0x3F93];
	s0 =	simm.s32 @p1 $0x1  }
0x15: {  	[smem:$0x3FB0] =	sst s0;
	s0 =	simm.s32 @!p2 $0x0  }
0x16: {  	s3 =	sld [smem:$0x3FDB];
	s0 =	simm.s32 @p2 $0x1  }
0x17: {  	s4 =	simm.s32 $0x1BF5;
	[smem:$0x3FB2] =	sst s0  }
0x18: {  	s0 =	sld [smem:$0x3F95];
	_ =	swait.ge [sflag:s4], $0x0  }
0x19: {  	s7 =	sld [smem:$0x3F96]  }
0x1a: {  	s8 =	sadd.s32 $0xFFFFE003, lr  }
0x1b: {  	s9 =	sadd.s32 $0xFFFFFEF7, lr;
	s5 =	simm.s32 $0xFFFFFFFF;
	p2 =	slt.u32 s8, $0xFFFFF086  }
0x1c: {  	p1 =	slt.u32 s9, $0xF7A;
	s5 =	simm.s32 @!p2 $0x0  }
0x1d: {  	s5 =	simm.s32 @p1 $0x1;
	p0 =	seq.s32 s7, s2  }
0x1e: {  	s7 =	smul.u32 @!p0 $0xF7A, s2;
	p2 =	seq.s32 @!p0 s5, $0x0  }
0x1f: {  	s9 =	smul.u32 $0xF7A, s1;
	s8 =	simm.s32 @!p0 $0x1BF5;
	p2 =	por !p2, p0  }
0x20: {  	[sflag:s8] =	ssyncset.s32 @!p0 $0xFFFFF086;
	s6 =	sadd.s32 @!p0 s3, s7;
	s7 =	simm.s32 @!p0 $0x108  }
0x21: {  	s3 =	sadd.s32 s3, s9;
	s6 =	sadd.s32 @!p0 $0x88, s6;
	s7 =	simm.s32 @p2 $0x1082  }
0x22: {  	[simem:s7], [sflag:s8] =	dma.local @!p0 [hbm:s6], $0xF7A  }
0x23: {  	s9 =	sor.u32 $0xD0000000, s2;
	s6 =	simm.s32 $0x108;
	_ =	swait.ge @!p0 [sflag:s8], $0x0  }
0x24: {  	s3 =	sadd.s32 $0x88, s3;
	s6 =	simm.s32 @!p1 $0x1082;
	[sflag:s4] =	ssyncset.s32 $0xFFFFF086  }
0x25: {  	[simem:s6], [sflag:s4] =	dma.local [hbm:s3], $0xF7A  }
0x26: {  	[smem:$0x3F96] =	sst s1;
	(tag) =	ssettag s2;
	_ =	strace s9  }
0x27: {  	s1 =	sld [smem:$0x3FA6]  }
0x28: {  	s2 =	sld [smem:$0x3FA7]  }
0x29: {  	s4 =	sld [smem:$0x3FA9]  }
0x2a: {  	p0 =	seq.s32 s5, $0x0;
	s5 =	sld [smem:$0x3FAA]  }
0x2b: {  	s6 =	sld [smem:$0x3FAB]  }
0x2c: {  	s7 =	sld [smem:$0x3FAC]  }
0x2d: {  	s3 =	simm.s32 $0x108;
	s8 =	sld [smem:$0x3FAD]  }
0x2e: {  	s3 =	simm.s32 @!p0 $0x1082;
	s9 =	sld [smem:$0x3FAE]  }
0x2f: {  	lr =	sadd.s32 s0, s3;
	s0 =	sld [smem:$0x3FA5]  }
0x30: {  	s3 =	sld [smem:$0x3FA8]  }
0x31: {  	[smem:$0x3FB1] =	sst s10  }
0x32: {  	s10 =	sld [smem:$0x3FAF];
	_ =	sdelay $0x3  }
0x33: {  	p0 =	seq.s32 s10, $0x1;
	s10 =	sld [smem:$0x3FB1];
	_ =	sdelay $0x3  }
0x34: {  	[smem:$0x3FB1] =	sst s10  }
0x35: {  	s10 =	sld [smem:$0x3FB0];
	_ =	sdelay $0x3  }
0x36: {  	p1 =	seq.s32 s10, $0x1;
	s10 =	sld [smem:$0x3FB1];
	_ =	sdelay $0x3  }
0x37: {  	[smem:$0x3FB1] =	sst s10  }
0x38: {  	s10 =	sld [smem:$0x3FB2]  }
0x39: {  	_ = 	snop;
	(pc) =	sbr.ind lr, $3  }
0x3a: {  	_ = 	snop  }
0x3b: {  	_ = 	snop  }
0x3c: {  	p2 =	seq.s32 s10, $0x1;
	s10 =	sld [smem:$0x3FB1]  }
0x3d: {  	_ =	shalt  }
0x3e: {  	_ =	shalt  }
0x3f: {  	_ =	shalt  }
0x40: {  	_ =	shalt  }
0x41: {  	_ =	shalt  }
0x42: {  	_ =	shalt  }
0x43: {  	_ =	shalt  }
0x44: {  	_ =	shalt  }
0x45: {  	_ =	shalt  }
0x46: {  	_ =	shalt  }
0x47: {  	_ =	shalt  }
0x48: {  	_ =	shalt  }
0x49: {  	_ =	shalt  }
0x4a: {  	_ =	shalt  }
0x4b: {  	_ =	shalt  }
0x4c: {  	_ =	shalt  }
0x4d: {  	_ =	shalt  }
0x4e: {  	_ =	shalt  }
0x4f: {  	_ =	shalt  }
0x50: {  	_ =	shalt  }
0x51: {  	_ =	shalt  }
0x52: {  	_ =	shalt  }
0x53: {  	_ =	shalt  }
0x54: {  	_ =	shalt  }
0x55: {  	_ =	shalt  }
0x56: {  	_ =	shalt  }
0x57: {  	_ =	shalt  }
0x58: {  	_ =	shalt  }
0x59: {  	_ =	shalt  }
0x5a: {  	_ =	shalt  }
0x5b: {  	_ =	shalt  }
0x5c: {  	_ =	shalt  }
0x5d: {  	_ =	shalt  }
0x5e: {  	_ =	shalt  }
0x5f: {  	_ =	shalt  }
0x60: {  	_ =	shalt  }
0x61: {  	_ =	shalt  }
0x62: {  	_ =	shalt  }
0x63: {  	_ =	shalt  }
0x64: {  	_ =	shalt  }
0x65: {  	_ =	shalt  }
0x66: {  	_ =	shalt  }
0x67: {  	_ =	shalt  }
0x68: {  	_ =	shalt  }
0x69: {  	_ =	shalt  }
0x6a: {  	_ =	shalt  }
0x6b: {  	_ =	shalt  }
0x6c: {  	_ =	shalt  }
0x6d: {  	_ =	shalt  }
0x6e: {  	_ =	shalt  }
0x6f: {  	_ =	shalt  }
0x70: {  	_ =	shalt  }
0x71: {  	_ =	shalt  }
0x72: {  	_ =	shalt  }
0x73: {  	_ =	shalt  }
0x74: {  	_ =	shalt  }
0x75: {  	_ =	shalt  }
0x76: {  	_ =	shalt  }
0x77: {  	_ =	shalt  }
0x78: {  	_ =	shalt  }
0x79: {  	_ =	shalt  }
0x7a: {  	_ =	shalt  }
0x7b: {  	_ =	shalt  }
0x7c: {  	_ =	shalt  }
0x7d: {  	_ =	shalt  }
0x7e: {  	_ =	shalt  }
0x7f: {  	_ =	shalt  }
0x80: {  	_ =	shalt  }
0x81: {  	_ =	shalt  }
0x82: {  	_ =	shalt  }
0x83: {  	_ =	shalt  }
0x84: {  	_ =	shalt  }
0x85: {  	_ =	shalt  }
0x86: {  	_ =	shalt  }
0x87: {  	_ =	shalt  }
.Lfunc_end0:
.L_simem_size_0:
called_computation_lowered:
.L_overlay_start_0:
0x88: {  	s2 =	sld [smem:$0x3FD9]  }
0x89: {  	s3 =	sld [smem:$0x3FFE];
	_ =	sdelay $0x1  }
0x8a: {  	s1 =	srdreg.scid  }
0x8b: {  	s0 =	sand.u32 $0x1, s1  }
0x8c: {  	s16 =	sshll.u32 s0, $0xA;
	s2 =	sadd.s32 s3, s2  }
0x8d: {  	s2 =	sadd.s32 s2, s16  }
0x8e: {  	[smem:$0x3FBD] =	sst s2  }
0x8f: {  	_ = 	snop  }
0x90: {  	(tm) =	ssettm $0x1  }
0x91: {  	s17 =	sld [smem:$0x3FFB];
	_ =	sdelay $0x3  }
0x92: {  	_ =	strace s17  }
0x93: {  	s2 =	sld [smem:$0x3FFC];
	_ =	sdelay $0x3  }
0x94: {  	_ =	strace s2  }
0x95: {  	s2 =	sld [smem:$0x3FFD];
	_ =	sdelay $0x3  }
0x96: {  	_ =	strace s2  }
0x97: {  	_ =	strace $0x8FFFFFFF  }
0x98: {  	s18 =	sld [smem:$0x3FDB];
	_ =	sdelay $0x1  }
0x99: {  	s19 =	simm.s32 $_scs_section_size  }
0x9a: {  	s4 =	simm.s32 $_size__tile_overlayer_lowered;
	s5 =	simm.s32 $_tile_overlayer_lowered  }
0x9b: {  	s22 =	simm.s32 $0x1BFF;
	s21 =	sshll.u32 s5, $0x1;
	s2 =	sadd.s32 s19, s18  }
0x9c: {  	s6 =	simm.s32 $0x0;
	s20 =	sshll.u32 s4, $0x1;
	s4 =	sadd.s32 s21, s2  }
0x9d: {  	[timem:s6], [sflag:s22] =	dma.local [hbm:s4], s20  }
0x9e: {  	_ =	swait.ge [sflag:s22], s20  }
0x9f: {  	s3 =	ssub.s32 $0x0, s20;
	[sflag:s22] =	ssyncset.done $0x0  }
0xa0: {  	[sflag:s22] =	ssyncadd.s32 s3;
	_ =	sdelay $0x1  }
0xa1: {  	s23 =	simm.s32 $0x1B8B  }
0xa2: {  	_ =	swait.ge [sflag:s23], $0x1  }
0xa3: {  	[sflag:s23] =	ssyncset.done $0x0  }
0xa4: {  	s25 =	simm.s32 $0x1B8E;
	s24 =	sld [smem:$0x3FFE];
	[sflag:s23] =	ssyncadd.s32 $0xFFFFFFFF  }
0xa5: {  	s26 =	simm.s32 $execute0_lowered;
	[smem:$0x3FD2] =	sst s25  }
0xa6: {  	s4 =	sshll.u32 s26, $0x1;
	_ =	strace $0x80000046;
	[dreg:$0x1] =	wrdreg $0xFFFFFFFF  }
0xa7: {  	s28 =	simm.s32 $_size_execute0_lowered;
	s2 =	sadd.s32 s2, s4;
	[dreg:$0x0] =	wrdreg $0x0  }
0xa8: {  	s4 =	sshll.u32 s28, $0x1;
	[dreg:$0x2] =	wrdreg s2  }
0xa9: {  	[dreg:$0x3] =	wrdreg s4  }
0xaa: {  	[dreg:$0x4] =	wrdreg $0xC0  }
0xab: {  	_ =	task [dreg:s6], $0x5FFFF  }
0xac: {  	[dreg:$0x1] =	wrdreg $0xFFFFFFFF  }
0xad: {  	[dreg:$0x0] =	wrdreg $0x60  }
0xae: {  	[dreg:$0x2] =	wrdreg s24  }
0xaf: {  	[dreg:$0x3] =	wrdreg $0x1CE800  }
0xb0: {  	[dreg:$0x4] =	wrdreg $0x1E6F00  }
0xb1: {  	[dreg:$0x5] =	wrdreg $0x9  }
0xb2: {  	_ =	task.clear_ibuf [dreg:s6], $0x6FFFF;
	_ =	strace $0x90000046  }
0xb3: {  	s29 =	simm.s32 $0x9;
	_ =	strace $0x80000048  }
0xb4: {  	_ =	swait.ge [sflag:s29], $0x1  }
0xb5: {  	[sflag:s29] =	ssyncadd.s32 $0xFFFFFFFF  }
0xb6: {  	_ =	strace $0x90000048  }
0xb7: {  	_ =	sfence  }
0xb8: {  	s30 =	sld [smem:$0x0];
	_ =	sdelay $0x2  }
0xb9: {  	s31 =	sshll.u32 s1, $0xD;
	s1 =	sshrl.u32 s1, $0x2  }
0xba: {  	s3 =	sand.u32 $0x4000, s31;
	s1 =	sadd.s32 s1, s30  }
0xbb: {  	s0 =	sor.u32 s3, s0;
	s1 =	sshll.u32 s1, $0x11  }
0xbc: {  	s0 =	sor.u32 s1, s0  }
0xbd: {  	s0 =	sadd.s32 $0x8F2B, s0  }
0xbe: {  	[sflag:s0] =	ssyncadd.remote.s32 $0x1  }
0xbf: {  	_ =	sfence.sel $0xFFFF  }
0xc0: {  	[dreg:$0x0] =	wrdreg $0xFFFFFFFF;
	(pc) =	sbr.abs _section_cstart, $3  }
0xc1: {  	[dreg:$0x1] =	wrdreg $0xFFFFFFFF  }
0xc2: {  	_ =	task.clear_ibuf [dreg:s6], $0x2FFFF;
	_ =	strace $0x9FFFFFFF  }
0xc3: {  	(tm) =	ssettm $0x7FFFFFFF  }
tec
execute0_lowered:
.L_overlay_start_1:
0x0: {  	(tag) =	ssettag $0x1  }
0x1: {  	s0 =	rddreg [dreg:$0x0]  }
0x2: {  	s1 =	rddreg [dreg:$0x1]  }
0x3: {  	s2 =	rddreg [dreg:$0x2];
	s3 =	simm.s32 $0x0  }
0x4: {  	s19 =	srdreg.scid;
	[smem:$0x7FF] =	sst s3;
	s4 =	sadd.s32 $0x189800, s0  }
0x5: {  	s18 =	sadd.s32 $0x18CA00, s0;
	_ =	strace $0x80000047;
	[dreg:$0x4] =	wrdreg s4  }
0x6: {  	s5 =	stileid.u32;
	s6 =	sadd.s32 $0x18FC00, s0;
	[dreg:$0x5] =	wrdreg s18  }
0x7: {  	s7 =	sadd.s32 $0x2C00, s0;
	s10 =	sadd.s32 $0x192E00, s0;
	[dreg:$0x6] =	wrdreg s6  }
0x8: {  	s9 =	smul.u32 $0x1870, s5;
	s21 =	sadd.s32 $0x196000, s0;
	[dreg:$0x7] =	wrdreg s10  }
0x9: {  	s8 =	sadd.s32 $0xC6200, s0;
	s0 =	sadd.s32 $0x199200, s0;
	[dreg:$0x8] =	wrdreg s21  }
0xa: {  	s30 =	simm.s32 $0x1;
	[dreg:$0x9] =	wrdreg s0;
	s23 =	sadd.s32 $0x640, s9  }
0xb: {  	s28 =	sadd.s32 s9, s1;
	s25 =	sadd.s32 $0xC80, s9;
	s13 =	sadd.s32 s9, s2  }
0xc: {  	s26 =	sadd.s32 $0x12C0, s9;
	s9 =	sshrl.u32 s9, $0x3;
	[dreg:$0xe] =	wrdreg s13  }
0xd: {  	s31 =	simm.s32 $0x3;
	s11 =	smul.u32 $0x640, s5;
	[dreg:$0x11] =	wrdreg s9  }
0xe: {  	s4 =	sand.u32 $0x1, s19;
	s24 =	sadd.s32 s23, s1;
	[dreg:$0xa] =	wrdreg s28  }
0xf: {  	s10 =	sor.u32 $0x50, s5;
	s12 =	sadd.s32 s25, s1;
	[dreg:$0xb] =	wrdreg s24  }
0x10: {  	s20 =	ssub.s32 $0x2, s4;
	s29 =	sadd.s32 s26, s1;
	[dreg:$0xc] =	wrdreg s12  }
0x11: {  	p0 =	seq.s32 s4, $0x1;
	s14 =	sadd.s32 s23, s2;
	[dreg:$0xd] =	wrdreg s29  }
0x12: {  	s11 =	sshrl.u32 s11, $0x3;
	s15 =	sadd.s32 s25, s2;
	[dreg:$0xf] =	wrdreg s14  }
0x13: {  	s22 =	sshrl.u32 s20, $0x1;
	s6 =	sshrl.u32 s23, $0x3;
	[dreg:$0x10] =	wrdreg s15  }
0x14: {  	s4 =	sshrl.u32 s25, $0x3;
	s17 =	sadd.s32 s26, s2;
	[dreg:$0x12] =	wrdreg s6  }
0x15: {  	s16 =	sshrl.u32 s26, $0x3;
	s18 =	sadd.s32 s7, s11;
	[dreg:$0x13] =	wrdreg s4  }
0x16: {  	s19 =	sadd.s32 $0x61A80, s11;
	s21 =	sadd.s32 $0x62700, s11;
	[dreg:$0x15] =	wrdreg s16  }
0x17: {  	s9 =	sor.u32 $0x40, s5;
	s0 =	ssub.s32 s20, s22;
	[dreg:$0x16] =	wrdreg s18  }
0x18: {  	s20 =	sadd.s32 $0xC80, s11;
	s22 =	sadd.s32 s8, s11;
	s23 =	sadd.s32 s7, s19  }
0x19: {  	s4 =	sadd.s32 s8, s19;
	s26 =	sadd.s32 s7, s21;
	s29 =	sadd.s32 s8, s21  }
0x1a: {  	s11 =	simm.s32 $0xF;
	s12 =	simm.s32 $0x1AE00;
	[dreg:$0x14] =	wrdreg s17  }
0x1b: {  	s6 =	simm.s32 $0x2;
	s18 =	simm.s32 $0x1A780;
	[dreg:$0x17] =	wrdreg s22  }
0x1c: {  	s19 =	simm.s32 $0x5;
	s21 =	simm.s32 $0x7;
	[dreg:$0x18] =	wrdreg s23  }
0x1d: {  	s15 =	simm.s32 $0x8;
	s14 =	simm.s32 $0x0;
	[dreg:$0x19] =	wrdreg s4  }
.Ltmp0:
0x1e: {  	s24 =	sadd.s32 s7, s20;
	[dreg:$0x1c] =	wrdreg s26;
	(pc) =	sbr.rel .LBB2_1-.Ltmp0, $4  }
0x1f: {  	s25 =	sadd.s32 s8, s20;
	[dreg:$0x1d] =	wrdreg s29;
	s0 =	smax.u32 s0, $0x1  }
0x20: {  	s26 =	simm.s32 $0x19400;
	s4 =	simm.s32 $0x1C800;
	[dreg:$0x1a] =	wrdreg s24  }
0x21: {  	s22 =	simm.s32 $0xB;
	s23 =	simm.s32 $0x6;
	[dreg:$0x1b] =	wrdreg s25  }
0x22: {  	v0 =	vimm.f32 $0.0e+00;
	v1 =	vimm.f32 $1.000000000e+00;
	s20 =	simm.s32 $0xC;
	[dreg:$0x1e] =	wrdreg s0;
	s0 =	simm.s32 $0x640  }
.LBB2_51:
0x23: {  	s25 =	rddreg [dreg:$0x8]  }
0x24: {  	s24 =	rddreg [dreg:$0x9]  }
0x25: {  	s14 =	rddreg [dreg:$0x1f]  }
.LBB2_52:
0x26: {  	_ =	swait.ge [sflag:s21], $0x640  }
0x27: {  	[sflag:s21] =	ssyncset.done $0x0  }
0x28: {  	[sflag:s21] =	ssyncadd.s32 $0xFFFFF9C0  }
0x29: {  	_ =	swait.ge [sflag:s22], $0x640  }
0x2a: {  	[sflag:s22] =	ssyncset.done $0x0  }
0x2b: {  	s5 =	simm.s32 $0xA;
	[sflag:s22] =	ssyncadd.s32 $0xFFFFF9C0  }
0x2c: {  	_ =	swait.ge [sflag:s5], $0x640  }
0x2d: {  	[sflag:s5] =	ssyncset.done $0x0  }
0x2e: {  	s29 =	simm.s32 $0xE;
	[sflag:s5] =	ssyncadd.s32 $0xFFFFF9C0  }
0x2f: {  	_ =	swait.ge [sflag:s29], $0x640  }
0x30: {  	[sflag:s29] =	ssyncset.done $0x0  }
0x31: {  	[sflag:s29] =	ssyncadd.s32 $0xFFFFF9C0  }
0x32: {  	[bflag:$0x0] =	sbarrier.arrive $0xFFFF  }
0x33: {  	s28 =	rddreg [dreg:$0xa]  }
0x34: {  	[tilespmem:s12], [sflag:$0xF] =	stream.linear.gather [spmem:s28], $0x640, $0x38;
	[tilespmem:$0x1FF60] =	vst v63  }
0x35: {  	_ =	swait.ge [sflag:s11], $0x640  }
0x36: {  	[sflag:s11] =	ssyncset.done $0x0;
	s29 =	rddreg [dreg:$0x11]  }
0x37: {  	s16 =	sadd.s32 s25, s29;
	[sflag:s11] =	ssyncadd.s32 $0xFFFFF9C0  }
0x38: {  	[hbm4b:s16+s3] =	stream.linear.scatter [tilespmem:s12], [sflag:$0xF], $0x640, $0x38;
	[tilespmem:$0x1FF60] =	vst v63  }
0x39: {  	_ =	swait.ge [sflag:s11], $0x640  }
0x3a: {  	[sflag:s11] =	ssyncset.done $0x0  }
0x3b: {  	s5 =	rddreg [dreg:$0xb];
	[sflag:s11] =	ssyncadd.s32 $0xFFFFF9C0  }
0x3c: {  	[tilespmem:s12], [sflag:$0xF] =	stream.linear.gather [spmem:s5], $0x640, $0x38;
	[tilespmem:$0x1FF60] =	vst v63  }
0x3d: {  	_ =	swait.ge [sflag:s11], $0x640  }
0x3e: {  	[sflag:s11] =	ssyncset.done $0x0;
	s17 =	rddreg [dreg:$0x12]  }
0x3f: {  	s13 =	sadd.s32 s25, s17;
	[sflag:s11] =	ssyncadd.s32 $0xFFFFF9C0  }
0x40: {  	[hbm4b:s13+s3] =	stream.linear.scatter [tilespmem:s12], [sflag:$0xF], $0x640, $0x38;
	[tilespmem:$0x1FF60] =	vst v63  }
0x41: {  	_ =	swait.ge [sflag:s11], $0x640  }
0x42: {  	[sflag:s11] =	ssyncset.done $0x0  }
0x43: {  	s5 =	rddreg [dreg:$0xc];
	[sflag:s11] =	ssyncadd.s32 $0xFFFFF9C0  }
0x44: {  	[tilespmem:s12], [sflag:$0xF] =	stream.linear.gather [spmem:s5], $0x640, $0x38;
	[tilespmem:$0x1FF60] =	vst v63  }
0x45: {  	_ =	swait.ge [sflag:s11], $0x640  }
0x46: {  	[sflag:s11] =	ssyncset.done $0x0;
	s5 =	rddreg [dreg:$0x13]  }
0x47: {  	s13 =	sadd.s32 s25, s5;
	[sflag:s11] =	ssyncadd.s32 $0xFFFFF9C0  }
0x48: {  	[hbm4b:s13+s3] =	stream.linear.scatter [tilespmem:s12], [sflag:$0xF], $0x640, $0x38;
	[tilespmem:$0x1FF60] =	vst v63  }
0x49: {  	_ =	swait.ge [sflag:s11], $0x640  }
0x4a: {  	[sflag:s11] =	ssyncset.done $0x0  }
0x4b: {  	s13 =	rddreg [dreg:$0xd];
	[sflag:s11] =	ssyncadd.s32 $0xFFFFF9C0  }
0x4c: {  	[tilespmem:s12], [sflag:$0xF] =	stream.linear.gather [spmem:s13], $0x5B0, $0x38;
	[tilespmem:$0x1FF60] =	vst v63  }
0x4d: {  	_ =	swait.ge [sflag:s11], $0x5B0  }
0x4e: {  	[sflag:s11] =	ssyncset.done $0x0;
	s13 =	rddreg [dreg:$0x15]  }
0x4f: {  	s25 =	sadd.s32 s25, s13;
	[sflag:s11] =	ssyncadd.s32 $0xFFFFFA50  }
0x50: {  	[hbm4b:s25+s3] =	stream.linear.scatter [tilespmem:s12], [sflag:$0xF], $0x5B0, $0x38;
	[tilespmem:$0x1FF60] =	vst v63  }
0x51: {  	_ =	swait.ge [sflag:s11], $0x5B0  }
0x52: {  	[sflag:s11] =	ssyncset.done $0x0  }
0x53: {  	s25 =	rddreg [dreg:$0xe];
	[sflag:s11] =	ssyncadd.s32 $0xFFFFFA50  }
0x54: {  	[tilespmem:s12], [sflag:$0xF] =	stream.linear.gather [spmem:s25], $0x640, $0x38;
	[tilespmem:$0x1FF60] =	vst v63  }
0x55: {  	_ =	swait.ge [sflag:s11], $0x640  }
0x56: {  	[sflag:s11] =	ssyncset.done $0x0  }
0x57: {  	s25 =	sadd.s32 s24, s29;
	[sflag:s11] =	ssyncadd.s32 $0xFFFFF9C0  }
0x58: {  	[hbm4b:s25+s3] =	stream.linear.scatter [tilespmem:s12], [sflag:$0xF], $0x640, $0x38;
	[tilespmem:$0x1FF60] =	vst v63  }
0x59: {  	_ =	swait.ge [sflag:s11], $0x640  }
0x5a: {  	[sflag:s11] =	ssyncset.done $0x0  }
0x5b: {  	s29 =	rddreg [dreg:$0xf];
	[sflag:s11] =	ssyncadd.s32 $0xFFFFF9C0  }
0x5c: {  	[tilespmem:s12], [sflag:$0xF] =	stream.linear.gather [spmem:s29], $0x640, $0x38;
	[tilespmem:$0x1FF60] =	vst v63  }
0x5d: {  	_ =	swait.ge [sflag:s11], $0x640  }
0x5e: {  	[sflag:s11] =	ssyncset.done $0x0  }
0x5f: {  	s25 =	sadd.s32 s24, s17;
	[sflag:s11] =	ssyncadd.s32 $0xFFFFF9C0  }
0x60: {  	[hbm4b:s25+s3] =	stream.linear.scatter [tilespmem:s12], [sflag:$0xF], $0x640, $0x38;
	[tilespmem:$0x1FF60] =	vst v63  }
0x61: {  	_ =	swait.ge [sflag:s11], $0x640  }
0x62: {  	[sflag:s11] =	ssyncset.done $0x0  }
0x63: {  	s29 =	rddreg [dreg:$0x10];
	[sflag:s11] =	ssyncadd.s32 $0xFFFFF9C0  }
0x64: {  	[tilespmem:s12], [sflag:$0xF] =	stream.linear.gather [spmem:s29], $0x640, $0x38;
	[tilespmem:$0x1FF60] =	vst v63  }
0x65: {  	_ =	swait.ge [sflag:s11], $0x640  }
0x66: {  	[sflag:s11] =	ssyncset.done $0x0  }
0x67: {  	s17 =	sadd.s32 s24, s5;
	[sflag:s11] =	ssyncadd.s32 $0xFFFFF9C0  }
0x68: {  	[hbm4b:s17+s3] =	stream.linear.scatter [tilespmem:s12], [sflag:$0xF], $0x640, $0x38;
	[tilespmem:$0x1FF60] =	vst v63  }
0x69: {  	_ =	swait.ge [sflag:s11], $0x640  }
0x6a: {  	[sflag:s11] =	ssyncset.done $0x0  }
0x6b: {  	s17 =	rddreg [dreg:$0x14];
	[sflag:s11] =	ssyncadd.s32 $0xFFFFF9C0  }
0x6c: {  	[tilespmem:s12], [sflag:$0xF] =	stream.linear.gather [spmem:s17], $0x5B0, $0x38;
	[tilespmem:$0x1FF60] =	vst v63  }
0x6d: {  	_ =	swait.ge [sflag:s11], $0x5B0  }
0x6e: {  	[sflag:s11] =	ssyncset.done $0x0  }
0x6f: {  	s25 =	sadd.s32 s24, s13;
	[sflag:s11] =	ssyncadd.s32 $0xFFFFFA50  }
0x70: {  	[hbm4b:s25+s3] =	stream.linear.scatter [tilespmem:s12], [sflag:$0xF], $0x5B0, $0x38;
	[tilespmem:$0x1FF60] =	vst v63  }
0x71: {  	_ =	swait.ge [sflag:s11], $0x5B0  }
0x72: {  	s14 =	sadd.s32 $0x1, s14;
	s29 =	rddreg [dreg:$0x1e]  }
0x73: {  	p1 =	sne.s32 s14, s29  }
.Ltmp1:
0x74: {  	_ = 	snop;
	(pc) =	sbr.rel @!p1 .LBB2_53-.Ltmp1, $3  }
0x75: {  	_ =	sdelay $0x1  }
0x76: {  	[sflag:s11] =	ssyncset.done $0x0  }
0x77: {  	s5 =	stileid.u32;
	[sflag:s11] =	ssyncadd.s32 $0xFFFFFA50  }
.LBB2_1:
.Ltmp2:
0x78: {  	(pc) =	sbr.rel @!p0 .LBB2_2-.Ltmp2, $2  }
0x79: {  	_ =	sdelay $0x2  }
0x7a: {  	[dreg:$0x1f] =	wrdreg s14;
	s16 =	simm.s32 $0x0  }
0x7b: {  	s24 =	rddreg [dreg:$0x5]  }
0x7c: {  	[tilespmem:s16], [sflag:$0xF] =	stream.linear.gather [hbm4b:s24+s16], $0x18700, $0x38;
	[tilespmem:$0x1FF60] =	vst v63  }
0x7d: {  	_ =	swait.ge [sflag:s11], $0x18700  }
0x7e: {  	[sflag:s11] =	ssyncset.done $0x0  }
0x7f: {  	s16 =	simm.s32 $0x40;
	s24 =	simm.s32 $0x0;
	[sflag:s11] =	ssyncadd.s32 $0xFFFE7900  }
.LBB2_28:
0x80: {  	p1 =	sne.s32 s16, $0x18C0;
	[tilespmem:s24+$0x1AE00] =	vst v0;
	s25 =	smov.u32 s16;
	s16 =	sadd.s32 $0x40, s16  }
.Ltmp3:
0x81: {  	[tilespmem:s24+$0x1C800] =	vst v1;
	(pc) =	sbr.rel @p1 .LBB2_28-.Ltmp3, $2  }
0x82: {  	_ =	sdelay $0x2  }
0x83: {  	s24 =	sshra.s32 s25, $0x2  }
0x84: {  	[tilespmem:s24+$0x1AE00] =	vst v0  }
0x85: {  	[tilespmem:s24+$0x1C800] =	vst v1  }
0x86: {  	[spmem:s28] =	stream.linear.scatter [tilespmem:s12], [sflag:$0xF], $0x640, $0x38;
	[tilespmem:$0x1FF60] =	vst v63  }
0x87: {  	_ =	swait.ge [sflag:s11], $0x640  }
0x88: {  	[sflag:s11] =	ssyncset.done $0x0  }
0x89: {  	s16 =	rddreg [dreg:$0xb];
	[sflag:s11] =	ssyncadd.s32 $0xFFFFF9C0  }
0x8a: {  	[spmem:s16] =	stream.linear.scatter [tilespmem:s12], [sflag:$0xF], $0x640, $0x38;
	[tilespmem:$0x1FF60] =	vst v63  }
0x8b: {  	_ =	swait.ge [sflag:s11], $0x640  }
0x8c: {  	[sflag:s11] =	ssyncset.done $0x0  }
0x8d: {  	s24 =	rddreg [dreg:$0xc];
	[sflag:s11] =	ssyncadd.s32 $0xFFFFF9C0  }
0x8e: {  	[spmem:s24] =	stream.linear.scatter [tilespmem:s12], [sflag:$0xF], $0x640, $0x38;
	[tilespmem:$0x1FF60] =	vst v63  }
0x8f: {  	_ =	swait.ge [sflag:s11], $0x640  }
0x90: {  	[sflag:s11] =	ssyncset.done $0x0  }
0x91: {  	s25 =	rddreg [dreg:$0xd];
	[sflag:s11] =	ssyncadd.s32 $0xFFFFF9C0  }
0x92: {  	[spmem:s25] =	stream.linear.scatter [tilespmem:s12], [sflag:$0xF], $0x5B0, $0x38;
	[tilespmem:$0x1FF60] =	vst v63  }
0x93: {  	_ =	swait.ge [sflag:s11], $0x5B0  }
0x94: {  	[sflag:s11] =	ssyncset.done $0x0  }
0x95: {  	s28 =	rddreg [dreg:$0xe];
	[sflag:s11] =	ssyncadd.s32 $0xFFFFFA50  }
0x96: {  	[spmem:s28] =	stream.linear.scatter [tilespmem:s12], [sflag:$0xF], $0x640, $0x38;
	[tilespmem:$0x1FF60] =	vst v63  }
0x97: {  	_ =	swait.ge [sflag:s11], $0x640  }
0x98: {  	[sflag:s11] =	ssyncset.done $0x0  }
0x99: {  	s29 =	rddreg [dreg:$0xf];
	[sflag:s11] =	ssyncadd.s32 $0xFFFFF9C0  }
0x9a: {  	[spmem:s29] =	stream.linear.scatter [tilespmem:s12], [sflag:$0xF], $0x640, $0x38;
	[tilespmem:$0x1FF60] =	vst v63  }
0x9b: {  	_ =	swait.ge [sflag:s11], $0x640  }
0x9c: {  	[sflag:s11] =	ssyncset.done $0x0  }
0x9d: {  	s13 =	rddreg [dreg:$0x10];
	[sflag:s11] =	ssyncadd.s32 $0xFFFFF9C0  }
0x9e: {  	[spmem:s13] =	stream.linear.scatter [tilespmem:s12], [sflag:$0xF], $0x640, $0x38;
	[tilespmem:$0x1FF60] =	vst v63  }
0x9f: {  	_ =	swait.ge [sflag:s11], $0x640  }
0xa0: {  	[sflag:s11] =	ssyncset.done $0x0  }
0xa1: {  	[sflag:s11] =	ssyncadd.s32 $0xFFFFF9C0  }
0xa2: {  	[spmem:s17] =	stream.linear.scatter [tilespmem:s12], [sflag:$0xF], $0x5B0, $0x38;
	[tilespmem:$0x1FF60] =	vst v63  }
0xa3: {  	_ =	swait.ge [sflag:s11], $0x5B0  }
0xa4: {  	[sflag:s11] =	ssyncset.done $0x0  }
0xa5: {  	[sflag:s11] =	ssyncadd.s32 $0xFFFFFA50  }
0xa6: {  	[bflag:$0x0] =	sbarrier.arrive $0xFFFF  }
0xa7: {  	s24 =	simm.s32 $0x0;
	s17 =	simm.s32 $0x18700;
	s13 =	rddreg [dreg:$0x17]  }
0xa8: {  	[tilespmem:s17], [sflag:$0x1] =	stream.linear.gather [hbm4b:s13+s24], $0x640, $0x38;
	[tilespmem:$0x1FF60] =	vst v63  }
0xa9: {  	s14 =	rddreg [dreg:$0x19]  }
0xaa: {  	[tilespmem:s26], [sflag:$0x3] =	stream.linear.gather [hbm4b:s14+s24], $0x640, $0x38;
	[tilespmem:$0x1FF60] =	vst v63  }
.Ltmp4:
0xab: {  	_ = 	snop;
	(pc) =	sbr.rel .LBB2_30-.Ltmp4, $4  }
0xac: {  	s25 =	simm.s32 $0x18D80;
	s29 =	simm.s32 $0x19A80;
	s16 =	rddreg [dreg:$0x1b]  }
0xad: {  	[tilespmem:s25], [sflag:$0x2] =	stream.linear.gather [hbm4b:s16+s24], $0x640, $0x38;
	[tilespmem:$0x1FF60] =	vst v63  }
0xae: {  	s28 =	rddreg [dreg:$0x1d];
	s13 =	simm.s32 $0x18D80;
	s14 =	simm.s32 $0x4  }
0xaf: {  	[tilespmem:s29], [sflag:$0x4] =	stream.linear.gather [hbm4b:s28+s24], $0x640, $0x38;
	[tilespmem:$0x1FF60] =	vst v63  }
.LBB2_50:
0xb0: {  	p1 =	sgt.u32 s24, $0x1D  }
0xb1: {  	s16 =	sshll.u32 @!p1 s24, $0x6  }
0xb2: {  	s16 =	sadd.s32 @!p1 s10, s16  }
0xb3: {  	s16 =	smul.u32 @!p1 $0x640, s16;
	_ =	sdelay $0x1  }
0xb4: {  	s16 =	sshrl.u32 @!p1 s16, $0x3  }
0xb5: {  	s25 =	simm.s32 @!p1 $0x0;
	s28 =	simm.s32 @!p1 $0x18D80;
	s16 =	sadd.s32 @!p1 s8, s16  }
0xb6: {  	[tilespmem:s28], [sflag:$0x2] =	stream.linear.gather @!p1 [hbm4b:s16+s25], $0x640, $0x38;
	[tilespmem:$0x1FF60] =	vst v63  }
0xb7: {  	s24 =	sadd.s32 $0x1, s24;
	s16 =	sadd.s32 @!p1 $0x61A80, s16;
	s28 =	simm.s32 @!p1 $0x19A80  }
0xb8: {  	[tilespmem:s28], [sflag:$0x4] =	stream.linear.gather @!p1 [hbm4b:s16+s25], $0x640, $0x38;
	[tilespmem:$0x1FF60] =	vst v63  }
0xb9: {  	p1 =	sne.s32 s24, $0x20  }
.Ltmp5:
0xba: {  	_ = 	snop;
	(pc) =	sbr.rel @!p1 .LBB2_51-.Ltmp5, $1  }
0xbb: {  	_ =	sdelay $0x3  }
.LBB2_30:
0xbc: {  	_ =	swait.ge [sflag:s30], $0x640  }
0xbd: {  	[sflag:s30] =	ssyncset.done $0x0  }
0xbe: {  	[sflag:s30] =	ssyncadd.s32 $0xFFFFF9C0  }
0xbf: {  	_ =	swait.ge [sflag:s31], $0x640  }
0xc0: {  	[sflag:s31] =	ssyncset.done $0x0  }
0xc1: {  	s25 =	simm.s32 $0x0;
	[sflag:s31] =	ssyncadd.s32 $0xFFFFF9C0  }
0xc2: {  	[spmem:s2] =	stream.indirect.scatter.add.f32 [tilespmem:s4], [sflag:$0xB], $0x1, s26, s0, $0xb8;
	[tilespmem:$0x1FF60] =	vst v63  }
0xc3: {  	v2 =	vld [tilespmem:s25+$0x18700];
	_ =	sdelay $0x5  }
0xc4: {  	v3 =	vld [tilespmem:s25+$0x18710];
	_ =	sdelay $0x1  }
0xc5: {  	v2 =	vld.idx.msk [tilespmem:v2+s3+$0x0], $0xffff;
	_ =	sdelay $0x4  }
0xc6: {  	v4 =	vld [tilespmem:s25+$0x18720];
	[tilespmem:s25+$0x1AE00] =	vst v2  }
0xc7: {  	v2 =	vld.idx.msk [tilespmem:v3+s3+$0x0], $0xffff;
	_ =	sdelay $0x4  }
0xc8: {  	[tilespmem:s25+$0x1AE10] =	vst v2;
	v2 =	vld [tilespmem:s25+$0x18730];
	_ =	sdelay $0x1  }
0xc9: {  	v3 =	vld.idx.msk [tilespmem:v4+s3+$0x0], $0xffff;
	_ =	sdelay $0x3  }
0xca: {  	s16 =	simm.s32 $0x40;
	s28 =	simm.s32 $0x200  }
.LBB2_31:
0xcb: {  	p1 =	sne.s32 s28, $0x1800;
	v4 =	vld [tilespmem:s16+$0x18700];
	[tilespmem:s25+$0x1AE20] =	vst v3  }
0xcc: {  	v2 =	vld.idx.msk [tilespmem:v2+s3+$0x0], $0xffff;
	_ =	sdelay $0x5  }
0xcd: {  	v3 =	vld [tilespmem:s16+$0x18710];
	[tilespmem:s25+$0x1AE30] =	vst v2;
	s25 =	smov.u32 s16  }
0xce: {  	v2 =	vld.idx.msk [tilespmem:v4+s3+$0x0], $0xffff;
	_ =	sdelay $0x5  }
0xcf: {  	[tilespmem:s25+$0x1AE00] =	vst v2;
	v4 =	vld [tilespmem:s25+$0x18720]  }
0xd0: {  	v2 =	vld.idx.msk [tilespmem:v3+s3+$0x0], $0xffff;
	_ =	sdelay $0x5  }
0xd1: {  	[tilespmem:s25+$0x1AE10] =	vst v2;
	v2 =	vld [tilespmem:s25+$0x18730]  }
0xd2: {  	v3 =	vld.idx.msk [tilespmem:v4+s3+$0x0], $0xffff  }
.Ltmp6:
0xd3: {  	(pc) =	sbr.rel @p1 .LBB2_31-.Ltmp6, $2  }
0xd4: {  	_ =	sdelay $0x2  }
0xd5: {  	s16 =	sshra.s32 s28, $0x2;
	s28 =	sadd.s32 $0x100, s28  }
0xd6: {  	_ =	sdelay $0x1  }
0xd7: {  	v4 =	vld [tilespmem:s16+$0x18700]  }
0xd8: {  	[tilespmem:s25+$0x1AE20] =	vst v3  }
0xd9: {  	v2 =	vld.idx.msk [tilespmem:v2+s3+$0x0], $0xffff;
	_ =	sdelay $0x3  }
0xda: {  	v3 =	vld [tilespmem:s16+$0x18710]  }
0xdb: {  	[tilespmem:s25+$0x1AE30] =	vst v2  }
0xdc: {  	v2 =	vld.idx.msk [tilespmem:v4+s3+$0x0], $0xffff;
	_ =	sdelay $0x4  }
0xdd: {  	[tilespmem:s16+$0x1AE00] =	vst v2;
	v2 =	vld [tilespmem:s16+$0x18720]  }
0xde: {  	v3 =	vld.idx.msk [tilespmem:v3+s3+$0x0], $0xffff;
	_ =	sdelay $0x4  }
0xdf: {  	[tilespmem:s16+$0x1AE10] =	vst v3;
	v3 =	vld [tilespmem:s16+$0x18730];
	_ =	sdelay $0x1  }
0xe0: {  	v2 =	vld.idx.msk [tilespmem:v2+s3+$0x0], $0xffff;
	_ =	sdelay $0x4  }
0xe1: {  	[tilespmem:s16+$0x1AE20] =	vst v2  }
0xe2: {  	v2 =	vld.idx.msk [tilespmem:v3+s3+$0x0], $0xffff;
	_ =	sdelay $0x3  }
0xe3: {  	p2 =	seq.s32 s24, $0x0  }
0xe4: {  	[tilespmem:s16+$0x1AE30] =	vst v2;
	s16 =	simm.s32 @!p2 $0x9  }
0xe5: {  	[spmem:s1] =	stream.indirect.scatter.add.f32 [tilespmem:s12], [sflag:$0x7], $0x1, s26, s0, $0xb8;
	[tilespmem:$0x1FF60] =	vst v63  }
0xe6: {  	_ =	swait.ge @!p2 [sflag:s16], $0x640  }
0xe7: {  	s25 =	sshll.u32 s24, $0x2;
	[sflag:s16] =	ssyncset.done @!p2 $0x0  }
0xe8: {  	[sflag:s16] =	ssyncadd.s32 @!p2 $0xFFFFF9C0;
	s16 =	sor.u32 @!p2 $0x2, s25  }
0xe9: {  	p1 =	sgt.u32 @!p2 s16, $0x7C  }
0xea: {  	p3 =	por p2, !p1  }
.Ltmp7:
0xeb: {  	_ = 	snop;
	(pc) =	sbr.rel @!p3 .LBB2_34-.Ltmp7, $4  }
0xec: {  	s28 =	simm.s32 @!p2 $0xD  }
0xed: {  	_ =	swait.ge @!p2 [sflag:s28], $0x640  }
0xee: {  	[sflag:s28] =	ssyncset.done @!p2 $0x0  }
0xef: {  	p1 =	por @!p2 $0x0, $0x0;
	[sflag:s28] =	ssyncadd.s32 @!p2 $0xFFFFF9C0  }
0xf0: {  	s16 =	simm.s32 @p2 $0x2  }
0xf1: {  	s16 =	sshll.u32 s16, $0x4  }
0xf2: {  	s16 =	sor.u32 s5, s16  }
0xf3: {  	s16 =	smul.u32 $0x640, s16;
	_ =	sdelay $0x1  }
0xf4: {  	s16 =	sshrl.u32 s16, $0x3  }
0xf5: {  	s16 =	sadd.s32 s8, s16  }
0xf6: {  	[tilespmem:s17], [sflag:$0x1] =	stream.linear.gather [hbm4b:s16+s3], $0x640, $0x38;
	[tilespmem:$0x1FF60] =	vst v63  }
0xf7: {  	s28 =	simm.s32 $0x1A100;
	p1 =	por $0x1, $0x1;
	s16 =	sadd.s32 $0x61A80, s16  }
0xf8: {  	[tilespmem:s28], [sflag:$0x5] =	stream.linear.gather [hbm4b:s16+s3], $0x640, $0x38;
	[tilespmem:$0x1FF60] =	vst v63  }
.LBB2_34:
0xf9: {  	p3 =	sgt.u32 s24, $0x1E  }
.Ltmp8:
0xfa: {  	_ = 	snop;
	(pc) =	sbr.rel @p3 .LBB2_40-.Ltmp8, $1  }
0xfb: {  	_ =	sdelay $0x3  }
0xfc: {  	_ =	swait.ge [sflag:s6], $0x640  }
0xfd: {  	[sflag:s6] =	ssyncset.done $0x0  }
0xfe: {  	[sflag:s6] =	ssyncadd.s32 $0xFFFFF9C0  }
0xff: {  	_ =	swait.ge [sflag:s14], $0x640  }
0x100: {  	[sflag:s14] =	ssyncset.done $0x0  }
0x101: {  	s16 =	simm.s32 $0x19A80;
	s28 =	simm.s32 $0x0;
	[sflag:s14] =	ssyncadd.s32 $0xFFFFF9C0  }
0x102: {  	[spmem:s2] =	stream.indirect.scatter.add.f32 [tilespmem:s4], [sflag:$0xC], $0x1, s16, s0, $0xb8;
	[tilespmem:$0x1FF60] =	vst v63  }
0x103: {  	v2 =	vld [tilespmem:s28+$0x18D80];
	_ =	sdelay $0x5  }
0x104: {  	v3 =	vld [tilespmem:s28+$0x18D90];
	_ =	sdelay $0x1  }
0x105: {  	v2 =	vld.idx.msk [tilespmem:v2+s3+$0x0], $0xffff;
	_ =	sdelay $0x4  }
0x106: {  	v4 =	vld [tilespmem:s28+$0x18DA0];
	[tilespmem:s28+$0x1B480] =	vst v2  }
0x107: {  	v2 =	vld.idx.msk [tilespmem:v3+s3+$0x0], $0xffff;
	_ =	sdelay $0x4  }
0x108: {  	[tilespmem:s28+$0x1B490] =	vst v2;
	v2 =	vld [tilespmem:s28+$0x18DB0];
	_ =	sdelay $0x1  }
0x109: {  	v3 =	vld.idx.msk [tilespmem:v4+s3+$0x0], $0xffff;
	_ =	sdelay $0x3  }
0x10a: {  	s29 =	simm.s32 $0x200;
	s16 =	simm.s32 $0x40  }
.LBB2_36:
0x10b: {  	p3 =	sne.s32 s29, $0x1800;
	v4 =	vld [tilespmem:s16+$0x18D80];
	[tilespmem:s28+$0x1B4A0] =	vst v3  }
0x10c: {  	v2 =	vld.idx.msk [tilespmem:v2+s3+$0x0], $0xffff;
	_ =	sdelay $0x5  }
0x10d: {  	v3 =	vld [tilespmem:s16+$0x18D90];
	[tilespmem:s28+$0x1B4B0] =	vst v2;
	s28 =	smov.u32 s16  }
0x10e: {  	v2 =	vld.idx.msk [tilespmem:v4+s3+$0x0], $0xffff;
	_ =	sdelay $0x5  }
0x10f: {  	[tilespmem:s28+$0x1B480] =	vst v2;
	v4 =	vld [tilespmem:s28+$0x18DA0]  }
0x110: {  	v2 =	vld.idx.msk [tilespmem:v3+s3+$0x0], $0xffff;
	_ =	sdelay $0x5  }
0x111: {  	[tilespmem:s28+$0x1B490] =	vst v2;
	v2 =	vld [tilespmem:s28+$0x18DB0]  }
0x112: {  	v3 =	vld.idx.msk [tilespmem:v4+s3+$0x0], $0xffff  }
.Ltmp9:
0x113: {  	(pc) =	sbr.rel @p3 .LBB2_36-.Ltmp9, $2  }
0x114: {  	_ =	sdelay $0x2  }
0x115: {  	s16 =	sshra.s32 s29, $0x2;
	s29 =	sadd.s32 $0x100, s29  }
0x116: {  	_ =	sdelay $0x1  }
0x117: {  	v4 =	vld [tilespmem:s16+$0x18D80]  }
0x118: {  	[tilespmem:s28+$0x1B4A0] =	vst v3  }
0x119: {  	v2 =	vld.idx.msk [tilespmem:v2+s3+$0x0], $0xffff;
	_ =	sdelay $0x3  }
0x11a: {  	v3 =	vld [tilespmem:s16+$0x18D90]  }
0x11b: {  	[tilespmem:s28+$0x1B4B0] =	vst v2  }
0x11c: {  	v2 =	vld.idx.msk [tilespmem:v4+s3+$0x0], $0xffff;
	_ =	sdelay $0x4  }
0x11d: {  	[tilespmem:s16+$0x1B480] =	vst v2;
	v2 =	vld [tilespmem:s16+$0x18DA0]  }
0x11e: {  	v3 =	vld.idx.msk [tilespmem:v3+s3+$0x0], $0xffff;
	_ =	sdelay $0x4  }
0x11f: {  	[tilespmem:s16+$0x1B490] =	vst v3;
	v3 =	vld [tilespmem:s16+$0x18DB0];
	_ =	sdelay $0x1  }
0x120: {  	v2 =	vld.idx.msk [tilespmem:v2+s3+$0x0], $0xffff;
	_ =	sdelay $0x4  }
0x121: {  	[tilespmem:s16+$0x1B4A0] =	vst v2  }
0x122: {  	v2 =	vld.idx.msk [tilespmem:v3+s3+$0x0], $0xffff;
	_ =	sdelay $0x1  }
.Ltmp10:
0x123: {  	_ = 	snop;
	(pc) =	sbr.rel @p2 .LBB2_38-.Ltmp10, $3  }
0x124: {  	_ =	sdelay $0x1  }
0x125: {  	s29 =	simm.s32 $0x1B480;
	[tilespmem:s16+$0x1B4B0] =	vst v2;
	s16 =	simm.s32 $0x19A80  }
0x126: {  	[spmem:s1] =	stream.indirect.scatter.add.f32 [tilespmem:s29], [sflag:$0x8], $0x1, s16, s0, $0xb8;
	[tilespmem:$0x1FF60] =	vst v63  }
0x127: {  	s16 =	simm.s32 $0xA  }
0x128: {  	_ =	swait.ge [sflag:s16], $0x640  }
0x129: {  	[sflag:s16] =	ssyncset.done $0x0  }
0x12a: {  	s29 =	simm.s32 $0xE;
	[sflag:s16] =	ssyncadd.s32 $0xFFFFF9C0  }
0x12b: {  	_ =	swait.ge [sflag:s29], $0x640  }
0x12c: {  	[sflag:s29] =	ssyncset.done $0x0  }
0x12d: {  	[sflag:s29] =	ssyncadd.s32 $0xFFFFF9C0  }
.LBB2_40:
0x12e: {  	s16 =	sor.u32 $0x3, s25  }
0x12f: {  	p3 =	sgt.u32 s16, $0x7C  }
.Ltmp11:
0x130: {  	_ = 	snop;
	(pc) =	sbr.rel @p3 .LBB2_42-.Ltmp11, $4  }
.Ltmp12:
0x131: {  	_ = 	snop;
	(pc) =	sbr.rel @!p3 .LBB2_41-.Ltmp12, $4  }
0x132: {  	_ = 	snop  }
0x133: {  	_ = 	snop  }
0x134: {  	p2 =	por $0x0, $0x0  }
0x135: {  	_ = 	snop  }
.LBB2_38:
0x136: {  	s16 =	simm.s32 $0x3  }
.LBB2_41:
0x137: {  	s16 =	sshll.u32 s16, $0x4  }
0x138: {  	s16 =	sor.u32 s5, s16  }
0x139: {  	s16 =	smul.u32 $0x640, s16;
	_ =	sdelay $0x1  }
0x13a: {  	s16 =	sshrl.u32 s16, $0x3  }
0x13b: {  	s16 =	sadd.s32 s8, s16  }
0x13c: {  	[tilespmem:s13], [sflag:$0x2] =	stream.linear.gather [hbm4b:s16+s3], $0x640, $0x38;
	[tilespmem:$0x1FF60] =	vst v63  }
0x13d: {  	p2 =	por $0x1, $0x1;
	s16 =	sadd.s32 $0x61A80, s16  }
0x13e: {  	[tilespmem:s18], [sflag:$0x6] =	stream.linear.gather [hbm4b:s16+s3], $0x640, $0x38;
	[tilespmem:$0x1FF60] =	vst v63  }
.LBB2_42:
.Ltmp13:
0x13f: {  	(pc) =	sbr.rel @!p1 .LBB2_46-.Ltmp13, $1  }
0x140: {  	_ =	sdelay $0x3  }
0x141: {  	_ =	swait.ge [sflag:s30], $0x640  }
0x142: {  	[sflag:s30] =	ssyncset.done $0x0  }
0x143: {  	[sflag:s30] =	ssyncadd.s32 $0xFFFFF9C0  }
0x144: {  	_ =	swait.ge [sflag:s19], $0x640  }
0x145: {  	[sflag:s19] =	ssyncset.done $0x0  }
0x146: {  	s16 =	simm.s32 $0x1A100;
	s25 =	simm.s32 $0x0;
	[sflag:s19] =	ssyncadd.s32 $0xFFFFF9C0  }
0x147: {  	[spmem:s2] =	stream.indirect.scatter.add.f32 [tilespmem:s4], [sflag:$0xD], $0x1, s16, s0, $0xb8;
	[tilespmem:$0x1FF60] =	vst v63  }
0x148: {  	v2 =	vld [tilespmem:s25+$0x18700];
	_ =	sdelay $0x5  }
0x149: {  	v3 =	vld [tilespmem:s25+$0x18710];
	_ =	sdelay $0x1  }
0x14a: {  	v2 =	vld.idx.msk [tilespmem:v2+s3+$0x0], $0xffff;
	_ =	sdelay $0x4  }
0x14b: {  	v4 =	vld [tilespmem:s25+$0x18720];
	[tilespmem:s25+$0x1BB00] =	vst v2  }
0x14c: {  	v2 =	vld.idx.msk [tilespmem:v3+s3+$0x0], $0xffff;
	_ =	sdelay $0x4  }
0x14d: {  	[tilespmem:s25+$0x1BB10] =	vst v2;
	v2 =	vld [tilespmem:s25+$0x18730];
	_ =	sdelay $0x1  }
0x14e: {  	v3 =	vld.idx.msk [tilespmem:v4+s3+$0x0], $0xffff;
	_ =	sdelay $0x3  }
0x14f: {  	s28 =	simm.s32 $0x200;
	s16 =	simm.s32 $0x40  }
.LBB2_44:
0x150: {  	p1 =	sne.s32 s28, $0x1800;
	v4 =	vld [tilespmem:s16+$0x18700];
	[tilespmem:s25+$0x1BB20] =	vst v3  }
0x151: {  	v2 =	vld.idx.msk [tilespmem:v2+s3+$0x0], $0xffff;
	_ =	sdelay $0x5  }
0x152: {  	v3 =	vld [tilespmem:s16+$0x18710];
	[tilespmem:s25+$0x1BB30] =	vst v2;
	s25 =	smov.u32 s16  }
0x153: {  	v2 =	vld.idx.msk [tilespmem:v4+s3+$0x0], $0xffff;
	_ =	sdelay $0x5  }
0x154: {  	[tilespmem:s25+$0x1BB00] =	vst v2;
	v4 =	vld [tilespmem:s25+$0x18720]  }
0x155: {  	v2 =	vld.idx.msk [tilespmem:v3+s3+$0x0], $0xffff;
	_ =	sdelay $0x5  }
0x156: {  	[tilespmem:s25+$0x1BB10] =	vst v2;
	v2 =	vld [tilespmem:s25+$0x18730]  }
0x157: {  	v3 =	vld.idx.msk [tilespmem:v4+s3+$0x0], $0xffff  }
.Ltmp14:
0x158: {  	(pc) =	sbr.rel @p1 .LBB2_44-.Ltmp14, $2  }
0x159: {  	_ =	sdelay $0x2  }
0x15a: {  	s16 =	sshra.s32 s28, $0x2;
	s28 =	sadd.s32 $0x100, s28  }
0x15b: {  	_ =	sdelay $0x1  }
0x15c: {  	v4 =	vld [tilespmem:s16+$0x18700]  }
0x15d: {  	[tilespmem:s25+$0x1BB20] =	vst v3  }
0x15e: {  	v2 =	vld.idx.msk [tilespmem:v2+s3+$0x0], $0xffff;
	_ =	sdelay $0x3  }
0x15f: {  	v3 =	vld [tilespmem:s16+$0x18710]  }
0x160: {  	[tilespmem:s25+$0x1BB30] =	vst v2  }
0x161: {  	v2 =	vld.idx.msk [tilespmem:v4+s3+$0x0], $0xffff;
	_ =	sdelay $0x4  }
0x162: {  	[tilespmem:s16+$0x1BB00] =	vst v2;
	v2 =	vld [tilespmem:s16+$0x18720]  }
0x163: {  	v3 =	vld.idx.msk [tilespmem:v3+s3+$0x0], $0xffff;
	_ =	sdelay $0x4  }
0x164: {  	[tilespmem:s16+$0x1BB10] =	vst v3;
	v3 =	vld [tilespmem:s16+$0x18730];
	_ =	sdelay $0x1  }
0x165: {  	v2 =	vld.idx.msk [tilespmem:v2+s3+$0x0], $0xffff;
	_ =	sdelay $0x4  }
0x166: {  	[tilespmem:s16+$0x1BB20] =	vst v2  }
0x167: {  	v2 =	vld.idx.msk [tilespmem:v3+s3+$0x0], $0xffff;
	_ =	sdelay $0x4  }
0x168: {  	s28 =	simm.s32 $0x1A100;
	s29 =	simm.s32 $0x1BB00;
	[tilespmem:s16+$0x1BB30] =	vst v2  }
0x169: {  	[spmem:s1] =	stream.indirect.scatter.add.f32 [tilespmem:s29], [sflag:$0x9], $0x1, s28, s0, $0xb8;
	[tilespmem:$0x1FF60] =	vst v63  }
0x16a: {  	_ =	swait.ge [sflag:s21], $0x640  }
0x16b: {  	[sflag:s21] =	ssyncset.done $0x0  }
0x16c: {  	[sflag:s21] =	ssyncadd.s32 $0xFFFFF9C0  }
0x16d: {  	_ =	swait.ge [sflag:s22], $0x640  }
0x16e: {  	[sflag:s22] =	ssyncset.done $0x0  }
0x16f: {  	[sflag:s22] =	ssyncadd.s32 $0xFFFFF9C0  }
.LBB2_46:
0x170: {  	p1 =	seq.s32 s24, $0x1F  }
0x171: {  	s16 =	sshll.u32 @!p1 s24, $0x6  }
0x172: {  	s16 =	sadd.s32 @!p1 s9, s16  }
0x173: {  	s16 =	smul.u32 @!p1 $0x640, s16;
	_ =	sdelay $0x1  }
.Ltmp15:
0x174: {  	s16 =	sshrl.u32 @!p1 s16, $0x3;
	(pc) =	sbr.rel @!p2 .LBB2_50-.Ltmp15, $4  }
0x175: {  	s25 =	simm.s32 @!p1 $0x0;
	s28 =	simm.s32 @!p1 $0x18700;
	s16 =	sadd.s32 @!p1 s8, s16  }
0x176: {  	[tilespmem:s28], [sflag:$0x1] =	stream.linear.gather @!p1 [hbm4b:s16+s25], $0x640, $0x38;
	[tilespmem:$0x1FF60] =	vst v63  }
0x177: {  	s16 =	sadd.s32 @!p1 $0x61A80, s16;
	s28 =	simm.s32 @!p1 $0x19400  }
0x178: {  	[tilespmem:s28], [sflag:$0x3] =	stream.linear.gather @!p1 [hbm4b:s16+s25], $0x640, $0x38;
	[tilespmem:$0x1FF60] =	vst v63  }
0x179: {  	_ =	swait.ge [sflag:s6], $0x640  }
0x17a: {  	[sflag:s6] =	ssyncset.done $0x0  }
0x17b: {  	[sflag:s6] =	ssyncadd.s32 $0xFFFFF9C0  }
0x17c: {  	_ =	swait.ge [sflag:s23], $0x640  }
0x17d: {  	[sflag:s23] =	ssyncset.done $0x0  }
0x17e: {  	s25 =	simm.s32 $0x0;
	[sflag:s23] =	ssyncadd.s32 $0xFFFFF9C0  }
0x17f: {  	[spmem:s2] =	stream.indirect.scatter.add.f32 [tilespmem:s4], [sflag:$0xE], $0x1, s18, s0, $0xb8;
	[tilespmem:$0x1FF60] =	vst v63  }
0x180: {  	v2 =	vld [tilespmem:s25+$0x18D80];
	_ =	sdelay $0x5  }
0x181: {  	v3 =	vld [tilespmem:s25+$0x18D90];
	_ =	sdelay $0x1  }
0x182: {  	v2 =	vld.idx.msk [tilespmem:v2+s3+$0x0], $0xffff;
	_ =	sdelay $0x4  }
0x183: {  	v4 =	vld [tilespmem:s25+$0x18DA0];
	[tilespmem:s25+$0x1C180] =	vst v2  }
0x184: {  	v2 =	vld.idx.msk [tilespmem:v3+s3+$0x0], $0xffff;
	_ =	sdelay $0x4  }
0x185: {  	[tilespmem:s25+$0x1C190] =	vst v2;
	v2 =	vld [tilespmem:s25+$0x18DB0];
	_ =	sdelay $0x1  }
0x186: {  	v3 =	vld.idx.msk [tilespmem:v4+s3+$0x0], $0xffff;
	_ =	sdelay $0x3  }
0x187: {  	s16 =	simm.s32 $0x40;
	s28 =	simm.s32 $0x200  }
.LBB2_48:
0x188: {  	p1 =	sne.s32 s28, $0x1800;
	v4 =	vld [tilespmem:s16+$0x18D80];
	[tilespmem:s25+$0x1C1A0] =	vst v3  }
0x189: {  	v2 =	vld.idx.msk [tilespmem:v2+s3+$0x0], $0xffff;
	_ =	sdelay $0x5  }
0x18a: {  	v3 =	vld [tilespmem:s16+$0x18D90];
	[tilespmem:s25+$0x1C1B0] =	vst v2;
	s25 =	smov.u32 s16  }
0x18b: {  	v2 =	vld.idx.msk [tilespmem:v4+s3+$0x0], $0xffff;
	_ =	sdelay $0x5  }
0x18c: {  	[tilespmem:s25+$0x1C180] =	vst v2;
	v4 =	vld [tilespmem:s25+$0x18DA0]  }
0x18d: {  	v2 =	vld.idx.msk [tilespmem:v3+s3+$0x0], $0xffff;
	_ =	sdelay $0x5  }
0x18e: {  	[tilespmem:s25+$0x1C190] =	vst v2;
	v2 =	vld [tilespmem:s25+$0x18DB0]  }
0x18f: {  	v3 =	vld.idx.msk [tilespmem:v4+s3+$0x0], $0xffff  }
.Ltmp16:
0x190: {  	(pc) =	sbr.rel @p1 .LBB2_48-.Ltmp16, $2  }
0x191: {  	_ =	sdelay $0x2  }
0x192: {  	s16 =	sshra.s32 s28, $0x2;
	s28 =	sadd.s32 $0x100, s28  }
0x193: {  	_ =	sdelay $0x1  }
0x194: {  	v4 =	vld [tilespmem:s16+$0x18D80]  }
0x195: {  	[tilespmem:s25+$0x1C1A0] =	vst v3  }
0x196: {  	v2 =	vld.idx.msk [tilespmem:v2+s3+$0x0], $0xffff;
	_ =	sdelay $0x3  }
0x197: {  	v3 =	vld [tilespmem:s16+$0x18D90]  }
0x198: {  	[tilespmem:s25+$0x1C1B0] =	vst v2  }
0x199: {  	v2 =	vld.idx.msk [tilespmem:v4+s3+$0x0], $0xffff;
	_ =	sdelay $0x4  }
0x19a: {  	[tilespmem:s16+$0x1C180] =	vst v2;
	v2 =	vld [tilespmem:s16+$0x18DA0]  }
0x19b: {  	v3 =	vld.idx.msk [tilespmem:v3+s3+$0x0], $0xffff;
	_ =	sdelay $0x4  }
0x19c: {  	[tilespmem:s16+$0x1C190] =	vst v3;
	v3 =	vld [tilespmem:s16+$0x18DB0];
	_ =	sdelay $0x1  }
0x19d: {  	v2 =	vld.idx.msk [tilespmem:v2+s3+$0x0], $0xffff;
	_ =	sdelay $0x4  }
0x19e: {  	[tilespmem:s16+$0x1C1A0] =	vst v2  }
0x19f: {  	v2 =	vld.idx.msk [tilespmem:v3+s3+$0x0], $0xffff;
	_ =	sdelay $0x4  }
0x1a0: {  	s29 =	simm.s32 $0x1C180;
	[tilespmem:s16+$0x1C1B0] =	vst v2  }
0x1a1: {  	[spmem:s1] =	stream.indirect.scatter.add.f32 [tilespmem:s29], [sflag:$0xA], $0x1, s18, s0, $0xb8;
	[tilespmem:$0x1FF60] =	vst v63  }
0x1a2: {  	_ =	swait.ge [sflag:s15], $0x640  }
.Ltmp17:
0x1a3: {  	[sflag:s15] =	ssyncset.done $0x0;
	(pc) =	sbr.rel .LBB2_50-.Ltmp17, $4  }
0x1a4: {  	[sflag:s15] =	ssyncadd.s32 $0xFFFFF9C0  }
0x1a5: {  	_ =	swait.ge [sflag:s20], $0x640  }
0x1a6: {  	[sflag:s20] =	ssyncset.done $0x0  }
0x1a7: {  	[sflag:s20] =	ssyncadd.s32 $0xFFFFF9C0  }
.LBB2_2:
0x1a8: {  	s24 =	rddreg [dreg:$0x4]  }
0x1a9: {  	[tilespmem:s16], [sflag:$0xF] =	stream.linear.gather [hbm4b:s24+s16], $0x18700, $0x38;
	[tilespmem:$0x1FF60] =	vst v63  }
0x1aa: {  	_ =	swait.ge [sflag:s11], $0x18700  }
0x1ab: {  	[sflag:s11] =	ssyncset.done $0x0  }
0x1ac: {  	s16 =	simm.s32 $0x40;
	s24 =	simm.s32 $0x0;
	[sflag:s11] =	ssyncadd.s32 $0xFFFE7900  }
.LBB2_3:
0x1ad: {  	p1 =	sne.s32 s16, $0x18C0;
	[tilespmem:s24+$0x1AE00] =	vst v0;
	s25 =	smov.u32 s16;
	s16 =	sadd.s32 $0x40, s16  }
.Ltmp18:
0x1ae: {  	[tilespmem:s24+$0x1C800] =	vst v1;
	(pc) =	sbr.rel @p1 .LBB2_3-.Ltmp18, $2  }
0x1af: {  	_ =	sdelay $0x2  }
0x1b0: {  	s24 =	sshra.s32 s25, $0x2  }
0x1b1: {  	[tilespmem:s24+$0x1AE00] =	vst v0  }
0x1b2: {  	[tilespmem:s24+$0x1C800] =	vst v1  }
0x1b3: {  	[spmem:s28] =	stream.linear.scatter [tilespmem:s12], [sflag:$0xF], $0x640, $0x38;
	[tilespmem:$0x1FF60] =	vst v63  }
0x1b4: {  	_ =	swait.ge [sflag:s11], $0x640  }
0x1b5: {  	[sflag:s11] =	ssyncset.done $0x0  }
0x1b6: {  	s16 =	rddreg [dreg:$0xb];
	[sflag:s11] =	ssyncadd.s32 $0xFFFFF9C0  }
0x1b7: {  	[spmem:s16] =	stream.linear.scatter [tilespmem:s12], [sflag:$0xF], $0x640, $0x38;
	[tilespmem:$0x1FF60] =	vst v63  }
0x1b8: {  	_ =	swait.ge [sflag:s11], $0x640  }
0x1b9: {  	[sflag:s11] =	ssyncset.done $0x0  }
0x1ba: {  	s24 =	rddreg [dreg:$0xc];
	[sflag:s11] =	ssyncadd.s32 $0xFFFFF9C0  }
0x1bb: {  	[spmem:s24] =	stream.linear.scatter [tilespmem:s12], [sflag:$0xF], $0x640, $0x38;
	[tilespmem:$0x1FF60] =	vst v63  }
0x1bc: {  	_ =	swait.ge [sflag:s11], $0x640  }
0x1bd: {  	[sflag:s11] =	ssyncset.done $0x0  }
0x1be: {  	s25 =	rddreg [dreg:$0xd];
	[sflag:s11] =	ssyncadd.s32 $0xFFFFF9C0  }
0x1bf: {  	[spmem:s25] =	stream.linear.scatter [tilespmem:s12], [sflag:$0xF], $0x5B0, $0x38;
	[tilespmem:$0x1FF60] =	vst v63  }
0x1c0: {  	_ =	swait.ge [sflag:s11], $0x5B0  }
0x1c1: {  	[sflag:s11] =	ssyncset.done $0x0  }
0x1c2: {  	s28 =	rddreg [dreg:$0xe];
	[sflag:s11] =	ssyncadd.s32 $0xFFFFFA50  }
0x1c3: {  	[spmem:s28] =	stream.linear.scatter [tilespmem:s12], [sflag:$0xF], $0x640, $0x38;
	[tilespmem:$0x1FF60] =	vst v63  }
0x1c4: {  	_ =	swait.ge [sflag:s11], $0x640  }
0x1c5: {  	[sflag:s11] =	ssyncset.done $0x0  }
0x1c6: {  	s29 =	rddreg [dreg:$0xf];
	[sflag:s11] =	ssyncadd.s32 $0xFFFFF9C0  }
0x1c7: {  	[spmem:s29] =	stream.linear.scatter [tilespmem:s12], [sflag:$0xF], $0x640, $0x38;
	[tilespmem:$0x1FF60] =	vst v63  }
0x1c8: {  	_ =	swait.ge [sflag:s11], $0x640  }
0x1c9: {  	[sflag:s11] =	ssyncset.done $0x0  }
0x1ca: {  	s13 =	rddreg [dreg:$0x10];
	[sflag:s11] =	ssyncadd.s32 $0xFFFFF9C0  }
0x1cb: {  	[spmem:s13] =	stream.linear.scatter [tilespmem:s12], [sflag:$0xF], $0x640, $0x38;
	[tilespmem:$0x1FF60] =	vst v63  }
0x1cc: {  	_ =	swait.ge [sflag:s11], $0x640  }
0x1cd: {  	[sflag:s11] =	ssyncset.done $0x0  }
0x1ce: {  	[sflag:s11] =	ssyncadd.s32 $0xFFFFF9C0  }
0x1cf: {  	[spmem:s17] =	stream.linear.scatter [tilespmem:s12], [sflag:$0xF], $0x5B0, $0x38;
	[tilespmem:$0x1FF60] =	vst v63  }
0x1d0: {  	_ =	swait.ge [sflag:s11], $0x5B0  }
0x1d1: {  	[sflag:s11] =	ssyncset.done $0x0  }
0x1d2: {  	[sflag:s11] =	ssyncadd.s32 $0xFFFFFA50  }
0x1d3: {  	[bflag:$0x0] =	sbarrier.arrive $0xFFFF  }
0x1d4: {  	s24 =	simm.s32 $0x0;
	s17 =	simm.s32 $0x18700;
	s13 =	rddreg [dreg:$0x16]  }
0x1d5: {  	[tilespmem:s17], [sflag:$0x1] =	stream.linear.gather [hbm4b:s13+s24], $0x640, $0x38;
	[tilespmem:$0x1FF60] =	vst v63  }
0x1d6: {  	s14 =	rddreg [dreg:$0x18]  }
0x1d7: {  	[tilespmem:s26], [sflag:$0x3] =	stream.linear.gather [hbm4b:s14+s24], $0x640, $0x38;
	[tilespmem:$0x1FF60] =	vst v63  }
.Ltmp19:
0x1d8: {  	_ = 	snop;
	(pc) =	sbr.rel .LBB2_5-.Ltmp19, $4  }
0x1d9: {  	s25 =	simm.s32 $0x18D80;
	s29 =	simm.s32 $0x19A80;
	s16 =	rddreg [dreg:$0x1a]  }
0x1da: {  	[tilespmem:s25], [sflag:$0x2] =	stream.linear.gather [hbm4b:s16+s24], $0x640, $0x38;
	[tilespmem:$0x1FF60] =	vst v63  }
0x1db: {  	s28 =	rddreg [dreg:$0x1c];
	s13 =	simm.s32 $0x18D80;
	s14 =	simm.s32 $0x4  }
0x1dc: {  	[tilespmem:s29], [sflag:$0x4] =	stream.linear.gather [hbm4b:s28+s24], $0x640, $0x38;
	[tilespmem:$0x1FF60] =	vst v63  }
.LBB2_24:
0x1dd: {  	_ =	sdelay $0x1  }
0x1de: {  	v4 =	vld [tilespmem:s16+$0x18D80]  }
0x1df: {  	[tilespmem:s25+$0x1C1A0] =	vst v3  }
0x1e0: {  	v2 =	vld.idx.msk [tilespmem:v2+s3+$0x0], $0xffff;
	_ =	sdelay $0x3  }
0x1e1: {  	v3 =	vld [tilespmem:s16+$0x18D90]  }
0x1e2: {  	[tilespmem:s25+$0x1C1B0] =	vst v2  }
0x1e3: {  	v2 =	vld.idx.msk [tilespmem:v4+s3+$0x0], $0xffff;
	_ =	sdelay $0x4  }
0x1e4: {  	[tilespmem:s16+$0x1C180] =	vst v2;
	v2 =	vld [tilespmem:s16+$0x18DA0]  }
0x1e5: {  	v3 =	vld.idx.msk [tilespmem:v3+s3+$0x0], $0xffff;
	_ =	sdelay $0x4  }
0x1e6: {  	[tilespmem:s16+$0x1C190] =	vst v3;
	v3 =	vld [tilespmem:s16+$0x18DB0];
	_ =	sdelay $0x1  }
0x1e7: {  	v2 =	vld.idx.msk [tilespmem:v2+s3+$0x0], $0xffff;
	_ =	sdelay $0x4  }
0x1e8: {  	[tilespmem:s16+$0x1C1A0] =	vst v2  }
0x1e9: {  	v2 =	vld.idx.msk [tilespmem:v3+s3+$0x0], $0xffff;
	_ =	sdelay $0x4  }
0x1ea: {  	s29 =	simm.s32 $0x1C180;
	[tilespmem:s16+$0x1C1B0] =	vst v2  }
0x1eb: {  	[spmem:s1] =	stream.indirect.scatter.add.f32 [tilespmem:s29], [sflag:$0xA], $0x1, s18, s0, $0xb8;
	[tilespmem:$0x1FF60] =	vst v63  }
0x1ec: {  	_ =	swait.ge [sflag:s15], $0x640  }
0x1ed: {  	[sflag:s15] =	ssyncset.done $0x0  }
0x1ee: {  	[sflag:s15] =	ssyncadd.s32 $0xFFFFF9C0  }
0x1ef: {  	_ =	swait.ge [sflag:s20], $0x640  }
0x1f0: {  	[sflag:s20] =	ssyncset.done $0x0  }
0x1f1: {  	[sflag:s20] =	ssyncadd.s32 $0xFFFFF9C0  }
.LBB2_25:
0x1f2: {  	p1 =	sgt.u32 s24, $0x1D  }
0x1f3: {  	s16 =	sshll.u32 @!p1 s24, $0x6  }
0x1f4: {  	s16 =	sadd.s32 @!p1 s10, s16  }
0x1f5: {  	s16 =	smul.u32 @!p1 $0x640, s16;
	_ =	sdelay $0x1  }
0x1f6: {  	s16 =	sshrl.u32 @!p1 s16, $0x3  }
0x1f7: {  	s25 =	simm.s32 @!p1 $0x0;
	s28 =	simm.s32 @!p1 $0x18D80;
	s16 =	sadd.s32 @!p1 s7, s16  }
0x1f8: {  	[tilespmem:s28], [sflag:$0x2] =	stream.linear.gather @!p1 [hbm4b:s16+s25], $0x640, $0x38;
	[tilespmem:$0x1FF60] =	vst v63  }
0x1f9: {  	s24 =	sadd.s32 $0x1, s24;
	s16 =	sadd.s32 @!p1 $0x61A80, s16;
	s28 =	simm.s32 @!p1 $0x19A80  }
0x1fa: {  	[tilespmem:s28], [sflag:$0x4] =	stream.linear.gather @!p1 [hbm4b:s16+s25], $0x640, $0x38;
	[tilespmem:$0x1FF60] =	vst v63  }
0x1fb: {  	p1 =	seq.s32 s24, $0x20  }
.Ltmp20:
0x1fc: {  	_ = 	snop;
	(pc) =	sbr.rel @p1 .LBB2_26-.Ltmp20, $1  }
0x1fd: {  	_ =	sdelay $0x3  }
.LBB2_5:
0x1fe: {  	_ =	swait.ge [sflag:s30], $0x640  }
0x1ff: {  	[sflag:s30] =	ssyncset.done $0x0  }
0x200: {  	[sflag:s30] =	ssyncadd.s32 $0xFFFFF9C0  }
0x201: {  	_ =	swait.ge [sflag:s31], $0x640  }
0x202: {  	[sflag:s31] =	ssyncset.done $0x0  }
0x203: {  	s25 =	simm.s32 $0x0;
	[sflag:s31] =	ssyncadd.s32 $0xFFFFF9C0  }
0x204: {  	[spmem:s2] =	stream.indirect.scatter.add.f32 [tilespmem:s4], [sflag:$0xB], $0x1, s26, s0, $0xb8;
	[tilespmem:$0x1FF60] =	vst v63  }
0x205: {  	v2 =	vld [tilespmem:s25+$0x18700];
	_ =	sdelay $0x5  }
0x206: {  	v3 =	vld [tilespmem:s25+$0x18710];
	_ =	sdelay $0x1  }
0x207: {  	v2 =	vld.idx.msk [tilespmem:v2+s3+$0x0], $0xffff;
	_ =	sdelay $0x4  }
0x208: {  	v4 =	vld [tilespmem:s25+$0x18720];
	[tilespmem:s25+$0x1AE00] =	vst v2  }
0x209: {  	v2 =	vld.idx.msk [tilespmem:v3+s3+$0x0], $0xffff;
	_ =	sdelay $0x4  }
0x20a: {  	[tilespmem:s25+$0x1AE10] =	vst v2;
	v2 =	vld [tilespmem:s25+$0x18730];
	_ =	sdelay $0x1  }
0x20b: {  	v3 =	vld.idx.msk [tilespmem:v4+s3+$0x0], $0xffff;
	_ =	sdelay $0x3  }
0x20c: {  	s29 =	simm.s32 $0x40;
	s28 =	simm.s32 $0x200  }
.LBB2_6:
0x20d: {  	p1 =	sne.s32 s28, $0x1800;
	v4 =	vld [tilespmem:s29+$0x18700];
	[tilespmem:s25+$0x1AE20] =	vst v3  }
0x20e: {  	v2 =	vld.idx.msk [tilespmem:v2+s3+$0x0], $0xffff;
	_ =	sdelay $0x5  }
0x20f: {  	v3 =	vld [tilespmem:s29+$0x18710];
	[tilespmem:s25+$0x1AE30] =	vst v2;
	s25 =	smov.u32 s29  }
0x210: {  	v2 =	vld.idx.msk [tilespmem:v4+s3+$0x0], $0xffff;
	_ =	sdelay $0x5  }
0x211: {  	[tilespmem:s25+$0x1AE00] =	vst v2;
	v4 =	vld [tilespmem:s25+$0x18720]  }
0x212: {  	v2 =	vld.idx.msk [tilespmem:v3+s3+$0x0], $0xffff;
	_ =	sdelay $0x5  }
0x213: {  	[tilespmem:s25+$0x1AE10] =	vst v2;
	v2 =	vld [tilespmem:s25+$0x18730]  }
0x214: {  	v3 =	vld.idx.msk [tilespmem:v4+s3+$0x0], $0xffff  }
.Ltmp21:
0x215: {  	(pc) =	sbr.rel @p1 .LBB2_6-.Ltmp21, $2  }
0x216: {  	_ =	sdelay $0x2  }
0x217: {  	s29 =	sshra.s32 s28, $0x2;
	s28 =	sadd.s32 $0x100, s28  }
0x218: {  	_ =	sdelay $0x1  }
0x219: {  	v4 =	vld [tilespmem:s29+$0x18700]  }
0x21a: {  	[tilespmem:s25+$0x1AE20] =	vst v3  }
0x21b: {  	v2 =	vld.idx.msk [tilespmem:v2+s3+$0x0], $0xffff;
	_ =	sdelay $0x3  }
0x21c: {  	v3 =	vld [tilespmem:s29+$0x18710]  }
0x21d: {  	[tilespmem:s25+$0x1AE30] =	vst v2  }
0x21e: {  	v2 =	vld.idx.msk [tilespmem:v4+s3+$0x0], $0xffff;
	_ =	sdelay $0x4  }
0x21f: {  	[tilespmem:s29+$0x1AE00] =	vst v2;
	v2 =	vld [tilespmem:s29+$0x18720]  }
0x220: {  	v3 =	vld.idx.msk [tilespmem:v3+s3+$0x0], $0xffff;
	_ =	sdelay $0x4  }
0x221: {  	[tilespmem:s29+$0x1AE10] =	vst v3;
	v3 =	vld [tilespmem:s29+$0x18730];
	_ =	sdelay $0x1  }
0x222: {  	v2 =	vld.idx.msk [tilespmem:v2+s3+$0x0], $0xffff;
	_ =	sdelay $0x4  }
0x223: {  	[tilespmem:s29+$0x1AE20] =	vst v2  }
0x224: {  	v2 =	vld.idx.msk [tilespmem:v3+s3+$0x0], $0xffff;
	_ =	sdelay $0x3  }
0x225: {  	p2 =	seq.s32 s24, $0x0  }
0x226: {  	s16 =	simm.s32 @!p2 $0x9;
	[tilespmem:s29+$0x1AE30] =	vst v2  }
0x227: {  	[spmem:s1] =	stream.indirect.scatter.add.f32 [tilespmem:s12], [sflag:$0x7], $0x1, s26, s0, $0xb8;
	[tilespmem:$0x1FF60] =	vst v63  }
0x228: {  	_ =	swait.ge @!p2 [sflag:s16], $0x640  }
0x229: {  	s25 =	sshll.u32 s24, $0x2;
	[sflag:s16] =	ssyncset.done @!p2 $0x0  }
0x22a: {  	[sflag:s16] =	ssyncadd.s32 @!p2 $0xFFFFF9C0;
	s16 =	sor.u32 @!p2 $0x2, s25  }
0x22b: {  	p1 =	sgt.u32 @!p2 s16, $0x7C  }
0x22c: {  	p3 =	por p2, !p1  }
.Ltmp22:
0x22d: {  	_ = 	snop;
	(pc) =	sbr.rel @!p3 .LBB2_9-.Ltmp22, $4  }
0x22e: {  	s28 =	simm.s32 @!p2 $0xD  }
0x22f: {  	_ =	swait.ge @!p2 [sflag:s28], $0x640  }
0x230: {  	[sflag:s28] =	ssyncset.done @!p2 $0x0  }
0x231: {  	p1 =	por @!p2 $0x0, $0x0;
	[sflag:s28] =	ssyncadd.s32 @!p2 $0xFFFFF9C0  }
0x232: {  	s16 =	simm.s32 @p2 $0x2  }
0x233: {  	s16 =	sshll.u32 s16, $0x4  }
0x234: {  	s16 =	sor.u32 s5, s16  }
0x235: {  	s16 =	smul.u32 $0x640, s16;
	_ =	sdelay $0x1  }
0x236: {  	s16 =	sshrl.u32 s16, $0x3  }
0x237: {  	s16 =	sadd.s32 s7, s16  }
0x238: {  	[tilespmem:s17], [sflag:$0x1] =	stream.linear.gather [hbm4b:s16+s3], $0x640, $0x38;
	[tilespmem:$0x1FF60] =	vst v63  }
0x239: {  	s28 =	simm.s32 $0x1A100;
	p1 =	por $0x1, $0x1;
	s16 =	sadd.s32 $0x61A80, s16  }
0x23a: {  	[tilespmem:s28], [sflag:$0x5] =	stream.linear.gather [hbm4b:s16+s3], $0x640, $0x38;
	[tilespmem:$0x1FF60] =	vst v63  }
.LBB2_9:
0x23b: {  	p3 =	sgt.u32 s24, $0x1E  }
.Ltmp23:
0x23c: {  	_ = 	snop;
	(pc) =	sbr.rel @p3 .LBB2_15-.Ltmp23, $1  }
0x23d: {  	_ =	sdelay $0x3  }
0x23e: {  	_ =	swait.ge [sflag:s6], $0x640  }
0x23f: {  	[sflag:s6] =	ssyncset.done $0x0  }
0x240: {  	[sflag:s6] =	ssyncadd.s32 $0xFFFFF9C0  }
0x241: {  	_ =	swait.ge [sflag:s14], $0x640  }
0x242: {  	[sflag:s14] =	ssyncset.done $0x0  }
0x243: {  	s16 =	simm.s32 $0x19A80;
	s28 =	simm.s32 $0x0;
	[sflag:s14] =	ssyncadd.s32 $0xFFFFF9C0  }
0x244: {  	[spmem:s2] =	stream.indirect.scatter.add.f32 [tilespmem:s4], [sflag:$0xC], $0x1, s16, s0, $0xb8;
	[tilespmem:$0x1FF60] =	vst v63  }
0x245: {  	v2 =	vld [tilespmem:s28+$0x18D80];
	_ =	sdelay $0x5  }
0x246: {  	v3 =	vld [tilespmem:s28+$0x18D90];
	_ =	sdelay $0x1  }
0x247: {  	v2 =	vld.idx.msk [tilespmem:v2+s3+$0x0], $0xffff;
	_ =	sdelay $0x4  }
0x248: {  	v4 =	vld [tilespmem:s28+$0x18DA0];
	[tilespmem:s28+$0x1B480] =	vst v2  }
0x249: {  	v2 =	vld.idx.msk [tilespmem:v3+s3+$0x0], $0xffff;
	_ =	sdelay $0x4  }
0x24a: {  	[tilespmem:s28+$0x1B490] =	vst v2;
	v2 =	vld [tilespmem:s28+$0x18DB0];
	_ =	sdelay $0x1  }
0x24b: {  	v3 =	vld.idx.msk [tilespmem:v4+s3+$0x0], $0xffff;
	_ =	sdelay $0x3  }
0x24c: {  	s29 =	simm.s32 $0x200;
	s16 =	simm.s32 $0x40  }
.LBB2_11:
0x24d: {  	p3 =	sne.s32 s29, $0x1800;
	v4 =	vld [tilespmem:s16+$0x18D80];
	[tilespmem:s28+$0x1B4A0] =	vst v3  }
0x24e: {  	v2 =	vld.idx.msk [tilespmem:v2+s3+$0x0], $0xffff;
	_ =	sdelay $0x5  }
0x24f: {  	v3 =	vld [tilespmem:s16+$0x18D90];
	[tilespmem:s28+$0x1B4B0] =	vst v2;
	s28 =	smov.u32 s16  }
0x250: {  	v2 =	vld.idx.msk [tilespmem:v4+s3+$0x0], $0xffff;
	_ =	sdelay $0x5  }
0x251: {  	[tilespmem:s28+$0x1B480] =	vst v2;
	v4 =	vld [tilespmem:s28+$0x18DA0]  }
0x252: {  	v2 =	vld.idx.msk [tilespmem:v3+s3+$0x0], $0xffff;
	_ =	sdelay $0x5  }
0x253: {  	[tilespmem:s28+$0x1B490] =	vst v2;
	v2 =	vld [tilespmem:s28+$0x18DB0]  }
0x254: {  	v3 =	vld.idx.msk [tilespmem:v4+s3+$0x0], $0xffff  }
.Ltmp24:
0x255: {  	(pc) =	sbr.rel @p3 .LBB2_11-.Ltmp24, $2  }
0x256: {  	_ =	sdelay $0x2  }
0x257: {  	s16 =	sshra.s32 s29, $0x2;
	s29 =	sadd.s32 $0x100, s29  }
0x258: {  	_ =	sdelay $0x1  }
0x259: {  	v4 =	vld [tilespmem:s16+$0x18D80]  }
0x25a: {  	[tilespmem:s28+$0x1B4A0] =	vst v3  }
0x25b: {  	v2 =	vld.idx.msk [tilespmem:v2+s3+$0x0], $0xffff;
	_ =	sdelay $0x3  }
0x25c: {  	v3 =	vld [tilespmem:s16+$0x18D90]  }
0x25d: {  	[tilespmem:s28+$0x1B4B0] =	vst v2  }
0x25e: {  	v2 =	vld.idx.msk [tilespmem:v4+s3+$0x0], $0xffff;
	_ =	sdelay $0x4  }
0x25f: {  	[tilespmem:s16+$0x1B480] =	vst v2;
	v2 =	vld [tilespmem:s16+$0x18DA0]  }
0x260: {  	v3 =	vld.idx.msk [tilespmem:v3+s3+$0x0], $0xffff;
	_ =	sdelay $0x4  }
0x261: {  	[tilespmem:s16+$0x1B490] =	vst v3;
	v3 =	vld [tilespmem:s16+$0x18DB0];
	_ =	sdelay $0x1  }
0x262: {  	v2 =	vld.idx.msk [tilespmem:v2+s3+$0x0], $0xffff;
	_ =	sdelay $0x4  }
0x263: {  	[tilespmem:s16+$0x1B4A0] =	vst v2  }
0x264: {  	v2 =	vld.idx.msk [tilespmem:v3+s3+$0x0], $0xffff;
	_ =	sdelay $0x1  }
.Ltmp25:
0x265: {  	_ = 	snop;
	(pc) =	sbr.rel @p2 .LBB2_13-.Ltmp25, $3  }
0x266: {  	_ =	sdelay $0x1  }
0x267: {  	s29 =	simm.s32 $0x1B480;
	[tilespmem:s16+$0x1B4B0] =	vst v2;
	s16 =	simm.s32 $0x19A80  }
0x268: {  	[spmem:s1] =	stream.indirect.scatter.add.f32 [tilespmem:s29], [sflag:$0x8], $0x1, s16, s0, $0xb8;
	[tilespmem:$0x1FF60] =	vst v63  }
0x269: {  	s16 =	simm.s32 $0xA  }
0x26a: {  	_ =	swait.ge [sflag:s16], $0x640  }
0x26b: {  	[sflag:s16] =	ssyncset.done $0x0  }
0x26c: {  	s29 =	simm.s32 $0xE;
	[sflag:s16] =	ssyncadd.s32 $0xFFFFF9C0  }
0x26d: {  	_ =	swait.ge [sflag:s29], $0x640  }
0x26e: {  	[sflag:s29] =	ssyncset.done $0x0  }
0x26f: {  	[sflag:s29] =	ssyncadd.s32 $0xFFFFF9C0  }
.LBB2_15:
0x270: {  	s16 =	sor.u32 $0x3, s25  }
0x271: {  	p3 =	sgt.u32 s16, $0x7C  }
.Ltmp26:
0x272: {  	_ = 	snop;
	(pc) =	sbr.rel @p3 .LBB2_17-.Ltmp26, $4  }
.Ltmp27:
0x273: {  	_ = 	snop;
	(pc) =	sbr.rel @!p3 .LBB2_16-.Ltmp27, $4  }
0x274: {  	_ = 	snop  }
0x275: {  	_ = 	snop  }
0x276: {  	p2 =	por $0x0, $0x0  }
0x277: {  	_ = 	snop  }
.LBB2_13:
0x278: {  	s16 =	simm.s32 $0x3  }
.LBB2_16:
0x279: {  	s16 =	sshll.u32 s16, $0x4  }
0x27a: {  	s16 =	sor.u32 s5, s16  }
0x27b: {  	s16 =	smul.u32 $0x640, s16;
	_ =	sdelay $0x1  }
0x27c: {  	s16 =	sshrl.u32 s16, $0x3  }
0x27d: {  	s16 =	sadd.s32 s7, s16  }
0x27e: {  	[tilespmem:s13], [sflag:$0x2] =	stream.linear.gather [hbm4b:s16+s3], $0x640, $0x38;
	[tilespmem:$0x1FF60] =	vst v63  }
0x27f: {  	p2 =	por $0x1, $0x1;
	s16 =	sadd.s32 $0x61A80, s16  }
0x280: {  	[tilespmem:s18], [sflag:$0x6] =	stream.linear.gather [hbm4b:s16+s3], $0x640, $0x38;
	[tilespmem:$0x1FF60] =	vst v63  }
.LBB2_17:
.Ltmp28:
0x281: {  	(pc) =	sbr.rel @!p1 .LBB2_21-.Ltmp28, $1  }
0x282: {  	_ =	sdelay $0x3  }
0x283: {  	_ =	swait.ge [sflag:s30], $0x640  }
0x284: {  	[sflag:s30] =	ssyncset.done $0x0  }
0x285: {  	[sflag:s30] =	ssyncadd.s32 $0xFFFFF9C0  }
0x286: {  	_ =	swait.ge [sflag:s19], $0x640  }
0x287: {  	[sflag:s19] =	ssyncset.done $0x0  }
0x288: {  	s16 =	simm.s32 $0x1A100;
	s25 =	simm.s32 $0x0;
	[sflag:s19] =	ssyncadd.s32 $0xFFFFF9C0  }
0x289: {  	[spmem:s2] =	stream.indirect.scatter.add.f32 [tilespmem:s4], [sflag:$0xD], $0x1, s16, s0, $0xb8;
	[tilespmem:$0x1FF60] =	vst v63  }
0x28a: {  	v2 =	vld [tilespmem:s25+$0x18700];
	_ =	sdelay $0x5  }
0x28b: {  	v3 =	vld [tilespmem:s25+$0x18710];
	_ =	sdelay $0x1  }
0x28c: {  	v2 =	vld.idx.msk [tilespmem:v2+s3+$0x0], $0xffff;
	_ =	sdelay $0x4  }
0x28d: {  	v4 =	vld [tilespmem:s25+$0x18720];
	[tilespmem:s25+$0x1BB00] =	vst v2  }
0x28e: {  	v2 =	vld.idx.msk [tilespmem:v3+s3+$0x0], $0xffff;
	_ =	sdelay $0x4  }
0x28f: {  	[tilespmem:s25+$0x1BB10] =	vst v2;
	v2 =	vld [tilespmem:s25+$0x18730];
	_ =	sdelay $0x1  }
0x290: {  	v3 =	vld.idx.msk [tilespmem:v4+s3+$0x0], $0xffff;
	_ =	sdelay $0x3  }
0x291: {  	s28 =	simm.s32 $0x200;
	s16 =	simm.s32 $0x40  }
.LBB2_19:
0x292: {  	p1 =	sne.s32 s28, $0x1800;
	v4 =	vld [tilespmem:s16+$0x18700];
	[tilespmem:s25+$0x1BB20] =	vst v3  }
0x293: {  	v2 =	vld.idx.msk [tilespmem:v2+s3+$0x0], $0xffff;
	_ =	sdelay $0x5  }
0x294: {  	v3 =	vld [tilespmem:s16+$0x18710];
	[tilespmem:s25+$0x1BB30] =	vst v2;
	s25 =	smov.u32 s16  }
0x295: {  	v2 =	vld.idx.msk [tilespmem:v4+s3+$0x0], $0xffff;
	_ =	sdelay $0x5  }
0x296: {  	[tilespmem:s25+$0x1BB00] =	vst v2;
	v4 =	vld [tilespmem:s25+$0x18720]  }
0x297: {  	v2 =	vld.idx.msk [tilespmem:v3+s3+$0x0], $0xffff;
	_ =	sdelay $0x5  }
0x298: {  	[tilespmem:s25+$0x1BB10] =	vst v2;
	v2 =	vld [tilespmem:s25+$0x18730]  }
0x299: {  	v3 =	vld.idx.msk [tilespmem:v4+s3+$0x0], $0xffff  }
.Ltmp29:
0x29a: {  	(pc) =	sbr.rel @p1 .LBB2_19-.Ltmp29, $2  }
0x29b: {  	_ =	sdelay $0x2  }
0x29c: {  	s16 =	sshra.s32 s28, $0x2;
	s28 =	sadd.s32 $0x100, s28  }
0x29d: {  	_ =	sdelay $0x1  }
0x29e: {  	v4 =	vld [tilespmem:s16+$0x18700]  }
0x29f: {  	[tilespmem:s25+$0x1BB20] =	vst v3  }
0x2a0: {  	v2 =	vld.idx.msk [tilespmem:v2+s3+$0x0], $0xffff;
	_ =	sdelay $0x3  }
0x2a1: {  	v3 =	vld [tilespmem:s16+$0x18710]  }
0x2a2: {  	[tilespmem:s25+$0x1BB30] =	vst v2  }
0x2a3: {  	v2 =	vld.idx.msk [tilespmem:v4+s3+$0x0], $0xffff;
	_ =	sdelay $0x4  }
0x2a4: {  	[tilespmem:s16+$0x1BB00] =	vst v2;
	v2 =	vld [tilespmem:s16+$0x18720]  }
0x2a5: {  	v3 =	vld.idx.msk [tilespmem:v3+s3+$0x0], $0xffff;
	_ =	sdelay $0x4  }
0x2a6: {  	[tilespmem:s16+$0x1BB10] =	vst v3;
	v3 =	vld [tilespmem:s16+$0x18730];
	_ =	sdelay $0x1  }
0x2a7: {  	v2 =	vld.idx.msk [tilespmem:v2+s3+$0x0], $0xffff;
	_ =	sdelay $0x4  }
0x2a8: {  	[tilespmem:s16+$0x1BB20] =	vst v2  }
0x2a9: {  	v2 =	vld.idx.msk [tilespmem:v3+s3+$0x0], $0xffff;
	_ =	sdelay $0x4  }
0x2aa: {  	s28 =	simm.s32 $0x1A100;
	s29 =	simm.s32 $0x1BB00;
	[tilespmem:s16+$0x1BB30] =	vst v2  }
0x2ab: {  	[spmem:s1] =	stream.indirect.scatter.add.f32 [tilespmem:s29], [sflag:$0x9], $0x1, s28, s0, $0xb8;
	[tilespmem:$0x1FF60] =	vst v63  }
0x2ac: {  	_ =	swait.ge [sflag:s21], $0x640  }
0x2ad: {  	[sflag:s21] =	ssyncset.done $0x0  }
0x2ae: {  	[sflag:s21] =	ssyncadd.s32 $0xFFFFF9C0  }
0x2af: {  	_ =	swait.ge [sflag:s22], $0x640  }
0x2b0: {  	[sflag:s22] =	ssyncset.done $0x0  }
0x2b1: {  	[sflag:s22] =	ssyncadd.s32 $0xFFFFF9C0  }
.LBB2_21:
0x2b2: {  	p1 =	seq.s32 s24, $0x1F  }
0x2b3: {  	s16 =	sshll.u32 @!p1 s24, $0x6  }
0x2b4: {  	s16 =	sadd.s32 @!p1 s9, s16  }
0x2b5: {  	s16 =	smul.u32 @!p1 $0x640, s16;
	_ =	sdelay $0x1  }
.Ltmp30:
0x2b6: {  	s16 =	sshrl.u32 @!p1 s16, $0x3;
	(pc) =	sbr.rel @!p2 .LBB2_25-.Ltmp30, $4  }
0x2b7: {  	s25 =	simm.s32 @!p1 $0x0;
	s28 =	simm.s32 @!p1 $0x18700;
	s16 =	sadd.s32 @!p1 s7, s16  }
0x2b8: {  	[tilespmem:s28], [sflag:$0x1] =	stream.linear.gather @!p1 [hbm4b:s16+s25], $0x640, $0x38;
	[tilespmem:$0x1FF60] =	vst v63  }
0x2b9: {  	s16 =	sadd.s32 @!p1 $0x61A80, s16;
	s28 =	simm.s32 @!p1 $0x19400  }
0x2ba: {  	[tilespmem:s28], [sflag:$0x3] =	stream.linear.gather @!p1 [hbm4b:s16+s25], $0x640, $0x38;
	[tilespmem:$0x1FF60] =	vst v63  }
0x2bb: {  	_ =	swait.ge [sflag:s6], $0x640  }
0x2bc: {  	[sflag:s6] =	ssyncset.done $0x0  }
0x2bd: {  	[sflag:s6] =	ssyncadd.s32 $0xFFFFF9C0  }
0x2be: {  	_ =	swait.ge [sflag:s23], $0x640  }
0x2bf: {  	[sflag:s23] =	ssyncset.done $0x0  }
0x2c0: {  	s25 =	simm.s32 $0x0;
	[sflag:s23] =	ssyncadd.s32 $0xFFFFF9C0  }
0x2c1: {  	[spmem:s2] =	stream.indirect.scatter.add.f32 [tilespmem:s4], [sflag:$0xE], $0x1, s18, s0, $0xb8;
	[tilespmem:$0x1FF60] =	vst v63  }
0x2c2: {  	v2 =	vld [tilespmem:s25+$0x18D80];
	_ =	sdelay $0x5  }
0x2c3: {  	v3 =	vld [tilespmem:s25+$0x18D90];
	_ =	sdelay $0x1  }
0x2c4: {  	v2 =	vld.idx.msk [tilespmem:v2+s3+$0x0], $0xffff;
	_ =	sdelay $0x4  }
0x2c5: {  	v4 =	vld [tilespmem:s25+$0x18DA0];
	[tilespmem:s25+$0x1C180] =	vst v2  }
0x2c6: {  	v2 =	vld.idx.msk [tilespmem:v3+s3+$0x0], $0xffff;
	_ =	sdelay $0x4  }
0x2c7: {  	[tilespmem:s25+$0x1C190] =	vst v2;
	v2 =	vld [tilespmem:s25+$0x18DB0];
	_ =	sdelay $0x1  }
0x2c8: {  	v3 =	vld.idx.msk [tilespmem:v4+s3+$0x0], $0xffff;
	_ =	sdelay $0x3  }
0x2c9: {  	s16 =	simm.s32 $0x40;
	s28 =	simm.s32 $0x200  }
.LBB2_23:
0x2ca: {  	p1 =	sne.s32 s28, $0x1800;
	v4 =	vld [tilespmem:s16+$0x18D80];
	[tilespmem:s25+$0x1C1A0] =	vst v3  }
0x2cb: {  	v2 =	vld.idx.msk [tilespmem:v2+s3+$0x0], $0xffff;
	_ =	sdelay $0x5  }
0x2cc: {  	v3 =	vld [tilespmem:s16+$0x18D90];
	[tilespmem:s25+$0x1C1B0] =	vst v2;
	s25 =	smov.u32 s16  }
0x2cd: {  	v2 =	vld.idx.msk [tilespmem:v4+s3+$0x0], $0xffff;
	_ =	sdelay $0x5  }
0x2ce: {  	[tilespmem:s25+$0x1C180] =	vst v2;
	v4 =	vld [tilespmem:s25+$0x18DA0]  }
0x2cf: {  	v2 =	vld.idx.msk [tilespmem:v3+s3+$0x0], $0xffff;
	_ =	sdelay $0x5  }
0x2d0: {  	[tilespmem:s25+$0x1C190] =	vst v2;
	v2 =	vld [tilespmem:s25+$0x18DB0]  }
0x2d1: {  	v3 =	vld.idx.msk [tilespmem:v4+s3+$0x0], $0xffff  }
.Ltmp31:
0x2d2: {  	(pc) =	sbr.rel @p1 .LBB2_23-.Ltmp31, $2  }
0x2d3: {  	_ =	sdelay $0x2  }
0x2d4: {  	s16 =	sshra.s32 s28, $0x2;
	s28 =	sadd.s32 $0x100, s28  }
.Ltmp32:
0x2d5: {  	_ = 	snop;
	(pc) =	sbr.rel .LBB2_24-.Ltmp32, $1  }
0x2d6: {  	_ =	sdelay $0x3  }
.LBB2_26:
.Ltmp33:
0x2d7: {  	(pc) =	sbr.rel .LBB2_52-.Ltmp33, $4  }
0x2d8: {  	_ = 	snop  }
0x2d9: {  	s25 =	rddreg [dreg:$0x6]  }
0x2da: {  	s24 =	rddreg [dreg:$0x7]  }
0x2db: {  	s14 =	rddreg [dreg:$0x1f]  }
.LBB2_53:
0x2dc: {  	_ =	sfence.sel $0x180000  }
0x2dd: {  	[bflag:$0x0] =	sbarrier.arrive $0xFFFF  }
0x2de: {  	_ =	strace $0x90000047  }
0x2df: {  	[bflag:$0x2] =	sbarrier.arrive $0xFFFF  }
0x2e0: {  	p0 =	sne.s32 s5, $0x0;
	s0 =	rddreg [dreg:$0x3]  }
0x2e1: {  	s0 =	sadd.s32 @!p0 $0x100000, s0  }
0x2e2: {  	[sflag:s0] =	ssyncadd.tile.s32 @!p0 $0x1;
	_ =	shalt  }
.Lfunc_end2:
_tile_overlayer_lowered:
.L_overlay_start_2:
0x2e3: {  	(tag) =	ssettag $0x2  }
0x2e4: {  	s0 =	rddreg [dreg:$0x0];
	s2 =	stileid.u32  }
0x2e5: {  	s1 =	rddreg [dreg:$0x1];
	p0 =	sne.s32 s2, $0x0  }
0x2e6: {  	s3 =	rddreg [dreg:$0x2];
	[bflag:$0x3] =	sbarrier.arrive $0xFFFF;
	s2 =	simm.s32 @!p0 $0x1C0F  }
0x2e7: {  	[timem:s3], [sflag:s2] =	dma.local @!p0 [hbm:s0], s1  }
0x2e8: {  	s0 =	simm.s32 @!p0 $0xF  }
0x2e9: {  	_ =	swait.ge @!p0 [sflag:s0], s1  }
0x2ea: {  	s1 =	ssub.s32 @!p0 $0x0, s1;
	[sflag:s0] =	ssyncset.done @!p0 $0x0  }
0x2eb: {  	[sflag:s0] =	ssyncadd.s32 @!p0 s1  }
0x2ec: {  	[bflag:$0x3] =	sbarrier.arrive $0xFFFF  }
0x2ed: {  	_ =	shalt  }

</sc_bundles>
